<compile_context>
chip_gen: v7x
topology: tpu7x:2x2x1
jax: 0.10.2.dev20260603
libtpu: 0.0.44.dev20260713+nightly
codegen_flags: <defaults>
</compile_context>

<pallas_src>
import functools

import jax
import jax.numpy as jnp
from jax import lax
from jax.experimental import pallas as pl
from jax.experimental.pallas import tpu as pltpu
from jax.experimental.pallas import tpu_sc as plsc

NN = 50000
HH = 50000
EE = 800000
GG = 64
NIN = 92
HD = 64
HEA = 35
HOUTD = 128
LL = 3

NC, NSUB = 2, 16
BCH = 128
K = 392
EPAD = NSUB * K * BCH
ROWS = 51200
ZR = ROWS // NSUB
QL = 8
QP = 8
PADROW = 50000

F32 = jnp.float32
I32 = jnp.int32


def _sc_mesh():
    return plsc.VectorSubcoreMesh(
        core_axis_name="c", subcore_axis_name="s",
        num_cores=NC, num_subcores=NSUB)


def _zero_acc(z_h, acc, s):
    pltpu.sync_copy(z_h, acc.at[pl.ds(s * ZR, ZR)])


def _edge_loop(c, t0, t1, gv, sv, bufa, bufb, sema, semb, acc):

    def sg(j, buf, sem):
        @pl.when(c == 0)
        def _():
            pltpu.async_copy(t0.at[gv.at[j]], buf, sem)

        @pl.when(c == 1)
        def _():
            pltpu.async_copy(t1.at[gv.at[j]], buf, sem)

    def wg(buf, sem):
        pltpu.make_async_copy(t0.at[pl.ds(0, BCH)], buf, sem).wait()

    sg(0, bufa, sema)

    def body(j2, _):
        j = j2 * 2
        sg(j + 1, bufb, semb)
        wg(bufa, sema)
        pltpu.sync_copy(bufa, acc.at[sv.at[j]], add=True)

        @pl.when(j + 2 < K)
        def _():
            sg(j + 2, bufa, sema)

        wg(bufb, semb)
        pltpu.sync_copy(bufb, acc.at[sv.at[j + 1]], add=True)
        return 0

    lax.fori_loop(0, K // 2, body, 0)


def _scatter_only_loop(sv, buf, acc):
    def body(j, _):
        pltpu.sync_copy(buf, acc.at[sv.at[j]], add=True)
        return 0

    lax.fori_loop(0, K, body, 0)


def _raw_out(c, s, acc, o0, o1):
    @pl.when(c == 0)
    def _():
        pltpu.sync_copy(acc.at[pl.ds(s * ZR, ZR)], o0.at[pl.ds(s * ZR, ZR)])

    @pl.when(c == 1)
    def _():
        pltpu.sync_copy(acc.at[pl.ds(s * ZR, ZR)], o1.at[pl.ds(s * ZR, ZR)])


@functools.partial(
    pl.kernel,
    out_type=tuple(jax.ShapeDtypeStruct((ROWS, QP), F32) for _ in range(8)),
    mesh=_sc_mesh(),
    compiler_params=pltpu.CompilerParams(use_tc_tiling_on_sc=False),
    scratch_types=[
        pltpu.VMEM((K, BCH), I32),
        pltpu.VMEM((K, BCH), I32),
        pltpu.VMEM((BCH, QP), F32),
        pltpu.VMEM((BCH, QP), F32),
        pltpu.VMEM((BCH, QP), F32),
        pltpu.VMEM_SHARED((ROWS, QP), F32),
        pltpu.SemaphoreType.DMA,
        pltpu.SemaphoreType.DMA,
    ],
)
def _sc_prep(src_h, hid_h, a0_h, a1_h, a2_h, a3_h, a4_h, a5_h, ones_h, z_h,
             oa0, oa1, oa2, oa3, oa4, oa5, ocn, och,
             srcv, hidv, bufa, bufb, onesb, acc, sema, semb):
    c = lax.axis_index("c")
    s = lax.axis_index("s")

    pltpu.sync_copy(src_h.at[s], srcv)
    pltpu.sync_copy(hid_h.at[s], hidv)
    pltpu.sync_copy(ones_h, onesb)

    ains = (a0_h, a1_h, a2_h, a3_h, a4_h, a5_h)
    aouts = (oa0, oa1, oa2, oa3, oa4, oa5)

    for p in range(3):
        _zero_acc(z_h, acc, s)
        plsc.subcore_barrier()
        _edge_loop(c, ains[2 * p], ains[2 * p + 1], hidv, srcv,
                   bufa, bufb, sema, semb, acc)
        plsc.subcore_barrier()
        _raw_out(c, s, acc, aouts[2 * p], aouts[2 * p + 1])

    _zero_acc(z_h, acc, s)
    plsc.subcore_barrier()

    @pl.when(c == 0)
    def _():
        _scatter_only_loop(srcv, onesb, acc)

    @pl.when(c == 1)
    def _():
        _scatter_only_loop(hidv, onesb, acc)

    plsc.subcore_barrier()
    _raw_out(c, s, acc, ocn, och)


@functools.partial(
    pl.kernel,
    out_type=tuple(jax.ShapeDtypeStruct((ROWS, QL), F32) for _ in range(8))
    + (jax.ShapeDtypeStruct((ZR, QL), F32),),
    mesh=_sc_mesh(),
    compiler_params=pltpu.CompilerParams(use_tc_tiling_on_sc=False),
    scratch_types=[
        pltpu.VMEM((K, BCH), I32),
        pltpu.VMEM((K, BCH), I32),
        pltpu.VMEM((BCH, QL), F32),
        pltpu.VMEM((BCH, QL), F32),
        pltpu.VMEM_SHARED((ROWS, QL), F32),
        pltpu.SemaphoreType.DMA,
        pltpu.SemaphoreType.DMA,
    ],
)
def _sc_seg(gid_h, sid_h, t0_h, t1_h, t2_h, t3_h, t4_h, t5_h, t6_h, t7_h,
            z_h,
            o0, o1, o2, o3, o4, o5, o6, o7, o_z,
            gidv, sidv, bufa, bufb, acc, sema, semb):
    c = lax.axis_index("c")
    s = lax.axis_index("s")

    @pl.when(jnp.logical_and(c == 0, s == 0))
    def _():
        pltpu.sync_copy(z_h, o_z)

    pltpu.sync_copy(gid_h.at[s], gidv)
    pltpu.sync_copy(sid_h.at[s], sidv)

    tins = (t0_h, t1_h, t2_h, t3_h, t4_h, t5_h, t6_h, t7_h)
    outs = (o0, o1, o2, o3, o4, o5, o6, o7)

    for p in range(4):
        _zero_acc(z_h, acc, s)
        plsc.subcore_barrier()
        _edge_loop(c, tins[2 * p], tins[2 * p + 1], gidv, sidv,
                   bufa, bufb, sema, semb, acc)
        plsc.subcore_barrier()
        _raw_out(c, s, acc, outs[2 * p], outs[2 * p + 1])
        plsc.subcore_barrier()


BLK = 512
GRID = ROWS // BLK


def _tc_embed_body(x_ref, w_ref, *h_refs):
    h = jnp.dot(x_ref[...], w_ref[...], preferred_element_type=F32)
    for i in range(8):
        h_refs[i][...] = h[:, 8 * i:8 * i + 8]


def _tc_embed(x_aug, w_aug):
    spec8 = pl.BlockSpec((BLK, QL), lambda i: (i, 0))
    return pl.pallas_call(
        _tc_embed_body,
        grid=(GRID,),
        in_specs=[pl.BlockSpec((BLK, 128), lambda i: (i, 0)),
                  pl.BlockSpec((128, HD), lambda i: (0, 0))],
        out_specs=[spec8] * 8,
        out_shape=[jax.ShapeDtypeStruct((ROWS, QL), F32)] * 8,
    )(x_aug, w_aug)


def _softplus(x):
    return jnp.maximum(x, 0.0) + jnp.log1p(jnp.exp(-jnp.abs(x)))


def _tc_scale_body(*refs):
    s_refs = refs[0:8]
    c_ref = refs[8]
    o_refs = refs[9:17]
    inv = 1.0 / jnp.maximum(c_ref[...][:, 0:1], 1.0)
    for i in range(8):
        o_refs[i][...] = s_refs[i][...] * inv


def _tc_scale(sums, cnt_h):
    spec8 = pl.BlockSpec((BLK, QL), lambda i: (i, 0))
    specc = pl.BlockSpec((BLK, QP), lambda i: (i, 0))
    return tuple(pl.pallas_call(
        _tc_scale_body,
        grid=(GRID,),
        in_specs=[spec8] * 8 + [specc],
        out_specs=[spec8] * 8,
        out_shape=[jax.ShapeDtypeStruct((ROWS, QL), F32)] * 8,
    )(*sums, cnt_h))


def _tc_layer_body(*refs):
    h_refs = refs[0:8]
    a_refs = refs[8:11]
    g_refs = refs[11:19]
    c_ref, w_ref, b_ref = refs[19:22]
    n_refs = refs[22:30]
    cnt = c_ref[...][:, 0:1]
    inv = 1.0 / jnp.maximum(cnt, 1.0)
    m = (cnt > 0.0).astype(F32)
    hq = [r[...] for r in h_refs]
    h = jnp.concatenate(hq, axis=1)
    z = jnp.concatenate(
        [q * m for q in hq]
        + [a[...] * inv for a in a_refs]
        + [g[...] * inv for g in g_refs],
        axis=1)
    o = jnp.dot(z, w_ref[...], preferred_element_type=F32) + b_ref[...]
    zf = o[:, :HD]
    zc = o[:, HD:]
    out = jax.nn.sigmoid(zf) * _softplus(zc)
    hn = _softplus(out + h)
    for i in range(8):
        n_refs[i][...] = hn[:, 8 * i:8 * i + 8]


def _tc_layer(hq, aq, gq, cnt_n, w_stk, b_stk):
    spec8 = pl.BlockSpec((BLK, QL), lambda i: (i, 0))
    specq = pl.BlockSpec((BLK, 16), lambda i: (i, 0))
    specc = pl.BlockSpec((BLK, QP), lambda i: (i, 0))
    return pl.pallas_call(
        _tc_layer_body,
        grid=(GRID,),
        in_specs=[spec8] * 8 + [specq] * 3 + [spec8] * 8 + [
            specc,
            pl.BlockSpec((176, 128), lambda i: (0, 0)),
            pl.BlockSpec((1, 128), lambda i: (0, 0))],
        out_specs=[spec8] * 8,
        out_shape=[jax.ShapeDtypeStruct((ROWS, QL), F32)] * 8,
    )(*hq, *aq, *gq, cnt_n, w_stk, b_stk)


def _tc_out_body(h0_ref, h1_ref, h2_ref, h3_ref, h4_ref, h5_ref, h6_ref,
                 h7_ref, b_ref, wp_ref, bp_ref, wo_ref, bo_ref, o_ref,
                 acc, cacc):
    i = pl.program_id(0)

    @pl.when(i == 0)
    def _():
        acc[...] = jnp.zeros_like(acc)
        cacc[...] = jnp.zeros_like(cacc)

    bb = b_ref[0]
    gid = lax.broadcasted_iota(I32, (GG, BLK), 0)
    maskf = (jnp.broadcast_to(bb, (GG, BLK)) == gid).astype(F32)
    h = jnp.concatenate(
        [h0_ref[...], h1_ref[...], h2_ref[...], h3_ref[...],
         h4_ref[...], h5_ref[...], h6_ref[...], h7_ref[...]], axis=1)
    acc[...] += jnp.dot(maskf, h, preferred_element_type=F32)
    cacc[...] += jnp.broadcast_to(
        jnp.sum(maskf, axis=1, keepdims=True), (GG, 128))

    @pl.when(i == GRID - 1)
    def _():
        cnt = cacc[:, 0:1]
        gm = acc[...] / jnp.maximum(cnt, 1.0)
        p = _softplus(jnp.dot(gm, wp_ref[...], preferred_element_type=F32)
                      + bp_ref[...])
        res = jnp.dot(p, wo_ref[...], preferred_element_type=F32) + bo_ref[...]
        o_ref[...] = res[:, 0:1]


def _tc_out(hq, batch3d, wp, bp, wo8, bo8):
    spec8 = pl.BlockSpec((BLK, QL), lambda i: (i, 0))
    return pl.pallas_call(
        _tc_out_body,
        grid=(GRID,),
        in_specs=[spec8] * 8 + [
            pl.BlockSpec((1, 1, BLK), lambda i: (i, 0, 0)),
            pl.BlockSpec((HD, HOUTD), lambda i: (0, 0)),
            pl.BlockSpec((1, HOUTD), lambda i: (0, 0)),
            pl.BlockSpec((HOUTD, 8), lambda i: (0, 0)),
            pl.BlockSpec((1, 8), lambda i: (0, 0))],
        out_specs=pl.BlockSpec((GG, 1), lambda i: (0, 0)),
        out_shape=jax.ShapeDtypeStruct((GG, 1), F32),
        scratch_shapes=[pltpu.VMEM((GG, HD), F32),
                        pltpu.VMEM((GG, 128), F32)],
    )(*hq, batch3d, wp, bp, wo8, bo8)


def kernel(x, hyperedge_index, hyperedge_attr, batch, W_embed, b_embed,
           Wf, bf, Wc, bc, W_proj, b_proj, W_out, b_out):
    src = hyperedge_index[0].astype(I32)
    hid = hyperedge_index[1].astype(I32)
    padv = jnp.full((EPAD - EE,), PADROW, I32)
    src3 = jnp.concatenate([src, padv]).reshape(NSUB, K, BCH)
    hid3 = jnp.concatenate([hid, padv]).reshape(NSUB, K, BCH)

    zrows_p = jnp.zeros((ZR, QP), F32)
    zrows = jnp.zeros((ZR, QL), F32)
    ones_s = jnp.ones((BCH, QP), F32)

    attr_p = jnp.pad(hyperedge_attr, ((0, ROWS - HH), (0, 48 - HEA)))
    aslices = [attr_p[:, 8 * i:8 * i + 8] for i in range(6)]
    prep = _sc_prep(src3, hid3, *aslices, ones_s, zrows_p)
    a48 = jnp.concatenate(prep[:6], axis=1)
    cnt_n = prep[6]
    cnt_h = prep[7]
    aq = (a48[:, 0:16], a48[:, 16:32], a48[:, 32:48])

    x_aug = jnp.pad(x, ((0, ROWS - NN), (0, 128 - NIN)))
    x_aug = x_aug.at[:, NIN].set(1.0)
    w_aug = jnp.zeros((128, HD), F32).at[:NIN].set(W_embed).at[NIN].set(b_embed)
    hq = tuple(_tc_embed(x_aug, w_aug))

    def stack_w(wf_i, wc_i):
        return jnp.concatenate([
            jnp.concatenate([wf_i[:96], wc_i[:96]], 1),
            jnp.pad(jnp.concatenate([wf_i[96:99], wc_i[96:99]], 1),
                    ((0, 13), (0, 0))),
            jnp.concatenate([wf_i[99:], wc_i[99:]], 1),
        ], 0)

    ws = jnp.stack([stack_w(Wf[i], Wc[i]) for i in range(LL)])
    bs = jnp.stack([jnp.concatenate([bf[i], bc[i]])[None, :]
                    for i in range(LL)])

    def half_step(t, carry):
        hq_c, tab, ztok = carry
        even = (t % 2) == 0
        gids = jnp.where(even, src3, hid3)
        sids = jnp.where(even, hid3, src3)
        outs = _sc_seg(gids, sids, *tab, ztok)
        sums = tuple(outs[:8])

        def do_scale(_):
            return hq_c, _tc_scale(sums, cnt_h)

        def do_gate(_):
            w_stk = lax.dynamic_index_in_dim(ws, t // 2, keepdims=False)
            b_stk = lax.dynamic_index_in_dim(bs, t // 2, keepdims=False)
            hn = tuple(_tc_layer(hq_c, aq, sums, cnt_n, w_stk, b_stk))
            return hn, hn

        hq_n, tab_n = lax.cond(even, do_scale, do_gate, 0)
        return hq_n, tab_n, outs[8]

    nsteps = lax.optimization_barrier(jnp.int32(2 * LL))
    hq, _, _ = lax.fori_loop(0, nsteps, half_step, (hq, hq, zrows))

    batch3d = jnp.pad(batch.astype(I32), (0, ROWS - NN),
                      constant_values=GG).reshape(GRID, 1, BLK)
    wo8 = jnp.pad(W_out, ((0, 0), (0, 7)))
    bo8 = jnp.pad(b_out, (0, 7))[None, :]
    return _tc_out(hq, batch3d, W_proj, b_proj[None, :], wo8, bo8)

# --- scband reference (transcript-rebuilt; emitter-appended) ---
"""Pipeline reference for scband-crystal-hypergraph-conv-17549236372285 (READ-ONLY COPY).

The authoritative reference and input builder live on the scoring server;
editing this copy changes nothing except your own understanding.
"""

import jax, jax.numpy as jnp
import numpy as np

N = 50000
E = 800000
H = 50000
G = 64
NODE_IN = 92
HDIM = 64
HEDGE = 35
HOUT = 128
L = 3


def seg_mean(data, ids, num):
    s = jax.ops.segment_sum(data, ids, num_segments=num)
    c = jax.ops.segment_sum(jnp.ones((data.shape[0],), data.dtype), ids, num_segments=num)
    return s / jnp.clip(c, 1.0)[:, None]


def setup_inputs(seed: int = 0):
    key = jax.random.key(seed)
    ks = jax.random.split(key, 16)
    s = 0.05
    x = jax.random.normal(ks[0], (N, NODE_IN), dtype=jnp.float32)
    hyperedge_index = jax.random.randint(ks[1], (2, E), 0, N, dtype=jnp.int64) if jax.config.jax_enable_x64 else jax.random.randint(ks[1], (2, E), 0, N, dtype=jnp.int32)
    hyperedge_attr = jax.random.normal(ks[2], (H, HEDGE), dtype=jnp.float32)
    batch = jnp.sort(jax.random.randint(ks[3], (N,), 0, G, dtype=jnp.int32))
    W_embed = jax.random.normal(ks[4], (NODE_IN, HDIM), dtype=jnp.float32) * s
    b_embed = jnp.zeros((HDIM,), jnp.float32)
    Wf = jax.random.normal(ks[5], (L, 2 * HDIM + HEDGE, HDIM), dtype=jnp.float32) * s
    bf = jnp.zeros((L, HDIM), jnp.float32)
    Wc = jax.random.normal(ks[6], (L, 2 * HDIM + HEDGE, HDIM), dtype=jnp.float32) * s
    bc = jnp.zeros((L, HDIM), jnp.float32)
    W_proj = jax.random.normal(ks[7], (HDIM, HOUT), dtype=jnp.float32) * s
    b_proj = jnp.zeros((HOUT,), jnp.float32)
    W_out = jax.random.normal(ks[8], (HOUT, 1), dtype=jnp.float32) * s
    b_out = jnp.zeros((1,), jnp.float32)
    return {"x": x, "hyperedge_index": hyperedge_index, "hyperedge_attr": hyperedge_attr,
            "batch": batch, "W_embed": W_embed, "b_embed": b_embed, "Wf": Wf, "bf": bf,
            "Wc": Wc, "bc": bc, "W_proj": W_proj, "b_proj": b_proj, "W_out": W_out, "b_out": b_out}


def reference(x, hyperedge_index, hyperedge_attr, batch, W_embed, b_embed, Wf, bf, Wc, bc, W_proj, b_proj, W_out, b_out):
    src = hyperedge_index[0]
    hid = hyperedge_index[1]
    h = x @ W_embed + b_embed
    for i in range(L):
        h_src = h[src]
        # mean of node features over each hyperedge
        hedge_xs = seg_mean(h_src, hid, H)
        # per-incidence message: [x_src, hedge_attr, hedge_mean]
        msg = jnp.concatenate([h_src, hyperedge_attr[hid], hedge_xs[hid]], axis=1)
        # mean-aggregate messages back to nodes
        z = seg_mean(msg, src, N)
        z_f = z @ Wf[i] + bf[i]
        z_c = z @ Wc[i] + bc[i]
        out = jax.nn.sigmoid(z_f) * jax.nn.softplus(z_c)
        h = jax.nn.softplus(out + h)
    g = seg_mean(h, batch, G)
    g = jax.nn.softplus(g @ W_proj + b_proj)
    return g @ W_out + b_out

if __name__ == "__main__":
    import jax
    _d = setup_inputs()
    print(jax.jit(kernel)(*tuple(_d.values())))

</pallas_src>

<mosaic_0001>
#map = affine_map<(d0, d1) -> (0, 0, 0)>
#map1 = affine_map<(d0, d1) -> (0, 0)>
module attributes {stable_mosaic.version = 14 : i64} {
  func.func @_sc_seg(%arg0: i32, %arg1: i32, %arg2: memref<16x392x128xi32, #tpu.memory_space<hbm>>, %arg3: memref<16x392x128xi32, #tpu.memory_space<hbm>>, %arg4: memref<51200x8xf32, #tpu.memory_space<hbm>>, %arg5: memref<51200x8xf32, #tpu.memory_space<hbm>>, %arg6: memref<51200x8xf32, #tpu.memory_space<hbm>>, %arg7: memref<51200x8xf32, #tpu.memory_space<hbm>>, %arg8: memref<51200x8xf32, #tpu.memory_space<hbm>>, %arg9: memref<51200x8xf32, #tpu.memory_space<hbm>>, %arg10: memref<51200x8xf32, #tpu.memory_space<hbm>>, %arg11: memref<51200x8xf32, #tpu.memory_space<hbm>>, %arg12: memref<3200x8xf32, #tpu.memory_space<hbm>>, %arg13: memref<51200x8xf32, #tpu.memory_space<hbm>>, %arg14: memref<51200x8xf32, #tpu.memory_space<hbm>>, %arg15: memref<51200x8xf32, #tpu.memory_space<hbm>>, %arg16: memref<51200x8xf32, #tpu.memory_space<hbm>>, %arg17: memref<51200x8xf32, #tpu.memory_space<hbm>>, %arg18: memref<51200x8xf32, #tpu.memory_space<hbm>>, %arg19: memref<51200x8xf32, #tpu.memory_space<hbm>>, %arg20: memref<51200x8xf32, #tpu.memory_space<hbm>>, %arg21: memref<3200x8xf32, #tpu.memory_space<hbm>>, %arg22: memref<392x128xi32, #tpu.memory_space<vmem>>, %arg23: memref<392x128xi32, #tpu.memory_space<vmem>>, %arg24: memref<128x8xf32, #tpu.memory_space<vmem>>, %arg25: memref<128x8xf32, #tpu.memory_space<vmem>>, %arg26: memref<51200x8xf32, #tpu.memory_space<vmem_shared>>, %arg27: memref<!tpu.dma_semaphore, #tpu.memory_space<semaphore_mem>>, %arg28: memref<!tpu.dma_semaphore, #tpu.memory_space<semaphore_mem>>) attributes {dimension_semantics = [#tpu.dimension_semantics<core_parallel>, #tpu.dimension_semantics<subcore_parallel>], iteration_bounds = array<i64: 2, 16>, scalar_prefetch = 0 : i64, scratch_operands = 7 : i64, tpu.core_type = #tpu.core_type<sc_vector_subcore>, window_params = [{transform_indices = #map}, {transform_indices = #map}, {transform_indices = #map1}, {transform_indices = #map1}, {transform_indices = #map1}, {transform_indices = #map1}, {transform_indices = #map1}, {transform_indices = #map1}, {transform_indices = #map1}, {transform_indices = #map1}, {transform_indices = #map1}, {transform_indices = #map1}, {transform_indices = #map1}, {transform_indices = #map1}, {transform_indices = #map1}, {transform_indices = #map1}, {transform_indices = #map1}, {transform_indices = #map1}, {transform_indices = #map1}, {transform_indices = #map1}]} {
    %eq3A = arith.constant 0 : i32
    %eq3A_0 = arith.cmpi eq, %arg0, %eq3A : i32
    %eq3A_1 = arith.constant 0 : i32
    %eq3A_2 = arith.cmpi eq, %arg1, %eq3A_1 : i32
    %and3A = arith.andi %eq3A_0, %eq3A_2 : i1
    %convert_element_type3A = arith.extui %and3A : i1 to i32
    %cond3A = arith.constant 0 : i32
    %cond3A_3 = arith.cmpi ne, %convert_element_type3A, %cond3A : i32
    scf.if %cond3A_3 {
      "tpu.region"() ({
        %run_scoped3A = tpu.sem_alloc : memref<!tpu.dma_semaphore, #tpu.memory_space<semaphore_mem>>
        tpu.enqueue_dma source(%arg12 : memref<3200x8xf32, #tpu.memory_space<hbm>>) target(%arg21 : memref<3200x8xf32, #tpu.memory_space<hbm>>) target_semaphore(%run_scoped3A : memref<!tpu.dma_semaphore, #tpu.memory_space<semaphore_mem>>)
        tpu.wait_dma2 semaphore(%run_scoped3A : memref<!tpu.dma_semaphore, #tpu.memory_space<semaphore_mem>>) src(%arg12 : memref<3200x8xf32, #tpu.memory_space<hbm>>) dst(%arg21 : memref<3200x8xf32, #tpu.memory_space<hbm>>)
        tpu.yield
      }) : () -> ()
    } else {
    }
    "tpu.region"() ({
      %run_scoped3A = tpu.sem_alloc : memref<!tpu.dma_semaphore, #tpu.memory_space<semaphore_mem>>
      %dma_start3A = arith.constant 0 : i32
      %dma_start3A_129 = arith.constant 0 : i32
      %dma_start3A_130 = tpu.memref_slice %arg2[%arg1, %dma_start3A, %dma_start3A_129] : memref<16x392x128xi32, #tpu.memory_space<hbm>> -> memref<1x392x128xi32, #tpu.memory_space<hbm>>
      %dma_start3A_131 = tpu.memref_squeeze %dma_start3A_130 : memref<1x392x128xi32, #tpu.memory_space<hbm>> -> memref<392x128xi32, #tpu.memory_space<hbm>>
      %dma_start3A_132 = arith.constant 0 : i32
      %dma_start3A_133 = arith.constant 0 : i32
      %dma_start3A_134 = tpu.memref_slice %arg2[%arg1, %dma_start3A_132, %dma_start3A_133] : memref<16x392x128xi32, #tpu.memory_space<hbm>> -> memref<1x392x128xi32, #tpu.memory_space<hbm>>
      %dma_start3A_135 = tpu.memref_squeeze %dma_start3A_134 : memref<1x392x128xi32, #tpu.memory_space<hbm>> -> memref<392x128xi32, #tpu.memory_space<hbm>>
      tpu.enqueue_dma source(%dma_start3A_135 : memref<392x128xi32, #tpu.memory_space<hbm>>) target(%arg22 : memref<392x128xi32, #tpu.memory_space<vmem>>) target_semaphore(%run_scoped3A : memref<!tpu.dma_semaphore, #tpu.memory_space<semaphore_mem>>)
      %dma_wait3A = arith.constant 0 : i32
      %dma_wait3A_136 = arith.constant 0 : i32
      %dma_wait3A_137 = tpu.memref_slice %arg2[%arg1, %dma_wait3A, %dma_wait3A_136] : memref<16x392x128xi32, #tpu.memory_space<hbm>> -> memref<1x392x128xi32, #tpu.memory_space<hbm>>
      %dma_wait3A_138 = tpu.memref_squeeze %dma_wait3A_137 : memref<1x392x128xi32, #tpu.memory_space<hbm>> -> memref<392x128xi32, #tpu.memory_space<hbm>>
      %dma_wait3A_139 = arith.constant 0 : i32
      %dma_wait3A_140 = arith.constant 0 : i32
      %dma_wait3A_141 = tpu.memref_slice %arg2[%arg1, %dma_wait3A_139, %dma_wait3A_140] : memref<16x392x128xi32, #tpu.memory_space<hbm>> -> memref<1x392x128xi32, #tpu.memory_space<hbm>>
      %dma_wait3A_142 = tpu.memref_squeeze %dma_wait3A_141 : memref<1x392x128xi32, #tpu.memory_space<hbm>> -> memref<392x128xi32, #tpu.memory_space<hbm>>
      tpu.wait_dma2 semaphore(%run_scoped3A : memref<!tpu.dma_semaphore, #tpu.memory_space<semaphore_mem>>) src(%dma_wait3A_142 : memref<392x128xi32, #tpu.memory_space<hbm>>) dst(%arg22 : memref<392x128xi32, #tpu.memory_space<vmem>>)
      tpu.yield
    }) : () -> ()
    "tpu.region"() ({
      %run_scoped3A = tpu.sem_alloc : memref<!tpu.dma_semaphore, #tpu.memory_space<semaphore_mem>>
      %dma_start3A = arith.constant 0 : i32
      %dma_start3A_129 = arith.constant 0 : i32
      %dma_start3A_130 = tpu.memref_slice %arg3[%arg1, %dma_start3A, %dma_start3A_129] : memref<16x392x128xi32, #tpu.memory_space<hbm>> -> memref<1x392x128xi32, #tpu.memory_space<hbm>>
      %dma_start3A_131 = tpu.memref_squeeze %dma_start3A_130 : memref<1x392x128xi32, #tpu.memory_space<hbm>> -> memref<392x128xi32, #tpu.memory_space<hbm>>
      %dma_start3A_132 = arith.constant 0 : i32
      %dma_start3A_133 = arith.constant 0 : i32
      %dma_start3A_134 = tpu.memref_slice %arg3[%arg1, %dma_start3A_132, %dma_start3A_133] : memref<16x392x128xi32, #tpu.memory_space<hbm>> -> memref<1x392x128xi32, #tpu.memory_space<hbm>>
      %dma_start3A_135 = tpu.memref_squeeze %dma_start3A_134 : memref<1x392x128xi32, #tpu.memory_space<hbm>> -> memref<392x128xi32, #tpu.memory_space<hbm>>
      tpu.enqueue_dma source(%dma_start3A_135 : memref<392x128xi32, #tpu.memory_space<hbm>>) target(%arg23 : memref<392x128xi32, #tpu.memory_space<vmem>>) target_semaphore(%run_scoped3A : memref<!tpu.dma_semaphore, #tpu.memory_space<semaphore_mem>>)
      %dma_wait3A = arith.constant 0 : i32
      %dma_wait3A_136 = arith.constant 0 : i32
      %dma_wait3A_137 = tpu.memref_slice %arg3[%arg1, %dma_wait3A, %dma_wait3A_136] : memref<16x392x128xi32, #tpu.memory_space<hbm>> -> memref<1x392x128xi32, #tpu.memory_space<hbm>>
      %dma_wait3A_138 = tpu.memref_squeeze %dma_wait3A_137 : memref<1x392x128xi32, #tpu.memory_space<hbm>> -> memref<392x128xi32, #tpu.memory_space<hbm>>
      %dma_wait3A_139 = arith.constant 0 : i32
      %dma_wait3A_140 = arith.constant 0 : i32
      %dma_wait3A_141 = tpu.memref_slice %arg3[%arg1, %dma_wait3A_139, %dma_wait3A_140] : memref<16x392x128xi32, #tpu.memory_space<hbm>> -> memref<1x392x128xi32, #tpu.memory_space<hbm>>
      %dma_wait3A_142 = tpu.memref_squeeze %dma_wait3A_141 : memref<1x392x128xi32, #tpu.memory_space<hbm>> -> memref<392x128xi32, #tpu.memory_space<hbm>>
      tpu.wait_dma2 semaphore(%run_scoped3A : memref<!tpu.dma_semaphore, #tpu.memory_space<semaphore_mem>>) src(%dma_wait3A_142 : memref<392x128xi32, #tpu.memory_space<hbm>>) dst(%arg23 : memref<392x128xi32, #tpu.memory_space<vmem>>)
      tpu.yield
    }) : () -> ()
    %mul3A = arith.constant 3200 : i32
    %mul3A_4 = arith.muli %arg1, %mul3A : i32
    "tpu.region"() ({
      %run_scoped3A = tpu.sem_alloc : memref<!tpu.dma_semaphore, #tpu.memory_space<semaphore_mem>>
      %dma_start3A = arith.constant 0 : i32
      %dma_start3A_129 = tpu.memref_slice %arg26[%mul3A_4, %dma_start3A] : memref<51200x8xf32, #tpu.memory_space<vmem_shared>> -> memref<3200x8xf32, #tpu.memory_space<vmem_shared>>
      tpu.enqueue_dma source(%arg12 : memref<3200x8xf32, #tpu.memory_space<hbm>>) target(%dma_start3A_129 : memref<3200x8xf32, #tpu.memory_space<vmem_shared>>) target_semaphore(%run_scoped3A : memref<!tpu.dma_semaphore, #tpu.memory_space<semaphore_mem>>)
      %dma_wait3A = arith.constant 0 : i32
      %dma_wait3A_130 = tpu.memref_slice %arg26[%mul3A_4, %dma_wait3A] : memref<51200x8xf32, #tpu.memory_space<vmem_shared>> -> memref<3200x8xf32, #tpu.memory_space<vmem_shared>>
      tpu.wait_dma2 semaphore(%run_scoped3A : memref<!tpu.dma_semaphore, #tpu.memory_space<semaphore_mem>>) src(%arg12 : memref<3200x8xf32, #tpu.memory_space<hbm>>) dst(%dma_wait3A_130 : memref<3200x8xf32, #tpu.memory_space<vmem_shared>>)
      tpu.yield
    }) : () -> ()
    %barrier3A = arith.constant 0 : index
    tpu.barrier barrier_id(%barrier3A)
    %eq3A_5 = arith.constant 0 : i32
    %eq3A_6 = arith.cmpi eq, %arg0, %eq3A_5 : i32
    %convert_element_type3A_7 = arith.extui %eq3A_6 : i1 to i32
    %cond3A_8 = arith.constant 0 : i32
    %cond3A_9 = arith.cmpi ne, %convert_element_type3A_7, %cond3A_8 : i32
    scf.if %cond3A_9 {
      %dma_start3A = arith.constant 0 : i32
      %dma_start3A_129 = arith.constant 0 : i32
      %dma_start3A_130 = tpu.memref_slice %arg22[%dma_start3A, %dma_start3A_129] : memref<392x128xi32, #tpu.memory_space<vmem>> -> memref<1x128xi32, #tpu.memory_space<vmem>>
      %dma_start3A_131 = tpu.memref_squeeze %dma_start3A_130 : memref<1x128xi32, #tpu.memory_space<vmem>> -> memref<128xi32, #tpu.memory_space<vmem>>
      %dma_start3A_132 = arith.constant 0 : i32
      %dma_start3A_133 = arith.constant 0 : i32
      %dma_start3A_134 = tpu.memref_slice %arg4[%dma_start3A_132, %dma_start3A_133] : memref<51200x8xf32, #tpu.memory_space<hbm>> -> memref<51200x8xf32, #tpu.memory_space<hbm>>
      tpu.enqueue_indirect_dma source(%dma_start3A_134 : memref<51200x8xf32, #tpu.memory_space<hbm>>) target(%arg24 : memref<128x8xf32, #tpu.memory_space<vmem>>) offsets(%dma_start3A_131 : memref<128xi32, #tpu.memory_space<vmem>>) semaphore(%arg27 : memref<!tpu.dma_semaphore, #tpu.memory_space<semaphore_mem>>)
    } else {
    }
    %eq3A_10 = arith.constant 1 : i32
    %eq3A_11 = arith.cmpi eq, %arg0, %eq3A_10 : i32
    %convert_element_type3A_12 = arith.extui %eq3A_11 : i1 to i32
    %cond3A_13 = arith.constant 0 : i32
    %cond3A_14 = arith.cmpi ne, %convert_element_type3A_12, %cond3A_13 : i32
    scf.if %cond3A_14 {
      %dma_start3A = arith.constant 0 : i32
      %dma_start3A_129 = arith.constant 0 : i32
      %dma_start3A_130 = tpu.memref_slice %arg22[%dma_start3A, %dma_start3A_129] : memref<392x128xi32, #tpu.memory_space<vmem>> -> memref<1x128xi32, #tpu.memory_space<vmem>>
      %dma_start3A_131 = tpu.memref_squeeze %dma_start3A_130 : memref<1x128xi32, #tpu.memory_space<vmem>> -> memref<128xi32, #tpu.memory_space<vmem>>
      %dma_start3A_132 = arith.constant 0 : i32
      %dma_start3A_133 = arith.constant 0 : i32
      %dma_start3A_134 = tpu.memref_slice %arg5[%dma_start3A_132, %dma_start3A_133] : memref<51200x8xf32, #tpu.memory_space<hbm>> -> memref<51200x8xf32, #tpu.memory_space<hbm>>
      tpu.enqueue_indirect_dma source(%dma_start3A_134 : memref<51200x8xf32, #tpu.memory_space<hbm>>) target(%arg24 : memref<128x8xf32, #tpu.memory_space<vmem>>) offsets(%dma_start3A_131 : memref<128xi32, #tpu.memory_space<vmem>>) semaphore(%arg27 : memref<!tpu.dma_semaphore, #tpu.memory_space<semaphore_mem>>)
    } else {
    }
    %scan3A = arith.constant 0 : i32
    %scan3A_15 = arith.constant 0 : i32
    %scan3A_16 = arith.constant 196 : i32
    %scan3A_17 = arith.addi %scan3A_15, %scan3A_16 : i32
    %scan3A_18 = arith.constant 1 : i32
    %scan3A_19 = scf.for %scan3A_129 = %scan3A_15 to %scan3A_17 step %scan3A_18 iter_args(%scan3A_130 = %scan3A) -> (i32)  : i32 {
      %mul3A_131 = arith.constant 2 : i32
      %mul3A_132 = arith.muli %scan3A_129, %mul3A_131 : i32
      %add3A = arith.constant 1 : i32
      %add3A_133 = arith.addi %mul3A_132, %add3A : i32
      %eq3A_134 = arith.constant 0 : i32
      %eq3A_135 = arith.cmpi eq, %arg0, %eq3A_134 : i32
      %convert_element_type3A_136 = arith.extui %eq3A_135 : i1 to i32
      %cond3A_137 = arith.constant 0 : i32
      %cond3A_138 = arith.cmpi ne, %convert_element_type3A_136, %cond3A_137 : i32
      scf.if %cond3A_138 {
        %dma_start3A = arith.constant 0 : i32
        %dma_start3A_164 = tpu.memref_slice %arg22[%add3A_133, %dma_start3A] : memref<392x128xi32, #tpu.memory_space<vmem>> -> memref<1x128xi32, #tpu.memory_space<vmem>>
        %dma_start3A_165 = tpu.memref_squeeze %dma_start3A_164 : memref<1x128xi32, #tpu.memory_space<vmem>> -> memref<128xi32, #tpu.memory_space<vmem>>
        %dma_start3A_166 = arith.constant 0 : i32
        %dma_start3A_167 = arith.constant 0 : i32
        %dma_start3A_168 = tpu.memref_slice %arg4[%dma_start3A_166, %dma_start3A_167] : memref<51200x8xf32, #tpu.memory_space<hbm>> -> memref<51200x8xf32, #tpu.memory_space<hbm>>
        tpu.enqueue_indirect_dma source(%dma_start3A_168 : memref<51200x8xf32, #tpu.memory_space<hbm>>) target(%arg25 : memref<128x8xf32, #tpu.memory_space<vmem>>) offsets(%dma_start3A_165 : memref<128xi32, #tpu.memory_space<vmem>>) semaphore(%arg28 : memref<!tpu.dma_semaphore, #tpu.memory_space<semaphore_mem>>)
      } else {
      }
      %eq3A_139 = arith.constant 1 : i32
      %eq3A_140 = arith.cmpi eq, %arg0, %eq3A_139 : i32
      %convert_element_type3A_141 = arith.extui %eq3A_140 : i1 to i32
      %cond3A_142 = arith.constant 0 : i32
      %cond3A_143 = arith.cmpi ne, %convert_element_type3A_141, %cond3A_142 : i32
      scf.if %cond3A_143 {
        %dma_start3A = arith.constant 0 : i32
        %dma_start3A_164 = tpu.memref_slice %arg22[%add3A_133, %dma_start3A] : memref<392x128xi32, #tpu.memory_space<vmem>> -> memref<1x128xi32, #tpu.memory_space<vmem>>
        %dma_start3A_165 = tpu.memref_squeeze %dma_start3A_164 : memref<1x128xi32, #tpu.memory_space<vmem>> -> memref<128xi32, #tpu.memory_space<vmem>>
        %dma_start3A_166 = arith.constant 0 : i32
        %dma_start3A_167 = arith.constant 0 : i32
        %dma_start3A_168 = tpu.memref_slice %arg5[%dma_start3A_166, %dma_start3A_167] : memref<51200x8xf32, #tpu.memory_space<hbm>> -> memref<51200x8xf32, #tpu.memory_space<hbm>>
        tpu.enqueue_indirect_dma source(%dma_start3A_168 : memref<51200x8xf32, #tpu.memory_space<hbm>>) target(%arg25 : memref<128x8xf32, #tpu.memory_space<vmem>>) offsets(%dma_start3A_165 : memref<128xi32, #tpu.memory_space<vmem>>) semaphore(%arg28 : memref<!tpu.dma_semaphore, #tpu.memory_space<semaphore_mem>>)
      } else {
      }
      %dma_wait3A = arith.constant 0 : i32
      %dma_wait3A_144 = arith.constant 0 : i32
      %dma_wait3A_145 = tpu.memref_slice %arg4[%dma_wait3A, %dma_wait3A_144] : memref<51200x8xf32, #tpu.memory_space<hbm>> -> memref<128x8xf32, #tpu.memory_space<hbm>>
      %dma_wait3A_146 = arith.constant 0 : i32
      %dma_wait3A_147 = arith.constant 0 : i32
      %dma_wait3A_148 = tpu.memref_slice %arg4[%dma_wait3A_146, %dma_wait3A_147] : memref<51200x8xf32, #tpu.memory_space<hbm>> -> memref<128x8xf32, #tpu.memory_space<hbm>>
      tpu.wait_dma2 semaphore(%arg27 : memref<!tpu.dma_semaphore, #tpu.memory_space<semaphore_mem>>) src(%dma_wait3A_148 : memref<128x8xf32, #tpu.memory_space<hbm>>) dst(%arg24 : memref<128x8xf32, #tpu.memory_space<vmem>>)
      "tpu.region"() ({
        %run_scoped3A = tpu.sem_alloc : memref<!tpu.dma_semaphore, #tpu.memory_space<semaphore_mem>>
        %dma_start3A = arith.constant 0 : i32
        %dma_start3A_164 = tpu.memref_slice %arg23[%mul3A_132, %dma_start3A] : memref<392x128xi32, #tpu.memory_space<vmem>> -> memref<1x128xi32, #tpu.memory_space<vmem>>
        %dma_start3A_165 = tpu.memref_squeeze %dma_start3A_164 : memref<1x128xi32, #tpu.memory_space<vmem>> -> memref<128xi32, #tpu.memory_space<vmem>>
        %dma_start3A_166 = arith.constant 0 : i32
        %dma_start3A_167 = arith.constant 0 : i32
        %dma_start3A_168 = tpu.memref_slice %arg26[%dma_start3A_166, %dma_start3A_167] : memref<51200x8xf32, #tpu.memory_space<vmem_shared>> -> memref<51200x8xf32, #tpu.memory_space<vmem_shared>>
        tpu.enqueue_indirect_dma source(%arg24 : memref<128x8xf32, #tpu.memory_space<vmem>>) target(%dma_start3A_168 : memref<51200x8xf32, #tpu.memory_space<vmem_shared>>) offsets(%dma_start3A_165 : memref<128xi32, #tpu.memory_space<vmem>>) semaphore(%run_scoped3A : memref<!tpu.dma_semaphore, #tpu.memory_space<semaphore_mem>>) {add = true}
        %dma_wait3A_169 = arith.constant 0 : i32
        %dma_wait3A_170 = tpu.memref_slice %arg23[%mul3A_132, %dma_wait3A_169] : memref<392x128xi32, #tpu.memory_space<vmem>> -> memref<1x128xi32, #tpu.memory_space<vmem>>
        %dma_wait3A_171 = tpu.memref_squeeze %dma_wait3A_170 : memref<1x128xi32, #tpu.memory_space<vmem>> -> memref<128xi32, #tpu.memory_space<vmem>>
        %dma_wait3A_172 = arith.constant 0 : i32
        %dma_wait3A_173 = arith.constant 0 : i32
        %dma_wait3A_174 = tpu.memref_slice %arg26[%dma_wait3A_172, %dma_wait3A_173] : memref<51200x8xf32, #tpu.memory_space<vmem_shared>> -> memref<51200x8xf32, #tpu.memory_space<vmem_shared>>
        tpu.wait_indirect_dma semaphore(%run_scoped3A : memref<!tpu.dma_semaphore, #tpu.memory_space<semaphore_mem>>) src(%arg24 : memref<128x8xf32, #tpu.memory_space<vmem>>) dst(%dma_wait3A_174 : memref<51200x8xf32, #tpu.memory_space<vmem_shared>>)
        tpu.yield
      }) : () -> ()
      %add3A_149 = arith.constant 2 : i32
      %add3A_150 = arith.addi %mul3A_132, %add3A_149 : i32
      %lt3A = arith.constant 392 : i32
      %lt3A_151 = arith.cmpi slt, %add3A_150, %lt3A : i32
      %convert_element_type3A_152 = arith.extui %lt3A_151 : i1 to i32
      %cond3A_153 = arith.constant 0 : i32
      %cond3A_154 = arith.cmpi ne, %convert_element_type3A_152, %cond3A_153 : i32
      scf.if %cond3A_154 {
        %add3A_164 = arith.constant 2 : i32
        %add3A_165 = arith.addi %mul3A_132, %add3A_164 : i32
        %eq3A_166 = arith.constant 0 : i32
        %eq3A_167 = arith.cmpi eq, %arg0, %eq3A_166 : i32
        %convert_element_type3A_168 = arith.extui %eq3A_167 : i1 to i32
        %cond3A_169 = arith.constant 0 : i32
        %cond3A_170 = arith.cmpi ne, %convert_element_type3A_168, %cond3A_169 : i32
        scf.if %cond3A_170 {
          %dma_start3A = arith.constant 0 : i32
          %dma_start3A_176 = tpu.memref_slice %arg22[%add3A_165, %dma_start3A] : memref<392x128xi32, #tpu.memory_space<vmem>> -> memref<1x128xi32, #tpu.memory_space<vmem>>
          %dma_start3A_177 = tpu.memref_squeeze %dma_start3A_176 : memref<1x128xi32, #tpu.memory_space<vmem>> -> memref<128xi32, #tpu.memory_space<vmem>>
          %dma_start3A_178 = arith.constant 0 : i32
          %dma_start3A_179 = arith.constant 0 : i32
          %dma_start3A_180 = tpu.memref_slice %arg4[%dma_start3A_178, %dma_start3A_179] : memref<51200x8xf32, #tpu.memory_space<hbm>> -> memref<51200x8xf32, #tpu.memory_space<hbm>>
          tpu.enqueue_indirect_dma source(%dma_start3A_180 : memref<51200x8xf32, #tpu.memory_space<hbm>>) target(%arg24 : memref<128x8xf32, #tpu.memory_space<vmem>>) offsets(%dma_start3A_177 : memref<128xi32, #tpu.memory_space<vmem>>) semaphore(%arg27 : memref<!tpu.dma_semaphore, #tpu.memory_space<semaphore_mem>>)
        } else {
        }
        %eq3A_171 = arith.constant 1 : i32
        %eq3A_172 = arith.cmpi eq, %arg0, %eq3A_171 : i32
        %convert_element_type3A_173 = arith.extui %eq3A_172 : i1 to i32
        %cond3A_174 = arith.constant 0 : i32
        %cond3A_175 = arith.cmpi ne, %convert_element_type3A_173, %cond3A_174 : i32
        scf.if %cond3A_175 {
          %dma_start3A = arith.constant 0 : i32
          %dma_start3A_176 = tpu.memref_slice %arg22[%add3A_165, %dma_start3A] : memref<392x128xi32, #tpu.memory_space<vmem>> -> memref<1x128xi32, #tpu.memory_space<vmem>>
          %dma_start3A_177 = tpu.memref_squeeze %dma_start3A_176 : memref<1x128xi32, #tpu.memory_space<vmem>> -> memref<128xi32, #tpu.memory_space<vmem>>
          %dma_start3A_178 = arith.constant 0 : i32
          %dma_start3A_179 = arith.constant 0 : i32
          %dma_start3A_180 = tpu.memref_slice %arg5[%dma_start3A_178, %dma_start3A_179] : memref<51200x8xf32, #tpu.memory_space<hbm>> -> memref<51200x8xf32, #tpu.memory_space<hbm>>
          tpu.enqueue_indirect_dma source(%dma_start3A_180 : memref<51200x8xf32, #tpu.memory_space<hbm>>) target(%arg24 : memref<128x8xf32, #tpu.memory_space<vmem>>) offsets(%dma_start3A_177 : memref<128xi32, #tpu.memory_space<vmem>>) semaphore(%arg27 : memref<!tpu.dma_semaphore, #tpu.memory_space<semaphore_mem>>)
        } else {
        }
      } else {
      }
      %dma_wait3A_155 = arith.constant 0 : i32
      %dma_wait3A_156 = arith.constant 0 : i32
      %dma_wait3A_157 = tpu.memref_slice %arg4[%dma_wait3A_155, %dma_wait3A_156] : memref<51200x8xf32, #tpu.memory_space<hbm>> -> memref<128x8xf32, #tpu.memory_space<hbm>>
      %dma_wait3A_158 = arith.constant 0 : i32
      %dma_wait3A_159 = arith.constant 0 : i32
      %dma_wait3A_160 = tpu.memref_slice %arg4[%dma_wait3A_158, %dma_wait3A_159] : memref<51200x8xf32, #tpu.memory_space<hbm>> -> memref<128x8xf32, #tpu.memory_space<hbm>>
      tpu.wait_dma2 semaphore(%arg28 : memref<!tpu.dma_semaphore, #tpu.memory_space<semaphore_mem>>) src(%dma_wait3A_160 : memref<128x8xf32, #tpu.memory_space<hbm>>) dst(%arg25 : memref<128x8xf32, #tpu.memory_space<vmem>>)
      %add3A_161 = arith.constant 1 : i32
      %add3A_162 = arith.addi %mul3A_132, %add3A_161 : i32
      "tpu.region"() ({
        %run_scoped3A = tpu.sem_alloc : memref<!tpu.dma_semaphore, #tpu.memory_space<semaphore_mem>>
        %dma_start3A = arith.constant 0 : i32
        %dma_start3A_164 = tpu.memref_slice %arg23[%add3A_162, %dma_start3A] : memref<392x128xi32, #tpu.memory_space<vmem>> -> memref<1x128xi32, #tpu.memory_space<vmem>>
        %dma_start3A_165 = tpu.memref_squeeze %dma_start3A_164 : memref<1x128xi32, #tpu.memory_space<vmem>> -> memref<128xi32, #tpu.memory_space<vmem>>
        %dma_start3A_166 = arith.constant 0 : i32
        %dma_start3A_167 = arith.constant 0 : i32
        %dma_start3A_168 = tpu.memref_slice %arg26[%dma_start3A_166, %dma_start3A_167] : memref<51200x8xf32, #tpu.memory_space<vmem_shared>> -> memref<51200x8xf32, #tpu.memory_space<vmem_shared>>
        tpu.enqueue_indirect_dma source(%arg25 : memref<128x8xf32, #tpu.memory_space<vmem>>) target(%dma_start3A_168 : memref<51200x8xf32, #tpu.memory_space<vmem_shared>>) offsets(%dma_start3A_165 : memref<128xi32, #tpu.memory_space<vmem>>) semaphore(%run_scoped3A : memref<!tpu.dma_semaphore, #tpu.memory_space<semaphore_mem>>) {add = true}
        %dma_wait3A_169 = arith.constant 0 : i32
        %dma_wait3A_170 = tpu.memref_slice %arg23[%add3A_162, %dma_wait3A_169] : memref<392x128xi32, #tpu.memory_space<vmem>> -> memref<1x128xi32, #tpu.memory_space<vmem>>
        %dma_wait3A_171 = tpu.memref_squeeze %dma_wait3A_170 : memref<1x128xi32, #tpu.memory_space<vmem>> -> memref<128xi32, #tpu.memory_space<vmem>>
        %dma_wait3A_172 = arith.constant 0 : i32
        %dma_wait3A_173 = arith.constant 0 : i32
        %dma_wait3A_174 = tpu.memref_slice %arg26[%dma_wait3A_172, %dma_wait3A_173] : memref<51200x8xf32, #tpu.memory_space<vmem_shared>> -> memref<51200x8xf32, #tpu.memory_space<vmem_shared>>
        tpu.wait_indirect_dma semaphore(%run_scoped3A : memref<!tpu.dma_semaphore, #tpu.memory_space<semaphore_mem>>) src(%arg25 : memref<128x8xf32, #tpu.memory_space<vmem>>) dst(%dma_wait3A_174 : memref<51200x8xf32, #tpu.memory_space<vmem_shared>>)
        tpu.yield
      }) : () -> ()
      %scan3A_163 = arith.constant 0 : i32
      scf.yield %scan3A_163 : i32
    }
    %scan3A_20 = arith.constant 196 : i32
    %barrier3A_21 = arith.constant 0 : index
    tpu.barrier barrier_id(%barrier3A_21)
    %eq3A_22 = arith.constant 0 : i32
    %eq3A_23 = arith.cmpi eq, %arg0, %eq3A_22 : i32
    %convert_element_type3A_24 = arith.extui %eq3A_23 : i1 to i32
    %cond3A_25 = arith.constant 0 : i32
    %cond3A_26 = arith.cmpi ne, %convert_element_type3A_24, %cond3A_25 : i32
    scf.if %cond3A_26 {
      %mul3A_129 = arith.constant 3200 : i32
      %mul3A_130 = arith.muli %arg1, %mul3A_129 : i32
      %mul3A_131 = arith.constant 3200 : i32
      %mul3A_132 = arith.muli %arg1, %mul3A_131 : i32
      "tpu.region"() ({
        %run_scoped3A = tpu.sem_alloc : memref<!tpu.dma_semaphore, #tpu.memory_space<semaphore_mem>>
        %dma_start3A = arith.constant 0 : i32
        %dma_start3A_133 = tpu.memref_slice %arg13[%mul3A_132, %dma_start3A] : memref<51200x8xf32, #tpu.memory_space<hbm>> -> memref<3200x8xf32, #tpu.memory_space<hbm>>
        %dma_start3A_134 = arith.constant 0 : i32
        %dma_start3A_135 = tpu.memref_slice %arg26[%mul3A_130, %dma_start3A_134] : memref<51200x8xf32, #tpu.memory_space<vmem_shared>> -> memref<3200x8xf32, #tpu.memory_space<vmem_shared>>
        tpu.enqueue_dma source(%dma_start3A_135 : memref<3200x8xf32, #tpu.memory_space<vmem_shared>>) target(%dma_start3A_133 : memref<3200x8xf32, #tpu.memory_space<hbm>>) target_semaphore(%run_scoped3A : memref<!tpu.dma_semaphore, #tpu.memory_space<semaphore_mem>>)
        %dma_wait3A = arith.constant 0 : i32
        %dma_wait3A_136 = tpu.memref_slice %arg13[%mul3A_132, %dma_wait3A] : memref<51200x8xf32, #tpu.memory_space<hbm>> -> memref<3200x8xf32, #tpu.memory_space<hbm>>
        %dma_wait3A_137 = arith.constant 0 : i32
        %dma_wait3A_138 = tpu.memref_slice %arg26[%mul3A_130, %dma_wait3A_137] : memref<51200x8xf32, #tpu.memory_space<vmem_shared>> -> memref<3200x8xf32, #tpu.memory_space<vmem_shared>>
        tpu.wait_dma2 semaphore(%run_scoped3A : memref<!tpu.dma_semaphore, #tpu.memory_space<semaphore_mem>>) src(%dma_wait3A_138 : memref<3200x8xf32, #tpu.memory_space<vmem_shared>>) dst(%dma_wait3A_136 : memref<3200x8xf32, #tpu.memory_space<hbm>>)
        tpu.yield
      }) : () -> ()
    } else {
    }
    %eq3A_27 = arith.constant 1 : i32
    %eq3A_28 = arith.cmpi eq, %arg0, %eq3A_27 : i32
    %convert_element_type3A_29 = arith.extui %eq3A_28 : i1 to i32
    %cond3A_30 = arith.constant 0 : i32
    %cond3A_31 = arith.cmpi ne, %convert_element_type3A_29, %cond3A_30 : i32
    scf.if %cond3A_31 {
      %mul3A_129 = arith.constant 3200 : i32
      %mul3A_130 = arith.muli %arg1, %mul3A_129 : i32
      %mul3A_131 = arith.constant 3200 : i32
      %mul3A_132 = arith.muli %arg1, %mul3A_131 : i32
      "tpu.region"() ({
        %run_scoped3A = tpu.sem_alloc : memref<!tpu.dma_semaphore, #tpu.memory_space<semaphore_mem>>
        %dma_start3A = arith.constant 0 : i32
        %dma_start3A_133 = tpu.memref_slice %arg14[%mul3A_132, %dma_start3A] : memref<51200x8xf32, #tpu.memory_space<hbm>> -> memref<3200x8xf32, #tpu.memory_space<hbm>>
        %dma_start3A_134 = arith.constant 0 : i32
        %dma_start3A_135 = tpu.memref_slice %arg26[%mul3A_130, %dma_start3A_134] : memref<51200x8xf32, #tpu.memory_space<vmem_shared>> -> memref<3200x8xf32, #tpu.memory_space<vmem_shared>>
        tpu.enqueue_dma source(%dma_start3A_135 : memref<3200x8xf32, #tpu.memory_space<vmem_shared>>) target(%dma_start3A_133 : memref<3200x8xf32, #tpu.memory_space<hbm>>) target_semaphore(%run_scoped3A : memref<!tpu.dma_semaphore, #tpu.memory_space<semaphore_mem>>)
        %dma_wait3A = arith.constant 0 : i32
        %dma_wait3A_136 = tpu.memref_slice %arg14[%mul3A_132, %dma_wait3A] : memref<51200x8xf32, #tpu.memory_space<hbm>> -> memref<3200x8xf32, #tpu.memory_space<hbm>>
        %dma_wait3A_137 = arith.constant 0 : i32
        %dma_wait3A_138 = tpu.memref_slice %arg26[%mul3A_130, %dma_wait3A_137] : memref<51200x8xf32, #tpu.memory_space<vmem_shared>> -> memref<3200x8xf32, #tpu.memory_space<vmem_shared>>
        tpu.wait_dma2 semaphore(%run_scoped3A : memref<!tpu.dma_semaphore, #tpu.memory_space<semaphore_mem>>) src(%dma_wait3A_138 : memref<3200x8xf32, #tpu.memory_space<vmem_shared>>) dst(%dma_wait3A_136 : memref<3200x8xf32, #tpu.memory_space<hbm>>)
        tpu.yield
      }) : () -> ()
    } else {
    }
    %barrier3A_32 = arith.constant 0 : index
    tpu.barrier barrier_id(%barrier3A_32)
    %mul3A_33 = arith.constant 3200 : i32
    %mul3A_34 = arith.muli %arg1, %mul3A_33 : i32
    "tpu.region"() ({
      %run_scoped3A = tpu.sem_alloc : memref<!tpu.dma_semaphore, #tpu.memory_space<semaphore_mem>>
      %dma_start3A = arith.constant 0 : i32
      %dma_start3A_129 = tpu.memref_slice %arg26[%mul3A_34, %dma_start3A] : memref<51200x8xf32, #tpu.memory_space<vmem_shared>> -> memref<3200x8xf32, #tpu.memory_space<vmem_shared>>
      tpu.enqueue_dma source(%arg12 : memref<3200x8xf32, #tpu.memory_space<hbm>>) target(%dma_start3A_129 : memref<3200x8xf32, #tpu.memory_space<vmem_shared>>) target_semaphore(%run_scoped3A : memref<!tpu.dma_semaphore, #tpu.memory_space<semaphore_mem>>)
      %dma_wait3A = arith.constant 0 : i32
      %dma_wait3A_130 = tpu.memref_slice %arg26[%mul3A_34, %dma_wait3A] : memref<51200x8xf32, #tpu.memory_space<vmem_shared>> -> memref<3200x8xf32, #tpu.memory_space<vmem_shared>>
      tpu.wait_dma2 semaphore(%run_scoped3A : memref<!tpu.dma_semaphore, #tpu.memory_space<semaphore_mem>>) src(%arg12 : memref<3200x8xf32, #tpu.memory_space<hbm>>) dst(%dma_wait3A_130 : memref<3200x8xf32, #tpu.memory_space<vmem_shared>>)
      tpu.yield
    }) : () -> ()
    %barrier3A_35 = arith.constant 0 : index
    tpu.barrier barrier_id(%barrier3A_35)
    %eq3A_36 = arith.constant 0 : i32
    %eq3A_37 = arith.cmpi eq, %arg0, %eq3A_36 : i32
    %convert_element_type3A_38 = arith.extui %eq3A_37 : i1 to i32
    %cond3A_39 = arith.constant 0 : i32
    %cond3A_40 = arith.cmpi ne, %convert_element_type3A_38, %cond3A_39 : i32
    scf.if %cond3A_40 {
      %dma_start3A = arith.constant 0 : i32
      %dma_start3A_129 = arith.constant 0 : i32
      %dma_start3A_130 = tpu.memref_slice %arg22[%dma_start3A, %dma_start3A_129] : memref<392x128xi32, #tpu.memory_space<vmem>> -> memref<1x128xi32, #tpu.memory_space<vmem>>
      %dma_start3A_131 = tpu.memref_squeeze %dma_start3A_130 : memref<1x128xi32, #tpu.memory_space<vmem>> -> memref<128xi32, #tpu.memory_space<vmem>>
      %dma_start3A_132 = arith.constant 0 : i32
      %dma_start3A_133 = arith.constant 0 : i32
      %dma_start3A_134 = tpu.memref_slice %arg6[%dma_start3A_132, %dma_start3A_133] : memref<51200x8xf32, #tpu.memory_space<hbm>> -> memref<51200x8xf32, #tpu.memory_space<hbm>>
      tpu.enqueue_indirect_dma source(%dma_start3A_134 : memref<51200x8xf32, #tpu.memory_space<hbm>>) target(%arg24 : memref<128x8xf32, #tpu.memory_space<vmem>>) offsets(%dma_start3A_131 : memref<128xi32, #tpu.memory_space<vmem>>) semaphore(%arg27 : memref<!tpu.dma_semaphore, #tpu.memory_space<semaphore_mem>>)
    } else {
    }
    %eq3A_41 = arith.constant 1 : i32
    %eq3A_42 = arith.cmpi eq, %arg0, %eq3A_41 : i32
    %convert_element_type3A_43 = arith.extui %eq3A_42 : i1 to i32
    %cond3A_44 = arith.constant 0 : i32
    %cond3A_45 = arith.cmpi ne, %convert_element_type3A_43, %cond3A_44 : i32
    scf.if %cond3A_45 {
      %dma_start3A = arith.constant 0 : i32
      %dma_start3A_129 = arith.constant 0 : i32
      %dma_start3A_130 = tpu.memref_slice %arg22[%dma_start3A, %dma_start3A_129] : memref<392x128xi32, #tpu.memory_space<vmem>> -> memref<1x128xi32, #tpu.memory_space<vmem>>
      %dma_start3A_131 = tpu.memref_squeeze %dma_start3A_130 : memref<1x128xi32, #tpu.memory_space<vmem>> -> memref<128xi32, #tpu.memory_space<vmem>>
      %dma_start3A_132 = arith.constant 0 : i32
      %dma_start3A_133 = arith.constant 0 : i32
      %dma_start3A_134 = tpu.memref_slice %arg7[%dma_start3A_132, %dma_start3A_133] : memref<51200x8xf32, #tpu.memory_space<hbm>> -> memref<51200x8xf32, #tpu.memory_space<hbm>>
      tpu.enqueue_indirect_dma source(%dma_start3A_134 : memref<51200x8xf32, #tpu.memory_space<hbm>>) target(%arg24 : memref<128x8xf32, #tpu.memory_space<vmem>>) offsets(%dma_start3A_131 : memref<128xi32, #tpu.memory_space<vmem>>) semaphore(%arg27 : memref<!tpu.dma_semaphore, #tpu.memory_space<semaphore_mem>>)
    } else {
    }
    %scan3A_46 = arith.constant 0 : i32
    %scan3A_47 = arith.constant 0 : i32
    %scan3A_48 = arith.constant 196 : i32
    %scan3A_49 = arith.addi %scan3A_47, %scan3A_48 : i32
    %scan3A_50 = arith.constant 1 : i32
    %scan3A_51 = scf.for %scan3A_129 = %scan3A_47 to %scan3A_49 step %scan3A_50 iter_args(%scan3A_130 = %scan3A_46) -> (i32)  : i32 {
      %mul3A_131 = arith.constant 2 : i32
      %mul3A_132 = arith.muli %scan3A_129, %mul3A_131 : i32
      %add3A = arith.constant 1 : i32
      %add3A_133 = arith.addi %mul3A_132, %add3A : i32
      %eq3A_134 = arith.constant 0 : i32
      %eq3A_135 = arith.cmpi eq, %arg0, %eq3A_134 : i32
      %convert_element_type3A_136 = arith.extui %eq3A_135 : i1 to i32
      %cond3A_137 = arith.constant 0 : i32
      %cond3A_138 = arith.cmpi ne, %convert_element_type3A_136, %cond3A_137 : i32
      scf.if %cond3A_138 {
        %dma_start3A = arith.constant 0 : i32
        %dma_start3A_164 = tpu.memref_slice %arg22[%add3A_133, %dma_start3A] : memref<392x128xi32, #tpu.memory_space<vmem>> -> memref<1x128xi32, #tpu.memory_space<vmem>>
        %dma_start3A_165 = tpu.memref_squeeze %dma_start3A_164 : memref<1x128xi32, #tpu.memory_space<vmem>> -> memref<128xi32, #tpu.memory_space<vmem>>
        %dma_start3A_166 = arith.constant 0 : i32
        %dma_start3A_167 = arith.constant 0 : i32
        %dma_start3A_168 = tpu.memref_slice %arg6[%dma_start3A_166, %dma_start3A_167] : memref<51200x8xf32, #tpu.memory_space<hbm>> -> memref<51200x8xf32, #tpu.memory_space<hbm>>
        tpu.enqueue_indirect_dma source(%dma_start3A_168 : memref<51200x8xf32, #tpu.memory_space<hbm>>) target(%arg25 : memref<128x8xf32, #tpu.memory_space<vmem>>) offsets(%dma_start3A_165 : memref<128xi32, #tpu.memory_space<vmem>>) semaphore(%arg28 : memref<!tpu.dma_semaphore, #tpu.memory_space<semaphore_mem>>)
      } else {
      }
      %eq3A_139 = arith.constant 1 : i32
      %eq3A_140 = arith.cmpi eq, %arg0, %eq3A_139 : i32
      %convert_element_type3A_141 = arith.extui %eq3A_140 : i1 to i32
      %cond3A_142 = arith.constant 0 : i32
      %cond3A_143 = arith.cmpi ne, %convert_element_type3A_141, %cond3A_142 : i32
      scf.if %cond3A_143 {
        %dma_start3A = arith.constant 0 : i32
        %dma_start3A_164 = tpu.memref_slice %arg22[%add3A_133, %dma_start3A] : memref<392x128xi32, #tpu.memory_space<vmem>> -> memref<1x128xi32, #tpu.memory_space<vmem>>
        %dma_start3A_165 = tpu.memref_squeeze %dma_start3A_164 : memref<1x128xi32, #tpu.memory_space<vmem>> -> memref<128xi32, #tpu.memory_space<vmem>>
        %dma_start3A_166 = arith.constant 0 : i32
        %dma_start3A_167 = arith.constant 0 : i32
        %dma_start3A_168 = tpu.memref_slice %arg7[%dma_start3A_166, %dma_start3A_167] : memref<51200x8xf32, #tpu.memory_space<hbm>> -> memref<51200x8xf32, #tpu.memory_space<hbm>>
        tpu.enqueue_indirect_dma source(%dma_start3A_168 : memref<51200x8xf32, #tpu.memory_space<hbm>>) target(%arg25 : memref<128x8xf32, #tpu.memory_space<vmem>>) offsets(%dma_start3A_165 : memref<128xi32, #tpu.memory_space<vmem>>) semaphore(%arg28 : memref<!tpu.dma_semaphore, #tpu.memory_space<semaphore_mem>>)
      } else {
      }
      %dma_wait3A = arith.constant 0 : i32
      %dma_wait3A_144 = arith.constant 0 : i32
      %dma_wait3A_145 = tpu.memref_slice %arg6[%dma_wait3A, %dma_wait3A_144] : memref<51200x8xf32, #tpu.memory_space<hbm>> -> memref<128x8xf32, #tpu.memory_space<hbm>>
      %dma_wait3A_146 = arith.constant 0 : i32
      %dma_wait3A_147 = arith.constant 0 : i32
      %dma_wait3A_148 = tpu.memref_slice %arg6[%dma_wait3A_146, %dma_wait3A_147] : memref<51200x8xf32, #tpu.memory_space<hbm>> -> memref<128x8xf32, #tpu.memory_space<hbm>>
      tpu.wait_dma2 semaphore(%arg27 : memref<!tpu.dma_semaphore, #tpu.memory_space<semaphore_mem>>) src(%dma_wait3A_148 : memref<128x8xf32, #tpu.memory_space<hbm>>) dst(%arg24 : memref<128x8xf32, #tpu.memory_space<vmem>>)
      "tpu.region"() ({
        %run_scoped3A = tpu.sem_alloc : memref<!tpu.dma_semaphore, #tpu.memory_space<semaphore_mem>>
        %dma_start3A = arith.constant 0 : i32
        %dma_start3A_164 = tpu.memref_slice %arg23[%mul3A_132, %dma_start3A] : memref<392x128xi32, #tpu.memory_space<vmem>> -> memref<1x128xi32, #tpu.memory_space<vmem>>
        %dma_start3A_165 = tpu.memref_squeeze %dma_start3A_164 : memref<1x128xi32, #tpu.memory_space<vmem>> -> memref<128xi32, #tpu.memory_space<vmem>>
        %dma_start3A_166 = arith.constant 0 : i32
        %dma_start3A_167 = arith.constant 0 : i32
        %dma_start3A_168 = tpu.memref_slice %arg26[%dma_start3A_166, %dma_start3A_167] : memref<51200x8xf32, #tpu.memory_space<vmem_shared>> -> memref<51200x8xf32, #tpu.memory_space<vmem_shared>>
        tpu.enqueue_indirect_dma source(%arg24 : memref<128x8xf32, #tpu.memory_space<vmem>>) target(%dma_start3A_168 : memref<51200x8xf32, #tpu.memory_space<vmem_shared>>) offsets(%dma_start3A_165 : memref<128xi32, #tpu.memory_space<vmem>>) semaphore(%run_scoped3A : memref<!tpu.dma_semaphore, #tpu.memory_space<semaphore_mem>>) {add = true}
        %dma_wait3A_169 = arith.constant 0 : i32
        %dma_wait3A_170 = tpu.memref_slice %arg23[%mul3A_132, %dma_wait3A_169] : memref<392x128xi32, #tpu.memory_space<vmem>> -> memref<1x128xi32, #tpu.memory_space<vmem>>
        %dma_wait3A_171 = tpu.memref_squeeze %dma_wait3A_170 : memref<1x128xi32, #tpu.memory_space<vmem>> -> memref<128xi32, #tpu.memory_space<vmem>>
        %dma_wait3A_172 = arith.constant 0 : i32
        %dma_wait3A_173 = arith.constant 0 : i32
        %dma_wait3A_174 = tpu.memref_slice %arg26[%dma_wait3A_172, %dma_wait3A_173] : memref<51200x8xf32, #tpu.memory_space<vmem_shared>> -> memref<51200x8xf32, #tpu.memory_space<vmem_shared>>
        tpu.wait_indirect_dma semaphore(%run_scoped3A : memref<!tpu.dma_semaphore, #tpu.memory_space<semaphore_mem>>) src(%arg24 : memref<128x8xf32, #tpu.memory_space<vmem>>) dst(%dma_wait3A_174 : memref<51200x8xf32, #tpu.memory_space<vmem_shared>>)
        tpu.yield
      }) : () -> ()
      %add3A_149 = arith.constant 2 : i32
      %add3A_150 = arith.addi %mul3A_132, %add3A_149 : i32
      %lt3A = arith.constant 392 : i32
      %lt3A_151 = arith.cmpi slt, %add3A_150, %lt3A : i32
      %convert_element_type3A_152 = arith.extui %lt3A_151 : i1 to i32
      %cond3A_153 = arith.constant 0 : i32
      %cond3A_154 = arith.cmpi ne, %convert_element_type3A_152, %cond3A_153 : i32
      scf.if %cond3A_154 {
        %add3A_164 = arith.constant 2 : i32
        %add3A_165 = arith.addi %mul3A_132, %add3A_164 : i32
        %eq3A_166 = arith.constant 0 : i32
        %eq3A_167 = arith.cmpi eq, %arg0, %eq3A_166 : i32
        %convert_element_type3A_168 = arith.extui %eq3A_167 : i1 to i32
        %cond3A_169 = arith.constant 0 : i32
        %cond3A_170 = arith.cmpi ne, %convert_element_type3A_168, %cond3A_169 : i32
        scf.if %cond3A_170 {
          %dma_start3A = arith.constant 0 : i32
          %dma_start3A_176 = tpu.memref_slice %arg22[%add3A_165, %dma_start3A] : memref<392x128xi32, #tpu.memory_space<vmem>> -> memref<1x128xi32, #tpu.memory_space<vmem>>
          %dma_start3A_177 = tpu.memref_squeeze %dma_start3A_176 : memref<1x128xi32, #tpu.memory_space<vmem>> -> memref<128xi32, #tpu.memory_space<vmem>>
          %dma_start3A_178 = arith.constant 0 : i32
          %dma_start3A_179 = arith.constant 0 : i32
          %dma_start3A_180 = tpu.memref_slice %arg6[%dma_start3A_178, %dma_start3A_179] : memref<51200x8xf32, #tpu.memory_space<hbm>> -> memref<51200x8xf32, #tpu.memory_space<hbm>>
          tpu.enqueue_indirect_dma source(%dma_start3A_180 : memref<51200x8xf32, #tpu.memory_space<hbm>>) target(%arg24 : memref<128x8xf32, #tpu.memory_space<vmem>>) offsets(%dma_start3A_177 : memref<128xi32, #tpu.memory_space<vmem>>) semaphore(%arg27 : memref<!tpu.dma_semaphore, #tpu.memory_space<semaphore_mem>>)
        } else {
        }
        %eq3A_171 = arith.constant 1 : i32
        %eq3A_172 = arith.cmpi eq, %arg0, %eq3A_171 : i32
        %convert_element_type3A_173 = arith.extui %eq3A_172 : i1 to i32
        %cond3A_174 = arith.constant 0 : i32
        %cond3A_175 = arith.cmpi ne, %convert_element_type3A_173, %cond3A_174 : i32
        scf.if %cond3A_175 {
          %dma_start3A = arith.constant 0 : i32
          %dma_start3A_176 = tpu.memref_slice %arg22[%add3A_165, %dma_start3A] : memref<392x128xi32, #tpu.memory_space<vmem>> -> memref<1x128xi32, #tpu.memory_space<vmem>>
          %dma_start3A_177 = tpu.memref_squeeze %dma_start3A_176 : memref<1x128xi32, #tpu.memory_space<vmem>> -> memref<128xi32, #tpu.memory_space<vmem>>
          %dma_start3A_178 = arith.constant 0 : i32
          %dma_start3A_179 = arith.constant 0 : i32
          %dma_start3A_180 = tpu.memref_slice %arg7[%dma_start3A_178, %dma_start3A_179] : memref<51200x8xf32, #tpu.memory_space<hbm>> -> memref<51200x8xf32, #tpu.memory_space<hbm>>
          tpu.enqueue_indirect_dma source(%dma_start3A_180 : memref<51200x8xf32, #tpu.memory_space<hbm>>) target(%arg24 : memref<128x8xf32, #tpu.memory_space<vmem>>) offsets(%dma_start3A_177 : memref<128xi32, #tpu.memory_space<vmem>>) semaphore(%arg27 : memref<!tpu.dma_semaphore, #tpu.memory_space<semaphore_mem>>)
        } else {
        }
      } else {
      }
      %dma_wait3A_155 = arith.constant 0 : i32
      %dma_wait3A_156 = arith.constant 0 : i32
      %dma_wait3A_157 = tpu.memref_slice %arg6[%dma_wait3A_155, %dma_wait3A_156] : memref<51200x8xf32, #tpu.memory_space<hbm>> -> memref<128x8xf32, #tpu.memory_space<hbm>>
      %dma_wait3A_158 = arith.constant 0 : i32
      %dma_wait3A_159 = arith.constant 0 : i32
      %dma_wait3A_160 = tpu.memref_slice %arg6[%dma_wait3A_158, %dma_wait3A_159] : memref<51200x8xf32, #tpu.memory_space<hbm>> -> memref<128x8xf32, #tpu.memory_space<hbm>>
      tpu.wait_dma2 semaphore(%arg28 : memref<!tpu.dma_semaphore, #tpu.memory_space<semaphore_mem>>) src(%dma_wait3A_160 : memref<128x8xf32, #tpu.memory_space<hbm>>) dst(%arg25 : memref<128x8xf32, #tpu.memory_space<vmem>>)
      %add3A_161 = arith.constant 1 : i32
      %add3A_162 = arith.addi %mul3A_132, %add3A_161 : i32
      "tpu.region"() ({
        %run_scoped3A = tpu.sem_alloc : memref<!tpu.dma_semaphore, #tpu.memory_space<semaphore_mem>>
        %dma_start3A = arith.constant 0 : i32
        %dma_start3A_164 = tpu.memref_slice %arg23[%add3A_162, %dma_start3A] : memref<392x128xi32, #tpu.memory_space<vmem>> -> memref<1x128xi32, #tpu.memory_space<vmem>>
        %dma_start3A_165 = tpu.memref_squeeze %dma_start3A_164 : memref<1x128xi32, #tpu.memory_space<vmem>> -> memref<128xi32, #tpu.memory_space<vmem>>
        %dma_start3A_166 = arith.constant 0 : i32
        %dma_start3A_167 = arith.constant 0 : i32
        %dma_start3A_168 = tpu.memref_slice %arg26[%dma_start3A_166, %dma_start3A_167] : memref<51200x8xf32, #tpu.memory_space<vmem_shared>> -> memref<51200x8xf32, #tpu.memory_space<vmem_shared>>
        tpu.enqueue_indirect_dma source(%arg25 : memref<128x8xf32, #tpu.memory_space<vmem>>) target(%dma_start3A_168 : memref<51200x8xf32, #tpu.memory_space<vmem_shared>>) offsets(%dma_start3A_165 : memref<128xi32, #tpu.memory_space<vmem>>) semaphore(%run_scoped3A : memref<!tpu.dma_semaphore, #tpu.memory_space<semaphore_mem>>) {add = true}
        %dma_wait3A_169 = arith.constant 0 : i32
        %dma_wait3A_170 = tpu.memref_slice %arg23[%add3A_162, %dma_wait3A_169] : memref<392x128xi32, #tpu.memory_space<vmem>> -> memref<1x128xi32, #tpu.memory_space<vmem>>
        %dma_wait3A_171 = tpu.memref_squeeze %dma_wait3A_170 : memref<1x128xi32, #tpu.memory_space<vmem>> -> memref<128xi32, #tpu.memory_space<vmem>>
        %dma_wait3A_172 = arith.constant 0 : i32
        %dma_wait3A_173 = arith.constant 0 : i32
        %dma_wait3A_174 = tpu.memref_slice %arg26[%dma_wait3A_172, %dma_wait3A_173] : memref<51200x8xf32, #tpu.memory_space<vmem_shared>> -> memref<51200x8xf32, #tpu.memory_space<vmem_shared>>
        tpu.wait_indirect_dma semaphore(%run_scoped3A : memref<!tpu.dma_semaphore, #tpu.memory_space<semaphore_mem>>) src(%arg25 : memref<128x8xf32, #tpu.memory_space<vmem>>) dst(%dma_wait3A_174 : memref<51200x8xf32, #tpu.memory_space<vmem_shared>>)
        tpu.yield
      }) : () -> ()
      %scan3A_163 = arith.constant 0 : i32
      scf.yield %scan3A_163 : i32
    }
    %scan3A_52 = arith.constant 196 : i32
    %barrier3A_53 = arith.constant 0 : index
    tpu.barrier barrier_id(%barrier3A_53)
    %eq3A_54 = arith.constant 0 : i32
    %eq3A_55 = arith.cmpi eq, %arg0, %eq3A_54 : i32
    %convert_element_type3A_56 = arith.extui %eq3A_55 : i1 to i32
    %cond3A_57 = arith.constant 0 : i32
    %cond3A_58 = arith.cmpi ne, %convert_element_type3A_56, %cond3A_57 : i32
    scf.if %cond3A_58 {
      %mul3A_129 = arith.constant 3200 : i32
      %mul3A_130 = arith.muli %arg1, %mul3A_129 : i32
      %mul3A_131 = arith.constant 3200 : i32
      %mul3A_132 = arith.muli %arg1, %mul3A_131 : i32
      "tpu.region"() ({
        %run_scoped3A = tpu.sem_alloc : memref<!tpu.dma_semaphore, #tpu.memory_space<semaphore_mem>>
        %dma_start3A = arith.constant 0 : i32
        %dma_start3A_133 = tpu.memref_slice %arg15[%mul3A_132, %dma_start3A] : memref<51200x8xf32, #tpu.memory_space<hbm>> -> memref<3200x8xf32, #tpu.memory_space<hbm>>
        %dma_start3A_134 = arith.constant 0 : i32
        %dma_start3A_135 = tpu.memref_slice %arg26[%mul3A_130, %dma_start3A_134] : memref<51200x8xf32, #tpu.memory_space<vmem_shared>> -> memref<3200x8xf32, #tpu.memory_space<vmem_shared>>
        tpu.enqueue_dma source(%dma_start3A_135 : memref<3200x8xf32, #tpu.memory_space<vmem_shared>>) target(%dma_start3A_133 : memref<3200x8xf32, #tpu.memory_space<hbm>>) target_semaphore(%run_scoped3A : memref<!tpu.dma_semaphore, #tpu.memory_space<semaphore_mem>>)
        %dma_wait3A = arith.constant 0 : i32
        %dma_wait3A_136 = tpu.memref_slice %arg15[%mul3A_132, %dma_wait3A] : memref<51200x8xf32, #tpu.memory_space<hbm>> -> memref<3200x8xf32, #tpu.memory_space<hbm>>
        %dma_wait3A_137 = arith.constant 0 : i32
        %dma_wait3A_138 = tpu.memref_slice %arg26[%mul3A_130, %dma_wait3A_137] : memref<51200x8xf32, #tpu.memory_space<vmem_shared>> -> memref<3200x8xf32, #tpu.memory_space<vmem_shared>>
        tpu.wait_dma2 semaphore(%run_scoped3A : memref<!tpu.dma_semaphore, #tpu.memory_space<semaphore_mem>>) src(%dma_wait3A_138 : memref<3200x8xf32, #tpu.memory_space<vmem_shared>>) dst(%dma_wait3A_136 : memref<3200x8xf32, #tpu.memory_space<hbm>>)
        tpu.yield
      }) : () -> ()
    } else {
    }
    %eq3A_59 = arith.constant 1 : i32
    %eq3A_60 = arith.cmpi eq, %arg0, %eq3A_59 : i32
    %convert_element_type3A_61 = arith.extui %eq3A_60 : i1 to i32
    %cond3A_62 = arith.constant 0 : i32
    %cond3A_63 = arith.cmpi ne, %convert_element_type3A_61, %cond3A_62 : i32
    scf.if %cond3A_63 {
      %mul3A_129 = arith.constant 3200 : i32
      %mul3A_130 = arith.muli %arg1, %mul3A_129 : i32
      %mul3A_131 = arith.constant 3200 : i32
      %mul3A_132 = arith.muli %arg1, %mul3A_131 : i32
      "tpu.region"() ({
        %run_scoped3A = tpu.sem_alloc : memref<!tpu.dma_semaphore, #tpu.memory_space<semaphore_mem>>
        %dma_start3A = arith.constant 0 : i32
        %dma_start3A_133 = tpu.memref_slice %arg16[%mul3A_132, %dma_start3A] : memref<51200x8xf32, #tpu.memory_space<hbm>> -> memref<3200x8xf32, #tpu.memory_space<hbm>>
        %dma_start3A_134 = arith.constant 0 : i32
        %dma_start3A_135 = tpu.memref_slice %arg26[%mul3A_130, %dma_start3A_134] : memref<51200x8xf32, #tpu.memory_space<vmem_shared>> -> memref<3200x8xf32, #tpu.memory_space<vmem_shared>>
        tpu.enqueue_dma source(%dma_start3A_135 : memref<3200x8xf32, #tpu.memory_space<vmem_shared>>) target(%dma_start3A_133 : memref<3200x8xf32, #tpu.memory_space<hbm>>) target_semaphore(%run_scoped3A : memref<!tpu.dma_semaphore, #tpu.memory_space<semaphore_mem>>)
        %dma_wait3A = arith.constant 0 : i32
        %dma_wait3A_136 = tpu.memref_slice %arg16[%mul3A_132, %dma_wait3A] : memref<51200x8xf32, #tpu.memory_space<hbm>> -> memref<3200x8xf32, #tpu.memory_space<hbm>>
        %dma_wait3A_137 = arith.constant 0 : i32
        %dma_wait3A_138 = tpu.memref_slice %arg26[%mul3A_130, %dma_wait3A_137] : memref<51200x8xf32, #tpu.memory_space<vmem_shared>> -> memref<3200x8xf32, #tpu.memory_space<vmem_shared>>
        tpu.wait_dma2 semaphore(%run_scoped3A : memref<!tpu.dma_semaphore, #tpu.memory_space<semaphore_mem>>) src(%dma_wait3A_138 : memref<3200x8xf32, #tpu.memory_space<vmem_shared>>) dst(%dma_wait3A_136 : memref<3200x8xf32, #tpu.memory_space<hbm>>)
        tpu.yield
      }) : () -> ()
    } else {
    }
    %barrier3A_64 = arith.constant 0 : index
    tpu.barrier barrier_id(%barrier3A_64)
    %mul3A_65 = arith.constant 3200 : i32
    %mul3A_66 = arith.muli %arg1, %mul3A_65 : i32
    "tpu.region"() ({
      %run_scoped3A = tpu.sem_alloc : memref<!tpu.dma_semaphore, #tpu.memory_space<semaphore_mem>>
      %dma_start3A = arith.constant 0 : i32
      %dma_start3A_129 = tpu.memref_slice %arg26[%mul3A_66, %dma_start3A] : memref<51200x8xf32, #tpu.memory_space<vmem_shared>> -> memref<3200x8xf32, #tpu.memory_space<vmem_shared>>
      tpu.enqueue_dma source(%arg12 : memref<3200x8xf32, #tpu.memory_space<hbm>>) target(%dma_start3A_129 : memref<3200x8xf32, #tpu.memory_space<vmem_shared>>) target_semaphore(%run_scoped3A : memref<!tpu.dma_semaphore, #tpu.memory_space<semaphore_mem>>)
      %dma_wait3A = arith.constant 0 : i32
      %dma_wait3A_130 = tpu.memref_slice %arg26[%mul3A_66, %dma_wait3A] : memref<51200x8xf32, #tpu.memory_space<vmem_shared>> -> memref<3200x8xf32, #tpu.memory_space<vmem_shared>>
      tpu.wait_dma2 semaphore(%run_scoped3A : memref<!tpu.dma_semaphore, #tpu.memory_space<semaphore_mem>>) src(%arg12 : memref<3200x8xf32, #tpu.memory_space<hbm>>) dst(%dma_wait3A_130 : memref<3200x8xf32, #tpu.memory_space<vmem_shared>>)
      tpu.yield
    }) : () -> ()
    %barrier3A_67 = arith.constant 0 : index
    tpu.barrier barrier_id(%barrier3A_67)
    %eq3A_68 = arith.constant 0 : i32
    %eq3A_69 = arith.cmpi eq, %arg0, %eq3A_68 : i32
    %convert_element_type3A_70 = arith.extui %eq3A_69 : i1 to i32
    %cond3A_71 = arith.constant 0 : i32
    %cond3A_72 = arith.cmpi ne, %convert_element_type3A_70, %cond3A_71 : i32
    scf.if %cond3A_72 {
      %dma_start3A = arith.constant 0 : i32
      %dma_start3A_129 = arith.constant 0 : i32
      %dma_start3A_130 = tpu.memref_slice %arg22[%dma_start3A, %dma_start3A_129] : memref<392x128xi32, #tpu.memory_space<vmem>> -> memref<1x128xi32, #tpu.memory_space<vmem>>
      %dma_start3A_131 = tpu.memref_squeeze %dma_start3A_130 : memref<1x128xi32, #tpu.memory_space<vmem>> -> memref<128xi32, #tpu.memory_space<vmem>>
      %dma_start3A_132 = arith.constant 0 : i32
      %dma_start3A_133 = arith.constant 0 : i32
      %dma_start3A_134 = tpu.memref_slice %arg8[%dma_start3A_132, %dma_start3A_133] : memref<51200x8xf32, #tpu.memory_space<hbm>> -> memref<51200x8xf32, #tpu.memory_space<hbm>>
      tpu.enqueue_indirect_dma source(%dma_start3A_134 : memref<51200x8xf32, #tpu.memory_space<hbm>>) target(%arg24 : memref<128x8xf32, #tpu.memory_space<vmem>>) offsets(%dma_start3A_131 : memref<128xi32, #tpu.memory_space<vmem>>) semaphore(%arg27 : memref<!tpu.dma_semaphore, #tpu.memory_space<semaphore_mem>>)
    } else {
    }
    %eq3A_73 = arith.constant 1 : i32
    %eq3A_74 = arith.cmpi eq, %arg0, %eq3A_73 : i32
    %convert_element_type3A_75 = arith.extui %eq3A_74 : i1 to i32
    %cond3A_76 = arith.constant 0 : i32
    %cond3A_77 = arith.cmpi ne, %convert_element_type3A_75, %cond3A_76 : i32
    scf.if %cond3A_77 {
      %dma_start3A = arith.constant 0 : i32
      %dma_start3A_129 = arith.constant 0 : i32
      %dma_start3A_130 = tpu.memref_slice %arg22[%dma_start3A, %dma_start3A_129] : memref<392x128xi32, #tpu.memory_space<vmem>> -> memref<1x128xi32, #tpu.memory_space<vmem>>
      %dma_start3A_131 = tpu.memref_squeeze %dma_start3A_130 : memref<1x128xi32, #tpu.memory_space<vmem>> -> memref<128xi32, #tpu.memory_space<vmem>>
      %dma_start3A_132 = arith.constant 0 : i32
      %dma_start3A_133 = arith.constant 0 : i32
      %dma_start3A_134 = tpu.memref_slice %arg9[%dma_start3A_132, %dma_start3A_133] : memref<51200x8xf32, #tpu.memory_space<hbm>> -> memref<51200x8xf32, #tpu.memory_space<hbm>>
      tpu.enqueue_indirect_dma source(%dma_start3A_134 : memref<51200x8xf32, #tpu.memory_space<hbm>>) target(%arg24 : memref<128x8xf32, #tpu.memory_space<vmem>>) offsets(%dma_start3A_131 : memref<128xi32, #tpu.memory_space<vmem>>) semaphore(%arg27 : memref<!tpu.dma_semaphore, #tpu.memory_space<semaphore_mem>>)
    } else {
    }
    %scan3A_78 = arith.constant 0 : i32
    %scan3A_79 = arith.constant 0 : i32
    %scan3A_80 = arith.constant 196 : i32
    %scan3A_81 = arith.addi %scan3A_79, %scan3A_80 : i32
    %scan3A_82 = arith.constant 1 : i32
    %scan3A_83 = scf.for %scan3A_129 = %scan3A_79 to %scan3A_81 step %scan3A_82 iter_args(%scan3A_130 = %scan3A_78) -> (i32)  : i32 {
      %mul3A_131 = arith.constant 2 : i32
      %mul3A_132 = arith.muli %scan3A_129, %mul3A_131 : i32
      %add3A = arith.constant 1 : i32
      %add3A_133 = arith.addi %mul3A_132, %add3A : i32
      %eq3A_134 = arith.constant 0 : i32
      %eq3A_135 = arith.cmpi eq, %arg0, %eq3A_134 : i32
      %convert_element_type3A_136 = arith.extui %eq3A_135 : i1 to i32
      %cond3A_137 = arith.constant 0 : i32
      %cond3A_138 = arith.cmpi ne, %convert_element_type3A_136, %cond3A_137 : i32
      scf.if %cond3A_138 {
        %dma_start3A = arith.constant 0 : i32
        %dma_start3A_164 = tpu.memref_slice %arg22[%add3A_133, %dma_start3A] : memref<392x128xi32, #tpu.memory_space<vmem>> -> memref<1x128xi32, #tpu.memory_space<vmem>>
        %dma_start3A_165 = tpu.memref_squeeze %dma_start3A_164 : memref<1x128xi32, #tpu.memory_space<vmem>> -> memref<128xi32, #tpu.memory_space<vmem>>
        %dma_start3A_166 = arith.constant 0 : i32
        %dma_start3A_167 = arith.constant 0 : i32
        %dma_start3A_168 = tpu.memref_slice %arg8[%dma_start3A_166, %dma_start3A_167] : memref<51200x8xf32, #tpu.memory_space<hbm>> -> memref<51200x8xf32, #tpu.memory_space<hbm>>
        tpu.enqueue_indirect_dma source(%dma_start3A_168 : memref<51200x8xf32, #tpu.memory_space<hbm>>) target(%arg25 : memref<128x8xf32, #tpu.memory_space<vmem>>) offsets(%dma_start3A_165 : memref<128xi32, #tpu.memory_space<vmem>>) semaphore(%arg28 : memref<!tpu.dma_semaphore, #tpu.memory_space<semaphore_mem>>)
      } else {
      }
      %eq3A_139 = arith.constant 1 : i32
      %eq3A_140 = arith.cmpi eq, %arg0, %eq3A_139 : i32
      %convert_element_type3A_141 = arith.extui %eq3A_140 : i1 to i32
      %cond3A_142 = arith.constant 0 : i32
      %cond3A_143 = arith.cmpi ne, %convert_element_type3A_141, %cond3A_142 : i32
      scf.if %cond3A_143 {
        %dma_start3A = arith.constant 0 : i32
        %dma_start3A_164 = tpu.memref_slice %arg22[%add3A_133, %dma_start3A] : memref<392x128xi32, #tpu.memory_space<vmem>> -> memref<1x128xi32, #tpu.memory_space<vmem>>
        %dma_start3A_165 = tpu.memref_squeeze %dma_start3A_164 : memref<1x128xi32, #tpu.memory_space<vmem>> -> memref<128xi32, #tpu.memory_space<vmem>>
        %dma_start3A_166 = arith.constant 0 : i32
        %dma_start3A_167 = arith.constant 0 : i32
        %dma_start3A_168 = tpu.memref_slice %arg9[%dma_start3A_166, %dma_start3A_167] : memref<51200x8xf32, #tpu.memory_space<hbm>> -> memref<51200x8xf32, #tpu.memory_space<hbm>>
        tpu.enqueue_indirect_dma source(%dma_start3A_168 : memref<51200x8xf32, #tpu.memory_space<hbm>>) target(%arg25 : memref<128x8xf32, #tpu.memory_space<vmem>>) offsets(%dma_start3A_165 : memref<128xi32, #tpu.memory_space<vmem>>) semaphore(%arg28 : memref<!tpu.dma_semaphore, #tpu.memory_space<semaphore_mem>>)
      } else {
      }
      %dma_wait3A = arith.constant 0 : i32
      %dma_wait3A_144 = arith.constant 0 : i32
      %dma_wait3A_145 = tpu.memref_slice %arg8[%dma_wait3A, %dma_wait3A_144] : memref<51200x8xf32, #tpu.memory_space<hbm>> -> memref<128x8xf32, #tpu.memory_space<hbm>>
      %dma_wait3A_146 = arith.constant 0 : i32
      %dma_wait3A_147 = arith.constant 0 : i32
      %dma_wait3A_148 = tpu.memref_slice %arg8[%dma_wait3A_146, %dma_wait3A_147] : memref<51200x8xf32, #tpu.memory_space<hbm>> -> memref<128x8xf32, #tpu.memory_space<hbm>>
      tpu.wait_dma2 semaphore(%arg27 : memref<!tpu.dma_semaphore, #tpu.memory_space<semaphore_mem>>) src(%dma_wait3A_148 : memref<128x8xf32, #tpu.memory_space<hbm>>) dst(%arg24 : memref<128x8xf32, #tpu.memory_space<vmem>>)
      "tpu.region"() ({
        %run_scoped3A = tpu.sem_alloc : memref<!tpu.dma_semaphore, #tpu.memory_space<semaphore_mem>>
        %dma_start3A = arith.constant 0 : i32
        %dma_start3A_164 = tpu.memref_slice %arg23[%mul3A_132, %dma_start3A] : memref<392x128xi32, #tpu.memory_space<vmem>> -> memref<1x128xi32, #tpu.memory_space<vmem>>
        %dma_start3A_165 = tpu.memref_squeeze %dma_start3A_164 : memref<1x128xi32, #tpu.memory_space<vmem>> -> memref<128xi32, #tpu.memory_space<vmem>>
        %dma_start3A_166 = arith.constant 0 : i32
        %dma_start3A_167 = arith.constant 0 : i32
        %dma_start3A_168 = tpu.memref_slice %arg26[%dma_start3A_166, %dma_start3A_167] : memref<51200x8xf32, #tpu.memory_space<vmem_shared>> -> memref<51200x8xf32, #tpu.memory_space<vmem_shared>>
        tpu.enqueue_indirect_dma source(%arg24 : memref<128x8xf32, #tpu.memory_space<vmem>>) target(%dma_start3A_168 : memref<51200x8xf32, #tpu.memory_space<vmem_shared>>) offsets(%dma_start3A_165 : memref<128xi32, #tpu.memory_space<vmem>>) semaphore(%run_scoped3A : memref<!tpu.dma_semaphore, #tpu.memory_space<semaphore_mem>>) {add = true}
        %dma_wait3A_169 = arith.constant 0 : i32
        %dma_wait3A_170 = tpu.memref_slice %arg23[%mul3A_132, %dma_wait3A_169] : memref<392x128xi32, #tpu.memory_space<vmem>> -> memref<1x128xi32, #tpu.memory_space<vmem>>
        %dma_wait3A_171 = tpu.memref_squeeze %dma_wait3A_170 : memref<1x128xi32, #tpu.memory_space<vmem>> -> memref<128xi32, #tpu.memory_space<vmem>>
        %dma_wait3A_172 = arith.constant 0 : i32
        %dma_wait3A_173 = arith.constant 0 : i32
        %dma_wait3A_174 = tpu.memref_slice %arg26[%dma_wait3A_172, %dma_wait3A_173] : memref<51200x8xf32, #tpu.memory_space<vmem_shared>> -> memref<51200x8xf32, #tpu.memory_space<vmem_shared>>
        tpu.wait_indirect_dma semaphore(%run_scoped3A : memref<!tpu.dma_semaphore, #tpu.memory_space<semaphore_mem>>) src(%arg24 : memref<128x8xf32, #tpu.memory_space<vmem>>) dst(%dma_wait3A_174 : memref<51200x8xf32, #tpu.memory_space<vmem_shared>>)
        tpu.yield
      }) : () -> ()
      %add3A_149 = arith.constant 2 : i32
      %add3A_150 = arith.addi %mul3A_132, %add3A_149 : i32
      %lt3A = arith.constant 392 : i32
      %lt3A_151 = arith.cmpi slt, %add3A_150, %lt3A : i32
      %convert_element_type3A_152 = arith.extui %lt3A_151 : i1 to i32
      %cond3A_153 = arith.constant 0 : i32
      %cond3A_154 = arith.cmpi ne, %convert_element_type3A_152, %cond3A_153 : i32
      scf.if %cond3A_154 {
        %add3A_164 = arith.constant 2 : i32
        %add3A_165 = arith.addi %mul3A_132, %add3A_164 : i32
        %eq3A_166 = arith.constant 0 : i32
        %eq3A_167 = arith.cmpi eq, %arg0, %eq3A_166 : i32
        %convert_element_type3A_168 = arith.extui %eq3A_167 : i1 to i32
        %cond3A_169 = arith.constant 0 : i32
        %cond3A_170 = arith.cmpi ne, %convert_element_type3A_168, %cond3A_169 : i32
        scf.if %cond3A_170 {
          %dma_start3A = arith.constant 0 : i32
          %dma_start3A_176 = tpu.memref_slice %arg22[%add3A_165, %dma_start3A] : memref<392x128xi32, #tpu.memory_space<vmem>> -> memref<1x128xi32, #tpu.memory_space<vmem>>
          %dma_start3A_177 = tpu.memref_squeeze %dma_start3A_176 : memref<1x128xi32, #tpu.memory_space<vmem>> -> memref<128xi32, #tpu.memory_space<vmem>>
          %dma_start3A_178 = arith.constant 0 : i32
          %dma_start3A_179 = arith.constant 0 : i32
          %dma_start3A_180 = tpu.memref_slice %arg8[%dma_start3A_178, %dma_start3A_179] : memref<51200x8xf32, #tpu.memory_space<hbm>> -> memref<51200x8xf32, #tpu.memory_space<hbm>>
          tpu.enqueue_indirect_dma source(%dma_start3A_180 : memref<51200x8xf32, #tpu.memory_space<hbm>>) target(%arg24 : memref<128x8xf32, #tpu.memory_space<vmem>>) offsets(%dma_start3A_177 : memref<128xi32, #tpu.memory_space<vmem>>) semaphore(%arg27 : memref<!tpu.dma_semaphore, #tpu.memory_space<semaphore_mem>>)
        } else {
        }
        %eq3A_171 = arith.constant 1 : i32
        %eq3A_172 = arith.cmpi eq, %arg0, %eq3A_171 : i32
        %convert_element_type3A_173 = arith.extui %eq3A_172 : i1 to i32
        %cond3A_174 = arith.constant 0 : i32
        %cond3A_175 = arith.cmpi ne, %convert_element_type3A_173, %cond3A_174 : i32
        scf.if %cond3A_175 {
          %dma_start3A = arith.constant 0 : i32
          %dma_start3A_176 = tpu.memref_slice %arg22[%add3A_165, %dma_start3A] : memref<392x128xi32, #tpu.memory_space<vmem>> -> memref<1x128xi32, #tpu.memory_space<vmem>>
          %dma_start3A_177 = tpu.memref_squeeze %dma_start3A_176 : memref<1x128xi32, #tpu.memory_space<vmem>> -> memref<128xi32, #tpu.memory_space<vmem>>
          %dma_start3A_178 = arith.constant 0 : i32
          %dma_start3A_179 = arith.constant 0 : i32
          %dma_start3A_180 = tpu.memref_slice %arg9[%dma_start3A_178, %dma_start3A_179] : memref<51200x8xf32, #tpu.memory_space<hbm>> -> memref<51200x8xf32, #tpu.memory_space<hbm>>
          tpu.enqueue_indirect_dma source(%dma_start3A_180 : memref<51200x8xf32, #tpu.memory_space<hbm>>) target(%arg24 : memref<128x8xf32, #tpu.memory_space<vmem>>) offsets(%dma_start3A_177 : memref<128xi32, #tpu.memory_space<vmem>>) semaphore(%arg27 : memref<!tpu.dma_semaphore, #tpu.memory_space<semaphore_mem>>)
        } else {
        }
      } else {
      }
      %dma_wait3A_155 = arith.constant 0 : i32
      %dma_wait3A_156 = arith.constant 0 : i32
      %dma_wait3A_157 = tpu.memref_slice %arg8[%dma_wait3A_155, %dma_wait3A_156] : memref<51200x8xf32, #tpu.memory_space<hbm>> -> memref<128x8xf32, #tpu.memory_space<hbm>>
      %dma_wait3A_158 = arith.constant 0 : i32
      %dma_wait3A_159 = arith.constant 0 : i32
      %dma_wait3A_160 = tpu.memref_slice %arg8[%dma_wait3A_158, %dma_wait3A_159] : memref<51200x8xf32, #tpu.memory_space<hbm>> -> memref<128x8xf32, #tpu.memory_space<hbm>>
      tpu.wait_dma2 semaphore(%arg28 : memref<!tpu.dma_semaphore, #tpu.memory_space<semaphore_mem>>) src(%dma_wait3A_160 : memref<128x8xf32, #tpu.memory_space<hbm>>) dst(%arg25 : memref<128x8xf32, #tpu.memory_space<vmem>>)
      %add3A_161 = arith.constant 1 : i32
      %add3A_162 = arith.addi %mul3A_132, %add3A_161 : i32
      "tpu.region"() ({
        %run_scoped3A = tpu.sem_alloc : memref<!tpu.dma_semaphore, #tpu.memory_space<semaphore_mem>>
        %dma_start3A = arith.constant 0 : i32
        %dma_start3A_164 = tpu.memref_slice %arg23[%add3A_162, %dma_start3A] : memref<392x128xi32, #tpu.memory_space<vmem>> -> memref<1x128xi32, #tpu.memory_space<vmem>>
        %dma_start3A_165 = tpu.memref_squeeze %dma_start3A_164 : memref<1x128xi32, #tpu.memory_space<vmem>> -> memref<128xi32, #tpu.memory_space<vmem>>
        %dma_start3A_166 = arith.constant 0 : i32
        %dma_start3A_167 = arith.constant 0 : i32
        %dma_start3A_168 = tpu.memref_slice %arg26[%dma_start3A_166, %dma_start3A_167] : memref<51200x8xf32, #tpu.memory_space<vmem_shared>> -> memref<51200x8xf32, #tpu.memory_space<vmem_shared>>
        tpu.enqueue_indirect_dma source(%arg25 : memref<128x8xf32, #tpu.memory_space<vmem>>) target(%dma_start3A_168 : memref<51200x8xf32, #tpu.memory_space<vmem_shared>>) offsets(%dma_start3A_165 : memref<128xi32, #tpu.memory_space<vmem>>) semaphore(%run_scoped3A : memref<!tpu.dma_semaphore, #tpu.memory_space<semaphore_mem>>) {add = true}
        %dma_wait3A_169 = arith.constant 0 : i32
        %dma_wait3A_170 = tpu.memref_slice %arg23[%add3A_162, %dma_wait3A_169] : memref<392x128xi32, #tpu.memory_space<vmem>> -> memref<1x128xi32, #tpu.memory_space<vmem>>
        %dma_wait3A_171 = tpu.memref_squeeze %dma_wait3A_170 : memref<1x128xi32, #tpu.memory_space<vmem>> -> memref<128xi32, #tpu.memory_space<vmem>>
        %dma_wait3A_172 = arith.constant 0 : i32
        %dma_wait3A_173 = arith.constant 0 : i32
        %dma_wait3A_174 = tpu.memref_slice %arg26[%dma_wait3A_172, %dma_wait3A_173] : memref<51200x8xf32, #tpu.memory_space<vmem_shared>> -> memref<51200x8xf32, #tpu.memory_space<vmem_shared>>
        tpu.wait_indirect_dma semaphore(%run_scoped3A : memref<!tpu.dma_semaphore, #tpu.memory_space<semaphore_mem>>) src(%arg25 : memref<128x8xf32, #tpu.memory_space<vmem>>) dst(%dma_wait3A_174 : memref<51200x8xf32, #tpu.memory_space<vmem_shared>>)
        tpu.yield
      }) : () -> ()
      %scan3A_163 = arith.constant 0 : i32
      scf.yield %scan3A_163 : i32
    }
    %scan3A_84 = arith.constant 196 : i32
    %barrier3A_85 = arith.constant 0 : index
    tpu.barrier barrier_id(%barrier3A_85)
    %eq3A_86 = arith.constant 0 : i32
    %eq3A_87 = arith.cmpi eq, %arg0, %eq3A_86 : i32
    %convert_element_type3A_88 = arith.extui %eq3A_87 : i1 to i32
    %cond3A_89 = arith.constant 0 : i32
    %cond3A_90 = arith.cmpi ne, %convert_element_type3A_88, %cond3A_89 : i32
    scf.if %cond3A_90 {
      %mul3A_129 = arith.constant 3200 : i32
      %mul3A_130 = arith.muli %arg1, %mul3A_129 : i32
      %mul3A_131 = arith.constant 3200 : i32
      %mul3A_132 = arith.muli %arg1, %mul3A_131 : i32
      "tpu.region"() ({
        %run_scoped3A = tpu.sem_alloc : memref<!tpu.dma_semaphore, #tpu.memory_space<semaphore_mem>>
        %dma_start3A = arith.constant 0 : i32
        %dma_start3A_133 = tpu.memref_slice %arg17[%mul3A_132, %dma_start3A] : memref<51200x8xf32, #tpu.memory_space<hbm>> -> memref<3200x8xf32, #tpu.memory_space<hbm>>
        %dma_start3A_134 = arith.constant 0 : i32
        %dma_start3A_135 = tpu.memref_slice %arg26[%mul3A_130, %dma_start3A_134] : memref<51200x8xf32, #tpu.memory_space<vmem_shared>> -> memref<3200x8xf32, #tpu.memory_space<vmem_shared>>
        tpu.enqueue_dma source(%dma_start3A_135 : memref<3200x8xf32, #tpu.memory_space<vmem_shared>>) target(%dma_start3A_133 : memref<3200x8xf32, #tpu.memory_space<hbm>>) target_semaphore(%run_scoped3A : memref<!tpu.dma_semaphore, #tpu.memory_space<semaphore_mem>>)
        %dma_wait3A = arith.constant 0 : i32
        %dma_wait3A_136 = tpu.memref_slice %arg17[%mul3A_132, %dma_wait3A] : memref<51200x8xf32, #tpu.memory_space<hbm>> -> memref<3200x8xf32, #tpu.memory_space<hbm>>
        %dma_wait3A_137 = arith.constant 0 : i32
        %dma_wait3A_138 = tpu.memref_slice %arg26[%mul3A_130, %dma_wait3A_137] : memref<51200x8xf32, #tpu.memory_space<vmem_shared>> -> memref<3200x8xf32, #tpu.memory_space<vmem_shared>>
        tpu.wait_dma2 semaphore(%run_scoped3A : memref<!tpu.dma_semaphore, #tpu.memory_space<semaphore_mem>>) src(%dma_wait3A_138 : memref<3200x8xf32, #tpu.memory_space<vmem_shared>>) dst(%dma_wait3A_136 : memref<3200x8xf32, #tpu.memory_space<hbm>>)
        tpu.yield
      }) : () -> ()
    } else {
    }
    %eq3A_91 = arith.constant 1 : i32
    %eq3A_92 = arith.cmpi eq, %arg0, %eq3A_91 : i32
    %convert_element_type3A_93 = arith.extui %eq3A_92 : i1 to i32
    %cond3A_94 = arith.constant 0 : i32
    %cond3A_95 = arith.cmpi ne, %convert_element_type3A_93, %cond3A_94 : i32
    scf.if %cond3A_95 {
      %mul3A_129 = arith.constant 3200 : i32
      %mul3A_130 = arith.muli %arg1, %mul3A_129 : i32
      %mul3A_131 = arith.constant 3200 : i32
      %mul3A_132 = arith.muli %arg1, %mul3A_131 : i32
      "tpu.region"() ({
        %run_scoped3A = tpu.sem_alloc : memref<!tpu.dma_semaphore, #tpu.memory_space<semaphore_mem>>
        %dma_start3A = arith.constant 0 : i32
        %dma_start3A_133 = tpu.memref_slice %arg18[%mul3A_132, %dma_start3A] : memref<51200x8xf32, #tpu.memory_space<hbm>> -> memref<3200x8xf32, #tpu.memory_space<hbm>>
        %dma_start3A_134 = arith.constant 0 : i32
        %dma_start3A_135 = tpu.memref_slice %arg26[%mul3A_130, %dma_start3A_134] : memref<51200x8xf32, #tpu.memory_space<vmem_shared>> -> memref<3200x8xf32, #tpu.memory_space<vmem_shared>>
        tpu.enqueue_dma source(%dma_start3A_135 : memref<3200x8xf32, #tpu.memory_space<vmem_shared>>) target(%dma_start3A_133 : memref<3200x8xf32, #tpu.memory_space<hbm>>) target_semaphore(%run_scoped3A : memref<!tpu.dma_semaphore, #tpu.memory_space<semaphore_mem>>)
        %dma_wait3A = arith.constant 0 : i32
        %dma_wait3A_136 = tpu.memref_slice %arg18[%mul3A_132, %dma_wait3A] : memref<51200x8xf32, #tpu.memory_space<hbm>> -> memref<3200x8xf32, #tpu.memory_space<hbm>>
        %dma_wait3A_137 = arith.constant 0 : i32
        %dma_wait3A_138 = tpu.memref_slice %arg26[%mul3A_130, %dma_wait3A_137] : memref<51200x8xf32, #tpu.memory_space<vmem_shared>> -> memref<3200x8xf32, #tpu.memory_space<vmem_shared>>
        tpu.wait_dma2 semaphore(%run_scoped3A : memref<!tpu.dma_semaphore, #tpu.memory_space<semaphore_mem>>) src(%dma_wait3A_138 : memref<3200x8xf32, #tpu.memory_space<vmem_shared>>) dst(%dma_wait3A_136 : memref<3200x8xf32, #tpu.memory_space<hbm>>)
        tpu.yield
      }) : () -> ()
    } else {
    }
    %barrier3A_96 = arith.constant 0 : index
    tpu.barrier barrier_id(%barrier3A_96)
    %mul3A_97 = arith.constant 3200 : i32
    %mul3A_98 = arith.muli %arg1, %mul3A_97 : i32
    "tpu.region"() ({
      %run_scoped3A = tpu.sem_alloc : memref<!tpu.dma_semaphore, #tpu.memory_space<semaphore_mem>>
      %dma_start3A = arith.constant 0 : i32
      %dma_start3A_129 = tpu.memref_slice %arg26[%mul3A_98, %dma_start3A] : memref<51200x8xf32, #tpu.memory_space<vmem_shared>> -> memref<3200x8xf32, #tpu.memory_space<vmem_shared>>
      tpu.enqueue_dma source(%arg12 : memref<3200x8xf32, #tpu.memory_space<hbm>>) target(%dma_start3A_129 : memref<3200x8xf32, #tpu.memory_space<vmem_shared>>) target_semaphore(%run_scoped3A : memref<!tpu.dma_semaphore, #tpu.memory_space<semaphore_mem>>)
      %dma_wait3A = arith.constant 0 : i32
      %dma_wait3A_130 = tpu.memref_slice %arg26[%mul3A_98, %dma_wait3A] : memref<51200x8xf32, #tpu.memory_space<vmem_shared>> -> memref<3200x8xf32, #tpu.memory_space<vmem_shared>>
      tpu.wait_dma2 semaphore(%run_scoped3A : memref<!tpu.dma_semaphore, #tpu.memory_space<semaphore_mem>>) src(%arg12 : memref<3200x8xf32, #tpu.memory_space<hbm>>) dst(%dma_wait3A_130 : memref<3200x8xf32, #tpu.memory_space<vmem_shared>>)
      tpu.yield
    }) : () -> ()
    %barrier3A_99 = arith.constant 0 : index
    tpu.barrier barrier_id(%barrier3A_99)
    %eq3A_100 = arith.constant 0 : i32
    %eq3A_101 = arith.cmpi eq, %arg0, %eq3A_100 : i32
    %convert_element_type3A_102 = arith.extui %eq3A_101 : i1 to i32
    %cond3A_103 = arith.constant 0 : i32
    %cond3A_104 = arith.cmpi ne, %convert_element_type3A_102, %cond3A_103 : i32
    scf.if %cond3A_104 {
      %dma_start3A = arith.constant 0 : i32
      %dma_start3A_129 = arith.constant 0 : i32
      %dma_start3A_130 = tpu.memref_slice %arg22[%dma_start3A, %dma_start3A_129] : memref<392x128xi32, #tpu.memory_space<vmem>> -> memref<1x128xi32, #tpu.memory_space<vmem>>
      %dma_start3A_131 = tpu.memref_squeeze %dma_start3A_130 : memref<1x128xi32, #tpu.memory_space<vmem>> -> memref<128xi32, #tpu.memory_space<vmem>>
      %dma_start3A_132 = arith.constant 0 : i32
      %dma_start3A_133 = arith.constant 0 : i32
      %dma_start3A_134 = tpu.memref_slice %arg10[%dma_start3A_132, %dma_start3A_133] : memref<51200x8xf32, #tpu.memory_space<hbm>> -> memref<51200x8xf32, #tpu.memory_space<hbm>>
      tpu.enqueue_indirect_dma source(%dma_start3A_134 : memref<51200x8xf32, #tpu.memory_space<hbm>>) target(%arg24 : memref<128x8xf32, #tpu.memory_space<vmem>>) offsets(%dma_start3A_131 : memref<128xi32, #tpu.memory_space<vmem>>) semaphore(%arg27 : memref<!tpu.dma_semaphore, #tpu.memory_space<semaphore_mem>>)
    } else {
    }
    %eq3A_105 = arith.constant 1 : i32
    %eq3A_106 = arith.cmpi eq, %arg0, %eq3A_105 : i32
    %convert_element_type3A_107 = arith.extui %eq3A_106 : i1 to i32
    %cond3A_108 = arith.constant 0 : i32
    %cond3A_109 = arith.cmpi ne, %convert_element_type3A_107, %cond3A_108 : i32
    scf.if %cond3A_109 {
      %dma_start3A = arith.constant 0 : i32
      %dma_start3A_129 = arith.constant 0 : i32
      %dma_start3A_130 = tpu.memref_slice %arg22[%dma_start3A, %dma_start3A_129] : memref<392x128xi32, #tpu.memory_space<vmem>> -> memref<1x128xi32, #tpu.memory_space<vmem>>
      %dma_start3A_131 = tpu.memref_squeeze %dma_start3A_130 : memref<1x128xi32, #tpu.memory_space<vmem>> -> memref<128xi32, #tpu.memory_space<vmem>>
      %dma_start3A_132 = arith.constant 0 : i32
      %dma_start3A_133 = arith.constant 0 : i32
      %dma_start3A_134 = tpu.memref_slice %arg11[%dma_start3A_132, %dma_start3A_133] : memref<51200x8xf32, #tpu.memory_space<hbm>> -> memref<51200x8xf32, #tpu.memory_space<hbm>>
      tpu.enqueue_indirect_dma source(%dma_start3A_134 : memref<51200x8xf32, #tpu.memory_space<hbm>>) target(%arg24 : memref<128x8xf32, #tpu.memory_space<vmem>>) offsets(%dma_start3A_131 : memref<128xi32, #tpu.memory_space<vmem>>) semaphore(%arg27 : memref<!tpu.dma_semaphore, #tpu.memory_space<semaphore_mem>>)
    } else {
    }
    %scan3A_110 = arith.constant 0 : i32
    %scan3A_111 = arith.constant 0 : i32
    %scan3A_112 = arith.constant 196 : i32
    %scan3A_113 = arith.addi %scan3A_111, %scan3A_112 : i32
    %scan3A_114 = arith.constant 1 : i32
    %scan3A_115 = scf.for %scan3A_129 = %scan3A_111 to %scan3A_113 step %scan3A_114 iter_args(%scan3A_130 = %scan3A_110) -> (i32)  : i32 {
      %mul3A_131 = arith.constant 2 : i32
      %mul3A_132 = arith.muli %scan3A_129, %mul3A_131 : i32
      %add3A = arith.constant 1 : i32
      %add3A_133 = arith.addi %mul3A_132, %add3A : i32
      %eq3A_134 = arith.constant 0 : i32
      %eq3A_135 = arith.cmpi eq, %arg0, %eq3A_134 : i32
      %convert_element_type3A_136 = arith.extui %eq3A_135 : i1 to i32
      %cond3A_137 = arith.constant 0 : i32
      %cond3A_138 = arith.cmpi ne, %convert_element_type3A_136, %cond3A_137 : i32
      scf.if %cond3A_138 {
        %dma_start3A = arith.constant 0 : i32
        %dma_start3A_164 = tpu.memref_slice %arg22[%add3A_133, %dma_start3A] : memref<392x128xi32, #tpu.memory_space<vmem>> -> memref<1x128xi32, #tpu.memory_space<vmem>>
        %dma_start3A_165 = tpu.memref_squeeze %dma_start3A_164 : memref<1x128xi32, #tpu.memory_space<vmem>> -> memref<128xi32, #tpu.memory_space<vmem>>
        %dma_start3A_166 = arith.constant 0 : i32
        %dma_start3A_167 = arith.constant 0 : i32
        %dma_start3A_168 = tpu.memref_slice %arg10[%dma_start3A_166, %dma_start3A_167] : memref<51200x8xf32, #tpu.memory_space<hbm>> -> memref<51200x8xf32, #tpu.memory_space<hbm>>
        tpu.enqueue_indirect_dma source(%dma_start3A_168 : memref<51200x8xf32, #tpu.memory_space<hbm>>) target(%arg25 : memref<128x8xf32, #tpu.memory_space<vmem>>) offsets(%dma_start3A_165 : memref<128xi32, #tpu.memory_space<vmem>>) semaphore(%arg28 : memref<!tpu.dma_semaphore, #tpu.memory_space<semaphore_mem>>)
      } else {
      }
      %eq3A_139 = arith.constant 1 : i32
      %eq3A_140 = arith.cmpi eq, %arg0, %eq3A_139 : i32
      %convert_element_type3A_141 = arith.extui %eq3A_140 : i1 to i32
      %cond3A_142 = arith.constant 0 : i32
      %cond3A_143 = arith.cmpi ne, %convert_element_type3A_141, %cond3A_142 : i32
      scf.if %cond3A_143 {
        %dma_start3A = arith.constant 0 : i32
        %dma_start3A_164 = tpu.memref_slice %arg22[%add3A_133, %dma_start3A] : memref<392x128xi32, #tpu.memory_space<vmem>> -> memref<1x128xi32, #tpu.memory_space<vmem>>
        %dma_start3A_165 = tpu.memref_squeeze %dma_start3A_164 : memref<1x128xi32, #tpu.memory_space<vmem>> -> memref<128xi32, #tpu.memory_space<vmem>>
        %dma_start3A_166 = arith.constant 0 : i32
        %dma_start3A_167 = arith.constant 0 : i32
        %dma_start3A_168 = tpu.memref_slice %arg11[%dma_start3A_166, %dma_start3A_167] : memref<51200x8xf32, #tpu.memory_space<hbm>> -> memref<51200x8xf32, #tpu.memory_space<hbm>>
        tpu.enqueue_indirect_dma source(%dma_start3A_168 : memref<51200x8xf32, #tpu.memory_space<hbm>>) target(%arg25 : memref<128x8xf32, #tpu.memory_space<vmem>>) offsets(%dma_start3A_165 : memref<128xi32, #tpu.memory_space<vmem>>) semaphore(%arg28 : memref<!tpu.dma_semaphore, #tpu.memory_space<semaphore_mem>>)
      } else {
      }
      %dma_wait3A = arith.constant 0 : i32
      %dma_wait3A_144 = arith.constant 0 : i32
      %dma_wait3A_145 = tpu.memref_slice %arg10[%dma_wait3A, %dma_wait3A_144] : memref<51200x8xf32, #tpu.memory_space<hbm>> -> memref<128x8xf32, #tpu.memory_space<hbm>>
      %dma_wait3A_146 = arith.constant 0 : i32
      %dma_wait3A_147 = arith.constant 0 : i32
      %dma_wait3A_148 = tpu.memref_slice %arg10[%dma_wait3A_146, %dma_wait3A_147] : memref<51200x8xf32, #tpu.memory_space<hbm>> -> memref<128x8xf32, #tpu.memory_space<hbm>>
      tpu.wait_dma2 semaphore(%arg27 : memref<!tpu.dma_semaphore, #tpu.memory_space<semaphore_mem>>) src(%dma_wait3A_148 : memref<128x8xf32, #tpu.memory_space<hbm>>) dst(%arg24 : memref<128x8xf32, #tpu.memory_space<vmem>>)
      "tpu.region"() ({
        %run_scoped3A = tpu.sem_alloc : memref<!tpu.dma_semaphore, #tpu.memory_space<semaphore_mem>>
        %dma_start3A = arith.constant 0 : i32
        %dma_start3A_164 = tpu.memref_slice %arg23[%mul3A_132, %dma_start3A] : memref<392x128xi32, #tpu.memory_space<vmem>> -> memref<1x128xi32, #tpu.memory_space<vmem>>
        %dma_start3A_165 = tpu.memref_squeeze %dma_start3A_164 : memref<1x128xi32, #tpu.memory_space<vmem>> -> memref<128xi32, #tpu.memory_space<vmem>>
        %dma_start3A_166 = arith.constant 0 : i32
        %dma_start3A_167 = arith.constant 0 : i32
        %dma_start3A_168 = tpu.memref_slice %arg26[%dma_start3A_166, %dma_start3A_167] : memref<51200x8xf32, #tpu.memory_space<vmem_shared>> -> memref<51200x8xf32, #tpu.memory_space<vmem_shared>>
        tpu.enqueue_indirect_dma source(%arg24 : memref<128x8xf32, #tpu.memory_space<vmem>>) target(%dma_start3A_168 : memref<51200x8xf32, #tpu.memory_space<vmem_shared>>) offsets(%dma_start3A_165 : memref<128xi32, #tpu.memory_space<vmem>>) semaphore(%run_scoped3A : memref<!tpu.dma_semaphore, #tpu.memory_space<semaphore_mem>>) {add = true}
        %dma_wait3A_169 = arith.constant 0 : i32
        %dma_wait3A_170 = tpu.memref_slice %arg23[%mul3A_132, %dma_wait3A_169] : memref<392x128xi32, #tpu.memory_space<vmem>> -> memref<1x128xi32, #tpu.memory_space<vmem>>
        %dma_wait3A_171 = tpu.memref_squeeze %dma_wait3A_170 : memref<1x128xi32, #tpu.memory_space<vmem>> -> memref<128xi32, #tpu.memory_space<vmem>>
        %dma_wait3A_172 = arith.constant 0 : i32
        %dma_wait3A_173 = arith.constant 0 : i32
        %dma_wait3A_174 = tpu.memref_slice %arg26[%dma_wait3A_172, %dma_wait3A_173] : memref<51200x8xf32, #tpu.memory_space<vmem_shared>> -> memref<51200x8xf32, #tpu.memory_space<vmem_shared>>
        tpu.wait_indirect_dma semaphore(%run_scoped3A : memref<!tpu.dma_semaphore, #tpu.memory_space<semaphore_mem>>) src(%arg24 : memref<128x8xf32, #tpu.memory_space<vmem>>) dst(%dma_wait3A_174 : memref<51200x8xf32, #tpu.memory_space<vmem_shared>>)
        tpu.yield
      }) : () -> ()
      %add3A_149 = arith.constant 2 : i32
      %add3A_150 = arith.addi %mul3A_132, %add3A_149 : i32
      %lt3A = arith.constant 392 : i32
      %lt3A_151 = arith.cmpi slt, %add3A_150, %lt3A : i32
      %convert_element_type3A_152 = arith.extui %lt3A_151 : i1 to i32
      %cond3A_153 = arith.constant 0 : i32
      %cond3A_154 = arith.cmpi ne, %convert_element_type3A_152, %cond3A_153 : i32
      scf.if %cond3A_154 {
        %add3A_164 = arith.constant 2 : i32
        %add3A_165 = arith.addi %mul3A_132, %add3A_164 : i32
        %eq3A_166 = arith.constant 0 : i32
        %eq3A_167 = arith.cmpi eq, %arg0, %eq3A_166 : i32
        %convert_element_type3A_168 = arith.extui %eq3A_167 : i1 to i32
        %cond3A_169 = arith.constant 0 : i32
        %cond3A_170 = arith.cmpi ne, %convert_element_type3A_168, %cond3A_169 : i32
        scf.if %cond3A_170 {
          %dma_start3A = arith.constant 0 : i32
          %dma_start3A_176 = tpu.memref_slice %arg22[%add3A_165, %dma_start3A] : memref<392x128xi32, #tpu.memory_space<vmem>> -> memref<1x128xi32, #tpu.memory_space<vmem>>
          %dma_start3A_177 = tpu.memref_squeeze %dma_start3A_176 : memref<1x128xi32, #tpu.memory_space<vmem>> -> memref<128xi32, #tpu.memory_space<vmem>>
          %dma_start3A_178 = arith.constant 0 : i32
          %dma_start3A_179 = arith.constant 0 : i32
          %dma_start3A_180 = tpu.memref_slice %arg10[%dma_start3A_178, %dma_start3A_179] : memref<51200x8xf32, #tpu.memory_space<hbm>> -> memref<51200x8xf32, #tpu.memory_space<hbm>>
          tpu.enqueue_indirect_dma source(%dma_start3A_180 : memref<51200x8xf32, #tpu.memory_space<hbm>>) target(%arg24 : memref<128x8xf32, #tpu.memory_space<vmem>>) offsets(%dma_start3A_177 : memref<128xi32, #tpu.memory_space<vmem>>) semaphore(%arg27 : memref<!tpu.dma_semaphore, #tpu.memory_space<semaphore_mem>>)
        } else {
        }
        %eq3A_171 = arith.constant 1 : i32
        %eq3A_172 = arith.cmpi eq, %arg0, %eq3A_171 : i32
        %convert_element_type3A_173 = arith.extui %eq3A_172 : i1 to i32
        %cond3A_174 = arith.constant 0 : i32
        %cond3A_175 = arith.cmpi ne, %convert_element_type3A_173, %cond3A_174 : i32
        scf.if %cond3A_175 {
          %dma_start3A = arith.constant 0 : i32
          %dma_start3A_176 = tpu.memref_slice %arg22[%add3A_165, %dma_start3A] : memref<392x128xi32, #tpu.memory_space<vmem>> -> memref<1x128xi32, #tpu.memory_space<vmem>>
          %dma_start3A_177 = tpu.memref_squeeze %dma_start3A_176 : memref<1x128xi32, #tpu.memory_space<vmem>> -> memref<128xi32, #tpu.memory_space<vmem>>
          %dma_start3A_178 = arith.constant 0 : i32
          %dma_start3A_179 = arith.constant 0 : i32
          %dma_start3A_180 = tpu.memref_slice %arg11[%dma_start3A_178, %dma_start3A_179] : memref<51200x8xf32, #tpu.memory_space<hbm>> -> memref<51200x8xf32, #tpu.memory_space<hbm>>
          tpu.enqueue_indirect_dma source(%dma_start3A_180 : memref<51200x8xf32, #tpu.memory_space<hbm>>) target(%arg24 : memref<128x8xf32, #tpu.memory_space<vmem>>) offsets(%dma_start3A_177 : memref<128xi32, #tpu.memory_space<vmem>>) semaphore(%arg27 : memref<!tpu.dma_semaphore, #tpu.memory_space<semaphore_mem>>)
        } else {
        }
      } else {
      }
      %dma_wait3A_155 = arith.constant 0 : i32
      %dma_wait3A_156 = arith.constant 0 : i32
      %dma_wait3A_157 = tpu.memref_slice %arg10[%dma_wait3A_155, %dma_wait3A_156] : memref<51200x8xf32, #tpu.memory_space<hbm>> -> memref<128x8xf32, #tpu.memory_space<hbm>>
      %dma_wait3A_158 = arith.constant 0 : i32
      %dma_wait3A_159 = arith.constant 0 : i32
      %dma_wait3A_160 = tpu.memref_slice %arg10[%dma_wait3A_158, %dma_wait3A_159] : memref<51200x8xf32, #tpu.memory_space<hbm>> -> memref<128x8xf32, #tpu.memory_space<hbm>>
      tpu.wait_dma2 semaphore(%arg28 : memref<!tpu.dma_semaphore, #tpu.memory_space<semaphore_mem>>) src(%dma_wait3A_160 : memref<128x8xf32, #tpu.memory_space<hbm>>) dst(%arg25 : memref<128x8xf32, #tpu.memory_space<vmem>>)
      %add3A_161 = arith.constant 1 : i32
      %add3A_162 = arith.addi %mul3A_132, %add3A_161 : i32
      "tpu.region"() ({
        %run_scoped3A = tpu.sem_alloc : memref<!tpu.dma_semaphore, #tpu.memory_space<semaphore_mem>>
        %dma_start3A = arith.constant 0 : i32
        %dma_start3A_164 = tpu.memref_slice %arg23[%add3A_162, %dma_start3A] : memref<392x128xi32, #tpu.memory_space<vmem>> -> memref<1x128xi32, #tpu.memory_space<vmem>>
        %dma_start3A_165 = tpu.memref_squeeze %dma_start3A_164 : memref<1x128xi32, #tpu.memory_space<vmem>> -> memref<128xi32, #tpu.memory_space<vmem>>
        %dma_start3A_166 = arith.constant 0 : i32
        %dma_start3A_167 = arith.constant 0 : i32
        %dma_start3A_168 = tpu.memref_slice %arg26[%dma_start3A_166, %dma_start3A_167] : memref<51200x8xf32, #tpu.memory_space<vmem_shared>> -> memref<51200x8xf32, #tpu.memory_space<vmem_shared>>
        tpu.enqueue_indirect_dma source(%arg25 : memref<128x8xf32, #tpu.memory_space<vmem>>) target(%dma_start3A_168 : memref<51200x8xf32, #tpu.memory_space<vmem_shared>>) offsets(%dma_start3A_165 : memref<128xi32, #tpu.memory_space<vmem>>) semaphore(%run_scoped3A : memref<!tpu.dma_semaphore, #tpu.memory_space<semaphore_mem>>) {add = true}
        %dma_wait3A_169 = arith.constant 0 : i32
        %dma_wait3A_170 = tpu.memref_slice %arg23[%add3A_162, %dma_wait3A_169] : memref<392x128xi32, #tpu.memory_space<vmem>> -> memref<1x128xi32, #tpu.memory_space<vmem>>
        %dma_wait3A_171 = tpu.memref_squeeze %dma_wait3A_170 : memref<1x128xi32, #tpu.memory_space<vmem>> -> memref<128xi32, #tpu.memory_space<vmem>>
        %dma_wait3A_172 = arith.constant 0 : i32
        %dma_wait3A_173 = arith.constant 0 : i32
        %dma_wait3A_174 = tpu.memref_slice %arg26[%dma_wait3A_172, %dma_wait3A_173] : memref<51200x8xf32, #tpu.memory_space<vmem_shared>> -> memref<51200x8xf32, #tpu.memory_space<vmem_shared>>
        tpu.wait_indirect_dma semaphore(%run_scoped3A : memref<!tpu.dma_semaphore, #tpu.memory_space<semaphore_mem>>) src(%arg25 : memref<128x8xf32, #tpu.memory_space<vmem>>) dst(%dma_wait3A_174 : memref<51200x8xf32, #tpu.memory_space<vmem_shared>>)
        tpu.yield
      }) : () -> ()
      %scan3A_163 = arith.constant 0 : i32
      scf.yield %scan3A_163 : i32
    }
    %scan3A_116 = arith.constant 196 : i32
    %barrier3A_117 = arith.constant 0 : index
    tpu.barrier barrier_id(%barrier3A_117)
    %eq3A_118 = arith.constant 0 : i32
    %eq3A_119 = arith.cmpi eq, %arg0, %eq3A_118 : i32
    %convert_element_type3A_120 = arith.extui %eq3A_119 : i1 to i32
    %cond3A_121 = arith.constant 0 : i32
    %cond3A_122 = arith.cmpi ne, %convert_element_type3A_120, %cond3A_121 : i32
    scf.if %cond3A_122 {
      %mul3A_129 = arith.constant 3200 : i32
      %mul3A_130 = arith.muli %arg1, %mul3A_129 : i32
      %mul3A_131 = arith.constant 3200 : i32
      %mul3A_132 = arith.muli %arg1, %mul3A_131 : i32
      "tpu.region"() ({
        %run_scoped3A = tpu.sem_alloc : memref<!tpu.dma_semaphore, #tpu.memory_space<semaphore_mem>>
        %dma_start3A = arith.constant 0 : i32
        %dma_start3A_133 = tpu.memref_slice %arg19[%mul3A_132, %dma_start3A] : memref<51200x8xf32, #tpu.memory_space<hbm>> -> memref<3200x8xf32, #tpu.memory_space<hbm>>
        %dma_start3A_134 = arith.constant 0 : i32
        %dma_start3A_135 = tpu.memref_slice %arg26[%mul3A_130, %dma_start3A_134] : memref<51200x8xf32, #tpu.memory_space<vmem_shared>> -> memref<3200x8xf32, #tpu.memory_space<vmem_shared>>
        tpu.enqueue_dma source(%dma_start3A_135 : memref<3200x8xf32, #tpu.memory_space<vmem_shared>>) target(%dma_start3A_133 : memref<3200x8xf32, #tpu.memory_space<hbm>>) target_semaphore(%run_scoped3A : memref<!tpu.dma_semaphore, #tpu.memory_space<semaphore_mem>>)
        %dma_wait3A = arith.constant 0 : i32
        %dma_wait3A_136 = tpu.memref_slice %arg19[%mul3A_132, %dma_wait3A] : memref<51200x8xf32, #tpu.memory_space<hbm>> -> memref<3200x8xf32, #tpu.memory_space<hbm>>
        %dma_wait3A_137 = arith.constant 0 : i32
        %dma_wait3A_138 = tpu.memref_slice %arg26[%mul3A_130, %dma_wait3A_137] : memref<51200x8xf32, #tpu.memory_space<vmem_shared>> -> memref<3200x8xf32, #tpu.memory_space<vmem_shared>>
        tpu.wait_dma2 semaphore(%run_scoped3A : memref<!tpu.dma_semaphore, #tpu.memory_space<semaphore_mem>>) src(%dma_wait3A_138 : memref<3200x8xf32, #tpu.memory_space<vmem_shared>>) dst(%dma_wait3A_136 : memref<3200x8xf32, #tpu.memory_space<hbm>>)
        tpu.yield
      }) : () -> ()
    } else {
    }
    %eq3A_123 = arith.constant 1 : i32
    %eq3A_124 = arith.cmpi eq, %arg0, %eq3A_123 : i32
    %convert_element_type3A_125 = arith.extui %eq3A_124 : i1 to i32
    %cond3A_126 = arith.constant 0 : i32
    %cond3A_127 = arith.cmpi ne, %convert_element_type3A_125, %cond3A_126 : i32
    scf.if %cond3A_127 {
      %mul3A_129 = arith.constant 3200 : i32
      %mul3A_130 = arith.muli %arg1, %mul3A_129 : i32
      %mul3A_131 = arith.constant 3200 : i32
      %mul3A_132 = arith.muli %arg1, %mul3A_131 : i32
      "tpu.region"() ({
        %run_scoped3A = tpu.sem_alloc : memref<!tpu.dma_semaphore, #tpu.memory_space<semaphore_mem>>
        %dma_start3A = arith.constant 0 : i32
        %dma_start3A_133 = tpu.memref_slice %arg20[%mul3A_132, %dma_start3A] : memref<51200x8xf32, #tpu.memory_space<hbm>> -> memref<3200x8xf32, #tpu.memory_space<hbm>>
        %dma_start3A_134 = arith.constant 0 : i32
        %dma_start3A_135 = tpu.memref_slice %arg26[%mul3A_130, %dma_start3A_134] : memref<51200x8xf32, #tpu.memory_space<vmem_shared>> -> memref<3200x8xf32, #tpu.memory_space<vmem_shared>>
        tpu.enqueue_dma source(%dma_start3A_135 : memref<3200x8xf32, #tpu.memory_space<vmem_shared>>) target(%dma_start3A_133 : memref<3200x8xf32, #tpu.memory_space<hbm>>) target_semaphore(%run_scoped3A : memref<!tpu.dma_semaphore, #tpu.memory_space<semaphore_mem>>)
        %dma_wait3A = arith.constant 0 : i32
        %dma_wait3A_136 = tpu.memref_slice %arg20[%mul3A_132, %dma_wait3A] : memref<51200x8xf32, #tpu.memory_space<hbm>> -> memref<3200x8xf32, #tpu.memory_space<hbm>>
        %dma_wait3A_137 = arith.constant 0 : i32
        %dma_wait3A_138 = tpu.memref_slice %arg26[%mul3A_130, %dma_wait3A_137] : memref<51200x8xf32, #tpu.memory_space<vmem_shared>> -> memref<3200x8xf32, #tpu.memory_space<vmem_shared>>
        tpu.wait_dma2 semaphore(%run_scoped3A : memref<!tpu.dma_semaphore, #tpu.memory_space<semaphore_mem>>) src(%dma_wait3A_138 : memref<3200x8xf32, #tpu.memory_space<vmem_shared>>) dst(%dma_wait3A_136 : memref<3200x8xf32, #tpu.memory_space<hbm>>)
        tpu.yield
      }) : () -> ()
    } else {
    }
    %barrier3A_128 = arith.constant 0 : index
    tpu.barrier barrier_id(%barrier3A_128)
    return
  }
}

#map = affine_map<(d0, d1) -> (0, 0, 0)>
#map1 = affine_map<(d0, d1) -> (0, 0)>
module attributes {stable_mosaic.version = 14 : i64} {
  func.func @_sc_prep(%arg0: i32, %arg1: i32, %arg2: memref<16x392x128xi32, #tpu.memory_space<hbm>>, %arg3: memref<16x392x128xi32, #tpu.memory_space<hbm>>, %arg4: memref<51200x8xf32, #tpu.memory_space<hbm>>, %arg5: memref<51200x8xf32, #tpu.memory_space<hbm>>, %arg6: memref<51200x8xf32, #tpu.memory_space<hbm>>, %arg7: memref<51200x8xf32, #tpu.memory_space<hbm>>, %arg8: memref<51200x8xf32, #tpu.memory_space<hbm>>, %arg9: memref<51200x8xf32, #tpu.memory_space<hbm>>, %arg10: memref<128x8xf32, #tpu.memory_space<hbm>>, %arg11: memref<3200x8xf32, #tpu.memory_space<hbm>>, %arg12: memref<51200x8xf32, #tpu.memory_space<hbm>>, %arg13: memref<51200x8xf32, #tpu.memory_space<hbm>>, %arg14: memref<51200x8xf32, #tpu.memory_space<hbm>>, %arg15: memref<51200x8xf32, #tpu.memory_space<hbm>>, %arg16: memref<51200x8xf32, #tpu.memory_space<hbm>>, %arg17: memref<51200x8xf32, #tpu.memory_space<hbm>>, %arg18: memref<51200x8xf32, #tpu.memory_space<hbm>>, %arg19: memref<51200x8xf32, #tpu.memory_space<hbm>>, %arg20: memref<392x128xi32, #tpu.memory_space<vmem>>, %arg21: memref<392x128xi32, #tpu.memory_space<vmem>>, %arg22: memref<128x8xf32, #tpu.memory_space<vmem>>, %arg23: memref<128x8xf32, #tpu.memory_space<vmem>>, %arg24: memref<128x8xf32, #tpu.memory_space<vmem>>, %arg25: memref<51200x8xf32, #tpu.memory_space<vmem_shared>>, %arg26: memref<!tpu.dma_semaphore, #tpu.memory_space<semaphore_mem>>, %arg27: memref<!tpu.dma_semaphore, #tpu.memory_space<semaphore_mem>>) attributes {dimension_semantics = [#tpu.dimension_semantics<core_parallel>, #tpu.dimension_semantics<subcore_parallel>], iteration_bounds = array<i64: 2, 16>, scalar_prefetch = 0 : i64, scratch_operands = 8 : i64, tpu.core_type = #tpu.core_type<sc_vector_subcore>, window_params = [{transform_indices = #map}, {transform_indices = #map}, {transform_indices = #map1}, {transform_indices = #map1}, {transform_indices = #map1}, {transform_indices = #map1}, {transform_indices = #map1}, {transform_indices = #map1}, {transform_indices = #map1}, {transform_indices = #map1}, {transform_indices = #map1}, {transform_indices = #map1}, {transform_indices = #map1}, {transform_indices = #map1}, {transform_indices = #map1}, {transform_indices = #map1}, {transform_indices = #map1}, {transform_indices = #map1}]} {
    "tpu.region"() ({
      %run_scoped3A = tpu.sem_alloc : memref<!tpu.dma_semaphore, #tpu.memory_space<semaphore_mem>>
      %dma_start3A = arith.constant 0 : i32
      %dma_start3A_111 = arith.constant 0 : i32
      %dma_start3A_112 = tpu.memref_slice %arg2[%arg1, %dma_start3A, %dma_start3A_111] : memref<16x392x128xi32, #tpu.memory_space<hbm>> -> memref<1x392x128xi32, #tpu.memory_space<hbm>>
      %dma_start3A_113 = tpu.memref_squeeze %dma_start3A_112 : memref<1x392x128xi32, #tpu.memory_space<hbm>> -> memref<392x128xi32, #tpu.memory_space<hbm>>
      %dma_start3A_114 = arith.constant 0 : i32
      %dma_start3A_115 = arith.constant 0 : i32
      %dma_start3A_116 = tpu.memref_slice %arg2[%arg1, %dma_start3A_114, %dma_start3A_115] : memref<16x392x128xi32, #tpu.memory_space<hbm>> -> memref<1x392x128xi32, #tpu.memory_space<hbm>>
      %dma_start3A_117 = tpu.memref_squeeze %dma_start3A_116 : memref<1x392x128xi32, #tpu.memory_space<hbm>> -> memref<392x128xi32, #tpu.memory_space<hbm>>
      tpu.enqueue_dma source(%dma_start3A_117 : memref<392x128xi32, #tpu.memory_space<hbm>>) target(%arg20 : memref<392x128xi32, #tpu.memory_space<vmem>>) target_semaphore(%run_scoped3A : memref<!tpu.dma_semaphore, #tpu.memory_space<semaphore_mem>>)
      %dma_wait3A = arith.constant 0 : i32
      %dma_wait3A_118 = arith.constant 0 : i32
      %dma_wait3A_119 = tpu.memref_slice %arg2[%arg1, %dma_wait3A, %dma_wait3A_118] : memref<16x392x128xi32, #tpu.memory_space<hbm>> -> memref<1x392x128xi32, #tpu.memory_space<hbm>>
      %dma_wait3A_120 = tpu.memref_squeeze %dma_wait3A_119 : memref<1x392x128xi32, #tpu.memory_space<hbm>> -> memref<392x128xi32, #tpu.memory_space<hbm>>
      %dma_wait3A_121 = arith.constant 0 : i32
      %dma_wait3A_122 = arith.constant 0 : i32
      %dma_wait3A_123 = tpu.memref_slice %arg2[%arg1, %dma_wait3A_121, %dma_wait3A_122] : memref<16x392x128xi32, #tpu.memory_space<hbm>> -> memref<1x392x128xi32, #tpu.memory_space<hbm>>
      %dma_wait3A_124 = tpu.memref_squeeze %dma_wait3A_123 : memref<1x392x128xi32, #tpu.memory_space<hbm>> -> memref<392x128xi32, #tpu.memory_space<hbm>>
      tpu.wait_dma2 semaphore(%run_scoped3A : memref<!tpu.dma_semaphore, #tpu.memory_space<semaphore_mem>>) src(%dma_wait3A_124 : memref<392x128xi32, #tpu.memory_space<hbm>>) dst(%arg20 : memref<392x128xi32, #tpu.memory_space<vmem>>)
      tpu.yield
    }) : () -> ()
    "tpu.region"() ({
      %run_scoped3A = tpu.sem_alloc : memref<!tpu.dma_semaphore, #tpu.memory_space<semaphore_mem>>
      %dma_start3A = arith.constant 0 : i32
      %dma_start3A_111 = arith.constant 0 : i32
      %dma_start3A_112 = tpu.memref_slice %arg3[%arg1, %dma_start3A, %dma_start3A_111] : memref<16x392x128xi32, #tpu.memory_space<hbm>> -> memref<1x392x128xi32, #tpu.memory_space<hbm>>
      %dma_start3A_113 = tpu.memref_squeeze %dma_start3A_112 : memref<1x392x128xi32, #tpu.memory_space<hbm>> -> memref<392x128xi32, #tpu.memory_space<hbm>>
      %dma_start3A_114 = arith.constant 0 : i32
      %dma_start3A_115 = arith.constant 0 : i32
      %dma_start3A_116 = tpu.memref_slice %arg3[%arg1, %dma_start3A_114, %dma_start3A_115] : memref<16x392x128xi32, #tpu.memory_space<hbm>> -> memref<1x392x128xi32, #tpu.memory_space<hbm>>
      %dma_start3A_117 = tpu.memref_squeeze %dma_start3A_116 : memref<1x392x128xi32, #tpu.memory_space<hbm>> -> memref<392x128xi32, #tpu.memory_space<hbm>>
      tpu.enqueue_dma source(%dma_start3A_117 : memref<392x128xi32, #tpu.memory_space<hbm>>) target(%arg21 : memref<392x128xi32, #tpu.memory_space<vmem>>) target_semaphore(%run_scoped3A : memref<!tpu.dma_semaphore, #tpu.memory_space<semaphore_mem>>)
      %dma_wait3A = arith.constant 0 : i32
      %dma_wait3A_118 = arith.constant 0 : i32
      %dma_wait3A_119 = tpu.memref_slice %arg3[%arg1, %dma_wait3A, %dma_wait3A_118] : memref<16x392x128xi32, #tpu.memory_space<hbm>> -> memref<1x392x128xi32, #tpu.memory_space<hbm>>
      %dma_wait3A_120 = tpu.memref_squeeze %dma_wait3A_119 : memref<1x392x128xi32, #tpu.memory_space<hbm>> -> memref<392x128xi32, #tpu.memory_space<hbm>>
      %dma_wait3A_121 = arith.constant 0 : i32
      %dma_wait3A_122 = arith.constant 0 : i32
      %dma_wait3A_123 = tpu.memref_slice %arg3[%arg1, %dma_wait3A_121, %dma_wait3A_122] : memref<16x392x128xi32, #tpu.memory_space<hbm>> -> memref<1x392x128xi32, #tpu.memory_space<hbm>>
      %dma_wait3A_124 = tpu.memref_squeeze %dma_wait3A_123 : memref<1x392x128xi32, #tpu.memory_space<hbm>> -> memref<392x128xi32, #tpu.memory_space<hbm>>
      tpu.wait_dma2 semaphore(%run_scoped3A : memref<!tpu.dma_semaphore, #tpu.memory_space<semaphore_mem>>) src(%dma_wait3A_124 : memref<392x128xi32, #tpu.memory_space<hbm>>) dst(%arg21 : memref<392x128xi32, #tpu.memory_space<vmem>>)
      tpu.yield
    }) : () -> ()
    "tpu.region"() ({
      %run_scoped3A = tpu.sem_alloc : memref<!tpu.dma_semaphore, #tpu.memory_space<semaphore_mem>>
      tpu.enqueue_dma source(%arg10 : memref<128x8xf32, #tpu.memory_space<hbm>>) target(%arg24 : memref<128x8xf32, #tpu.memory_space<vmem>>) target_semaphore(%run_scoped3A : memref<!tpu.dma_semaphore, #tpu.memory_space<semaphore_mem>>)
      tpu.wait_dma2 semaphore(%run_scoped3A : memref<!tpu.dma_semaphore, #tpu.memory_space<semaphore_mem>>) src(%arg10 : memref<128x8xf32, #tpu.memory_space<hbm>>) dst(%arg24 : memref<128x8xf32, #tpu.memory_space<vmem>>)
      tpu.yield
    }) : () -> ()
    %mul3A = arith.constant 3200 : i32
    %mul3A_0 = arith.muli %arg1, %mul3A : i32
    "tpu.region"() ({
      %run_scoped3A = tpu.sem_alloc : memref<!tpu.dma_semaphore, #tpu.memory_space<semaphore_mem>>
      %dma_start3A = arith.constant 0 : i32
      %dma_start3A_111 = tpu.memref_slice %arg25[%mul3A_0, %dma_start3A] : memref<51200x8xf32, #tpu.memory_space<vmem_shared>> -> memref<3200x8xf32, #tpu.memory_space<vmem_shared>>
      tpu.enqueue_dma source(%arg11 : memref<3200x8xf32, #tpu.memory_space<hbm>>) target(%dma_start3A_111 : memref<3200x8xf32, #tpu.memory_space<vmem_shared>>) target_semaphore(%run_scoped3A : memref<!tpu.dma_semaphore, #tpu.memory_space<semaphore_mem>>)
      %dma_wait3A = arith.constant 0 : i32
      %dma_wait3A_112 = tpu.memref_slice %arg25[%mul3A_0, %dma_wait3A] : memref<51200x8xf32, #tpu.memory_space<vmem_shared>> -> memref<3200x8xf32, #tpu.memory_space<vmem_shared>>
      tpu.wait_dma2 semaphore(%run_scoped3A : memref<!tpu.dma_semaphore, #tpu.memory_space<semaphore_mem>>) src(%arg11 : memref<3200x8xf32, #tpu.memory_space<hbm>>) dst(%dma_wait3A_112 : memref<3200x8xf32, #tpu.memory_space<vmem_shared>>)
      tpu.yield
    }) : () -> ()
    %barrier3A = arith.constant 0 : index
    tpu.barrier barrier_id(%barrier3A)
    %eq3A = arith.constant 0 : i32
    %eq3A_1 = arith.cmpi eq, %arg0, %eq3A : i32
    %convert_element_type3A = arith.extui %eq3A_1 : i1 to i32
    %cond3A = arith.constant 0 : i32
    %cond3A_2 = arith.cmpi ne, %convert_element_type3A, %cond3A : i32
    scf.if %cond3A_2 {
      %dma_start3A = arith.constant 0 : i32
      %dma_start3A_111 = arith.constant 0 : i32
      %dma_start3A_112 = tpu.memref_slice %arg21[%dma_start3A, %dma_start3A_111] : memref<392x128xi32, #tpu.memory_space<vmem>> -> memref<1x128xi32, #tpu.memory_space<vmem>>
      %dma_start3A_113 = tpu.memref_squeeze %dma_start3A_112 : memref<1x128xi32, #tpu.memory_space<vmem>> -> memref<128xi32, #tpu.memory_space<vmem>>
      %dma_start3A_114 = arith.constant 0 : i32
      %dma_start3A_115 = arith.constant 0 : i32
      %dma_start3A_116 = tpu.memref_slice %arg4[%dma_start3A_114, %dma_start3A_115] : memref<51200x8xf32, #tpu.memory_space<hbm>> -> memref<51200x8xf32, #tpu.memory_space<hbm>>
      tpu.enqueue_indirect_dma source(%dma_start3A_116 : memref<51200x8xf32, #tpu.memory_space<hbm>>) target(%arg22 : memref<128x8xf32, #tpu.memory_space<vmem>>) offsets(%dma_start3A_113 : memref<128xi32, #tpu.memory_space<vmem>>) semaphore(%arg26 : memref<!tpu.dma_semaphore, #tpu.memory_space<semaphore_mem>>)
    } else {
    }
    %eq3A_3 = arith.constant 1 : i32
    %eq3A_4 = arith.cmpi eq, %arg0, %eq3A_3 : i32
    %convert_element_type3A_5 = arith.extui %eq3A_4 : i1 to i32
    %cond3A_6 = arith.constant 0 : i32
    %cond3A_7 = arith.cmpi ne, %convert_element_type3A_5, %cond3A_6 : i32
    scf.if %cond3A_7 {
      %dma_start3A = arith.constant 0 : i32
      %dma_start3A_111 = arith.constant 0 : i32
      %dma_start3A_112 = tpu.memref_slice %arg21[%dma_start3A, %dma_start3A_111] : memref<392x128xi32, #tpu.memory_space<vmem>> -> memref<1x128xi32, #tpu.memory_space<vmem>>
      %dma_start3A_113 = tpu.memref_squeeze %dma_start3A_112 : memref<1x128xi32, #tpu.memory_space<vmem>> -> memref<128xi32, #tpu.memory_space<vmem>>
      %dma_start3A_114 = arith.constant 0 : i32
      %dma_start3A_115 = arith.constant 0 : i32
      %dma_start3A_116 = tpu.memref_slice %arg5[%dma_start3A_114, %dma_start3A_115] : memref<51200x8xf32, #tpu.memory_space<hbm>> -> memref<51200x8xf32, #tpu.memory_space<hbm>>
      tpu.enqueue_indirect_dma source(%dma_start3A_116 : memref<51200x8xf32, #tpu.memory_space<hbm>>) target(%arg22 : memref<128x8xf32, #tpu.memory_space<vmem>>) offsets(%dma_start3A_113 : memref<128xi32, #tpu.memory_space<vmem>>) semaphore(%arg26 : memref<!tpu.dma_semaphore, #tpu.memory_space<semaphore_mem>>)
    } else {
    }
    %scan3A = arith.constant 0 : i32
    %scan3A_8 = arith.constant 0 : i32
    %scan3A_9 = arith.constant 196 : i32
    %scan3A_10 = arith.addi %scan3A_8, %scan3A_9 : i32
    %scan3A_11 = arith.constant 1 : i32
    %scan3A_12 = scf.for %scan3A_111 = %scan3A_8 to %scan3A_10 step %scan3A_11 iter_args(%scan3A_112 = %scan3A) -> (i32)  : i32 {
      %mul3A_113 = arith.constant 2 : i32
      %mul3A_114 = arith.muli %scan3A_111, %mul3A_113 : i32
      %add3A = arith.constant 1 : i32
      %add3A_115 = arith.addi %mul3A_114, %add3A : i32
      %eq3A_116 = arith.constant 0 : i32
      %eq3A_117 = arith.cmpi eq, %arg0, %eq3A_116 : i32
      %convert_element_type3A_118 = arith.extui %eq3A_117 : i1 to i32
      %cond3A_119 = arith.constant 0 : i32
      %cond3A_120 = arith.cmpi ne, %convert_element_type3A_118, %cond3A_119 : i32
      scf.if %cond3A_120 {
        %dma_start3A = arith.constant 0 : i32
        %dma_start3A_146 = tpu.memref_slice %arg21[%add3A_115, %dma_start3A] : memref<392x128xi32, #tpu.memory_space<vmem>> -> memref<1x128xi32, #tpu.memory_space<vmem>>
        %dma_start3A_147 = tpu.memref_squeeze %dma_start3A_146 : memref<1x128xi32, #tpu.memory_space<vmem>> -> memref<128xi32, #tpu.memory_space<vmem>>
        %dma_start3A_148 = arith.constant 0 : i32
        %dma_start3A_149 = arith.constant 0 : i32
        %dma_start3A_150 = tpu.memref_slice %arg4[%dma_start3A_148, %dma_start3A_149] : memref<51200x8xf32, #tpu.memory_space<hbm>> -> memref<51200x8xf32, #tpu.memory_space<hbm>>
        tpu.enqueue_indirect_dma source(%dma_start3A_150 : memref<51200x8xf32, #tpu.memory_space<hbm>>) target(%arg23 : memref<128x8xf32, #tpu.memory_space<vmem>>) offsets(%dma_start3A_147 : memref<128xi32, #tpu.memory_space<vmem>>) semaphore(%arg27 : memref<!tpu.dma_semaphore, #tpu.memory_space<semaphore_mem>>)
      } else {
      }
      %eq3A_121 = arith.constant 1 : i32
      %eq3A_122 = arith.cmpi eq, %arg0, %eq3A_121 : i32
      %convert_element_type3A_123 = arith.extui %eq3A_122 : i1 to i32
      %cond3A_124 = arith.constant 0 : i32
      %cond3A_125 = arith.cmpi ne, %convert_element_type3A_123, %cond3A_124 : i32
      scf.if %cond3A_125 {
        %dma_start3A = arith.constant 0 : i32
        %dma_start3A_146 = tpu.memref_slice %arg21[%add3A_115, %dma_start3A] : memref<392x128xi32, #tpu.memory_space<vmem>> -> memref<1x128xi32, #tpu.memory_space<vmem>>
        %dma_start3A_147 = tpu.memref_squeeze %dma_start3A_146 : memref<1x128xi32, #tpu.memory_space<vmem>> -> memref<128xi32, #tpu.memory_space<vmem>>
        %dma_start3A_148 = arith.constant 0 : i32
        %dma_start3A_149 = arith.constant 0 : i32
        %dma_start3A_150 = tpu.memref_slice %arg5[%dma_start3A_148, %dma_start3A_149] : memref<51200x8xf32, #tpu.memory_space<hbm>> -> memref<51200x8xf32, #tpu.memory_space<hbm>>
        tpu.enqueue_indirect_dma source(%dma_start3A_150 : memref<51200x8xf32, #tpu.memory_space<hbm>>) target(%arg23 : memref<128x8xf32, #tpu.memory_space<vmem>>) offsets(%dma_start3A_147 : memref<128xi32, #tpu.memory_space<vmem>>) semaphore(%arg27 : memref<!tpu.dma_semaphore, #tpu.memory_space<semaphore_mem>>)
      } else {
      }
      %dma_wait3A = arith.constant 0 : i32
      %dma_wait3A_126 = arith.constant 0 : i32
      %dma_wait3A_127 = tpu.memref_slice %arg4[%dma_wait3A, %dma_wait3A_126] : memref<51200x8xf32, #tpu.memory_space<hbm>> -> memref<128x8xf32, #tpu.memory_space<hbm>>
      %dma_wait3A_128 = arith.constant 0 : i32
      %dma_wait3A_129 = arith.constant 0 : i32
      %dma_wait3A_130 = tpu.memref_slice %arg4[%dma_wait3A_128, %dma_wait3A_129] : memref<51200x8xf32, #tpu.memory_space<hbm>> -> memref<128x8xf32, #tpu.memory_space<hbm>>
      tpu.wait_dma2 semaphore(%arg26 : memref<!tpu.dma_semaphore, #tpu.memory_space<semaphore_mem>>) src(%dma_wait3A_130 : memref<128x8xf32, #tpu.memory_space<hbm>>) dst(%arg22 : memref<128x8xf32, #tpu.memory_space<vmem>>)
      "tpu.region"() ({
        %run_scoped3A = tpu.sem_alloc : memref<!tpu.dma_semaphore, #tpu.memory_space<semaphore_mem>>
        %dma_start3A = arith.constant 0 : i32
        %dma_start3A_146 = tpu.memref_slice %arg20[%mul3A_114, %dma_start3A] : memref<392x128xi32, #tpu.memory_space<vmem>> -> memref<1x128xi32, #tpu.memory_space<vmem>>
        %dma_start3A_147 = tpu.memref_squeeze %dma_start3A_146 : memref<1x128xi32, #tpu.memory_space<vmem>> -> memref<128xi32, #tpu.memory_space<vmem>>
        %dma_start3A_148 = arith.constant 0 : i32
        %dma_start3A_149 = arith.constant 0 : i32
        %dma_start3A_150 = tpu.memref_slice %arg25[%dma_start3A_148, %dma_start3A_149] : memref<51200x8xf32, #tpu.memory_space<vmem_shared>> -> memref<51200x8xf32, #tpu.memory_space<vmem_shared>>
        tpu.enqueue_indirect_dma source(%arg22 : memref<128x8xf32, #tpu.memory_space<vmem>>) target(%dma_start3A_150 : memref<51200x8xf32, #tpu.memory_space<vmem_shared>>) offsets(%dma_start3A_147 : memref<128xi32, #tpu.memory_space<vmem>>) semaphore(%run_scoped3A : memref<!tpu.dma_semaphore, #tpu.memory_space<semaphore_mem>>) {add = true}
        %dma_wait3A_151 = arith.constant 0 : i32
        %dma_wait3A_152 = tpu.memref_slice %arg20[%mul3A_114, %dma_wait3A_151] : memref<392x128xi32, #tpu.memory_space<vmem>> -> memref<1x128xi32, #tpu.memory_space<vmem>>
        %dma_wait3A_153 = tpu.memref_squeeze %dma_wait3A_152 : memref<1x128xi32, #tpu.memory_space<vmem>> -> memref<128xi32, #tpu.memory_space<vmem>>
        %dma_wait3A_154 = arith.constant 0 : i32
        %dma_wait3A_155 = arith.constant 0 : i32
        %dma_wait3A_156 = tpu.memref_slice %arg25[%dma_wait3A_154, %dma_wait3A_155] : memref<51200x8xf32, #tpu.memory_space<vmem_shared>> -> memref<51200x8xf32, #tpu.memory_space<vmem_shared>>
        tpu.wait_indirect_dma semaphore(%run_scoped3A : memref<!tpu.dma_semaphore, #tpu.memory_space<semaphore_mem>>) src(%arg22 : memref<128x8xf32, #tpu.memory_space<vmem>>) dst(%dma_wait3A_156 : memref<51200x8xf32, #tpu.memory_space<vmem_shared>>)
        tpu.yield
      }) : () -> ()
      %add3A_131 = arith.constant 2 : i32
      %add3A_132 = arith.addi %mul3A_114, %add3A_131 : i32
      %lt3A = arith.constant 392 : i32
      %lt3A_133 = arith.cmpi slt, %add3A_132, %lt3A : i32
      %convert_element_type3A_134 = arith.extui %lt3A_133 : i1 to i32
      %cond3A_135 = arith.constant 0 : i32
      %cond3A_136 = arith.cmpi ne, %convert_element_type3A_134, %cond3A_135 : i32
      scf.if %cond3A_136 {
        %add3A_146 = arith.constant 2 : i32
        %add3A_147 = arith.addi %mul3A_114, %add3A_146 : i32
        %eq3A_148 = arith.constant 0 : i32
        %eq3A_149 = arith.cmpi eq, %arg0, %eq3A_148 : i32
        %convert_element_type3A_150 = arith.extui %eq3A_149 : i1 to i32
        %cond3A_151 = arith.constant 0 : i32
        %cond3A_152 = arith.cmpi ne, %convert_element_type3A_150, %cond3A_151 : i32
        scf.if %cond3A_152 {
          %dma_start3A = arith.constant 0 : i32
          %dma_start3A_158 = tpu.memref_slice %arg21[%add3A_147, %dma_start3A] : memref<392x128xi32, #tpu.memory_space<vmem>> -> memref<1x128xi32, #tpu.memory_space<vmem>>
          %dma_start3A_159 = tpu.memref_squeeze %dma_start3A_158 : memref<1x128xi32, #tpu.memory_space<vmem>> -> memref<128xi32, #tpu.memory_space<vmem>>
          %dma_start3A_160 = arith.constant 0 : i32
          %dma_start3A_161 = arith.constant 0 : i32
          %dma_start3A_162 = tpu.memref_slice %arg4[%dma_start3A_160, %dma_start3A_161] : memref<51200x8xf32, #tpu.memory_space<hbm>> -> memref<51200x8xf32, #tpu.memory_space<hbm>>
          tpu.enqueue_indirect_dma source(%dma_start3A_162 : memref<51200x8xf32, #tpu.memory_space<hbm>>) target(%arg22 : memref<128x8xf32, #tpu.memory_space<vmem>>) offsets(%dma_start3A_159 : memref<128xi32, #tpu.memory_space<vmem>>) semaphore(%arg26 : memref<!tpu.dma_semaphore, #tpu.memory_space<semaphore_mem>>)
        } else {
        }
        %eq3A_153 = arith.constant 1 : i32
        %eq3A_154 = arith.cmpi eq, %arg0, %eq3A_153 : i32
        %convert_element_type3A_155 = arith.extui %eq3A_154 : i1 to i32
        %cond3A_156 = arith.constant 0 : i32
        %cond3A_157 = arith.cmpi ne, %convert_element_type3A_155, %cond3A_156 : i32
        scf.if %cond3A_157 {
          %dma_start3A = arith.constant 0 : i32
          %dma_start3A_158 = tpu.memref_slice %arg21[%add3A_147, %dma_start3A] : memref<392x128xi32, #tpu.memory_space<vmem>> -> memref<1x128xi32, #tpu.memory_space<vmem>>
          %dma_start3A_159 = tpu.memref_squeeze %dma_start3A_158 : memref<1x128xi32, #tpu.memory_space<vmem>> -> memref<128xi32, #tpu.memory_space<vmem>>
          %dma_start3A_160 = arith.constant 0 : i32
          %dma_start3A_161 = arith.constant 0 : i32
          %dma_start3A_162 = tpu.memref_slice %arg5[%dma_start3A_160, %dma_start3A_161] : memref<51200x8xf32, #tpu.memory_space<hbm>> -> memref<51200x8xf32, #tpu.memory_space<hbm>>
          tpu.enqueue_indirect_dma source(%dma_start3A_162 : memref<51200x8xf32, #tpu.memory_space<hbm>>) target(%arg22 : memref<128x8xf32, #tpu.memory_space<vmem>>) offsets(%dma_start3A_159 : memref<128xi32, #tpu.memory_space<vmem>>) semaphore(%arg26 : memref<!tpu.dma_semaphore, #tpu.memory_space<semaphore_mem>>)
        } else {
        }
      } else {
      }
      %dma_wait3A_137 = arith.constant 0 : i32
      %dma_wait3A_138 = arith.constant 0 : i32
      %dma_wait3A_139 = tpu.memref_slice %arg4[%dma_wait3A_137, %dma_wait3A_138] : memref<51200x8xf32, #tpu.memory_space<hbm>> -> memref<128x8xf32, #tpu.memory_space<hbm>>
      %dma_wait3A_140 = arith.constant 0 : i32
      %dma_wait3A_141 = arith.constant 0 : i32
      %dma_wait3A_142 = tpu.memref_slice %arg4[%dma_wait3A_140, %dma_wait3A_141] : memref<51200x8xf32, #tpu.memory_space<hbm>> -> memref<128x8xf32, #tpu.memory_space<hbm>>
      tpu.wait_dma2 semaphore(%arg27 : memref<!tpu.dma_semaphore, #tpu.memory_space<semaphore_mem>>) src(%dma_wait3A_142 : memref<128x8xf32, #tpu.memory_space<hbm>>) dst(%arg23 : memref<128x8xf32, #tpu.memory_space<vmem>>)
      %add3A_143 = arith.constant 1 : i32
      %add3A_144 = arith.addi %mul3A_114, %add3A_143 : i32
      "tpu.region"() ({
        %run_scoped3A = tpu.sem_alloc : memref<!tpu.dma_semaphore, #tpu.memory_space<semaphore_mem>>
        %dma_start3A = arith.constant 0 : i32
        %dma_start3A_146 = tpu.memref_slice %arg20[%add3A_144, %dma_start3A] : memref<392x128xi32, #tpu.memory_space<vmem>> -> memref<1x128xi32, #tpu.memory_space<vmem>>
        %dma_start3A_147 = tpu.memref_squeeze %dma_start3A_146 : memref<1x128xi32, #tpu.memory_space<vmem>> -> memref<128xi32, #tpu.memory_space<vmem>>
        %dma_start3A_148 = arith.constant 0 : i32
        %dma_start3A_149 = arith.constant 0 : i32
        %dma_start3A_150 = tpu.memref_slice %arg25[%dma_start3A_148, %dma_start3A_149] : memref<51200x8xf32, #tpu.memory_space<vmem_shared>> -> memref<51200x8xf32, #tpu.memory_space<vmem_shared>>
        tpu.enqueue_indirect_dma source(%arg23 : memref<128x8xf32, #tpu.memory_space<vmem>>) target(%dma_start3A_150 : memref<51200x8xf32, #tpu.memory_space<vmem_shared>>) offsets(%dma_start3A_147 : memref<128xi32, #tpu.memory_space<vmem>>) semaphore(%run_scoped3A : memref<!tpu.dma_semaphore, #tpu.memory_space<semaphore_mem>>) {add = true}
        %dma_wait3A_151 = arith.constant 0 : i32
        %dma_wait3A_152 = tpu.memref_slice %arg20[%add3A_144, %dma_wait3A_151] : memref<392x128xi32, #tpu.memory_space<vmem>> -> memref<1x128xi32, #tpu.memory_space<vmem>>
        %dma_wait3A_153 = tpu.memref_squeeze %dma_wait3A_152 : memref<1x128xi32, #tpu.memory_space<vmem>> -> memref<128xi32, #tpu.memory_space<vmem>>
        %dma_wait3A_154 = arith.constant 0 : i32
        %dma_wait3A_155 = arith.constant 0 : i32
        %dma_wait3A_156 = tpu.memref_slice %arg25[%dma_wait3A_154, %dma_wait3A_155] : memref<51200x8xf32, #tpu.memory_space<vmem_shared>> -> memref<51200x8xf32, #tpu.memory_space<vmem_shared>>
        tpu.wait_indirect_dma semaphore(%run_scoped3A : memref<!tpu.dma_semaphore, #tpu.memory_space<semaphore_mem>>) src(%arg23 : memref<128x8xf32, #tpu.memory_space<vmem>>) dst(%dma_wait3A_156 : memref<51200x8xf32, #tpu.memory_space<vmem_shared>>)
        tpu.yield
      }) : () -> ()
      %scan3A_145 = arith.constant 0 : i32
      scf.yield %scan3A_145 : i32
    }
    %scan3A_13 = arith.constant 196 : i32
    %barrier3A_14 = arith.constant 0 : index
    tpu.barrier barrier_id(%barrier3A_14)
    %eq3A_15 = arith.constant 0 : i32
    %eq3A_16 = arith.cmpi eq, %arg0, %eq3A_15 : i32
    %convert_element_type3A_17 = arith.extui %eq3A_16 : i1 to i32
    %cond3A_18 = arith.constant 0 : i32
    %cond3A_19 = arith.cmpi ne, %convert_element_type3A_17, %cond3A_18 : i32
    scf.if %cond3A_19 {
      %mul3A_111 = arith.constant 3200 : i32
      %mul3A_112 = arith.muli %arg1, %mul3A_111 : i32
      %mul3A_113 = arith.constant 3200 : i32
      %mul3A_114 = arith.muli %arg1, %mul3A_113 : i32
      "tpu.region"() ({
        %run_scoped3A = tpu.sem_alloc : memref<!tpu.dma_semaphore, #tpu.memory_space<semaphore_mem>>
        %dma_start3A = arith.constant 0 : i32
        %dma_start3A_115 = tpu.memref_slice %arg12[%mul3A_114, %dma_start3A] : memref<51200x8xf32, #tpu.memory_space<hbm>> -> memref<3200x8xf32, #tpu.memory_space<hbm>>
        %dma_start3A_116 = arith.constant 0 : i32
        %dma_start3A_117 = tpu.memref_slice %arg25[%mul3A_112, %dma_start3A_116] : memref<51200x8xf32, #tpu.memory_space<vmem_shared>> -> memref<3200x8xf32, #tpu.memory_space<vmem_shared>>
        tpu.enqueue_dma source(%dma_start3A_117 : memref<3200x8xf32, #tpu.memory_space<vmem_shared>>) target(%dma_start3A_115 : memref<3200x8xf32, #tpu.memory_space<hbm>>) target_semaphore(%run_scoped3A : memref<!tpu.dma_semaphore, #tpu.memory_space<semaphore_mem>>)
        %dma_wait3A = arith.constant 0 : i32
        %dma_wait3A_118 = tpu.memref_slice %arg12[%mul3A_114, %dma_wait3A] : memref<51200x8xf32, #tpu.memory_space<hbm>> -> memref<3200x8xf32, #tpu.memory_space<hbm>>
        %dma_wait3A_119 = arith.constant 0 : i32
        %dma_wait3A_120 = tpu.memref_slice %arg25[%mul3A_112, %dma_wait3A_119] : memref<51200x8xf32, #tpu.memory_space<vmem_shared>> -> memref<3200x8xf32, #tpu.memory_space<vmem_shared>>
        tpu.wait_dma2 semaphore(%run_scoped3A : memref<!tpu.dma_semaphore, #tpu.memory_space<semaphore_mem>>) src(%dma_wait3A_120 : memref<3200x8xf32, #tpu.memory_space<vmem_shared>>) dst(%dma_wait3A_118 : memref<3200x8xf32, #tpu.memory_space<hbm>>)
        tpu.yield
      }) : () -> ()
    } else {
    }
    %eq3A_20 = arith.constant 1 : i32
    %eq3A_21 = arith.cmpi eq, %arg0, %eq3A_20 : i32
    %convert_element_type3A_22 = arith.extui %eq3A_21 : i1 to i32
    %cond3A_23 = arith.constant 0 : i32
    %cond3A_24 = arith.cmpi ne, %convert_element_type3A_22, %cond3A_23 : i32
    scf.if %cond3A_24 {
      %mul3A_111 = arith.constant 3200 : i32
      %mul3A_112 = arith.muli %arg1, %mul3A_111 : i32
      %mul3A_113 = arith.constant 3200 : i32
      %mul3A_114 = arith.muli %arg1, %mul3A_113 : i32
      "tpu.region"() ({
        %run_scoped3A = tpu.sem_alloc : memref<!tpu.dma_semaphore, #tpu.memory_space<semaphore_mem>>
        %dma_start3A = arith.constant 0 : i32
        %dma_start3A_115 = tpu.memref_slice %arg13[%mul3A_114, %dma_start3A] : memref<51200x8xf32, #tpu.memory_space<hbm>> -> memref<3200x8xf32, #tpu.memory_space<hbm>>
        %dma_start3A_116 = arith.constant 0 : i32
        %dma_start3A_117 = tpu.memref_slice %arg25[%mul3A_112, %dma_start3A_116] : memref<51200x8xf32, #tpu.memory_space<vmem_shared>> -> memref<3200x8xf32, #tpu.memory_space<vmem_shared>>
        tpu.enqueue_dma source(%dma_start3A_117 : memref<3200x8xf32, #tpu.memory_space<vmem_shared>>) target(%dma_start3A_115 : memref<3200x8xf32, #tpu.memory_space<hbm>>) target_semaphore(%run_scoped3A : memref<!tpu.dma_semaphore, #tpu.memory_space<semaphore_mem>>)
        %dma_wait3A = arith.constant 0 : i32
        %dma_wait3A_118 = tpu.memref_slice %arg13[%mul3A_114, %dma_wait3A] : memref<51200x8xf32, #tpu.memory_space<hbm>> -> memref<3200x8xf32, #tpu.memory_space<hbm>>
        %dma_wait3A_119 = arith.constant 0 : i32
        %dma_wait3A_120 = tpu.memref_slice %arg25[%mul3A_112, %dma_wait3A_119] : memref<51200x8xf32, #tpu.memory_space<vmem_shared>> -> memref<3200x8xf32, #tpu.memory_space<vmem_shared>>
        tpu.wait_dma2 semaphore(%run_scoped3A : memref<!tpu.dma_semaphore, #tpu.memory_space<semaphore_mem>>) src(%dma_wait3A_120 : memref<3200x8xf32, #tpu.memory_space<vmem_shared>>) dst(%dma_wait3A_118 : memref<3200x8xf32, #tpu.memory_space<hbm>>)
        tpu.yield
      }) : () -> ()
    } else {
    }
    %mul3A_25 = arith.constant 3200 : i32
    %mul3A_26 = arith.muli %arg1, %mul3A_25 : i32
    "tpu.region"() ({
      %run_scoped3A = tpu.sem_alloc : memref<!tpu.dma_semaphore, #tpu.memory_space<semaphore_mem>>
      %dma_start3A = arith.constant 0 : i32
      %dma_start3A_111 = tpu.memref_slice %arg25[%mul3A_26, %dma_start3A] : memref<51200x8xf32, #tpu.memory_space<vmem_shared>> -> memref<3200x8xf32, #tpu.memory_space<vmem_shared>>
      tpu.enqueue_dma source(%arg11 : memref<3200x8xf32, #tpu.memory_space<hbm>>) target(%dma_start3A_111 : memref<3200x8xf32, #tpu.memory_space<vmem_shared>>) target_semaphore(%run_scoped3A : memref<!tpu.dma_semaphore, #tpu.memory_space<semaphore_mem>>)
      %dma_wait3A = arith.constant 0 : i32
      %dma_wait3A_112 = tpu.memref_slice %arg25[%mul3A_26, %dma_wait3A] : memref<51200x8xf32, #tpu.memory_space<vmem_shared>> -> memref<3200x8xf32, #tpu.memory_space<vmem_shared>>
      tpu.wait_dma2 semaphore(%run_scoped3A : memref<!tpu.dma_semaphore, #tpu.memory_space<semaphore_mem>>) src(%arg11 : memref<3200x8xf32, #tpu.memory_space<hbm>>) dst(%dma_wait3A_112 : memref<3200x8xf32, #tpu.memory_space<vmem_shared>>)
      tpu.yield
    }) : () -> ()
    %barrier3A_27 = arith.constant 0 : index
    tpu.barrier barrier_id(%barrier3A_27)
    %eq3A_28 = arith.constant 0 : i32
    %eq3A_29 = arith.cmpi eq, %arg0, %eq3A_28 : i32
    %convert_element_type3A_30 = arith.extui %eq3A_29 : i1 to i32
    %cond3A_31 = arith.constant 0 : i32
    %cond3A_32 = arith.cmpi ne, %convert_element_type3A_30, %cond3A_31 : i32
    scf.if %cond3A_32 {
      %dma_start3A = arith.constant 0 : i32
      %dma_start3A_111 = arith.constant 0 : i32
      %dma_start3A_112 = tpu.memref_slice %arg21[%dma_start3A, %dma_start3A_111] : memref<392x128xi32, #tpu.memory_space<vmem>> -> memref<1x128xi32, #tpu.memory_space<vmem>>
      %dma_start3A_113 = tpu.memref_squeeze %dma_start3A_112 : memref<1x128xi32, #tpu.memory_space<vmem>> -> memref<128xi32, #tpu.memory_space<vmem>>
      %dma_start3A_114 = arith.constant 0 : i32
      %dma_start3A_115 = arith.constant 0 : i32
      %dma_start3A_116 = tpu.memref_slice %arg6[%dma_start3A_114, %dma_start3A_115] : memref<51200x8xf32, #tpu.memory_space<hbm>> -> memref<51200x8xf32, #tpu.memory_space<hbm>>
      tpu.enqueue_indirect_dma source(%dma_start3A_116 : memref<51200x8xf32, #tpu.memory_space<hbm>>) target(%arg22 : memref<128x8xf32, #tpu.memory_space<vmem>>) offsets(%dma_start3A_113 : memref<128xi32, #tpu.memory_space<vmem>>) semaphore(%arg26 : memref<!tpu.dma_semaphore, #tpu.memory_space<semaphore_mem>>)
    } else {
    }
    %eq3A_33 = arith.constant 1 : i32
    %eq3A_34 = arith.cmpi eq, %arg0, %eq3A_33 : i32
    %convert_element_type3A_35 = arith.extui %eq3A_34 : i1 to i32
    %cond3A_36 = arith.constant 0 : i32
    %cond3A_37 = arith.cmpi ne, %convert_element_type3A_35, %cond3A_36 : i32
    scf.if %cond3A_37 {
      %dma_start3A = arith.constant 0 : i32
      %dma_start3A_111 = arith.constant 0 : i32
      %dma_start3A_112 = tpu.memref_slice %arg21[%dma_start3A, %dma_start3A_111] : memref<392x128xi32, #tpu.memory_space<vmem>> -> memref<1x128xi32, #tpu.memory_space<vmem>>
      %dma_start3A_113 = tpu.memref_squeeze %dma_start3A_112 : memref<1x128xi32, #tpu.memory_space<vmem>> -> memref<128xi32, #tpu.memory_space<vmem>>
      %dma_start3A_114 = arith.constant 0 : i32
      %dma_start3A_115 = arith.constant 0 : i32
      %dma_start3A_116 = tpu.memref_slice %arg7[%dma_start3A_114, %dma_start3A_115] : memref<51200x8xf32, #tpu.memory_space<hbm>> -> memref<51200x8xf32, #tpu.memory_space<hbm>>
      tpu.enqueue_indirect_dma source(%dma_start3A_116 : memref<51200x8xf32, #tpu.memory_space<hbm>>) target(%arg22 : memref<128x8xf32, #tpu.memory_space<vmem>>) offsets(%dma_start3A_113 : memref<128xi32, #tpu.memory_space<vmem>>) semaphore(%arg26 : memref<!tpu.dma_semaphore, #tpu.memory_space<semaphore_mem>>)
    } else {
    }
    %scan3A_38 = arith.constant 0 : i32
    %scan3A_39 = arith.constant 0 : i32
    %scan3A_40 = arith.constant 196 : i32
    %scan3A_41 = arith.addi %scan3A_39, %scan3A_40 : i32
    %scan3A_42 = arith.constant 1 : i32
    %scan3A_43 = scf.for %scan3A_111 = %scan3A_39 to %scan3A_41 step %scan3A_42 iter_args(%scan3A_112 = %scan3A_38) -> (i32)  : i32 {
      %mul3A_113 = arith.constant 2 : i32
      %mul3A_114 = arith.muli %scan3A_111, %mul3A_113 : i32
      %add3A = arith.constant 1 : i32
      %add3A_115 = arith.addi %mul3A_114, %add3A : i32
      %eq3A_116 = arith.constant 0 : i32
      %eq3A_117 = arith.cmpi eq, %arg0, %eq3A_116 : i32
      %convert_element_type3A_118 = arith.extui %eq3A_117 : i1 to i32
      %cond3A_119 = arith.constant 0 : i32
      %cond3A_120 = arith.cmpi ne, %convert_element_type3A_118, %cond3A_119 : i32
      scf.if %cond3A_120 {
        %dma_start3A = arith.constant 0 : i32
        %dma_start3A_146 = tpu.memref_slice %arg21[%add3A_115, %dma_start3A] : memref<392x128xi32, #tpu.memory_space<vmem>> -> memref<1x128xi32, #tpu.memory_space<vmem>>
        %dma_start3A_147 = tpu.memref_squeeze %dma_start3A_146 : memref<1x128xi32, #tpu.memory_space<vmem>> -> memref<128xi32, #tpu.memory_space<vmem>>
        %dma_start3A_148 = arith.constant 0 : i32
        %dma_start3A_149 = arith.constant 0 : i32
        %dma_start3A_150 = tpu.memref_slice %arg6[%dma_start3A_148, %dma_start3A_149] : memref<51200x8xf32, #tpu.memory_space<hbm>> -> memref<51200x8xf32, #tpu.memory_space<hbm>>
        tpu.enqueue_indirect_dma source(%dma_start3A_150 : memref<51200x8xf32, #tpu.memory_space<hbm>>) target(%arg23 : memref<128x8xf32, #tpu.memory_space<vmem>>) offsets(%dma_start3A_147 : memref<128xi32, #tpu.memory_space<vmem>>) semaphore(%arg27 : memref<!tpu.dma_semaphore, #tpu.memory_space<semaphore_mem>>)
      } else {
      }
      %eq3A_121 = arith.constant 1 : i32
      %eq3A_122 = arith.cmpi eq, %arg0, %eq3A_121 : i32
      %convert_element_type3A_123 = arith.extui %eq3A_122 : i1 to i32
      %cond3A_124 = arith.constant 0 : i32
      %cond3A_125 = arith.cmpi ne, %convert_element_type3A_123, %cond3A_124 : i32
      scf.if %cond3A_125 {
        %dma_start3A = arith.constant 0 : i32
        %dma_start3A_146 = tpu.memref_slice %arg21[%add3A_115, %dma_start3A] : memref<392x128xi32, #tpu.memory_space<vmem>> -> memref<1x128xi32, #tpu.memory_space<vmem>>
        %dma_start3A_147 = tpu.memref_squeeze %dma_start3A_146 : memref<1x128xi32, #tpu.memory_space<vmem>> -> memref<128xi32, #tpu.memory_space<vmem>>
        %dma_start3A_148 = arith.constant 0 : i32
        %dma_start3A_149 = arith.constant 0 : i32
        %dma_start3A_150 = tpu.memref_slice %arg7[%dma_start3A_148, %dma_start3A_149] : memref<51200x8xf32, #tpu.memory_space<hbm>> -> memref<51200x8xf32, #tpu.memory_space<hbm>>
        tpu.enqueue_indirect_dma source(%dma_start3A_150 : memref<51200x8xf32, #tpu.memory_space<hbm>>) target(%arg23 : memref<128x8xf32, #tpu.memory_space<vmem>>) offsets(%dma_start3A_147 : memref<128xi32, #tpu.memory_space<vmem>>) semaphore(%arg27 : memref<!tpu.dma_semaphore, #tpu.memory_space<semaphore_mem>>)
      } else {
      }
      %dma_wait3A = arith.constant 0 : i32
      %dma_wait3A_126 = arith.constant 0 : i32
      %dma_wait3A_127 = tpu.memref_slice %arg6[%dma_wait3A, %dma_wait3A_126] : memref<51200x8xf32, #tpu.memory_space<hbm>> -> memref<128x8xf32, #tpu.memory_space<hbm>>
      %dma_wait3A_128 = arith.constant 0 : i32
      %dma_wait3A_129 = arith.constant 0 : i32
      %dma_wait3A_130 = tpu.memref_slice %arg6[%dma_wait3A_128, %dma_wait3A_129] : memref<51200x8xf32, #tpu.memory_space<hbm>> -> memref<128x8xf32, #tpu.memory_space<hbm>>
      tpu.wait_dma2 semaphore(%arg26 : memref<!tpu.dma_semaphore, #tpu.memory_space<semaphore_mem>>) src(%dma_wait3A_130 : memref<128x8xf32, #tpu.memory_space<hbm>>) dst(%arg22 : memref<128x8xf32, #tpu.memory_space<vmem>>)
      "tpu.region"() ({
        %run_scoped3A = tpu.sem_alloc : memref<!tpu.dma_semaphore, #tpu.memory_space<semaphore_mem>>
        %dma_start3A = arith.constant 0 : i32
        %dma_start3A_146 = tpu.memref_slice %arg20[%mul3A_114, %dma_start3A] : memref<392x128xi32, #tpu.memory_space<vmem>> -> memref<1x128xi32, #tpu.memory_space<vmem>>
        %dma_start3A_147 = tpu.memref_squeeze %dma_start3A_146 : memref<1x128xi32, #tpu.memory_space<vmem>> -> memref<128xi32, #tpu.memory_space<vmem>>
        %dma_start3A_148 = arith.constant 0 : i32
        %dma_start3A_149 = arith.constant 0 : i32
        %dma_start3A_150 = tpu.memref_slice %arg25[%dma_start3A_148, %dma_start3A_149] : memref<51200x8xf32, #tpu.memory_space<vmem_shared>> -> memref<51200x8xf32, #tpu.memory_space<vmem_shared>>
        tpu.enqueue_indirect_dma source(%arg22 : memref<128x8xf32, #tpu.memory_space<vmem>>) target(%dma_start3A_150 : memref<51200x8xf32, #tpu.memory_space<vmem_shared>>) offsets(%dma_start3A_147 : memref<128xi32, #tpu.memory_space<vmem>>) semaphore(%run_scoped3A : memref<!tpu.dma_semaphore, #tpu.memory_space<semaphore_mem>>) {add = true}
        %dma_wait3A_151 = arith.constant 0 : i32
        %dma_wait3A_152 = tpu.memref_slice %arg20[%mul3A_114, %dma_wait3A_151] : memref<392x128xi32, #tpu.memory_space<vmem>> -> memref<1x128xi32, #tpu.memory_space<vmem>>
        %dma_wait3A_153 = tpu.memref_squeeze %dma_wait3A_152 : memref<1x128xi32, #tpu.memory_space<vmem>> -> memref<128xi32, #tpu.memory_space<vmem>>
        %dma_wait3A_154 = arith.constant 0 : i32
        %dma_wait3A_155 = arith.constant 0 : i32
        %dma_wait3A_156 = tpu.memref_slice %arg25[%dma_wait3A_154, %dma_wait3A_155] : memref<51200x8xf32, #tpu.memory_space<vmem_shared>> -> memref<51200x8xf32, #tpu.memory_space<vmem_shared>>
        tpu.wait_indirect_dma semaphore(%run_scoped3A : memref<!tpu.dma_semaphore, #tpu.memory_space<semaphore_mem>>) src(%arg22 : memref<128x8xf32, #tpu.memory_space<vmem>>) dst(%dma_wait3A_156 : memref<51200x8xf32, #tpu.memory_space<vmem_shared>>)
        tpu.yield
      }) : () -> ()
      %add3A_131 = arith.constant 2 : i32
      %add3A_132 = arith.addi %mul3A_114, %add3A_131 : i32
      %lt3A = arith.constant 392 : i32
      %lt3A_133 = arith.cmpi slt, %add3A_132, %lt3A : i32
      %convert_element_type3A_134 = arith.extui %lt3A_133 : i1 to i32
      %cond3A_135 = arith.constant 0 : i32
      %cond3A_136 = arith.cmpi ne, %convert_element_type3A_134, %cond3A_135 : i32
      scf.if %cond3A_136 {
        %add3A_146 = arith.constant 2 : i32
        %add3A_147 = arith.addi %mul3A_114, %add3A_146 : i32
        %eq3A_148 = arith.constant 0 : i32
        %eq3A_149 = arith.cmpi eq, %arg0, %eq3A_148 : i32
        %convert_element_type3A_150 = arith.extui %eq3A_149 : i1 to i32
        %cond3A_151 = arith.constant 0 : i32
        %cond3A_152 = arith.cmpi ne, %convert_element_type3A_150, %cond3A_151 : i32
        scf.if %cond3A_152 {
          %dma_start3A = arith.constant 0 : i32
          %dma_start3A_158 = tpu.memref_slice %arg21[%add3A_147, %dma_start3A] : memref<392x128xi32, #tpu.memory_space<vmem>> -> memref<1x128xi32, #tpu.memory_space<vmem>>
          %dma_start3A_159 = tpu.memref_squeeze %dma_start3A_158 : memref<1x128xi32, #tpu.memory_space<vmem>> -> memref<128xi32, #tpu.memory_space<vmem>>
          %dma_start3A_160 = arith.constant 0 : i32
          %dma_start3A_161 = arith.constant 0 : i32
          %dma_start3A_162 = tpu.memref_slice %arg6[%dma_start3A_160, %dma_start3A_161] : memref<51200x8xf32, #tpu.memory_space<hbm>> -> memref<51200x8xf32, #tpu.memory_space<hbm>>
          tpu.enqueue_indirect_dma source(%dma_start3A_162 : memref<51200x8xf32, #tpu.memory_space<hbm>>) target(%arg22 : memref<128x8xf32, #tpu.memory_space<vmem>>) offsets(%dma_start3A_159 : memref<128xi32, #tpu.memory_space<vmem>>) semaphore(%arg26 : memref<!tpu.dma_semaphore, #tpu.memory_space<semaphore_mem>>)
        } else {
        }
        %eq3A_153 = arith.constant 1 : i32
        %eq3A_154 = arith.cmpi eq, %arg0, %eq3A_153 : i32
        %convert_element_type3A_155 = arith.extui %eq3A_154 : i1 to i32
        %cond3A_156 = arith.constant 0 : i32
        %cond3A_157 = arith.cmpi ne, %convert_element_type3A_155, %cond3A_156 : i32
        scf.if %cond3A_157 {
          %dma_start3A = arith.constant 0 : i32
          %dma_start3A_158 = tpu.memref_slice %arg21[%add3A_147, %dma_start3A] : memref<392x128xi32, #tpu.memory_space<vmem>> -> memref<1x128xi32, #tpu.memory_space<vmem>>
          %dma_start3A_159 = tpu.memref_squeeze %dma_start3A_158 : memref<1x128xi32, #tpu.memory_space<vmem>> -> memref<128xi32, #tpu.memory_space<vmem>>
          %dma_start3A_160 = arith.constant 0 : i32
          %dma_start3A_161 = arith.constant 0 : i32
          %dma_start3A_162 = tpu.memref_slice %arg7[%dma_start3A_160, %dma_start3A_161] : memref<51200x8xf32, #tpu.memory_space<hbm>> -> memref<51200x8xf32, #tpu.memory_space<hbm>>
          tpu.enqueue_indirect_dma source(%dma_start3A_162 : memref<51200x8xf32, #tpu.memory_space<hbm>>) target(%arg22 : memref<128x8xf32, #tpu.memory_space<vmem>>) offsets(%dma_start3A_159 : memref<128xi32, #tpu.memory_space<vmem>>) semaphore(%arg26 : memref<!tpu.dma_semaphore, #tpu.memory_space<semaphore_mem>>)
        } else {
        }
      } else {
      }
      %dma_wait3A_137 = arith.constant 0 : i32
      %dma_wait3A_138 = arith.constant 0 : i32
      %dma_wait3A_139 = tpu.memref_slice %arg6[%dma_wait3A_137, %dma_wait3A_138] : memref<51200x8xf32, #tpu.memory_space<hbm>> -> memref<128x8xf32, #tpu.memory_space<hbm>>
      %dma_wait3A_140 = arith.constant 0 : i32
      %dma_wait3A_141 = arith.constant 0 : i32
      %dma_wait3A_142 = tpu.memref_slice %arg6[%dma_wait3A_140, %dma_wait3A_141] : memref<51200x8xf32, #tpu.memory_space<hbm>> -> memref<128x8xf32, #tpu.memory_space<hbm>>
      tpu.wait_dma2 semaphore(%arg27 : memref<!tpu.dma_semaphore, #tpu.memory_space<semaphore_mem>>) src(%dma_wait3A_142 : memref<128x8xf32, #tpu.memory_space<hbm>>) dst(%arg23 : memref<128x8xf32, #tpu.memory_space<vmem>>)
      %add3A_143 = arith.constant 1 : i32
      %add3A_144 = arith.addi %mul3A_114, %add3A_143 : i32
      "tpu.region"() ({
        %run_scoped3A = tpu.sem_alloc : memref<!tpu.dma_semaphore, #tpu.memory_space<semaphore_mem>>
        %dma_start3A = arith.constant 0 : i32
        %dma_start3A_146 = tpu.memref_slice %arg20[%add3A_144, %dma_start3A] : memref<392x128xi32, #tpu.memory_space<vmem>> -> memref<1x128xi32, #tpu.memory_space<vmem>>
        %dma_start3A_147 = tpu.memref_squeeze %dma_start3A_146 : memref<1x128xi32, #tpu.memory_space<vmem>> -> memref<128xi32, #tpu.memory_space<vmem>>
        %dma_start3A_148 = arith.constant 0 : i32
        %dma_start3A_149 = arith.constant 0 : i32
        %dma_start3A_150 = tpu.memref_slice %arg25[%dma_start3A_148, %dma_start3A_149] : memref<51200x8xf32, #tpu.memory_space<vmem_shared>> -> memref<51200x8xf32, #tpu.memory_space<vmem_shared>>
        tpu.enqueue_indirect_dma source(%arg23 : memref<128x8xf32, #tpu.memory_space<vmem>>) target(%dma_start3A_150 : memref<51200x8xf32, #tpu.memory_space<vmem_shared>>) offsets(%dma_start3A_147 : memref<128xi32, #tpu.memory_space<vmem>>) semaphore(%run_scoped3A : memref<!tpu.dma_semaphore, #tpu.memory_space<semaphore_mem>>) {add = true}
        %dma_wait3A_151 = arith.constant 0 : i32
        %dma_wait3A_152 = tpu.memref_slice %arg20[%add3A_144, %dma_wait3A_151] : memref<392x128xi32, #tpu.memory_space<vmem>> -> memref<1x128xi32, #tpu.memory_space<vmem>>
        %dma_wait3A_153 = tpu.memref_squeeze %dma_wait3A_152 : memref<1x128xi32, #tpu.memory_space<vmem>> -> memref<128xi32, #tpu.memory_space<vmem>>
        %dma_wait3A_154 = arith.constant 0 : i32
        %dma_wait3A_155 = arith.constant 0 : i32
        %dma_wait3A_156 = tpu.memref_slice %arg25[%dma_wait3A_154, %dma_wait3A_155] : memref<51200x8xf32, #tpu.memory_space<vmem_shared>> -> memref<51200x8xf32, #tpu.memory_space<vmem_shared>>
        tpu.wait_indirect_dma semaphore(%run_scoped3A : memref<!tpu.dma_semaphore, #tpu.memory_space<semaphore_mem>>) src(%arg23 : memref<128x8xf32, #tpu.memory_space<vmem>>) dst(%dma_wait3A_156 : memref<51200x8xf32, #tpu.memory_space<vmem_shared>>)
        tpu.yield
      }) : () -> ()
      %scan3A_145 = arith.constant 0 : i32
      scf.yield %scan3A_145 : i32
    }
    %scan3A_44 = arith.constant 196 : i32
    %barrier3A_45 = arith.constant 0 : index
    tpu.barrier barrier_id(%barrier3A_45)
    %eq3A_46 = arith.constant 0 : i32
    %eq3A_47 = arith.cmpi eq, %arg0, %eq3A_46 : i32
    %convert_element_type3A_48 = arith.extui %eq3A_47 : i1 to i32
    %cond3A_49 = arith.constant 0 : i32
    %cond3A_50 = arith.cmpi ne, %convert_element_type3A_48, %cond3A_49 : i32
    scf.if %cond3A_50 {
      %mul3A_111 = arith.constant 3200 : i32
      %mul3A_112 = arith.muli %arg1, %mul3A_111 : i32
      %mul3A_113 = arith.constant 3200 : i32
      %mul3A_114 = arith.muli %arg1, %mul3A_113 : i32
      "tpu.region"() ({
        %run_scoped3A = tpu.sem_alloc : memref<!tpu.dma_semaphore, #tpu.memory_space<semaphore_mem>>
        %dma_start3A = arith.constant 0 : i32
        %dma_start3A_115 = tpu.memref_slice %arg14[%mul3A_114, %dma_start3A] : memref<51200x8xf32, #tpu.memory_space<hbm>> -> memref<3200x8xf32, #tpu.memory_space<hbm>>
        %dma_start3A_116 = arith.constant 0 : i32
        %dma_start3A_117 = tpu.memref_slice %arg25[%mul3A_112, %dma_start3A_116] : memref<51200x8xf32, #tpu.memory_space<vmem_shared>> -> memref<3200x8xf32, #tpu.memory_space<vmem_shared>>
        tpu.enqueue_dma source(%dma_start3A_117 : memref<3200x8xf32, #tpu.memory_space<vmem_shared>>) target(%dma_start3A_115 : memref<3200x8xf32, #tpu.memory_space<hbm>>) target_semaphore(%run_scoped3A : memref<!tpu.dma_semaphore, #tpu.memory_space<semaphore_mem>>)
        %dma_wait3A = arith.constant 0 : i32
        %dma_wait3A_118 = tpu.memref_slice %arg14[%mul3A_114, %dma_wait3A] : memref<51200x8xf32, #tpu.memory_space<hbm>> -> memref<3200x8xf32, #tpu.memory_space<hbm>>
        %dma_wait3A_119 = arith.constant 0 : i32
        %dma_wait3A_120 = tpu.memref_slice %arg25[%mul3A_112, %dma_wait3A_119] : memref<51200x8xf32, #tpu.memory_space<vmem_shared>> -> memref<3200x8xf32, #tpu.memory_space<vmem_shared>>
        tpu.wait_dma2 semaphore(%run_scoped3A : memref<!tpu.dma_semaphore, #tpu.memory_space<semaphore_mem>>) src(%dma_wait3A_120 : memref<3200x8xf32, #tpu.memory_space<vmem_shared>>) dst(%dma_wait3A_118 : memref<3200x8xf32, #tpu.memory_space<hbm>>)
        tpu.yield
      }) : () -> ()
    } else {
    }
    %eq3A_51 = arith.constant 1 : i32
    %eq3A_52 = arith.cmpi eq, %arg0, %eq3A_51 : i32
    %convert_element_type3A_53 = arith.extui %eq3A_52 : i1 to i32
    %cond3A_54 = arith.constant 0 : i32
    %cond3A_55 = arith.cmpi ne, %convert_element_type3A_53, %cond3A_54 : i32
    scf.if %cond3A_55 {
      %mul3A_111 = arith.constant 3200 : i32
      %mul3A_112 = arith.muli %arg1, %mul3A_111 : i32
      %mul3A_113 = arith.constant 3200 : i32
      %mul3A_114 = arith.muli %arg1, %mul3A_113 : i32
      "tpu.region"() ({
        %run_scoped3A = tpu.sem_alloc : memref<!tpu.dma_semaphore, #tpu.memory_space<semaphore_mem>>
        %dma_start3A = arith.constant 0 : i32
        %dma_start3A_115 = tpu.memref_slice %arg15[%mul3A_114, %dma_start3A] : memref<51200x8xf32, #tpu.memory_space<hbm>> -> memref<3200x8xf32, #tpu.memory_space<hbm>>
        %dma_start3A_116 = arith.constant 0 : i32
        %dma_start3A_117 = tpu.memref_slice %arg25[%mul3A_112, %dma_start3A_116] : memref<51200x8xf32, #tpu.memory_space<vmem_shared>> -> memref<3200x8xf32, #tpu.memory_space<vmem_shared>>
        tpu.enqueue_dma source(%dma_start3A_117 : memref<3200x8xf32, #tpu.memory_space<vmem_shared>>) target(%dma_start3A_115 : memref<3200x8xf32, #tpu.memory_space<hbm>>) target_semaphore(%run_scoped3A : memref<!tpu.dma_semaphore, #tpu.memory_space<semaphore_mem>>)
        %dma_wait3A = arith.constant 0 : i32
        %dma_wait3A_118 = tpu.memref_slice %arg15[%mul3A_114, %dma_wait3A] : memref<51200x8xf32, #tpu.memory_space<hbm>> -> memref<3200x8xf32, #tpu.memory_space<hbm>>
        %dma_wait3A_119 = arith.constant 0 : i32
        %dma_wait3A_120 = tpu.memref_slice %arg25[%mul3A_112, %dma_wait3A_119] : memref<51200x8xf32, #tpu.memory_space<vmem_shared>> -> memref<3200x8xf32, #tpu.memory_space<vmem_shared>>
        tpu.wait_dma2 semaphore(%run_scoped3A : memref<!tpu.dma_semaphore, #tpu.memory_space<semaphore_mem>>) src(%dma_wait3A_120 : memref<3200x8xf32, #tpu.memory_space<vmem_shared>>) dst(%dma_wait3A_118 : memref<3200x8xf32, #tpu.memory_space<hbm>>)
        tpu.yield
      }) : () -> ()
    } else {
    }
    %mul3A_56 = arith.constant 3200 : i32
    %mul3A_57 = arith.muli %arg1, %mul3A_56 : i32
    "tpu.region"() ({
      %run_scoped3A = tpu.sem_alloc : memref<!tpu.dma_semaphore, #tpu.memory_space<semaphore_mem>>
      %dma_start3A = arith.constant 0 : i32
      %dma_start3A_111 = tpu.memref_slice %arg25[%mul3A_57, %dma_start3A] : memref<51200x8xf32, #tpu.memory_space<vmem_shared>> -> memref<3200x8xf32, #tpu.memory_space<vmem_shared>>
      tpu.enqueue_dma source(%arg11 : memref<3200x8xf32, #tpu.memory_space<hbm>>) target(%dma_start3A_111 : memref<3200x8xf32, #tpu.memory_space<vmem_shared>>) target_semaphore(%run_scoped3A : memref<!tpu.dma_semaphore, #tpu.memory_space<semaphore_mem>>)
      %dma_wait3A = arith.constant 0 : i32
      %dma_wait3A_112 = tpu.memref_slice %arg25[%mul3A_57, %dma_wait3A] : memref<51200x8xf32, #tpu.memory_space<vmem_shared>> -> memref<3200x8xf32, #tpu.memory_space<vmem_shared>>
      tpu.wait_dma2 semaphore(%run_scoped3A : memref<!tpu.dma_semaphore, #tpu.memory_space<semaphore_mem>>) src(%arg11 : memref<3200x8xf32, #tpu.memory_space<hbm>>) dst(%dma_wait3A_112 : memref<3200x8xf32, #tpu.memory_space<vmem_shared>>)
      tpu.yield
    }) : () -> ()
    %barrier3A_58 = arith.constant 0 : index
    tpu.barrier barrier_id(%barrier3A_58)
    %eq3A_59 = arith.constant 0 : i32
    %eq3A_60 = arith.cmpi eq, %arg0, %eq3A_59 : i32
    %convert_element_type3A_61 = arith.extui %eq3A_60 : i1 to i32
    %cond3A_62 = arith.constant 0 : i32
    %cond3A_63 = arith.cmpi ne, %convert_element_type3A_61, %cond3A_62 : i32
    scf.if %cond3A_63 {
      %dma_start3A = arith.constant 0 : i32
      %dma_start3A_111 = arith.constant 0 : i32
      %dma_start3A_112 = tpu.memref_slice %arg21[%dma_start3A, %dma_start3A_111] : memref<392x128xi32, #tpu.memory_space<vmem>> -> memref<1x128xi32, #tpu.memory_space<vmem>>
      %dma_start3A_113 = tpu.memref_squeeze %dma_start3A_112 : memref<1x128xi32, #tpu.memory_space<vmem>> -> memref<128xi32, #tpu.memory_space<vmem>>
      %dma_start3A_114 = arith.constant 0 : i32
      %dma_start3A_115 = arith.constant 0 : i32
      %dma_start3A_116 = tpu.memref_slice %arg8[%dma_start3A_114, %dma_start3A_115] : memref<51200x8xf32, #tpu.memory_space<hbm>> -> memref<51200x8xf32, #tpu.memory_space<hbm>>
      tpu.enqueue_indirect_dma source(%dma_start3A_116 : memref<51200x8xf32, #tpu.memory_space<hbm>>) target(%arg22 : memref<128x8xf32, #tpu.memory_space<vmem>>) offsets(%dma_start3A_113 : memref<128xi32, #tpu.memory_space<vmem>>) semaphore(%arg26 : memref<!tpu.dma_semaphore, #tpu.memory_space<semaphore_mem>>)
    } else {
    }
    %eq3A_64 = arith.constant 1 : i32
    %eq3A_65 = arith.cmpi eq, %arg0, %eq3A_64 : i32
    %convert_element_type3A_66 = arith.extui %eq3A_65 : i1 to i32
    %cond3A_67 = arith.constant 0 : i32
    %cond3A_68 = arith.cmpi ne, %convert_element_type3A_66, %cond3A_67 : i32
    scf.if %cond3A_68 {
      %dma_start3A = arith.constant 0 : i32
      %dma_start3A_111 = arith.constant 0 : i32
      %dma_start3A_112 = tpu.memref_slice %arg21[%dma_start3A, %dma_start3A_111] : memref<392x128xi32, #tpu.memory_space<vmem>> -> memref<1x128xi32, #tpu.memory_space<vmem>>
      %dma_start3A_113 = tpu.memref_squeeze %dma_start3A_112 : memref<1x128xi32, #tpu.memory_space<vmem>> -> memref<128xi32, #tpu.memory_space<vmem>>
      %dma_start3A_114 = arith.constant 0 : i32
      %dma_start3A_115 = arith.constant 0 : i32
      %dma_start3A_116 = tpu.memref_slice %arg9[%dma_start3A_114, %dma_start3A_115] : memref<51200x8xf32, #tpu.memory_space<hbm>> -> memref<51200x8xf32, #tpu.memory_space<hbm>>
      tpu.enqueue_indirect_dma source(%dma_start3A_116 : memref<51200x8xf32, #tpu.memory_space<hbm>>) target(%arg22 : memref<128x8xf32, #tpu.memory_space<vmem>>) offsets(%dma_start3A_113 : memref<128xi32, #tpu.memory_space<vmem>>) semaphore(%arg26 : memref<!tpu.dma_semaphore, #tpu.memory_space<semaphore_mem>>)
    } else {
    }
    %scan3A_69 = arith.constant 0 : i32
    %scan3A_70 = arith.constant 0 : i32
    %scan3A_71 = arith.constant 196 : i32
    %scan3A_72 = arith.addi %scan3A_70, %scan3A_71 : i32
    %scan3A_73 = arith.constant 1 : i32
    %scan3A_74 = scf.for %scan3A_111 = %scan3A_70 to %scan3A_72 step %scan3A_73 iter_args(%scan3A_112 = %scan3A_69) -> (i32)  : i32 {
      %mul3A_113 = arith.constant 2 : i32
      %mul3A_114 = arith.muli %scan3A_111, %mul3A_113 : i32
      %add3A = arith.constant 1 : i32
      %add3A_115 = arith.addi %mul3A_114, %add3A : i32
      %eq3A_116 = arith.constant 0 : i32
      %eq3A_117 = arith.cmpi eq, %arg0, %eq3A_116 : i32
      %convert_element_type3A_118 = arith.extui %eq3A_117 : i1 to i32
      %cond3A_119 = arith.constant 0 : i32
      %cond3A_120 = arith.cmpi ne, %convert_element_type3A_118, %cond3A_119 : i32
      scf.if %cond3A_120 {
        %dma_start3A = arith.constant 0 : i32
        %dma_start3A_146 = tpu.memref_slice %arg21[%add3A_115, %dma_start3A] : memref<392x128xi32, #tpu.memory_space<vmem>> -> memref<1x128xi32, #tpu.memory_space<vmem>>
        %dma_start3A_147 = tpu.memref_squeeze %dma_start3A_146 : memref<1x128xi32, #tpu.memory_space<vmem>> -> memref<128xi32, #tpu.memory_space<vmem>>
        %dma_start3A_148 = arith.constant 0 : i32
        %dma_start3A_149 = arith.constant 0 : i32
        %dma_start3A_150 = tpu.memref_slice %arg8[%dma_start3A_148, %dma_start3A_149] : memref<51200x8xf32, #tpu.memory_space<hbm>> -> memref<51200x8xf32, #tpu.memory_space<hbm>>
        tpu.enqueue_indirect_dma source(%dma_start3A_150 : memref<51200x8xf32, #tpu.memory_space<hbm>>) target(%arg23 : memref<128x8xf32, #tpu.memory_space<vmem>>) offsets(%dma_start3A_147 : memref<128xi32, #tpu.memory_space<vmem>>) semaphore(%arg27 : memref<!tpu.dma_semaphore, #tpu.memory_space<semaphore_mem>>)
      } else {
      }
      %eq3A_121 = arith.constant 1 : i32
      %eq3A_122 = arith.cmpi eq, %arg0, %eq3A_121 : i32
      %convert_element_type3A_123 = arith.extui %eq3A_122 : i1 to i32
      %cond3A_124 = arith.constant 0 : i32
      %cond3A_125 = arith.cmpi ne, %convert_element_type3A_123, %cond3A_124 : i32
      scf.if %cond3A_125 {
        %dma_start3A = arith.constant 0 : i32
        %dma_start3A_146 = tpu.memref_slice %arg21[%add3A_115, %dma_start3A] : memref<392x128xi32, #tpu.memory_space<vmem>> -> memref<1x128xi32, #tpu.memory_space<vmem>>
        %dma_start3A_147 = tpu.memref_squeeze %dma_start3A_146 : memref<1x128xi32, #tpu.memory_space<vmem>> -> memref<128xi32, #tpu.memory_space<vmem>>
        %dma_start3A_148 = arith.constant 0 : i32
        %dma_start3A_149 = arith.constant 0 : i32
        %dma_start3A_150 = tpu.memref_slice %arg9[%dma_start3A_148, %dma_start3A_149] : memref<51200x8xf32, #tpu.memory_space<hbm>> -> memref<51200x8xf32, #tpu.memory_space<hbm>>
        tpu.enqueue_indirect_dma source(%dma_start3A_150 : memref<51200x8xf32, #tpu.memory_space<hbm>>) target(%arg23 : memref<128x8xf32, #tpu.memory_space<vmem>>) offsets(%dma_start3A_147 : memref<128xi32, #tpu.memory_space<vmem>>) semaphore(%arg27 : memref<!tpu.dma_semaphore, #tpu.memory_space<semaphore_mem>>)
      } else {
      }
      %dma_wait3A = arith.constant 0 : i32
      %dma_wait3A_126 = arith.constant 0 : i32
      %dma_wait3A_127 = tpu.memref_slice %arg8[%dma_wait3A, %dma_wait3A_126] : memref<51200x8xf32, #tpu.memory_space<hbm>> -> memref<128x8xf32, #tpu.memory_space<hbm>>
      %dma_wait3A_128 = arith.constant 0 : i32
      %dma_wait3A_129 = arith.constant 0 : i32
      %dma_wait3A_130 = tpu.memref_slice %arg8[%dma_wait3A_128, %dma_wait3A_129] : memref<51200x8xf32, #tpu.memory_space<hbm>> -> memref<128x8xf32, #tpu.memory_space<hbm>>
      tpu.wait_dma2 semaphore(%arg26 : memref<!tpu.dma_semaphore, #tpu.memory_space<semaphore_mem>>) src(%dma_wait3A_130 : memref<128x8xf32, #tpu.memory_space<hbm>>) dst(%arg22 : memref<128x8xf32, #tpu.memory_space<vmem>>)
      "tpu.region"() ({
        %run_scoped3A = tpu.sem_alloc : memref<!tpu.dma_semaphore, #tpu.memory_space<semaphore_mem>>
        %dma_start3A = arith.constant 0 : i32
        %dma_start3A_146 = tpu.memref_slice %arg20[%mul3A_114, %dma_start3A] : memref<392x128xi32, #tpu.memory_space<vmem>> -> memref<1x128xi32, #tpu.memory_space<vmem>>
        %dma_start3A_147 = tpu.memref_squeeze %dma_start3A_146 : memref<1x128xi32, #tpu.memory_space<vmem>> -> memref<128xi32, #tpu.memory_space<vmem>>
        %dma_start3A_148 = arith.constant 0 : i32
        %dma_start3A_149 = arith.constant 0 : i32
        %dma_start3A_150 = tpu.memref_slice %arg25[%dma_start3A_148, %dma_start3A_149] : memref<51200x8xf32, #tpu.memory_space<vmem_shared>> -> memref<51200x8xf32, #tpu.memory_space<vmem_shared>>
        tpu.enqueue_indirect_dma source(%arg22 : memref<128x8xf32, #tpu.memory_space<vmem>>) target(%dma_start3A_150 : memref<51200x8xf32, #tpu.memory_space<vmem_shared>>) offsets(%dma_start3A_147 : memref<128xi32, #tpu.memory_space<vmem>>) semaphore(%run_scoped3A : memref<!tpu.dma_semaphore, #tpu.memory_space<semaphore_mem>>) {add = true}
        %dma_wait3A_151 = arith.constant 0 : i32
        %dma_wait3A_152 = tpu.memref_slice %arg20[%mul3A_114, %dma_wait3A_151] : memref<392x128xi32, #tpu.memory_space<vmem>> -> memref<1x128xi32, #tpu.memory_space<vmem>>
        %dma_wait3A_153 = tpu.memref_squeeze %dma_wait3A_152 : memref<1x128xi32, #tpu.memory_space<vmem>> -> memref<128xi32, #tpu.memory_space<vmem>>
        %dma_wait3A_154 = arith.constant 0 : i32
        %dma_wait3A_155 = arith.constant 0 : i32
        %dma_wait3A_156 = tpu.memref_slice %arg25[%dma_wait3A_154, %dma_wait3A_155] : memref<51200x8xf32, #tpu.memory_space<vmem_shared>> -> memref<51200x8xf32, #tpu.memory_space<vmem_shared>>
        tpu.wait_indirect_dma semaphore(%run_scoped3A : memref<!tpu.dma_semaphore, #tpu.memory_space<semaphore_mem>>) src(%arg22 : memref<128x8xf32, #tpu.memory_space<vmem>>) dst(%dma_wait3A_156 : memref<51200x8xf32, #tpu.memory_space<vmem_shared>>)
        tpu.yield
      }) : () -> ()
      %add3A_131 = arith.constant 2 : i32
      %add3A_132 = arith.addi %mul3A_114, %add3A_131 : i32
      %lt3A = arith.constant 392 : i32
      %lt3A_133 = arith.cmpi slt, %add3A_132, %lt3A : i32
      %convert_element_type3A_134 = arith.extui %lt3A_133 : i1 to i32
      %cond3A_135 = arith.constant 0 : i32
      %cond3A_136 = arith.cmpi ne, %convert_element_type3A_134, %cond3A_135 : i32
      scf.if %cond3A_136 {
        %add3A_146 = arith.constant 2 : i32
        %add3A_147 = arith.addi %mul3A_114, %add3A_146 : i32
        %eq3A_148 = arith.constant 0 : i32
        %eq3A_149 = arith.cmpi eq, %arg0, %eq3A_148 : i32
        %convert_element_type3A_150 = arith.extui %eq3A_149 : i1 to i32
        %cond3A_151 = arith.constant 0 : i32
        %cond3A_152 = arith.cmpi ne, %convert_element_type3A_150, %cond3A_151 : i32
        scf.if %cond3A_152 {
          %dma_start3A = arith.constant 0 : i32
          %dma_start3A_158 = tpu.memref_slice %arg21[%add3A_147, %dma_start3A] : memref<392x128xi32, #tpu.memory_space<vmem>> -> memref<1x128xi32, #tpu.memory_space<vmem>>
          %dma_start3A_159 = tpu.memref_squeeze %dma_start3A_158 : memref<1x128xi32, #tpu.memory_space<vmem>> -> memref<128xi32, #tpu.memory_space<vmem>>
          %dma_start3A_160 = arith.constant 0 : i32
          %dma_start3A_161 = arith.constant 0 : i32
          %dma_start3A_162 = tpu.memref_slice %arg8[%dma_start3A_160, %dma_start3A_161] : memref<51200x8xf32, #tpu.memory_space<hbm>> -> memref<51200x8xf32, #tpu.memory_space<hbm>>
          tpu.enqueue_indirect_dma source(%dma_start3A_162 : memref<51200x8xf32, #tpu.memory_space<hbm>>) target(%arg22 : memref<128x8xf32, #tpu.memory_space<vmem>>) offsets(%dma_start3A_159 : memref<128xi32, #tpu.memory_space<vmem>>) semaphore(%arg26 : memref<!tpu.dma_semaphore, #tpu.memory_space<semaphore_mem>>)
        } else {
        }
        %eq3A_153 = arith.constant 1 : i32
        %eq3A_154 = arith.cmpi eq, %arg0, %eq3A_153 : i32
        %convert_element_type3A_155 = arith.extui %eq3A_154 : i1 to i32
        %cond3A_156 = arith.constant 0 : i32
        %cond3A_157 = arith.cmpi ne, %convert_element_type3A_155, %cond3A_156 : i32
        scf.if %cond3A_157 {
          %dma_start3A = arith.constant 0 : i32
          %dma_start3A_158 = tpu.memref_slice %arg21[%add3A_147, %dma_start3A] : memref<392x128xi32, #tpu.memory_space<vmem>> -> memref<1x128xi32, #tpu.memory_space<vmem>>
          %dma_start3A_159 = tpu.memref_squeeze %dma_start3A_158 : memref<1x128xi32, #tpu.memory_space<vmem>> -> memref<128xi32, #tpu.memory_space<vmem>>
          %dma_start3A_160 = arith.constant 0 : i32
          %dma_start3A_161 = arith.constant 0 : i32
          %dma_start3A_162 = tpu.memref_slice %arg9[%dma_start3A_160, %dma_start3A_161] : memref<51200x8xf32, #tpu.memory_space<hbm>> -> memref<51200x8xf32, #tpu.memory_space<hbm>>
          tpu.enqueue_indirect_dma source(%dma_start3A_162 : memref<51200x8xf32, #tpu.memory_space<hbm>>) target(%arg22 : memref<128x8xf32, #tpu.memory_space<vmem>>) offsets(%dma_start3A_159 : memref<128xi32, #tpu.memory_space<vmem>>) semaphore(%arg26 : memref<!tpu.dma_semaphore, #tpu.memory_space<semaphore_mem>>)
        } else {
        }
      } else {
      }
      %dma_wait3A_137 = arith.constant 0 : i32
      %dma_wait3A_138 = arith.constant 0 : i32
      %dma_wait3A_139 = tpu.memref_slice %arg8[%dma_wait3A_137, %dma_wait3A_138] : memref<51200x8xf32, #tpu.memory_space<hbm>> -> memref<128x8xf32, #tpu.memory_space<hbm>>
      %dma_wait3A_140 = arith.constant 0 : i32
      %dma_wait3A_141 = arith.constant 0 : i32
      %dma_wait3A_142 = tpu.memref_slice %arg8[%dma_wait3A_140, %dma_wait3A_141] : memref<51200x8xf32, #tpu.memory_space<hbm>> -> memref<128x8xf32, #tpu.memory_space<hbm>>
      tpu.wait_dma2 semaphore(%arg27 : memref<!tpu.dma_semaphore, #tpu.memory_space<semaphore_mem>>) src(%dma_wait3A_142 : memref<128x8xf32, #tpu.memory_space<hbm>>) dst(%arg23 : memref<128x8xf32, #tpu.memory_space<vmem>>)
      %add3A_143 = arith.constant 1 : i32
      %add3A_144 = arith.addi %mul3A_114, %add3A_143 : i32
      "tpu.region"() ({
        %run_scoped3A = tpu.sem_alloc : memref<!tpu.dma_semaphore, #tpu.memory_space<semaphore_mem>>
        %dma_start3A = arith.constant 0 : i32
        %dma_start3A_146 = tpu.memref_slice %arg20[%add3A_144, %dma_start3A] : memref<392x128xi32, #tpu.memory_space<vmem>> -> memref<1x128xi32, #tpu.memory_space<vmem>>
        %dma_start3A_147 = tpu.memref_squeeze %dma_start3A_146 : memref<1x128xi32, #tpu.memory_space<vmem>> -> memref<128xi32, #tpu.memory_space<vmem>>
        %dma_start3A_148 = arith.constant 0 : i32
        %dma_start3A_149 = arith.constant 0 : i32
        %dma_start3A_150 = tpu.memref_slice %arg25[%dma_start3A_148, %dma_start3A_149] : memref<51200x8xf32, #tpu.memory_space<vmem_shared>> -> memref<51200x8xf32, #tpu.memory_space<vmem_shared>>
        tpu.enqueue_indirect_dma source(%arg23 : memref<128x8xf32, #tpu.memory_space<vmem>>) target(%dma_start3A_150 : memref<51200x8xf32, #tpu.memory_space<vmem_shared>>) offsets(%dma_start3A_147 : memref<128xi32, #tpu.memory_space<vmem>>) semaphore(%run_scoped3A : memref<!tpu.dma_semaphore, #tpu.memory_space<semaphore_mem>>) {add = true}
        %dma_wait3A_151 = arith.constant 0 : i32
        %dma_wait3A_152 = tpu.memref_slice %arg20[%add3A_144, %dma_wait3A_151] : memref<392x128xi32, #tpu.memory_space<vmem>> -> memref<1x128xi32, #tpu.memory_space<vmem>>
        %dma_wait3A_153 = tpu.memref_squeeze %dma_wait3A_152 : memref<1x128xi32, #tpu.memory_space<vmem>> -> memref<128xi32, #tpu.memory_space<vmem>>
        %dma_wait3A_154 = arith.constant 0 : i32
        %dma_wait3A_155 = arith.constant 0 : i32
        %dma_wait3A_156 = tpu.memref_slice %arg25[%dma_wait3A_154, %dma_wait3A_155] : memref<51200x8xf32, #tpu.memory_space<vmem_shared>> -> memref<51200x8xf32, #tpu.memory_space<vmem_shared>>
        tpu.wait_indirect_dma semaphore(%run_scoped3A : memref<!tpu.dma_semaphore, #tpu.memory_space<semaphore_mem>>) src(%arg23 : memref<128x8xf32, #tpu.memory_space<vmem>>) dst(%dma_wait3A_156 : memref<51200x8xf32, #tpu.memory_space<vmem_shared>>)
        tpu.yield
      }) : () -> ()
      %scan3A_145 = arith.constant 0 : i32
      scf.yield %scan3A_145 : i32
    }
    %scan3A_75 = arith.constant 196 : i32
    %barrier3A_76 = arith.constant 0 : index
    tpu.barrier barrier_id(%barrier3A_76)
    %eq3A_77 = arith.constant 0 : i32
    %eq3A_78 = arith.cmpi eq, %arg0, %eq3A_77 : i32
    %convert_element_type3A_79 = arith.extui %eq3A_78 : i1 to i32
    %cond3A_80 = arith.constant 0 : i32
    %cond3A_81 = arith.cmpi ne, %convert_element_type3A_79, %cond3A_80 : i32
    scf.if %cond3A_81 {
      %mul3A_111 = arith.constant 3200 : i32
      %mul3A_112 = arith.muli %arg1, %mul3A_111 : i32
      %mul3A_113 = arith.constant 3200 : i32
      %mul3A_114 = arith.muli %arg1, %mul3A_113 : i32
      "tpu.region"() ({
        %run_scoped3A = tpu.sem_alloc : memref<!tpu.dma_semaphore, #tpu.memory_space<semaphore_mem>>
        %dma_start3A = arith.constant 0 : i32
        %dma_start3A_115 = tpu.memref_slice %arg16[%mul3A_114, %dma_start3A] : memref<51200x8xf32, #tpu.memory_space<hbm>> -> memref<3200x8xf32, #tpu.memory_space<hbm>>
        %dma_start3A_116 = arith.constant 0 : i32
        %dma_start3A_117 = tpu.memref_slice %arg25[%mul3A_112, %dma_start3A_116] : memref<51200x8xf32, #tpu.memory_space<vmem_shared>> -> memref<3200x8xf32, #tpu.memory_space<vmem_shared>>
        tpu.enqueue_dma source(%dma_start3A_117 : memref<3200x8xf32, #tpu.memory_space<vmem_shared>>) target(%dma_start3A_115 : memref<3200x8xf32, #tpu.memory_space<hbm>>) target_semaphore(%run_scoped3A : memref<!tpu.dma_semaphore, #tpu.memory_space<semaphore_mem>>)
        %dma_wait3A = arith.constant 0 : i32
        %dma_wait3A_118 = tpu.memref_slice %arg16[%mul3A_114, %dma_wait3A] : memref<51200x8xf32, #tpu.memory_space<hbm>> -> memref<3200x8xf32, #tpu.memory_space<hbm>>
        %dma_wait3A_119 = arith.constant 0 : i32
        %dma_wait3A_120 = tpu.memref_slice %arg25[%mul3A_112, %dma_wait3A_119] : memref<51200x8xf32, #tpu.memory_space<vmem_shared>> -> memref<3200x8xf32, #tpu.memory_space<vmem_shared>>
        tpu.wait_dma2 semaphore(%run_scoped3A : memref<!tpu.dma_semaphore, #tpu.memory_space<semaphore_mem>>) src(%dma_wait3A_120 : memref<3200x8xf32, #tpu.memory_space<vmem_shared>>) dst(%dma_wait3A_118 : memref<3200x8xf32, #tpu.memory_space<hbm>>)
        tpu.yield
      }) : () -> ()
    } else {
    }
    %eq3A_82 = arith.constant 1 : i32
    %eq3A_83 = arith.cmpi eq, %arg0, %eq3A_82 : i32
    %convert_element_type3A_84 = arith.extui %eq3A_83 : i1 to i32
    %cond3A_85 = arith.constant 0 : i32
    %cond3A_86 = arith.cmpi ne, %convert_element_type3A_84, %cond3A_85 : i32
    scf.if %cond3A_86 {
      %mul3A_111 = arith.constant 3200 : i32
      %mul3A_112 = arith.muli %arg1, %mul3A_111 : i32
      %mul3A_113 = arith.constant 3200 : i32
      %mul3A_114 = arith.muli %arg1, %mul3A_113 : i32
      "tpu.region"() ({
        %run_scoped3A = tpu.sem_alloc : memref<!tpu.dma_semaphore, #tpu.memory_space<semaphore_mem>>
        %dma_start3A = arith.constant 0 : i32
        %dma_start3A_115 = tpu.memref_slice %arg17[%mul3A_114, %dma_start3A] : memref<51200x8xf32, #tpu.memory_space<hbm>> -> memref<3200x8xf32, #tpu.memory_space<hbm>>
        %dma_start3A_116 = arith.constant 0 : i32
        %dma_start3A_117 = tpu.memref_slice %arg25[%mul3A_112, %dma_start3A_116] : memref<51200x8xf32, #tpu.memory_space<vmem_shared>> -> memref<3200x8xf32, #tpu.memory_space<vmem_shared>>
        tpu.enqueue_dma source(%dma_start3A_117 : memref<3200x8xf32, #tpu.memory_space<vmem_shared>>) target(%dma_start3A_115 : memref<3200x8xf32, #tpu.memory_space<hbm>>) target_semaphore(%run_scoped3A : memref<!tpu.dma_semaphore, #tpu.memory_space<semaphore_mem>>)
        %dma_wait3A = arith.constant 0 : i32
        %dma_wait3A_118 = tpu.memref_slice %arg17[%mul3A_114, %dma_wait3A] : memref<51200x8xf32, #tpu.memory_space<hbm>> -> memref<3200x8xf32, #tpu.memory_space<hbm>>
        %dma_wait3A_119 = arith.constant 0 : i32
        %dma_wait3A_120 = tpu.memref_slice %arg25[%mul3A_112, %dma_wait3A_119] : memref<51200x8xf32, #tpu.memory_space<vmem_shared>> -> memref<3200x8xf32, #tpu.memory_space<vmem_shared>>
        tpu.wait_dma2 semaphore(%run_scoped3A : memref<!tpu.dma_semaphore, #tpu.memory_space<semaphore_mem>>) src(%dma_wait3A_120 : memref<3200x8xf32, #tpu.memory_space<vmem_shared>>) dst(%dma_wait3A_118 : memref<3200x8xf32, #tpu.memory_space<hbm>>)
        tpu.yield
      }) : () -> ()
    } else {
    }
    %mul3A_87 = arith.constant 3200 : i32
    %mul3A_88 = arith.muli %arg1, %mul3A_87 : i32
    "tpu.region"() ({
      %run_scoped3A = tpu.sem_alloc : memref<!tpu.dma_semaphore, #tpu.memory_space<semaphore_mem>>
      %dma_start3A = arith.constant 0 : i32
      %dma_start3A_111 = tpu.memref_slice %arg25[%mul3A_88, %dma_start3A] : memref<51200x8xf32, #tpu.memory_space<vmem_shared>> -> memref<3200x8xf32, #tpu.memory_space<vmem_shared>>
      tpu.enqueue_dma source(%arg11 : memref<3200x8xf32, #tpu.memory_space<hbm>>) target(%dma_start3A_111 : memref<3200x8xf32, #tpu.memory_space<vmem_shared>>) target_semaphore(%run_scoped3A : memref<!tpu.dma_semaphore, #tpu.memory_space<semaphore_mem>>)
      %dma_wait3A = arith.constant 0 : i32
      %dma_wait3A_112 = tpu.memref_slice %arg25[%mul3A_88, %dma_wait3A] : memref<51200x8xf32, #tpu.memory_space<vmem_shared>> -> memref<3200x8xf32, #tpu.memory_space<vmem_shared>>
      tpu.wait_dma2 semaphore(%run_scoped3A : memref<!tpu.dma_semaphore, #tpu.memory_space<semaphore_mem>>) src(%arg11 : memref<3200x8xf32, #tpu.memory_space<hbm>>) dst(%dma_wait3A_112 : memref<3200x8xf32, #tpu.memory_space<vmem_shared>>)
      tpu.yield
    }) : () -> ()
    %barrier3A_89 = arith.constant 0 : index
    tpu.barrier barrier_id(%barrier3A_89)
    %eq3A_90 = arith.constant 0 : i32
    %eq3A_91 = arith.cmpi eq, %arg0, %eq3A_90 : i32
    %convert_element_type3A_92 = arith.extui %eq3A_91 : i1 to i32
    %cond3A_93 = arith.constant 0 : i32
    %cond3A_94 = arith.cmpi ne, %convert_element_type3A_92, %cond3A_93 : i32
    scf.if %cond3A_94 {
      %scan3A_111 = arith.constant 0 : i32
      %scan3A_112 = arith.constant 0 : i32
      %scan3A_113 = arith.constant 392 : i32
      %scan3A_114 = arith.addi %scan3A_112, %scan3A_113 : i32
      %scan3A_115 = arith.constant 1 : i32
      %scan3A_116 = scf.for %scan3A_118 = %scan3A_112 to %scan3A_114 step %scan3A_115 iter_args(%scan3A_119 = %scan3A_111) -> (i32)  : i32 {
        "tpu.region"() ({
          %run_scoped3A = tpu.sem_alloc : memref<!tpu.dma_semaphore, #tpu.memory_space<semaphore_mem>>
          %dma_start3A = arith.constant 0 : i32
          %dma_start3A_121 = tpu.memref_slice %arg20[%scan3A_118, %dma_start3A] : memref<392x128xi32, #tpu.memory_space<vmem>> -> memref<1x128xi32, #tpu.memory_space<vmem>>
          %dma_start3A_122 = tpu.memref_squeeze %dma_start3A_121 : memref<1x128xi32, #tpu.memory_space<vmem>> -> memref<128xi32, #tpu.memory_space<vmem>>
          %dma_start3A_123 = arith.constant 0 : i32
          %dma_start3A_124 = arith.constant 0 : i32
          %dma_start3A_125 = tpu.memref_slice %arg25[%dma_start3A_123, %dma_start3A_124] : memref<51200x8xf32, #tpu.memory_space<vmem_shared>> -> memref<51200x8xf32, #tpu.memory_space<vmem_shared>>
          tpu.enqueue_indirect_dma source(%arg24 : memref<128x8xf32, #tpu.memory_space<vmem>>) target(%dma_start3A_125 : memref<51200x8xf32, #tpu.memory_space<vmem_shared>>) offsets(%dma_start3A_122 : memref<128xi32, #tpu.memory_space<vmem>>) semaphore(%run_scoped3A : memref<!tpu.dma_semaphore, #tpu.memory_space<semaphore_mem>>) {add = true}
          %dma_wait3A = arith.constant 0 : i32
          %dma_wait3A_126 = tpu.memref_slice %arg20[%scan3A_118, %dma_wait3A] : memref<392x128xi32, #tpu.memory_space<vmem>> -> memref<1x128xi32, #tpu.memory_space<vmem>>
          %dma_wait3A_127 = tpu.memref_squeeze %dma_wait3A_126 : memref<1x128xi32, #tpu.memory_space<vmem>> -> memref<128xi32, #tpu.memory_space<vmem>>
          %dma_wait3A_128 = arith.constant 0 : i32
          %dma_wait3A_129 = arith.constant 0 : i32
          %dma_wait3A_130 = tpu.memref_slice %arg25[%dma_wait3A_128, %dma_wait3A_129] : memref<51200x8xf32, #tpu.memory_space<vmem_shared>> -> memref<51200x8xf32, #tpu.memory_space<vmem_shared>>
          tpu.wait_indirect_dma semaphore(%run_scoped3A : memref<!tpu.dma_semaphore, #tpu.memory_space<semaphore_mem>>) src(%arg24 : memref<128x8xf32, #tpu.memory_space<vmem>>) dst(%dma_wait3A_130 : memref<51200x8xf32, #tpu.memory_space<vmem_shared>>)
          tpu.yield
        }) : () -> ()
        %scan3A_120 = arith.constant 0 : i32
        scf.yield %scan3A_120 : i32
      }
      %scan3A_117 = arith.constant 392 : i32
    } else {
    }
    %eq3A_95 = arith.constant 1 : i32
    %eq3A_96 = arith.cmpi eq, %arg0, %eq3A_95 : i32
    %convert_element_type3A_97 = arith.extui %eq3A_96 : i1 to i32
    %cond3A_98 = arith.constant 0 : i32
    %cond3A_99 = arith.cmpi ne, %convert_element_type3A_97, %cond3A_98 : i32
    scf.if %cond3A_99 {
      %scan3A_111 = arith.constant 0 : i32
      %scan3A_112 = arith.constant 0 : i32
      %scan3A_113 = arith.constant 392 : i32
      %scan3A_114 = arith.addi %scan3A_112, %scan3A_113 : i32
      %scan3A_115 = arith.constant 1 : i32
      %scan3A_116 = scf.for %scan3A_118 = %scan3A_112 to %scan3A_114 step %scan3A_115 iter_args(%scan3A_119 = %scan3A_111) -> (i32)  : i32 {
        "tpu.region"() ({
          %run_scoped3A = tpu.sem_alloc : memref<!tpu.dma_semaphore, #tpu.memory_space<semaphore_mem>>
          %dma_start3A = arith.constant 0 : i32
          %dma_start3A_121 = tpu.memref_slice %arg21[%scan3A_118, %dma_start3A] : memref<392x128xi32, #tpu.memory_space<vmem>> -> memref<1x128xi32, #tpu.memory_space<vmem>>
          %dma_start3A_122 = tpu.memref_squeeze %dma_start3A_121 : memref<1x128xi32, #tpu.memory_space<vmem>> -> memref<128xi32, #tpu.memory_space<vmem>>
          %dma_start3A_123 = arith.constant 0 : i32
          %dma_start3A_124 = arith.constant 0 : i32
          %dma_start3A_125 = tpu.memref_slice %arg25[%dma_start3A_123, %dma_start3A_124] : memref<51200x8xf32, #tpu.memory_space<vmem_shared>> -> memref<51200x8xf32, #tpu.memory_space<vmem_shared>>
          tpu.enqueue_indirect_dma source(%arg24 : memref<128x8xf32, #tpu.memory_space<vmem>>) target(%dma_start3A_125 : memref<51200x8xf32, #tpu.memory_space<vmem_shared>>) offsets(%dma_start3A_122 : memref<128xi32, #tpu.memory_space<vmem>>) semaphore(%run_scoped3A : memref<!tpu.dma_semaphore, #tpu.memory_space<semaphore_mem>>) {add = true}
          %dma_wait3A = arith.constant 0 : i32
          %dma_wait3A_126 = tpu.memref_slice %arg21[%scan3A_118, %dma_wait3A] : memref<392x128xi32, #tpu.memory_space<vmem>> -> memref<1x128xi32, #tpu.memory_space<vmem>>
          %dma_wait3A_127 = tpu.memref_squeeze %dma_wait3A_126 : memref<1x128xi32, #tpu.memory_space<vmem>> -> memref<128xi32, #tpu.memory_space<vmem>>
          %dma_wait3A_128 = arith.constant 0 : i32
          %dma_wait3A_129 = arith.constant 0 : i32
          %dma_wait3A_130 = tpu.memref_slice %arg25[%dma_wait3A_128, %dma_wait3A_129] : memref<51200x8xf32, #tpu.memory_space<vmem_shared>> -> memref<51200x8xf32, #tpu.memory_space<vmem_shared>>
          tpu.wait_indirect_dma semaphore(%run_scoped3A : memref<!tpu.dma_semaphore, #tpu.memory_space<semaphore_mem>>) src(%arg24 : memref<128x8xf32, #tpu.memory_space<vmem>>) dst(%dma_wait3A_130 : memref<51200x8xf32, #tpu.memory_space<vmem_shared>>)
          tpu.yield
        }) : () -> ()
        %scan3A_120 = arith.constant 0 : i32
        scf.yield %scan3A_120 : i32
      }
      %scan3A_117 = arith.constant 392 : i32
    } else {
    }
    %barrier3A_100 = arith.constant 0 : index
    tpu.barrier barrier_id(%barrier3A_100)
    %eq3A_101 = arith.constant 0 : i32
    %eq3A_102 = arith.cmpi eq, %arg0, %eq3A_101 : i32
    %convert_element_type3A_103 = arith.extui %eq3A_102 : i1 to i32
    %cond3A_104 = arith.constant 0 : i32
    %cond3A_105 = arith.cmpi ne, %convert_element_type3A_103, %cond3A_104 : i32
    scf.if %cond3A_105 {
      %mul3A_111 = arith.constant 3200 : i32
      %mul3A_112 = arith.muli %arg1, %mul3A_111 : i32
      %mul3A_113 = arith.constant 3200 : i32
      %mul3A_114 = arith.muli %arg1, %mul3A_113 : i32
      "tpu.region"() ({
        %run_scoped3A = tpu.sem_alloc : memref<!tpu.dma_semaphore, #tpu.memory_space<semaphore_mem>>
        %dma_start3A = arith.constant 0 : i32
        %dma_start3A_115 = tpu.memref_slice %arg18[%mul3A_114, %dma_start3A] : memref<51200x8xf32, #tpu.memory_space<hbm>> -> memref<3200x8xf32, #tpu.memory_space<hbm>>
        %dma_start3A_116 = arith.constant 0 : i32
        %dma_start3A_117 = tpu.memref_slice %arg25[%mul3A_112, %dma_start3A_116] : memref<51200x8xf32, #tpu.memory_space<vmem_shared>> -> memref<3200x8xf32, #tpu.memory_space<vmem_shared>>
        tpu.enqueue_dma source(%dma_start3A_117 : memref<3200x8xf32, #tpu.memory_space<vmem_shared>>) target(%dma_start3A_115 : memref<3200x8xf32, #tpu.memory_space<hbm>>) target_semaphore(%run_scoped3A : memref<!tpu.dma_semaphore, #tpu.memory_space<semaphore_mem>>)
        %dma_wait3A = arith.constant 0 : i32
        %dma_wait3A_118 = tpu.memref_slice %arg18[%mul3A_114, %dma_wait3A] : memref<51200x8xf32, #tpu.memory_space<hbm>> -> memref<3200x8xf32, #tpu.memory_space<hbm>>
        %dma_wait3A_119 = arith.constant 0 : i32
        %dma_wait3A_120 = tpu.memref_slice %arg25[%mul3A_112, %dma_wait3A_119] : memref<51200x8xf32, #tpu.memory_space<vmem_shared>> -> memref<3200x8xf32, #tpu.memory_space<vmem_shared>>
        tpu.wait_dma2 semaphore(%run_scoped3A : memref<!tpu.dma_semaphore, #tpu.memory_space<semaphore_mem>>) src(%dma_wait3A_120 : memref<3200x8xf32, #tpu.memory_space<vmem_shared>>) dst(%dma_wait3A_118 : memref<3200x8xf32, #tpu.memory_space<hbm>>)
        tpu.yield
      }) : () -> ()
    } else {
    }
    %eq3A_106 = arith.constant 1 : i32
    %eq3A_107 = arith.cmpi eq, %arg0, %eq3A_106 : i32
    %convert_element_type3A_108 = arith.extui %eq3A_107 : i1 to i32
    %cond3A_109 = arith.constant 0 : i32
    %cond3A_110 = arith.cmpi ne, %convert_element_type3A_108, %cond3A_109 : i32
    scf.if %cond3A_110 {
      %mul3A_111 = arith.constant 3200 : i32
      %mul3A_112 = arith.muli %arg1, %mul3A_111 : i32
      %mul3A_113 = arith.constant 3200 : i32
      %mul3A_114 = arith.muli %arg1, %mul3A_113 : i32
      "tpu.region"() ({
        %run_scoped3A = tpu.sem_alloc : memref<!tpu.dma_semaphore, #tpu.memory_space<semaphore_mem>>
        %dma_start3A = arith.constant 0 : i32
        %dma_start3A_115 = tpu.memref_slice %arg19[%mul3A_114, %dma_start3A] : memref<51200x8xf32, #tpu.memory_space<hbm>> -> memref<3200x8xf32, #tpu.memory_space<hbm>>
        %dma_start3A_116 = arith.constant 0 : i32
        %dma_start3A_117 = tpu.memref_slice %arg25[%mul3A_112, %dma_start3A_116] : memref<51200x8xf32, #tpu.memory_space<vmem_shared>> -> memref<3200x8xf32, #tpu.memory_space<vmem_shared>>
        tpu.enqueue_dma source(%dma_start3A_117 : memref<3200x8xf32, #tpu.memory_space<vmem_shared>>) target(%dma_start3A_115 : memref<3200x8xf32, #tpu.memory_space<hbm>>) target_semaphore(%run_scoped3A : memref<!tpu.dma_semaphore, #tpu.memory_space<semaphore_mem>>)
        %dma_wait3A = arith.constant 0 : i32
        %dma_wait3A_118 = tpu.memref_slice %arg19[%mul3A_114, %dma_wait3A] : memref<51200x8xf32, #tpu.memory_space<hbm>> -> memref<3200x8xf32, #tpu.memory_space<hbm>>
        %dma_wait3A_119 = arith.constant 0 : i32
        %dma_wait3A_120 = tpu.memref_slice %arg25[%mul3A_112, %dma_wait3A_119] : memref<51200x8xf32, #tpu.memory_space<vmem_shared>> -> memref<3200x8xf32, #tpu.memory_space<vmem_shared>>
        tpu.wait_dma2 semaphore(%run_scoped3A : memref<!tpu.dma_semaphore, #tpu.memory_space<semaphore_mem>>) src(%dma_wait3A_120 : memref<3200x8xf32, #tpu.memory_space<vmem_shared>>) dst(%dma_wait3A_118 : memref<3200x8xf32, #tpu.memory_space<hbm>>)
        tpu.yield
      }) : () -> ()
    } else {
    }
    return
  }
}

module attributes {stable_mosaic.version = 14 : i64} {
  func.func @_tc_embed_body(%arg0: i32, %arg1: memref<512x128xf32, #tpu.memory_space<vmem>>, %arg2: memref<128x64xf32, #tpu.memory_space<vmem>>, %arg3: memref<512x8xf32, #tpu.memory_space<vmem>>, %arg4: memref<512x8xf32, #tpu.memory_space<vmem>>, %arg5: memref<512x8xf32, #tpu.memory_space<vmem>>, %arg6: memref<512x8xf32, #tpu.memory_space<vmem>>, %arg7: memref<512x8xf32, #tpu.memory_space<vmem>>, %arg8: memref<512x8xf32, #tpu.memory_space<vmem>>, %arg9: memref<512x8xf32, #tpu.memory_space<vmem>>, %arg10: memref<512x8xf32, #tpu.memory_space<vmem>>) attributes {dimension_semantics = [#tpu.dimension_semantics<arbitrary>], iteration_bounds = array<i64: 100>, scalar_prefetch = 0 : i64, scratch_operands = 0 : i64, tpu.core_type = #tpu.core_type<tc>, window_params = [{transform_indices = @transform_0, window_bounds = array<i64: 512, 128>}, {pipeline_mode = #tpu.pipeline_mode<synchronous>, transform_indices = @transform_1, window_bounds = array<i64: 128, 64>}, {transform_indices = @transform_2, window_bounds = array<i64: 512, 8>}, {transform_indices = @transform_3, window_bounds = array<i64: 512, 8>}, {transform_indices = @transform_4, window_bounds = array<i64: 512, 8>}, {transform_indices = @transform_5, window_bounds = array<i64: 512, 8>}, {transform_indices = @transform_6, window_bounds = array<i64: 512, 8>}, {transform_indices = @transform_7, window_bounds = array<i64: 512, 8>}, {transform_indices = @transform_8, window_bounds = array<i64: 512, 8>}, {transform_indices = @transform_9, window_bounds = array<i64: 512, 8>}]} {
    %get3A = arith.constant 0 : index
    %get3A_0 = arith.constant 0 : index
    %get3A_1 = vector.load %arg1[%get3A, %get3A_0] : memref<512x128xf32, #tpu.memory_space<vmem>>, vector<512x128xf32>
    %get3A_2 = arith.constant 0 : index
    %get3A_3 = arith.constant 0 : index
    %get3A_4 = vector.load %arg2[%get3A_2, %get3A_3] : memref<128x64xf32, #tpu.memory_space<vmem>>, vector<128x64xf32>
    %dot_general3A = arith.constant dense<0.000000e+00> : vector<512x64xf32>
    %dot_general3A_5 = tpu.matmul %get3A_1, %get3A_4, %dot_general3A {dimension_numbers = #tpu.dot_dimension_numbers<[1], [0], [0], [1], [0, 0, 1, 1], [], []>, transpose_lhs_hint = false} : vector<512x128xf32>, vector<128x64xf32>, vector<512x64xf32> -> vector<512x64xf32>
    %slice3A = vector.extract_strided_slice %dot_general3A_5 {offsets = [0, 0], sizes = [512, 8], strides = [1, 1]} : vector<512x64xf32> to vector<512x8xf32>
    %swap3A = arith.constant 0 : index
    %swap3A_6 = arith.constant 0 : index
    %swap3A_7 = vector.load %arg3[%swap3A, %swap3A_6] : memref<512x8xf32, #tpu.memory_space<vmem>>, vector<512x8xf32>
    tpu.vector_store %arg3[%swap3A, %swap3A_6], %slice3A {strides = array<i32>} : memref<512x8xf32, #tpu.memory_space<vmem>>, vector<512x8xf32>,
    %slice3A_8 = vector.extract_strided_slice %dot_general3A_5 {offsets = [0, 8], sizes = [512, 8], strides = [1, 1]} : vector<512x64xf32> to vector<512x8xf32>
    %swap3A_9 = arith.constant 0 : index
    %swap3A_10 = arith.constant 0 : index
    %swap3A_11 = vector.load %arg4[%swap3A_9, %swap3A_10] : memref<512x8xf32, #tpu.memory_space<vmem>>, vector<512x8xf32>
    tpu.vector_store %arg4[%swap3A_9, %swap3A_10], %slice3A_8 {strides = array<i32>} : memref<512x8xf32, #tpu.memory_space<vmem>>, vector<512x8xf32>,
    %slice3A_12 = vector.extract_strided_slice %dot_general3A_5 {offsets = [0, 16], sizes = [512, 8], strides = [1, 1]} : vector<512x64xf32> to vector<512x8xf32>
    %swap3A_13 = arith.constant 0 : index
    %swap3A_14 = arith.constant 0 : index
    %swap3A_15 = vector.load %arg5[%swap3A_13, %swap3A_14] : memref<512x8xf32, #tpu.memory_space<vmem>>, vector<512x8xf32>
    tpu.vector_store %arg5[%swap3A_13, %swap3A_14], %slice3A_12 {strides = array<i32>} : memref<512x8xf32, #tpu.memory_space<vmem>>, vector<512x8xf32>,
    %slice3A_16 = vector.extract_strided_slice %dot_general3A_5 {offsets = [0, 24], sizes = [512, 8], strides = [1, 1]} : vector<512x64xf32> to vector<512x8xf32>
    %swap3A_17 = arith.constant 0 : index
    %swap3A_18 = arith.constant 0 : index
    %swap3A_19 = vector.load %arg6[%swap3A_17, %swap3A_18] : memref<512x8xf32, #tpu.memory_space<vmem>>, vector<512x8xf32>
    tpu.vector_store %arg6[%swap3A_17, %swap3A_18], %slice3A_16 {strides = array<i32>} : memref<512x8xf32, #tpu.memory_space<vmem>>, vector<512x8xf32>,
    %slice3A_20 = vector.extract_strided_slice %dot_general3A_5 {offsets = [0, 32], sizes = [512, 8], strides = [1, 1]} : vector<512x64xf32> to vector<512x8xf32>
    %swap3A_21 = arith.constant 0 : index
    %swap3A_22 = arith.constant 0 : index
    %swap3A_23 = vector.load %arg7[%swap3A_21, %swap3A_22] : memref<512x8xf32, #tpu.memory_space<vmem>>, vector<512x8xf32>
    tpu.vector_store %arg7[%swap3A_21, %swap3A_22], %slice3A_20 {strides = array<i32>} : memref<512x8xf32, #tpu.memory_space<vmem>>, vector<512x8xf32>,
    %slice3A_24 = vector.extract_strided_slice %dot_general3A_5 {offsets = [0, 40], sizes = [512, 8], strides = [1, 1]} : vector<512x64xf32> to vector<512x8xf32>
    %swap3A_25 = arith.constant 0 : index
    %swap3A_26 = arith.constant 0 : index
    %swap3A_27 = vector.load %arg8[%swap3A_25, %swap3A_26] : memref<512x8xf32, #tpu.memory_space<vmem>>, vector<512x8xf32>
    tpu.vector_store %arg8[%swap3A_25, %swap3A_26], %slice3A_24 {strides = array<i32>} : memref<512x8xf32, #tpu.memory_space<vmem>>, vector<512x8xf32>,
    %slice3A_28 = vector.extract_strided_slice %dot_general3A_5 {offsets = [0, 48], sizes = [512, 8], strides = [1, 1]} : vector<512x64xf32> to vector<512x8xf32>
    %swap3A_29 = arith.constant 0 : index
    %swap3A_30 = arith.constant 0 : index
    %swap3A_31 = vector.load %arg9[%swap3A_29, %swap3A_30] : memref<512x8xf32, #tpu.memory_space<vmem>>, vector<512x8xf32>
    tpu.vector_store %arg9[%swap3A_29, %swap3A_30], %slice3A_28 {strides = array<i32>} : memref<512x8xf32, #tpu.memory_space<vmem>>, vector<512x8xf32>,
    %slice3A_32 = vector.extract_strided_slice %dot_general3A_5 {offsets = [0, 56], sizes = [512, 8], strides = [1, 1]} : vector<512x64xf32> to vector<512x8xf32>
    %swap3A_33 = arith.constant 0 : index
    %swap3A_34 = arith.constant 0 : index
    %swap3A_35 = vector.load %arg10[%swap3A_33, %swap3A_34] : memref<512x8xf32, #tpu.memory_space<vmem>>, vector<512x8xf32>
    tpu.vector_store %arg10[%swap3A_33, %swap3A_34], %slice3A_32 {strides = array<i32>} : memref<512x8xf32, #tpu.memory_space<vmem>>, vector<512x8xf32>,
    return
  }
  func.func @transform_0(%arg0: i32) -> (i32, i32) {
    %c0_i32 = arith.constant 0 : i32
    %c0_i32_0 = arith.constant 0 : i32
    return %arg0, %c0_i32 : i32, i32
  }
  func.func @transform_1(%arg0: i32) -> (i32, i32) {
    %c0_i32 = arith.constant 0 : i32
    %c0_i32_0 = arith.constant 0 : i32
    %c0_i32_1 = arith.constant 0 : i32
    return %c0_i32, %c0_i32_0 : i32, i32
  }
  func.func @transform_2(%arg0: i32) -> (i32, i32) {
    %c0_i32 = arith.constant 0 : i32
    %c0_i32_0 = arith.constant 0 : i32
    return %arg0, %c0_i32 : i32, i32
  }
  func.func @transform_3(%arg0: i32) -> (i32, i32) {
    %c0_i32 = arith.constant 0 : i32
    %c0_i32_0 = arith.constant 0 : i32
    return %arg0, %c0_i32 : i32, i32
  }
  func.func @transform_4(%arg0: i32) -> (i32, i32) {
    %c0_i32 = arith.constant 0 : i32
    %c0_i32_0 = arith.constant 0 : i32
    return %arg0, %c0_i32 : i32, i32
  }
  func.func @transform_5(%arg0: i32) -> (i32, i32) {
    %c0_i32 = arith.constant 0 : i32
    %c0_i32_0 = arith.constant 0 : i32
    return %arg0, %c0_i32 : i32, i32
  }
  func.func @transform_6(%arg0: i32) -> (i32, i32) {
    %c0_i32 = arith.constant 0 : i32
    %c0_i32_0 = arith.constant 0 : i32
    return %arg0, %c0_i32 : i32, i32
  }
  func.func @transform_7(%arg0: i32) -> (i32, i32) {
    %c0_i32 = arith.constant 0 : i32
    %c0_i32_0 = arith.constant 0 : i32
    return %arg0, %c0_i32 : i32, i32
  }
  func.func @transform_8(%arg0: i32) -> (i32, i32) {
    %c0_i32 = arith.constant 0 : i32
    %c0_i32_0 = arith.constant 0 : i32
    return %arg0, %c0_i32 : i32, i32
  }
  func.func @transform_9(%arg0: i32) -> (i32, i32) {
    %c0_i32 = arith.constant 0 : i32
    %c0_i32_0 = arith.constant 0 : i32
    return %arg0, %c0_i32 : i32, i32
  }
}

module attributes {stable_mosaic.version = 14 : i64} {
  func.func @_tc_layer_body(%arg0: i32, %arg1: memref<512x8xf32, #tpu.memory_space<vmem>>, %arg2: memref<512x8xf32, #tpu.memory_space<vmem>>, %arg3: memref<512x8xf32, #tpu.memory_space<vmem>>, %arg4: memref<512x8xf32, #tpu.memory_space<vmem>>, %arg5: memref<512x8xf32, #tpu.memory_space<vmem>>, %arg6: memref<512x8xf32, #tpu.memory_space<vmem>>, %arg7: memref<512x8xf32, #tpu.memory_space<vmem>>, %arg8: memref<512x8xf32, #tpu.memory_space<vmem>>, %arg9: memref<512x16xf32, #tpu.memory_space<vmem>>, %arg10: memref<512x16xf32, #tpu.memory_space<vmem>>, %arg11: memref<512x16xf32, #tpu.memory_space<vmem>>, %arg12: memref<512x8xf32, #tpu.memory_space<vmem>>, %arg13: memref<512x8xf32, #tpu.memory_space<vmem>>, %arg14: memref<512x8xf32, #tpu.memory_space<vmem>>, %arg15: memref<512x8xf32, #tpu.memory_space<vmem>>, %arg16: memref<512x8xf32, #tpu.memory_space<vmem>>, %arg17: memref<512x8xf32, #tpu.memory_space<vmem>>, %arg18: memref<512x8xf32, #tpu.memory_space<vmem>>, %arg19: memref<512x8xf32, #tpu.memory_space<vmem>>, %arg20: memref<512x8xf32, #tpu.memory_space<vmem>>, %arg21: memref<176x128xf32, #tpu.memory_space<vmem>>, %arg22: memref<1x128xf32, #tpu.memory_space<vmem>>, %arg23: memref<512x8xf32, #tpu.memory_space<vmem>>, %arg24: memref<512x8xf32, #tpu.memory_space<vmem>>, %arg25: memref<512x8xf32, #tpu.memory_space<vmem>>, %arg26: memref<512x8xf32, #tpu.memory_space<vmem>>, %arg27: memref<512x8xf32, #tpu.memory_space<vmem>>, %arg28: memref<512x8xf32, #tpu.memory_space<vmem>>, %arg29: memref<512x8xf32, #tpu.memory_space<vmem>>, %arg30: memref<512x8xf32, #tpu.memory_space<vmem>>) attributes {dimension_semantics = [#tpu.dimension_semantics<arbitrary>], iteration_bounds = array<i64: 100>, scalar_prefetch = 0 : i64, scratch_operands = 0 : i64, tpu.core_type = #tpu.core_type<tc>, window_params = [{transform_indices = @transform_0, window_bounds = array<i64: 512, 8>}, {transform_indices = @transform_1, window_bounds = array<i64: 512, 8>}, {transform_indices = @transform_2, window_bounds = array<i64: 512, 8>}, {transform_indices = @transform_3, window_bounds = array<i64: 512, 8>}, {transform_indices = @transform_4, window_bounds = array<i64: 512, 8>}, {transform_indices = @transform_5, window_bounds = array<i64: 512, 8>}, {transform_indices = @transform_6, window_bounds = array<i64: 512, 8>}, {transform_indices = @transform_7, window_bounds = array<i64: 512, 8>}, {transform_indices = @transform_8, window_bounds = array<i64: 512, 16>}, {transform_indices = @transform_9, window_bounds = array<i64: 512, 16>}, {transform_indices = @transform_10, window_bounds = array<i64: 512, 16>}, {transform_indices = @transform_11, window_bounds = array<i64: 512, 8>}, {transform_indices = @transform_12, window_bounds = array<i64: 512, 8>}, {transform_indices = @transform_13, window_bounds = array<i64: 512, 8>}, {transform_indices = @transform_14, window_bounds = array<i64: 512, 8>}, {transform_indices = @transform_15, window_bounds = array<i64: 512, 8>}, {transform_indices = @transform_16, window_bounds = array<i64: 512, 8>}, {transform_indices = @transform_17, window_bounds = array<i64: 512, 8>}, {transform_indices = @transform_18, window_bounds = array<i64: 512, 8>}, {transform_indices = @transform_19, window_bounds = array<i64: 512, 8>}, {pipeline_mode = #tpu.pipeline_mode<synchronous>, transform_indices = @transform_20, window_bounds = array<i64: 176, 128>}, {pipeline_mode = #tpu.pipeline_mode<synchronous>, transform_indices = @transform_21, window_bounds = array<i64: 1, 128>}, {transform_indices = @transform_22, window_bounds = array<i64: 512, 8>}, {transform_indices = @transform_23, window_bounds = array<i64: 512, 8>}, {transform_indices = @transform_24, window_bounds = array<i64: 512, 8>}, {transform_indices = @transform_25, window_bounds = array<i64: 512, 8>}, {transform_indices = @transform_26, window_bounds = array<i64: 512, 8>}, {transform_indices = @transform_27, window_bounds = array<i64: 512, 8>}, {transform_indices = @transform_28, window_bounds = array<i64: 512, 8>}, {transform_indices = @transform_29, window_bounds = array<i64: 512, 8>}]} {
    %get3A = arith.constant 0 : index
    %get3A_0 = arith.constant 0 : index
    %get3A_1 = vector.load %arg20[%get3A, %get3A_0] : memref<512x8xf32, #tpu.memory_space<vmem>>, vector<512x8xf32>
    %slice3A = vector.extract_strided_slice %get3A_1 {offsets = [0, 0], sizes = [512, 1], strides = [1, 1]} : vector<512x8xf32> to vector<512x1xf32>
    %max3A = arith.constant 1.000000e+00 : f32
    %max3A_2 = vector.broadcast %max3A : f32 to vector<512x1xf32>
    %max3A_3 = arith.maximumf %slice3A, %max3A_2 : vector<512x1xf32>
    %div3A = arith.constant 1.000000e+00 : f32
    %div3A_4 = vector.broadcast %div3A : f32 to vector<512x1xf32>
    %div3A_5 = arith.divf %div3A_4, %max3A_3 : vector<512x1xf32>
    %gt3A = arith.constant 0.000000e+00 : f32
    %gt3A_6 = vector.broadcast %gt3A : f32 to vector<512x1xf32>
    %gt3A_7 = arith.cmpf ogt, %slice3A, %gt3A_6 : vector<512x1xf32>
    %convert_element_type3A = arith.extui %gt3A_7 : vector<512x1xi1> to vector<512x1xi32>
    %convert_element_type3A_8 = arith.sitofp %convert_element_type3A : vector<512x1xi32> to vector<512x1xf32>
    %get3A_9 = arith.constant 0 : index
    %get3A_10 = arith.constant 0 : index
    %get3A_11 = vector.load %arg1[%get3A_9, %get3A_10] : memref<512x8xf32, #tpu.memory_space<vmem>>, vector<512x8xf32>
    %get3A_12 = arith.constant 0 : index
    %get3A_13 = arith.constant 0 : index
    %get3A_14 = vector.load %arg2[%get3A_12, %get3A_13] : memref<512x8xf32, #tpu.memory_space<vmem>>, vector<512x8xf32>
    %get3A_15 = arith.constant 0 : index
    %get3A_16 = arith.constant 0 : index
    %get3A_17 = vector.load %arg3[%get3A_15, %get3A_16] : memref<512x8xf32, #tpu.memory_space<vmem>>, vector<512x8xf32>
    %get3A_18 = arith.constant 0 : index
    %get3A_19 = arith.constant 0 : index
    %get3A_20 = vector.load %arg4[%get3A_18, %get3A_19] : memref<512x8xf32, #tpu.memory_space<vmem>>, vector<512x8xf32>
    %get3A_21 = arith.constant 0 : index
    %get3A_22 = arith.constant 0 : index
    %get3A_23 = vector.load %arg5[%get3A_21, %get3A_22] : memref<512x8xf32, #tpu.memory_space<vmem>>, vector<512x8xf32>
    %get3A_24 = arith.constant 0 : index
    %get3A_25 = arith.constant 0 : index
    %get3A_26 = vector.load %arg6[%get3A_24, %get3A_25] : memref<512x8xf32, #tpu.memory_space<vmem>>, vector<512x8xf32>
    %get3A_27 = arith.constant 0 : index
    %get3A_28 = arith.constant 0 : index
    %get3A_29 = vector.load %arg7[%get3A_27, %get3A_28] : memref<512x8xf32, #tpu.memory_space<vmem>>, vector<512x8xf32>
    %get3A_30 = arith.constant 0 : index
    %get3A_31 = arith.constant 0 : index
    %get3A_32 = vector.load %arg8[%get3A_30, %get3A_31] : memref<512x8xf32, #tpu.memory_space<vmem>>, vector<512x8xf32>
    %concatenate3A = tpu.concatenate %get3A_11, %get3A_14, %get3A_17, %get3A_20, %get3A_23, %get3A_26, %get3A_29, %get3A_32 in 1 : vector<512x8xf32>, vector<512x8xf32>, vector<512x8xf32>, vector<512x8xf32>, vector<512x8xf32>, vector<512x8xf32>, vector<512x8xf32>, vector<512x8xf32> -> vector<512x64xf32>
    %mul3A = vector.broadcast %convert_element_type3A_8 : vector<512x1xf32> to vector<512x8xf32>
    %mul3A_33 = arith.mulf %get3A_11, %mul3A : vector<512x8xf32>
    %mul3A_34 = vector.broadcast %convert_element_type3A_8 : vector<512x1xf32> to vector<512x8xf32>
    %mul3A_35 = arith.mulf %get3A_14, %mul3A_34 : vector<512x8xf32>
    %mul3A_36 = vector.broadcast %convert_element_type3A_8 : vector<512x1xf32> to vector<512x8xf32>
    %mul3A_37 = arith.mulf %get3A_17, %mul3A_36 : vector<512x8xf32>
    %mul3A_38 = vector.broadcast %convert_element_type3A_8 : vector<512x1xf32> to vector<512x8xf32>
    %mul3A_39 = arith.mulf %get3A_20, %mul3A_38 : vector<512x8xf32>
    %mul3A_40 = vector.broadcast %convert_element_type3A_8 : vector<512x1xf32> to vector<512x8xf32>
    %mul3A_41 = arith.mulf %get3A_23, %mul3A_40 : vector<512x8xf32>
    %mul3A_42 = vector.broadcast %convert_element_type3A_8 : vector<512x1xf32> to vector<512x8xf32>
    %mul3A_43 = arith.mulf %get3A_26, %mul3A_42 : vector<512x8xf32>
    %mul3A_44 = vector.broadcast %convert_element_type3A_8 : vector<512x1xf32> to vector<512x8xf32>
    %mul3A_45 = arith.mulf %get3A_29, %mul3A_44 : vector<512x8xf32>
    %mul3A_46 = vector.broadcast %convert_element_type3A_8 : vector<512x1xf32> to vector<512x8xf32>
    %mul3A_47 = arith.mulf %get3A_32, %mul3A_46 : vector<512x8xf32>
    %get3A_48 = arith.constant 0 : index
    %get3A_49 = arith.constant 0 : index
    %get3A_50 = vector.load %arg9[%get3A_48, %get3A_49] : memref<512x16xf32, #tpu.memory_space<vmem>>, vector<512x16xf32>
    %mul3A_51 = vector.broadcast %div3A_5 : vector<512x1xf32> to vector<512x16xf32>
    %mul3A_52 = arith.mulf %get3A_50, %mul3A_51 : vector<512x16xf32>
    %get3A_53 = arith.constant 0 : index
    %get3A_54 = arith.constant 0 : index
    %get3A_55 = vector.load %arg10[%get3A_53, %get3A_54] : memref<512x16xf32, #tpu.memory_space<vmem>>, vector<512x16xf32>
    %mul3A_56 = vector.broadcast %div3A_5 : vector<512x1xf32> to vector<512x16xf32>
    %mul3A_57 = arith.mulf %get3A_55, %mul3A_56 : vector<512x16xf32>
    %get3A_58 = arith.constant 0 : index
    %get3A_59 = arith.constant 0 : index
    %get3A_60 = vector.load %arg11[%get3A_58, %get3A_59] : memref<512x16xf32, #tpu.memory_space<vmem>>, vector<512x16xf32>
    %mul3A_61 = vector.broadcast %div3A_5 : vector<512x1xf32> to vector<512x16xf32>
    %mul3A_62 = arith.mulf %get3A_60, %mul3A_61 : vector<512x16xf32>
    %get3A_63 = arith.constant 0 : index
    %get3A_64 = arith.constant 0 : index
    %get3A_65 = vector.load %arg12[%get3A_63, %get3A_64] : memref<512x8xf32, #tpu.memory_space<vmem>>, vector<512x8xf32>
    %mul3A_66 = vector.broadcast %div3A_5 : vector<512x1xf32> to vector<512x8xf32>
    %mul3A_67 = arith.mulf %get3A_65, %mul3A_66 : vector<512x8xf32>
    %get3A_68 = arith.constant 0 : index
    %get3A_69 = arith.constant 0 : index
    %get3A_70 = vector.load %arg13[%get3A_68, %get3A_69] : memref<512x8xf32, #tpu.memory_space<vmem>>, vector<512x8xf32>
    %mul3A_71 = vector.broadcast %div3A_5 : vector<512x1xf32> to vector<512x8xf32>
    %mul3A_72 = arith.mulf %get3A_70, %mul3A_71 : vector<512x8xf32>
    %get3A_73 = arith.constant 0 : index
    %get3A_74 = arith.constant 0 : index
    %get3A_75 = vector.load %arg14[%get3A_73, %get3A_74] : memref<512x8xf32, #tpu.memory_space<vmem>>, vector<512x8xf32>
    %mul3A_76 = vector.broadcast %div3A_5 : vector<512x1xf32> to vector<512x8xf32>
    %mul3A_77 = arith.mulf %get3A_75, %mul3A_76 : vector<512x8xf32>
    %get3A_78 = arith.constant 0 : index
    %get3A_79 = arith.constant 0 : index
    %get3A_80 = vector.load %arg15[%get3A_78, %get3A_79] : memref<512x8xf32, #tpu.memory_space<vmem>>, vector<512x8xf32>
    %mul3A_81 = vector.broadcast %div3A_5 : vector<512x1xf32> to vector<512x8xf32>
    %mul3A_82 = arith.mulf %get3A_80, %mul3A_81 : vector<512x8xf32>
    %get3A_83 = arith.constant 0 : index
    %get3A_84 = arith.constant 0 : index
    %get3A_85 = vector.load %arg16[%get3A_83, %get3A_84] : memref<512x8xf32, #tpu.memory_space<vmem>>, vector<512x8xf32>
    %mul3A_86 = vector.broadcast %div3A_5 : vector<512x1xf32> to vector<512x8xf32>
    %mul3A_87 = arith.mulf %get3A_85, %mul3A_86 : vector<512x8xf32>
    %get3A_88 = arith.constant 0 : index
    %get3A_89 = arith.constant 0 : index
    %get3A_90 = vector.load %arg17[%get3A_88, %get3A_89] : memref<512x8xf32, #tpu.memory_space<vmem>>, vector<512x8xf32>
    %mul3A_91 = vector.broadcast %div3A_5 : vector<512x1xf32> to vector<512x8xf32>
    %mul3A_92 = arith.mulf %get3A_90, %mul3A_91 : vector<512x8xf32>
    %get3A_93 = arith.constant 0 : index
    %get3A_94 = arith.constant 0 : index
    %get3A_95 = vector.load %arg18[%get3A_93, %get3A_94] : memref<512x8xf32, #tpu.memory_space<vmem>>, vector<512x8xf32>
    %mul3A_96 = vector.broadcast %div3A_5 : vector<512x1xf32> to vector<512x8xf32>
    %mul3A_97 = arith.mulf %get3A_95, %mul3A_96 : vector<512x8xf32>
    %get3A_98 = arith.constant 0 : index
    %get3A_99 = arith.constant 0 : index
    %get3A_100 = vector.load %arg19[%get3A_98, %get3A_99] : memref<512x8xf32, #tpu.memory_space<vmem>>, vector<512x8xf32>
    %mul3A_101 = vector.broadcast %div3A_5 : vector<512x1xf32> to vector<512x8xf32>
    %mul3A_102 = arith.mulf %get3A_100, %mul3A_101 : vector<512x8xf32>
    %concatenate3A_103 = tpu.concatenate %mul3A_33, %mul3A_35, %mul3A_37, %mul3A_39, %mul3A_41, %mul3A_43, %mul3A_45, %mul3A_47, %mul3A_52, %mul3A_57, %mul3A_62, %mul3A_67, %mul3A_72, %mul3A_77, %mul3A_82, %mul3A_87, %mul3A_92, %mul3A_97, %mul3A_102 in 1 : vector<512x8xf32>, vector<512x8xf32>, vector<512x8xf32>, vector<512x8xf32>, vector<512x8xf32>, vector<512x8xf32>, vector<512x8xf32>, vector<512x8xf32>, vector<512x16xf32>, vector<512x16xf32>, vector<512x16xf32>, vector<512x8xf32>, vector<512x8xf32>, vector<512x8xf32>, vector<512x8xf32>, vector<512x8xf32>, vector<512x8xf32>, vector<512x8xf32>, vector<512x8xf32> -> vector<512x176xf32>
    %get3A_104 = arith.constant 0 : index
    %get3A_105 = arith.constant 0 : index
    %get3A_106 = vector.load %arg21[%get3A_104, %get3A_105] : memref<176x128xf32, #tpu.memory_space<vmem>>, vector<176x128xf32>
    %dot_general3A = arith.constant dense<0.000000e+00> : vector<512x128xf32>
    %dot_general3A_107 = tpu.matmul %concatenate3A_103, %get3A_106, %dot_general3A {dimension_numbers = #tpu.dot_dimension_numbers<[1], [0], [0], [1], [0, 0, 1, 1], [], []>, transpose_lhs_hint = false} : vector<512x176xf32>, vector<176x128xf32>, vector<512x128xf32> -> vector<512x128xf32>
    %get3A_108 = arith.constant 0 : index
    %get3A_109 = arith.constant 0 : index
    %get3A_110 = vector.load %arg22[%get3A_108, %get3A_109] : memref<1x128xf32, #tpu.memory_space<vmem>>, vector<1x128xf32>
    %add3A = vector.broadcast %get3A_110 : vector<1x128xf32> to vector<512x128xf32>
    %add3A_111 = arith.addf %dot_general3A_107, %add3A : vector<512x128xf32>
    %slice3A_112 = vector.extract_strided_slice %add3A_111 {offsets = [0, 0], sizes = [512, 64], strides = [1, 1]} : vector<512x128xf32> to vector<512x64xf32>
    %slice3A_113 = vector.extract_strided_slice %add3A_111 {offsets = [0, 64], sizes = [512, 64], strides = [1, 1]} : vector<512x128xf32> to vector<512x64xf32>
    %logistic3A = arith.negf %slice3A_112 : vector<512x64xf32>
    %logistic3A_114 = math.exp %logistic3A : vector<512x64xf32>
    %logistic3A_115 = arith.constant 1.000000e+00 : f32
    %logistic3A_116 = vector.broadcast %logistic3A_115 : f32 to vector<512x64xf32>
    %logistic3A_117 = arith.addf %logistic3A_116, %logistic3A_114 : vector<512x64xf32>
    %logistic3A_118 = arith.divf %logistic3A_116, %logistic3A_117 : vector<512x64xf32>
    %max3A_119 = arith.constant 0.000000e+00 : f32
    %max3A_120 = vector.broadcast %max3A_119 : f32 to vector<512x64xf32>
    %max3A_121 = arith.maximumf %slice3A_113, %max3A_120 : vector<512x64xf32>
    %abs3A = math.absf %slice3A_113 : vector<512x64xf32>
    %neg3A = arith.constant 0.000000e+00 : f32
    %neg3A_122 = vector.broadcast %neg3A : f32 to vector<512x64xf32>
    %neg3A_123 = arith.subf %neg3A_122, %abs3A : vector<512x64xf32>
    %exp3A = math.exp %neg3A_123 : vector<512x64xf32>
    %log1p3A = math.log1p %exp3A : vector<512x64xf32>
    %add3A_124 = arith.addf %max3A_121, %log1p3A : vector<512x64xf32>
    %mul3A_125 = arith.mulf %logistic3A_118, %add3A_124 : vector<512x64xf32>
    %add3A_126 = arith.addf %mul3A_125, %concatenate3A : vector<512x64xf32>
    %max3A_127 = arith.constant 0.000000e+00 : f32
    %max3A_128 = vector.broadcast %max3A_127 : f32 to vector<512x64xf32>
    %max3A_129 = arith.maximumf %add3A_126, %max3A_128 : vector<512x64xf32>
    %abs3A_130 = math.absf %add3A_126 : vector<512x64xf32>
    %neg3A_131 = arith.constant 0.000000e+00 : f32
    %neg3A_132 = vector.broadcast %neg3A_131 : f32 to vector<512x64xf32>
    %neg3A_133 = arith.subf %neg3A_132, %abs3A_130 : vector<512x64xf32>
    %exp3A_134 = math.exp %neg3A_133 : vector<512x64xf32>
    %log1p3A_135 = math.log1p %exp3A_134 : vector<512x64xf32>
    %add3A_136 = arith.addf %max3A_129, %log1p3A_135 : vector<512x64xf32>
    %slice3A_137 = vector.extract_strided_slice %add3A_136 {offsets = [0, 0], sizes = [512, 8], strides = [1, 1]} : vector<512x64xf32> to vector<512x8xf32>
    %swap3A = arith.constant 0 : index
    %swap3A_138 = arith.constant 0 : index
    %swap3A_139 = vector.load %arg23[%swap3A, %swap3A_138] : memref<512x8xf32, #tpu.memory_space<vmem>>, vector<512x8xf32>
    tpu.vector_store %arg23[%swap3A, %swap3A_138], %slice3A_137 {strides = array<i32>} : memref<512x8xf32, #tpu.memory_space<vmem>>, vector<512x8xf32>,
    %slice3A_140 = vector.extract_strided_slice %add3A_136 {offsets = [0, 8], sizes = [512, 8], strides = [1, 1]} : vector<512x64xf32> to vector<512x8xf32>
    %swap3A_141 = arith.constant 0 : index
    %swap3A_142 = arith.constant 0 : index
    %swap3A_143 = vector.load %arg24[%swap3A_141, %swap3A_142] : memref<512x8xf32, #tpu.memory_space<vmem>>, vector<512x8xf32>
    tpu.vector_store %arg24[%swap3A_141, %swap3A_142], %slice3A_140 {strides = array<i32>} : memref<512x8xf32, #tpu.memory_space<vmem>>, vector<512x8xf32>,
    %slice3A_144 = vector.extract_strided_slice %add3A_136 {offsets = [0, 16], sizes = [512, 8], strides = [1, 1]} : vector<512x64xf32> to vector<512x8xf32>
    %swap3A_145 = arith.constant 0 : index
    %swap3A_146 = arith.constant 0 : index
    %swap3A_147 = vector.load %arg25[%swap3A_145, %swap3A_146] : memref<512x8xf32, #tpu.memory_space<vmem>>, vector<512x8xf32>
    tpu.vector_store %arg25[%swap3A_145, %swap3A_146], %slice3A_144 {strides = array<i32>} : memref<512x8xf32, #tpu.memory_space<vmem>>, vector<512x8xf32>,
    %slice3A_148 = vector.extract_strided_slice %add3A_136 {offsets = [0, 24], sizes = [512, 8], strides = [1, 1]} : vector<512x64xf32> to vector<512x8xf32>
    %swap3A_149 = arith.constant 0 : index
    %swap3A_150 = arith.constant 0 : index
    %swap3A_151 = vector.load %arg26[%swap3A_149, %swap3A_150] : memref<512x8xf32, #tpu.memory_space<vmem>>, vector<512x8xf32>
    tpu.vector_store %arg26[%swap3A_149, %swap3A_150], %slice3A_148 {strides = array<i32>} : memref<512x8xf32, #tpu.memory_space<vmem>>, vector<512x8xf32>,
    %slice3A_152 = vector.extract_strided_slice %add3A_136 {offsets = [0, 32], sizes = [512, 8], strides = [1, 1]} : vector<512x64xf32> to vector<512x8xf32>
    %swap3A_153 = arith.constant 0 : index
    %swap3A_154 = arith.constant 0 : index
    %swap3A_155 = vector.load %arg27[%swap3A_153, %swap3A_154] : memref<512x8xf32, #tpu.memory_space<vmem>>, vector<512x8xf32>
    tpu.vector_store %arg27[%swap3A_153, %swap3A_154], %slice3A_152 {strides = array<i32>} : memref<512x8xf32, #tpu.memory_space<vmem>>, vector<512x8xf32>,
    %slice3A_156 = vector.extract_strided_slice %add3A_136 {offsets = [0, 40], sizes = [512, 8], strides = [1, 1]} : vector<512x64xf32> to vector<512x8xf32>
    %swap3A_157 = arith.constant 0 : index
    %swap3A_158 = arith.constant 0 : index
    %swap3A_159 = vector.load %arg28[%swap3A_157, %swap3A_158] : memref<512x8xf32, #tpu.memory_space<vmem>>, vector<512x8xf32>
    tpu.vector_store %arg28[%swap3A_157, %swap3A_158], %slice3A_156 {strides = array<i32>} : memref<512x8xf32, #tpu.memory_space<vmem>>, vector<512x8xf32>,
    %slice3A_160 = vector.extract_strided_slice %add3A_136 {offsets = [0, 48], sizes = [512, 8], strides = [1, 1]} : vector<512x64xf32> to vector<512x8xf32>
    %swap3A_161 = arith.constant 0 : index
    %swap3A_162 = arith.constant 0 : index
    %swap3A_163 = vector.load %arg29[%swap3A_161, %swap3A_162] : memref<512x8xf32, #tpu.memory_space<vmem>>, vector<512x8xf32>
    tpu.vector_store %arg29[%swap3A_161, %swap3A_162], %slice3A_160 {strides = array<i32>} : memref<512x8xf32, #tpu.memory_space<vmem>>, vector<512x8xf32>,
    %slice3A_164 = vector.extract_strided_slice %add3A_136 {offsets = [0, 56], sizes = [512, 8], strides = [1, 1]} : vector<512x64xf32> to vector<512x8xf32>
    %swap3A_165 = arith.constant 0 : index
    %swap3A_166 = arith.constant 0 : index
    %swap3A_167 = vector.load %arg30[%swap3A_165, %swap3A_166] : memref<512x8xf32, #tpu.memory_space<vmem>>, vector<512x8xf32>
    tpu.vector_store %arg30[%swap3A_165, %swap3A_166], %slice3A_164 {strides = array<i32>} : memref<512x8xf32, #tpu.memory_space<vmem>>, vector<512x8xf32>,
    return
  }
  func.func @transform_0(%arg0: i32) -> (i32, i32) {
    %c0_i32 = arith.constant 0 : i32
    %c0_i32_0 = arith.constant 0 : i32
    return %arg0, %c0_i32 : i32, i32
  }
  func.func @transform_1(%arg0: i32) -> (i32, i32) {
    %c0_i32 = arith.constant 0 : i32
    %c0_i32_0 = arith.constant 0 : i32
    return %arg0, %c0_i32 : i32, i32
  }
  func.func @transform_2(%arg0: i32) -> (i32, i32) {
    %c0_i32 = arith.constant 0 : i32
    %c0_i32_0 = arith.constant 0 : i32
    return %arg0, %c0_i32 : i32, i32
  }
  func.func @transform_3(%arg0: i32) -> (i32, i32) {
    %c0_i32 = arith.constant 0 : i32
    %c0_i32_0 = arith.constant 0 : i32
    return %arg0, %c0_i32 : i32, i32
  }
  func.func @transform_4(%arg0: i32) -> (i32, i32) {
    %c0_i32 = arith.constant 0 : i32
    %c0_i32_0 = arith.constant 0 : i32
    return %arg0, %c0_i32 : i32, i32
  }
  func.func @transform_5(%arg0: i32) -> (i32, i32) {
    %c0_i32 = arith.constant 0 : i32
    %c0_i32_0 = arith.constant 0 : i32
    return %arg0, %c0_i32 : i32, i32
  }
  func.func @transform_6(%arg0: i32) -> (i32, i32) {
    %c0_i32 = arith.constant 0 : i32
    %c0_i32_0 = arith.constant 0 : i32
    return %arg0, %c0_i32 : i32, i32
  }
  func.func @transform_7(%arg0: i32) -> (i32, i32) {
    %c0_i32 = arith.constant 0 : i32
    %c0_i32_0 = arith.constant 0 : i32
    return %arg0, %c0_i32 : i32, i32
  }
  func.func @transform_8(%arg0: i32) -> (i32, i32) {
    %c0_i32 = arith.constant 0 : i32
    %c0_i32_0 = arith.constant 0 : i32
    return %arg0, %c0_i32 : i32, i32
  }
  func.func @transform_9(%arg0: i32) -> (i32, i32) {
    %c0_i32 = arith.constant 0 : i32
    %c0_i32_0 = arith.constant 0 : i32
    return %arg0, %c0_i32 : i32, i32
  }
  func.func @transform_10(%arg0: i32) -> (i32, i32) {
    %c0_i32 = arith.constant 0 : i32
    %c0_i32_0 = arith.constant 0 : i32
    return %arg0, %c0_i32 : i32, i32
  }
  func.func @transform_11(%arg0: i32) -> (i32, i32) {
    %c0_i32 = arith.constant 0 : i32
    %c0_i32_0 = arith.constant 0 : i32
    return %arg0, %c0_i32 : i32, i32
  }
  func.func @transform_12(%arg0: i32) -> (i32, i32) {
    %c0_i32 = arith.constant 0 : i32
    %c0_i32_0 = arith.constant 0 : i32
    return %arg0, %c0_i32 : i32, i32
  }
  func.func @transform_13(%arg0: i32) -> (i32, i32) {
    %c0_i32 = arith.constant 0 : i32
    %c0_i32_0 = arith.constant 0 : i32
    return %arg0, %c0_i32 : i32, i32
  }
  func.func @transform_14(%arg0: i32) -> (i32, i32) {
    %c0_i32 = arith.constant 0 : i32
    %c0_i32_0 = arith.constant 0 : i32
    return %arg0, %c0_i32 : i32, i32
  }
  func.func @transform_15(%arg0: i32) -> (i32, i32) {
    %c0_i32 = arith.constant 0 : i32
    %c0_i32_0 = arith.constant 0 : i32
    return %arg0, %c0_i32 : i32, i32
  }
  func.func @transform_16(%arg0: i32) -> (i32, i32) {
    %c0_i32 = arith.constant 0 : i32
    %c0_i32_0 = arith.constant 0 : i32
    return %arg0, %c0_i32 : i32, i32
  }
  func.func @transform_17(%arg0: i32) -> (i32, i32) {
    %c0_i32 = arith.constant 0 : i32
    %c0_i32_0 = arith.constant 0 : i32
    return %arg0, %c0_i32 : i32, i32
  }
  func.func @transform_18(%arg0: i32) -> (i32, i32) {
    %c0_i32 = arith.constant 0 : i32
    %c0_i32_0 = arith.constant 0 : i32
    return %arg0, %c0_i32 : i32, i32
  }
  func.func @transform_19(%arg0: i32) -> (i32, i32) {
    %c0_i32 = arith.constant 0 : i32
    %c0_i32_0 = arith.constant 0 : i32
    return %arg0, %c0_i32 : i32, i32
  }
  func.func @transform_20(%arg0: i32) -> (i32, i32) {
    %c0_i32 = arith.constant 0 : i32
    %c0_i32_0 = arith.constant 0 : i32
    %c0_i32_1 = arith.constant 0 : i32
    return %c0_i32, %c0_i32_0 : i32, i32
  }
  func.func @transform_21(%arg0: i32) -> (i32, i32) {
    %c0_i32 = arith.constant 0 : i32
    %c0_i32_0 = arith.constant 0 : i32
    %c0_i32_1 = arith.constant 0 : i32
    return %c0_i32, %c0_i32_0 : i32, i32
  }
  func.func @transform_22(%arg0: i32) -> (i32, i32) {
    %c0_i32 = arith.constant 0 : i32
    %c0_i32_0 = arith.constant 0 : i32
    return %arg0, %c0_i32 : i32, i32
  }
  func.func @transform_23(%arg0: i32) -> (i32, i32) {
    %c0_i32 = arith.constant 0 : i32
    %c0_i32_0 = arith.constant 0 : i32
    return %arg0, %c0_i32 : i32, i32
  }
  func.func @transform_24(%arg0: i32) -> (i32, i32) {
    %c0_i32 = arith.constant 0 : i32
    %c0_i32_0 = arith.constant 0 : i32
    return %arg0, %c0_i32 : i32, i32
  }
  func.func @transform_25(%arg0: i32) -> (i32, i32) {
    %c0_i32 = arith.constant 0 : i32
    %c0_i32_0 = arith.constant 0 : i32
    return %arg0, %c0_i32 : i32, i32
  }
  func.func @transform_26(%arg0: i32) -> (i32, i32) {
    %c0_i32 = arith.constant 0 : i32
    %c0_i32_0 = arith.constant 0 : i32
    return %arg0, %c0_i32 : i32, i32
  }
  func.func @transform_27(%arg0: i32) -> (i32, i32) {
    %c0_i32 = arith.constant 0 : i32
    %c0_i32_0 = arith.constant 0 : i32
    return %arg0, %c0_i32 : i32, i32
  }
  func.func @transform_28(%arg0: i32) -> (i32, i32) {
    %c0_i32 = arith.constant 0 : i32
    %c0_i32_0 = arith.constant 0 : i32
    return %arg0, %c0_i32 : i32, i32
  }
  func.func @transform_29(%arg0: i32) -> (i32, i32) {
    %c0_i32 = arith.constant 0 : i32
    %c0_i32_0 = arith.constant 0 : i32
    return %arg0, %c0_i32 : i32, i32
  }
}

module attributes {stable_mosaic.version = 14 : i64} {
  func.func @_tc_scale_body(%arg0: i32, %arg1: memref<512x8xf32, #tpu.memory_space<vmem>>, %arg2: memref<512x8xf32, #tpu.memory_space<vmem>>, %arg3: memref<512x8xf32, #tpu.memory_space<vmem>>, %arg4: memref<512x8xf32, #tpu.memory_space<vmem>>, %arg5: memref<512x8xf32, #tpu.memory_space<vmem>>, %arg6: memref<512x8xf32, #tpu.memory_space<vmem>>, %arg7: memref<512x8xf32, #tpu.memory_space<vmem>>, %arg8: memref<512x8xf32, #tpu.memory_space<vmem>>, %arg9: memref<512x8xf32, #tpu.memory_space<vmem>>, %arg10: memref<512x8xf32, #tpu.memory_space<vmem>>, %arg11: memref<512x8xf32, #tpu.memory_space<vmem>>, %arg12: memref<512x8xf32, #tpu.memory_space<vmem>>, %arg13: memref<512x8xf32, #tpu.memory_space<vmem>>, %arg14: memref<512x8xf32, #tpu.memory_space<vmem>>, %arg15: memref<512x8xf32, #tpu.memory_space<vmem>>, %arg16: memref<512x8xf32, #tpu.memory_space<vmem>>, %arg17: memref<512x8xf32, #tpu.memory_space<vmem>>) attributes {dimension_semantics = [#tpu.dimension_semantics<arbitrary>], iteration_bounds = array<i64: 100>, scalar_prefetch = 0 : i64, scratch_operands = 0 : i64, tpu.core_type = #tpu.core_type<tc>, window_params = [{transform_indices = @transform_0, window_bounds = array<i64: 512, 8>}, {transform_indices = @transform_1, window_bounds = array<i64: 512, 8>}, {transform_indices = @transform_2, window_bounds = array<i64: 512, 8>}, {transform_indices = @transform_3, window_bounds = array<i64: 512, 8>}, {transform_indices = @transform_4, window_bounds = array<i64: 512, 8>}, {transform_indices = @transform_5, window_bounds = array<i64: 512, 8>}, {transform_indices = @transform_6, window_bounds = array<i64: 512, 8>}, {transform_indices = @transform_7, window_bounds = array<i64: 512, 8>}, {transform_indices = @transform_8, window_bounds = array<i64: 512, 8>}, {transform_indices = @transform_9, window_bounds = array<i64: 512, 8>}, {transform_indices = @transform_10, window_bounds = array<i64: 512, 8>}, {transform_indices = @transform_11, window_bounds = array<i64: 512, 8>}, {transform_indices = @transform_12, window_bounds = array<i64: 512, 8>}, {transform_indices = @transform_13, window_bounds = array<i64: 512, 8>}, {transform_indices = @transform_14, window_bounds = array<i64: 512, 8>}, {transform_indices = @transform_15, window_bounds = array<i64: 512, 8>}, {transform_indices = @transform_16, window_bounds = array<i64: 512, 8>}]} {
    %get3A = arith.constant 0 : index
    %get3A_0 = arith.constant 0 : index
    %get3A_1 = vector.load %arg9[%get3A, %get3A_0] : memref<512x8xf32, #tpu.memory_space<vmem>>, vector<512x8xf32>
    %slice3A = vector.extract_strided_slice %get3A_1 {offsets = [0, 0], sizes = [512, 1], strides = [1, 1]} : vector<512x8xf32> to vector<512x1xf32>
    %max3A = arith.constant 1.000000e+00 : f32
    %max3A_2 = vector.broadcast %max3A : f32 to vector<512x1xf32>
    %max3A_3 = arith.maximumf %slice3A, %max3A_2 : vector<512x1xf32>
    %div3A = arith.constant 1.000000e+00 : f32
    %div3A_4 = vector.broadcast %div3A : f32 to vector<512x1xf32>
    %div3A_5 = arith.divf %div3A_4, %max3A_3 : vector<512x1xf32>
    %get3A_6 = arith.constant 0 : index
    %get3A_7 = arith.constant 0 : index
    %get3A_8 = vector.load %arg1[%get3A_6, %get3A_7] : memref<512x8xf32, #tpu.memory_space<vmem>>, vector<512x8xf32>
    %mul3A = vector.broadcast %div3A_5 : vector<512x1xf32> to vector<512x8xf32>
    %mul3A_9 = arith.mulf %get3A_8, %mul3A : vector<512x8xf32>
    %swap3A = arith.constant 0 : index
    %swap3A_10 = arith.constant 0 : index
    %swap3A_11 = vector.load %arg10[%swap3A, %swap3A_10] : memref<512x8xf32, #tpu.memory_space<vmem>>, vector<512x8xf32>
    tpu.vector_store %arg10[%swap3A, %swap3A_10], %mul3A_9 {strides = array<i32>} : memref<512x8xf32, #tpu.memory_space<vmem>>, vector<512x8xf32>,
    %get3A_12 = arith.constant 0 : index
    %get3A_13 = arith.constant 0 : index
    %get3A_14 = vector.load %arg2[%get3A_12, %get3A_13] : memref<512x8xf32, #tpu.memory_space<vmem>>, vector<512x8xf32>
    %mul3A_15 = vector.broadcast %div3A_5 : vector<512x1xf32> to vector<512x8xf32>
    %mul3A_16 = arith.mulf %get3A_14, %mul3A_15 : vector<512x8xf32>
    %swap3A_17 = arith.constant 0 : index
    %swap3A_18 = arith.constant 0 : index
    %swap3A_19 = vector.load %arg11[%swap3A_17, %swap3A_18] : memref<512x8xf32, #tpu.memory_space<vmem>>, vector<512x8xf32>
    tpu.vector_store %arg11[%swap3A_17, %swap3A_18], %mul3A_16 {strides = array<i32>} : memref<512x8xf32, #tpu.memory_space<vmem>>, vector<512x8xf32>,
    %get3A_20 = arith.constant 0 : index
    %get3A_21 = arith.constant 0 : index
    %get3A_22 = vector.load %arg3[%get3A_20, %get3A_21] : memref<512x8xf32, #tpu.memory_space<vmem>>, vector<512x8xf32>
    %mul3A_23 = vector.broadcast %div3A_5 : vector<512x1xf32> to vector<512x8xf32>
    %mul3A_24 = arith.mulf %get3A_22, %mul3A_23 : vector<512x8xf32>
    %swap3A_25 = arith.constant 0 : index
    %swap3A_26 = arith.constant 0 : index
    %swap3A_27 = vector.load %arg12[%swap3A_25, %swap3A_26] : memref<512x8xf32, #tpu.memory_space<vmem>>, vector<512x8xf32>
    tpu.vector_store %arg12[%swap3A_25, %swap3A_26], %mul3A_24 {strides = array<i32>} : memref<512x8xf32, #tpu.memory_space<vmem>>, vector<512x8xf32>,
    %get3A_28 = arith.constant 0 : index
    %get3A_29 = arith.constant 0 : index
    %get3A_30 = vector.load %arg4[%get3A_28, %get3A_29] : memref<512x8xf32, #tpu.memory_space<vmem>>, vector<512x8xf32>
    %mul3A_31 = vector.broadcast %div3A_5 : vector<512x1xf32> to vector<512x8xf32>
    %mul3A_32 = arith.mulf %get3A_30, %mul3A_31 : vector<512x8xf32>
    %swap3A_33 = arith.constant 0 : index
    %swap3A_34 = arith.constant 0 : index
    %swap3A_35 = vector.load %arg13[%swap3A_33, %swap3A_34] : memref<512x8xf32, #tpu.memory_space<vmem>>, vector<512x8xf32>
    tpu.vector_store %arg13[%swap3A_33, %swap3A_34], %mul3A_32 {strides = array<i32>} : memref<512x8xf32, #tpu.memory_space<vmem>>, vector<512x8xf32>,
    %get3A_36 = arith.constant 0 : index
    %get3A_37 = arith.constant 0 : index
    %get3A_38 = vector.load %arg5[%get3A_36, %get3A_37] : memref<512x8xf32, #tpu.memory_space<vmem>>, vector<512x8xf32>
    %mul3A_39 = vector.broadcast %div3A_5 : vector<512x1xf32> to vector<512x8xf32>
    %mul3A_40 = arith.mulf %get3A_38, %mul3A_39 : vector<512x8xf32>
    %swap3A_41 = arith.constant 0 : index
    %swap3A_42 = arith.constant 0 : index
    %swap3A_43 = vector.load %arg14[%swap3A_41, %swap3A_42] : memref<512x8xf32, #tpu.memory_space<vmem>>, vector<512x8xf32>
    tpu.vector_store %arg14[%swap3A_41, %swap3A_42], %mul3A_40 {strides = array<i32>} : memref<512x8xf32, #tpu.memory_space<vmem>>, vector<512x8xf32>,
    %get3A_44 = arith.constant 0 : index
    %get3A_45 = arith.constant 0 : index
    %get3A_46 = vector.load %arg6[%get3A_44, %get3A_45] : memref<512x8xf32, #tpu.memory_space<vmem>>, vector<512x8xf32>
    %mul3A_47 = vector.broadcast %div3A_5 : vector<512x1xf32> to vector<512x8xf32>
    %mul3A_48 = arith.mulf %get3A_46, %mul3A_47 : vector<512x8xf32>
    %swap3A_49 = arith.constant 0 : index
    %swap3A_50 = arith.constant 0 : index
    %swap3A_51 = vector.load %arg15[%swap3A_49, %swap3A_50] : memref<512x8xf32, #tpu.memory_space<vmem>>, vector<512x8xf32>
    tpu.vector_store %arg15[%swap3A_49, %swap3A_50], %mul3A_48 {strides = array<i32>} : memref<512x8xf32, #tpu.memory_space<vmem>>, vector<512x8xf32>,
    %get3A_52 = arith.constant 0 : index
    %get3A_53 = arith.constant 0 : index
    %get3A_54 = vector.load %arg7[%get3A_52, %get3A_53] : memref<512x8xf32, #tpu.memory_space<vmem>>, vector<512x8xf32>
    %mul3A_55 = vector.broadcast %div3A_5 : vector<512x1xf32> to vector<512x8xf32>
    %mul3A_56 = arith.mulf %get3A_54, %mul3A_55 : vector<512x8xf32>
    %swap3A_57 = arith.constant 0 : index
    %swap3A_58 = arith.constant 0 : index
    %swap3A_59 = vector.load %arg16[%swap3A_57, %swap3A_58] : memref<512x8xf32, #tpu.memory_space<vmem>>, vector<512x8xf32>
    tpu.vector_store %arg16[%swap3A_57, %swap3A_58], %mul3A_56 {strides = array<i32>} : memref<512x8xf32, #tpu.memory_space<vmem>>, vector<512x8xf32>,
    %get3A_60 = arith.constant 0 : index
    %get3A_61 = arith.constant 0 : index
    %get3A_62 = vector.load %arg8[%get3A_60, %get3A_61] : memref<512x8xf32, #tpu.memory_space<vmem>>, vector<512x8xf32>
    %mul3A_63 = vector.broadcast %div3A_5 : vector<512x1xf32> to vector<512x8xf32>
    %mul3A_64 = arith.mulf %get3A_62, %mul3A_63 : vector<512x8xf32>
    %swap3A_65 = arith.constant 0 : index
    %swap3A_66 = arith.constant 0 : index
    %swap3A_67 = vector.load %arg17[%swap3A_65, %swap3A_66] : memref<512x8xf32, #tpu.memory_space<vmem>>, vector<512x8xf32>
    tpu.vector_store %arg17[%swap3A_65, %swap3A_66], %mul3A_64 {strides = array<i32>} : memref<512x8xf32, #tpu.memory_space<vmem>>, vector<512x8xf32>,
    return
  }
  func.func @transform_0(%arg0: i32) -> (i32, i32) {
    %c0_i32 = arith.constant 0 : i32
    %c0_i32_0 = arith.constant 0 : i32
    return %arg0, %c0_i32 : i32, i32
  }
  func.func @transform_1(%arg0: i32) -> (i32, i32) {
    %c0_i32 = arith.constant 0 : i32
    %c0_i32_0 = arith.constant 0 : i32
    return %arg0, %c0_i32 : i32, i32
  }
  func.func @transform_2(%arg0: i32) -> (i32, i32) {
    %c0_i32 = arith.constant 0 : i32
    %c0_i32_0 = arith.constant 0 : i32
    return %arg0, %c0_i32 : i32, i32
  }
  func.func @transform_3(%arg0: i32) -> (i32, i32) {
    %c0_i32 = arith.constant 0 : i32
    %c0_i32_0 = arith.constant 0 : i32
    return %arg0, %c0_i32 : i32, i32
  }
  func.func @transform_4(%arg0: i32) -> (i32, i32) {
    %c0_i32 = arith.constant 0 : i32
    %c0_i32_0 = arith.constant 0 : i32
    return %arg0, %c0_i32 : i32, i32
  }
  func.func @transform_5(%arg0: i32) -> (i32, i32) {
    %c0_i32 = arith.constant 0 : i32
    %c0_i32_0 = arith.constant 0 : i32
    return %arg0, %c0_i32 : i32, i32
  }
  func.func @transform_6(%arg0: i32) -> (i32, i32) {
    %c0_i32 = arith.constant 0 : i32
    %c0_i32_0 = arith.constant 0 : i32
    return %arg0, %c0_i32 : i32, i32
  }
  func.func @transform_7(%arg0: i32) -> (i32, i32) {
    %c0_i32 = arith.constant 0 : i32
    %c0_i32_0 = arith.constant 0 : i32
    return %arg0, %c0_i32 : i32, i32
  }
  func.func @transform_8(%arg0: i32) -> (i32, i32) {
    %c0_i32 = arith.constant 0 : i32
    %c0_i32_0 = arith.constant 0 : i32
    return %arg0, %c0_i32 : i32, i32
  }
  func.func @transform_9(%arg0: i32) -> (i32, i32) {
    %c0_i32 = arith.constant 0 : i32
    %c0_i32_0 = arith.constant 0 : i32
    return %arg0, %c0_i32 : i32, i32
  }
  func.func @transform_10(%arg0: i32) -> (i32, i32) {
    %c0_i32 = arith.constant 0 : i32
    %c0_i32_0 = arith.constant 0 : i32
    return %arg0, %c0_i32 : i32, i32
  }
  func.func @transform_11(%arg0: i32) -> (i32, i32) {
    %c0_i32 = arith.constant 0 : i32
    %c0_i32_0 = arith.constant 0 : i32
    return %arg0, %c0_i32 : i32, i32
  }
  func.func @transform_12(%arg0: i32) -> (i32, i32) {
    %c0_i32 = arith.constant 0 : i32
    %c0_i32_0 = arith.constant 0 : i32
    return %arg0, %c0_i32 : i32, i32
  }
  func.func @transform_13(%arg0: i32) -> (i32, i32) {
    %c0_i32 = arith.constant 0 : i32
    %c0_i32_0 = arith.constant 0 : i32
    return %arg0, %c0_i32 : i32, i32
  }
  func.func @transform_14(%arg0: i32) -> (i32, i32) {
    %c0_i32 = arith.constant 0 : i32
    %c0_i32_0 = arith.constant 0 : i32
    return %arg0, %c0_i32 : i32, i32
  }
  func.func @transform_15(%arg0: i32) -> (i32, i32) {
    %c0_i32 = arith.constant 0 : i32
    %c0_i32_0 = arith.constant 0 : i32
    return %arg0, %c0_i32 : i32, i32
  }
  func.func @transform_16(%arg0: i32) -> (i32, i32) {
    %c0_i32 = arith.constant 0 : i32
    %c0_i32_0 = arith.constant 0 : i32
    return %arg0, %c0_i32 : i32, i32
  }
}

module attributes {stable_mosaic.version = 14 : i64} {
  func.func @_tc_out_body(%arg0: i32, %arg1: memref<512x8xf32, #tpu.memory_space<vmem>>, %arg2: memref<512x8xf32, #tpu.memory_space<vmem>>, %arg3: memref<512x8xf32, #tpu.memory_space<vmem>>, %arg4: memref<512x8xf32, #tpu.memory_space<vmem>>, %arg5: memref<512x8xf32, #tpu.memory_space<vmem>>, %arg6: memref<512x8xf32, #tpu.memory_space<vmem>>, %arg7: memref<512x8xf32, #tpu.memory_space<vmem>>, %arg8: memref<512x8xf32, #tpu.memory_space<vmem>>, %arg9: memref<1x1x512xi32, #tpu.memory_space<vmem>>, %arg10: memref<64x128xf32, #tpu.memory_space<vmem>>, %arg11: memref<1x128xf32, #tpu.memory_space<vmem>>, %arg12: memref<128x8xf32, #tpu.memory_space<vmem>>, %arg13: memref<1x8xf32, #tpu.memory_space<vmem>>, %arg14: memref<64x1xf32, #tpu.memory_space<vmem>>, %arg15: memref<64x64xf32, #tpu.memory_space<vmem>>, %arg16: memref<64x128xf32, #tpu.memory_space<vmem>>) attributes {dimension_semantics = [#tpu.dimension_semantics<arbitrary>], iteration_bounds = array<i64: 100>, scalar_prefetch = 0 : i64, scratch_operands = 2 : i64, tpu.core_type = #tpu.core_type<tc>, window_params = [{transform_indices = @transform_0, window_bounds = array<i64: 512, 8>}, {transform_indices = @transform_1, window_bounds = array<i64: 512, 8>}, {transform_indices = @transform_2, window_bounds = array<i64: 512, 8>}, {transform_indices = @transform_3, window_bounds = array<i64: 512, 8>}, {transform_indices = @transform_4, window_bounds = array<i64: 512, 8>}, {transform_indices = @transform_5, window_bounds = array<i64: 512, 8>}, {transform_indices = @transform_6, window_bounds = array<i64: 512, 8>}, {transform_indices = @transform_7, window_bounds = array<i64: 512, 8>}, {transform_indices = @transform_8, window_bounds = array<i64: 1, 1, 512>}, {pipeline_mode = #tpu.pipeline_mode<synchronous>, transform_indices = @transform_9, window_bounds = array<i64: 64, 128>}, {pipeline_mode = #tpu.pipeline_mode<synchronous>, transform_indices = @transform_10, window_bounds = array<i64: 1, 128>}, {pipeline_mode = #tpu.pipeline_mode<synchronous>, transform_indices = @transform_11, window_bounds = array<i64: 128, 8>}, {pipeline_mode = #tpu.pipeline_mode<synchronous>, transform_indices = @transform_12, window_bounds = array<i64: 1, 8>}, {pipeline_mode = #tpu.pipeline_mode<synchronous>, transform_indices = @transform_13, window_bounds = array<i64: 64, 1>}]} {
    %eq3A = arith.constant 0 : i32
    %eq3A_0 = arith.cmpi eq, %arg0, %eq3A : i32
    %convert_element_type3A = arith.extui %eq3A_0 : i1 to i32
    %cond3A = arith.constant 0 : i32
    %cond3A_1 = arith.cmpi ne, %convert_element_type3A, %cond3A : i32
    scf.if %cond3A_1 {
      %broadcast_in_dim3A_56 = arith.constant 0.000000e+00 : f32
      %broadcast_in_dim3A_57 = vector.broadcast %broadcast_in_dim3A_56 : f32 to vector<64x64xf32>
      %swap3A_58 = arith.constant 0 : index
      %swap3A_59 = arith.constant 0 : index
      %swap3A_60 = vector.load %arg15[%swap3A_58, %swap3A_59] : memref<64x64xf32, #tpu.memory_space<vmem>>, vector<64x64xf32>
      tpu.vector_store %arg15[%swap3A_58, %swap3A_59], %broadcast_in_dim3A_57 {strides = array<i32>} : memref<64x64xf32, #tpu.memory_space<vmem>>, vector<64x64xf32>,
      %broadcast_in_dim3A_61 = arith.constant 0.000000e+00 : f32
      %broadcast_in_dim3A_62 = vector.broadcast %broadcast_in_dim3A_61 : f32 to vector<64x128xf32>
      %swap3A_63 = arith.constant 0 : index
      %swap3A_64 = arith.constant 0 : index
      %swap3A_65 = vector.load %arg16[%swap3A_63, %swap3A_64] : memref<64x128xf32, #tpu.memory_space<vmem>>, vector<64x128xf32>
      tpu.vector_store %arg16[%swap3A_63, %swap3A_64], %broadcast_in_dim3A_62 {strides = array<i32>} : memref<64x128xf32, #tpu.memory_space<vmem>>, vector<64x128xf32>,
    } else {
    }
    %get3A = arith.constant 0 : index
    %get3A_2 = arith.constant 0 : index
    %get3A_3 = arith.constant 0 : index
    %get3A_4 = vector.load %arg9[%get3A, %get3A_2, %get3A_3] : memref<1x1x512xi32, #tpu.memory_space<vmem>>, vector<1x1x512xi32>
    %get3A_5 = vector.shape_cast %get3A_4 : vector<1x1x512xi32> to vector<1x512xi32>
    %iota3A = tpu.iota {dimensions = array<i32: 0>} : vector<64x512xi32>
    %broadcast_in_dim3A = vector.shape_cast %get3A_5 : vector<1x512xi32> to vector<1x512xi32>
    %broadcast_in_dim3A_6 = vector.broadcast %broadcast_in_dim3A : vector<1x512xi32> to vector<64x512xi32>
    %eq3A_7 = arith.cmpi eq, %broadcast_in_dim3A_6, %iota3A : vector<64x512xi32>
    %convert_element_type3A_8 = arith.extui %eq3A_7 : vector<64x512xi1> to vector<64x512xi32>
    %convert_element_type3A_9 = arith.sitofp %convert_element_type3A_8 : vector<64x512xi32> to vector<64x512xf32>
    %get3A_10 = arith.constant 0 : index
    %get3A_11 = arith.constant 0 : index
    %get3A_12 = vector.load %arg1[%get3A_10, %get3A_11] : memref<512x8xf32, #tpu.memory_space<vmem>>, vector<512x8xf32>
    %get3A_13 = arith.constant 0 : index
    %get3A_14 = arith.constant 0 : index
    %get3A_15 = vector.load %arg2[%get3A_13, %get3A_14] : memref<512x8xf32, #tpu.memory_space<vmem>>, vector<512x8xf32>
    %get3A_16 = arith.constant 0 : index
    %get3A_17 = arith.constant 0 : index
    %get3A_18 = vector.load %arg3[%get3A_16, %get3A_17] : memref<512x8xf32, #tpu.memory_space<vmem>>, vector<512x8xf32>
    %get3A_19 = arith.constant 0 : index
    %get3A_20 = arith.constant 0 : index
    %get3A_21 = vector.load %arg4[%get3A_19, %get3A_20] : memref<512x8xf32, #tpu.memory_space<vmem>>, vector<512x8xf32>
    %get3A_22 = arith.constant 0 : index
    %get3A_23 = arith.constant 0 : index
    %get3A_24 = vector.load %arg5[%get3A_22, %get3A_23] : memref<512x8xf32, #tpu.memory_space<vmem>>, vector<512x8xf32>
    %get3A_25 = arith.constant 0 : index
    %get3A_26 = arith.constant 0 : index
    %get3A_27 = vector.load %arg6[%get3A_25, %get3A_26] : memref<512x8xf32, #tpu.memory_space<vmem>>, vector<512x8xf32>
    %get3A_28 = arith.constant 0 : index
    %get3A_29 = arith.constant 0 : index
    %get3A_30 = vector.load %arg7[%get3A_28, %get3A_29] : memref<512x8xf32, #tpu.memory_space<vmem>>, vector<512x8xf32>
    %get3A_31 = arith.constant 0 : index
    %get3A_32 = arith.constant 0 : index
    %get3A_33 = vector.load %arg8[%get3A_31, %get3A_32] : memref<512x8xf32, #tpu.memory_space<vmem>>, vector<512x8xf32>
    %concatenate3A = tpu.concatenate %get3A_12, %get3A_15, %get3A_18, %get3A_21, %get3A_24, %get3A_27, %get3A_30, %get3A_33 in 1 : vector<512x8xf32>, vector<512x8xf32>, vector<512x8xf32>, vector<512x8xf32>, vector<512x8xf32>, vector<512x8xf32>, vector<512x8xf32>, vector<512x8xf32> -> vector<512x64xf32>
    %get3A_34 = arith.constant 0 : index
    %get3A_35 = arith.constant 0 : index
    %get3A_36 = vector.load %arg15[%get3A_34, %get3A_35] : memref<64x64xf32, #tpu.memory_space<vmem>>, vector<64x64xf32>
    %dot_general3A = arith.constant dense<0.000000e+00> : vector<64x64xf32>
    %dot_general3A_37 = tpu.matmul %convert_element_type3A_9, %concatenate3A, %dot_general3A {dimension_numbers = #tpu.dot_dimension_numbers<[1], [0], [0], [1], [0, 0, 1, 1], [], []>, transpose_lhs_hint = false} : vector<64x512xf32>, vector<512x64xf32>, vector<64x64xf32> -> vector<64x64xf32>
    %add3A = arith.addf %get3A_36, %dot_general3A_37 : vector<64x64xf32>
    %swap3A = arith.constant 0 : index
    %swap3A_38 = arith.constant 0 : index
    %swap3A_39 = vector.load %arg15[%swap3A, %swap3A_38] : memref<64x64xf32, #tpu.memory_space<vmem>>, vector<64x64xf32>
    tpu.vector_store %arg15[%swap3A, %swap3A_38], %add3A {strides = array<i32>} : memref<64x64xf32, #tpu.memory_space<vmem>>, vector<64x64xf32>,
    %get3A_40 = arith.constant 0 : index
    %get3A_41 = arith.constant 0 : index
    %get3A_42 = vector.load %arg16[%get3A_40, %get3A_41] : memref<64x128xf32, #tpu.memory_space<vmem>>, vector<64x128xf32>
    %reduce_sum3A = arith.constant dense<0.000000e+00> : vector<64xf32>
    %reduce_sum3A_43 = vector.multi_reduction <add>, %convert_element_type3A_9, %reduce_sum3A [1] : vector<64x512xf32> to vector<64xf32>
    %broadcast_in_dim3A_44 = vector.shape_cast %reduce_sum3A_43 : vector<64xf32> to vector<64x1xf32>
    %broadcast_in_dim3A_45 = vector.shape_cast %broadcast_in_dim3A_44 : vector<64x1xf32> to vector<64x1xf32>
    %broadcast_in_dim3A_46 = vector.broadcast %broadcast_in_dim3A_45 : vector<64x1xf32> to vector<64x128xf32>
    %add3A_47 = arith.addf %get3A_42, %broadcast_in_dim3A_46 : vector<64x128xf32>
    %swap3A_48 = arith.constant 0 : index
    %swap3A_49 = arith.constant 0 : index
    %swap3A_50 = vector.load %arg16[%swap3A_48, %swap3A_49] : memref<64x128xf32, #tpu.memory_space<vmem>>, vector<64x128xf32>
    tpu.vector_store %arg16[%swap3A_48, %swap3A_49], %add3A_47 {strides = array<i32>} : memref<64x128xf32, #tpu.memory_space<vmem>>, vector<64x128xf32>,
    %eq3A_51 = arith.constant 99 : i32
    %eq3A_52 = arith.cmpi eq, %arg0, %eq3A_51 : i32
    %convert_element_type3A_53 = arith.extui %eq3A_52 : i1 to i32
    %cond3A_54 = arith.constant 0 : i32
    %cond3A_55 = arith.cmpi ne, %convert_element_type3A_53, %cond3A_54 : i32
    scf.if %cond3A_55 {
      %get3A_56 = arith.constant 0 : index
      %get3A_57 = arith.constant 0 : index
      %get3A_58 = vector.load %arg16[%get3A_56, %get3A_57] : memref<64x128xf32, #tpu.memory_space<vmem>>, vector<64x1xf32>
      %get3A_59 = arith.constant 0 : index
      %get3A_60 = arith.constant 0 : index
      %get3A_61 = vector.load %arg15[%get3A_59, %get3A_60] : memref<64x64xf32, #tpu.memory_space<vmem>>, vector<64x64xf32>
      %max3A = arith.constant 1.000000e+00 : f32
      %max3A_62 = vector.broadcast %max3A : f32 to vector<64x1xf32>
      %max3A_63 = arith.maximumf %get3A_58, %max3A_62 : vector<64x1xf32>
      %div3A = vector.broadcast %max3A_63 : vector<64x1xf32> to vector<64x64xf32>
      %div3A_64 = arith.divf %get3A_61, %div3A : vector<64x64xf32>
      %get3A_65 = arith.constant 0 : index
      %get3A_66 = arith.constant 0 : index
      %get3A_67 = vector.load %arg10[%get3A_65, %get3A_66] : memref<64x128xf32, #tpu.memory_space<vmem>>, vector<64x128xf32>
      %dot_general3A_68 = arith.constant dense<0.000000e+00> : vector<64x128xf32>
      %dot_general3A_69 = tpu.matmul %div3A_64, %get3A_67, %dot_general3A_68 {dimension_numbers = #tpu.dot_dimension_numbers<[1], [0], [0], [1], [0, 0, 1, 1], [], []>, transpose_lhs_hint = false} : vector<64x64xf32>, vector<64x128xf32>, vector<64x128xf32> -> vector<64x128xf32>
      %get3A_70 = arith.constant 0 : index
      %get3A_71 = arith.constant 0 : index
      %get3A_72 = vector.load %arg11[%get3A_70, %get3A_71] : memref<1x128xf32, #tpu.memory_space<vmem>>, vector<1x128xf32>
      %add3A_73 = vector.broadcast %get3A_72 : vector<1x128xf32> to vector<64x128xf32>
      %add3A_74 = arith.addf %dot_general3A_69, %add3A_73 : vector<64x128xf32>
      %max3A_75 = arith.constant 0.000000e+00 : f32
      %max3A_76 = vector.broadcast %max3A_75 : f32 to vector<64x128xf32>
      %max3A_77 = arith.maximumf %add3A_74, %max3A_76 : vector<64x128xf32>
      %abs3A = math.absf %add3A_74 : vector<64x128xf32>
      %neg3A = arith.constant 0.000000e+00 : f32
      %neg3A_78 = vector.broadcast %neg3A : f32 to vector<64x128xf32>
      %neg3A_79 = arith.subf %neg3A_78, %abs3A : vector<64x128xf32>
      %exp3A = math.exp %neg3A_79 : vector<64x128xf32>
      %log1p3A = math.log1p %exp3A : vector<64x128xf32>
      %add3A_80 = arith.addf %max3A_77, %log1p3A : vector<64x128xf32>
      %get3A_81 = arith.constant 0 : index
      %get3A_82 = arith.constant 0 : index
      %get3A_83 = vector.load %arg12[%get3A_81, %get3A_82] : memref<128x8xf32, #tpu.memory_space<vmem>>, vector<128x8xf32>
      %dot_general3A_84 = arith.constant dense<0.000000e+00> : vector<64x8xf32>
      %dot_general3A_85 = tpu.matmul %add3A_80, %get3A_83, %dot_general3A_84 {dimension_numbers = #tpu.dot_dimension_numbers<[1], [0], [0], [1], [0, 0, 1, 1], [], []>, transpose_lhs_hint = false} : vector<64x128xf32>, vector<128x8xf32>, vector<64x8xf32> -> vector<64x8xf32>
      %get3A_86 = arith.constant 0 : index
      %get3A_87 = arith.constant 0 : index
      %get3A_88 = vector.load %arg13[%get3A_86, %get3A_87] : memref<1x8xf32, #tpu.memory_space<vmem>>, vector<1x8xf32>
      %add3A_89 = vector.broadcast %get3A_88 : vector<1x8xf32> to vector<64x8xf32>
      %add3A_90 = arith.addf %dot_general3A_85, %add3A_89 : vector<64x8xf32>
      %slice3A = vector.extract_strided_slice %add3A_90 {offsets = [0, 0], sizes = [64, 1], strides = [1, 1]} : vector<64x8xf32> to vector<64x1xf32>
      %swap3A_91 = arith.constant 0 : index
      %swap3A_92 = arith.constant 0 : index
      %swap3A_93 = vector.load %arg14[%swap3A_91, %swap3A_92] : memref<64x1xf32, #tpu.memory_space<vmem>>, vector<64x1xf32>
      tpu.vector_store %arg14[%swap3A_91, %swap3A_92], %slice3A {strides = array<i32>} : memref<64x1xf32, #tpu.memory_space<vmem>>, vector<64x1xf32>,
    } else {
    }
    return
  }
  func.func @transform_0(%arg0: i32) -> (i32, i32) {
    %c0_i32 = arith.constant 0 : i32
    %c0_i32_0 = arith.constant 0 : i32
    return %arg0, %c0_i32 : i32, i32
  }
  func.func @transform_1(%arg0: i32) -> (i32, i32) {
    %c0_i32 = arith.constant 0 : i32
    %c0_i32_0 = arith.constant 0 : i32
    return %arg0, %c0_i32 : i32, i32
  }
  func.func @transform_2(%arg0: i32) -> (i32, i32) {
    %c0_i32 = arith.constant 0 : i32
    %c0_i32_0 = arith.constant 0 : i32
    return %arg0, %c0_i32 : i32, i32
  }
  func.func @transform_3(%arg0: i32) -> (i32, i32) {
    %c0_i32 = arith.constant 0 : i32
    %c0_i32_0 = arith.constant 0 : i32
    return %arg0, %c0_i32 : i32, i32
  }
  func.func @transform_4(%arg0: i32) -> (i32, i32) {
    %c0_i32 = arith.constant 0 : i32
    %c0_i32_0 = arith.constant 0 : i32
    return %arg0, %c0_i32 : i32, i32
  }
  func.func @transform_5(%arg0: i32) -> (i32, i32) {
    %c0_i32 = arith.constant 0 : i32
    %c0_i32_0 = arith.constant 0 : i32
    return %arg0, %c0_i32 : i32, i32
  }
  func.func @transform_6(%arg0: i32) -> (i32, i32) {
    %c0_i32 = arith.constant 0 : i32
    %c0_i32_0 = arith.constant 0 : i32
    return %arg0, %c0_i32 : i32, i32
  }
  func.func @transform_7(%arg0: i32) -> (i32, i32) {
    %c0_i32 = arith.constant 0 : i32
    %c0_i32_0 = arith.constant 0 : i32
    return %arg0, %c0_i32 : i32, i32
  }
  func.func @transform_8(%arg0: i32) -> (i32, i32, i32) {
    %c0_i32 = arith.constant 0 : i32
    %c0_i32_0 = arith.constant 0 : i32
    %c0_i32_1 = arith.constant 0 : i32
    return %arg0, %c0_i32, %c0_i32_0 : i32, i32, i32
  }
  func.func @transform_9(%arg0: i32) -> (i32, i32) {
    %c0_i32 = arith.constant 0 : i32
    %c0_i32_0 = arith.constant 0 : i32
    %c0_i32_1 = arith.constant 0 : i32
    return %c0_i32, %c0_i32_0 : i32, i32
  }
  func.func @transform_10(%arg0: i32) -> (i32, i32) {
    %c0_i32 = arith.constant 0 : i32
    %c0_i32_0 = arith.constant 0 : i32
    %c0_i32_1 = arith.constant 0 : i32
    return %c0_i32, %c0_i32_0 : i32, i32
  }
  func.func @transform_11(%arg0: i32) -> (i32, i32) {
    %c0_i32 = arith.constant 0 : i32
    %c0_i32_0 = arith.constant 0 : i32
    %c0_i32_1 = arith.constant 0 : i32
    return %c0_i32, %c0_i32_0 : i32, i32
  }
  func.func @transform_12(%arg0: i32) -> (i32, i32) {
    %c0_i32 = arith.constant 0 : i32
    %c0_i32_0 = arith.constant 0 : i32
    %c0_i32_1 = arith.constant 0 : i32
    return %c0_i32, %c0_i32_0 : i32, i32
  }
  func.func @transform_13(%arg0: i32) -> (i32, i32) {
    %c0_i32 = arith.constant 0 : i32
    %c0_i32_0 = arith.constant 0 : i32
    %c0_i32_1 = arith.constant 0 : i32
    return %c0_i32, %c0_i32_0 : i32, i32
  }
}

</mosaic_0001>

<sc_bundles>
// kernel: body.8.cloned.1.call-start
scs
__scs_entry_jumppad:
0x0: {  	(pc) =	sbr.rel $0x88, $3  }
0x1: {  	(tag) =	ssettag $0x0;
	lr =	simm.s32 $0x1  }
0x2: {  	[smem:$0x3F93] =	sst lr;
	_ =	strace $0xD0000000  }
0x3: {  	_ = 	snop  }
0x4: {  	_ = 	snop  }
0x5: {  	_ = 	snop  }
0x6: {  	_ = 	snop  }
0x7: {  	_ = 	snop  }
__scs_overlays_trampoline_lowered:
0x8: {  	[smem:$0x3FA2] =	sst s0  }
0x9: {  	[smem:$0x3FA3] =	sst s1  }
0xa: {  	[smem:$0x3FA4] =	sst s2  }
0xb: {  	[smem:$0x3FA5] =	sst s3  }
0xc: {  	[smem:$0x3FA6] =	sst s4  }
0xd: {  	[smem:$0x3FA7] =	sst s5  }
0xe: {  	[smem:$0x3FA8] =	sst s6  }
0xf: {  	[smem:$0x3FA9] =	sst s7  }
0x10: {  	[smem:$0x3FAA] =	sst s8  }
0x11: {  	[smem:$0x3FAB] =	sst s9;
	s0 =	simm.s32 @!p0 $0x0  }
0x12: {  	s1 =	sld [smem:$0x3F91];
	s0 =	simm.s32 @p0 $0x1  }
0x13: {  	[smem:$0x3FAC] =	sst s0;
	s0 =	simm.s32 @!p1 $0x0  }
0x14: {  	s2 =	sld [smem:$0x3F90];
	s0 =	simm.s32 @p1 $0x1  }
0x15: {  	[smem:$0x3FAD] =	sst s0;
	s0 =	simm.s32 @!p2 $0x0  }
0x16: {  	s3 =	sld [smem:$0x3FDB];
	s0 =	simm.s32 @p2 $0x1  }
0x17: {  	s4 =	simm.s32 $0x1BF5;
	[smem:$0x3FAF] =	sst s0  }
0x18: {  	s0 =	sld [smem:$0x3F92];
	_ =	swait.ge [sflag:s4], $0x0  }
0x19: {  	s7 =	sld [smem:$0x3F93]  }
0x1a: {  	s8 =	sadd.s32 $0xFFFFE003, lr  }
0x1b: {  	s9 =	sadd.s32 $0xFFFFFEF7, lr;
	s5 =	simm.s32 $0xFFFFFFFF;
	p2 =	slt.u32 s8, $0xFFFFF086  }
0x1c: {  	p1 =	slt.u32 s9, $0xF7A;
	s5 =	simm.s32 @!p2 $0x0  }
0x1d: {  	s5 =	simm.s32 @p1 $0x1;
	p0 =	seq.s32 s7, s2  }
0x1e: {  	s7 =	smul.u32 @!p0 $0xF7A, s2;
	p2 =	seq.s32 @!p0 s5, $0x0  }
0x1f: {  	s9 =	smul.u32 $0xF7A, s1;
	s8 =	simm.s32 @!p0 $0x1BF5;
	p2 =	por !p2, p0  }
0x20: {  	[sflag:s8] =	ssyncset.s32 @!p0 $0xFFFFF086;
	s6 =	sadd.s32 @!p0 s3, s7;
	s7 =	simm.s32 @!p0 $0x108  }
0x21: {  	s3 =	sadd.s32 s3, s9;
	s6 =	sadd.s32 @!p0 $0x88, s6;
	s7 =	simm.s32 @p2 $0x1082  }
0x22: {  	[simem:s7], [sflag:s8] =	dma.local @!p0 [hbm:s6], $0xF7A  }
0x23: {  	s9 =	sor.u32 $0xD0000000, s2;
	s6 =	simm.s32 $0x108;
	_ =	swait.ge @!p0 [sflag:s8], $0x0  }
0x24: {  	s3 =	sadd.s32 $0x88, s3;
	s6 =	simm.s32 @!p1 $0x1082;
	[sflag:s4] =	ssyncset.s32 $0xFFFFF086  }
0x25: {  	[simem:s6], [sflag:s4] =	dma.local [hbm:s3], $0xF7A  }
0x26: {  	[smem:$0x3F93] =	sst s1;
	(tag) =	ssettag s2;
	_ =	strace s9  }
0x27: {  	s1 =	sld [smem:$0x3FA3]  }
0x28: {  	s2 =	sld [smem:$0x3FA4]  }
0x29: {  	s4 =	sld [smem:$0x3FA6]  }
0x2a: {  	p0 =	seq.s32 s5, $0x0;
	s5 =	sld [smem:$0x3FA7]  }
0x2b: {  	s6 =	sld [smem:$0x3FA8]  }
0x2c: {  	s7 =	sld [smem:$0x3FA9]  }
0x2d: {  	s3 =	simm.s32 $0x108;
	s8 =	sld [smem:$0x3FAA]  }
0x2e: {  	s3 =	simm.s32 @!p0 $0x1082;
	s9 =	sld [smem:$0x3FAB]  }
0x2f: {  	lr =	sadd.s32 s0, s3;
	s0 =	sld [smem:$0x3FA2]  }
0x30: {  	s3 =	sld [smem:$0x3FA5]  }
0x31: {  	[smem:$0x3FAE] =	sst s10  }
0x32: {  	s10 =	sld [smem:$0x3FAC];
	_ =	sdelay $0x3  }
0x33: {  	p0 =	seq.s32 s10, $0x1;
	s10 =	sld [smem:$0x3FAE];
	_ =	sdelay $0x3  }
0x34: {  	[smem:$0x3FAE] =	sst s10  }
0x35: {  	s10 =	sld [smem:$0x3FAD];
	_ =	sdelay $0x3  }
0x36: {  	p1 =	seq.s32 s10, $0x1;
	s10 =	sld [smem:$0x3FAE];
	_ =	sdelay $0x3  }
0x37: {  	[smem:$0x3FAE] =	sst s10  }
0x38: {  	s10 =	sld [smem:$0x3FAF]  }
0x39: {  	_ = 	snop;
	(pc) =	sbr.ind lr, $3  }
0x3a: {  	_ = 	snop  }
0x3b: {  	_ = 	snop  }
0x3c: {  	p2 =	seq.s32 s10, $0x1;
	s10 =	sld [smem:$0x3FAE]  }
0x3d: {  	_ =	shalt  }
0x3e: {  	_ =	shalt  }
0x3f: {  	_ =	shalt  }
0x40: {  	_ =	shalt  }
0x41: {  	_ =	shalt  }
0x42: {  	_ =	shalt  }
0x43: {  	_ =	shalt  }
0x44: {  	_ =	shalt  }
0x45: {  	_ =	shalt  }
0x46: {  	_ =	shalt  }
0x47: {  	_ =	shalt  }
0x48: {  	_ =	shalt  }
0x49: {  	_ =	shalt  }
0x4a: {  	_ =	shalt  }
0x4b: {  	_ =	shalt  }
0x4c: {  	_ =	shalt  }
0x4d: {  	_ =	shalt  }
0x4e: {  	_ =	shalt  }
0x4f: {  	_ =	shalt  }
0x50: {  	_ =	shalt  }
0x51: {  	_ =	shalt  }
0x52: {  	_ =	shalt  }
0x53: {  	_ =	shalt  }
0x54: {  	_ =	shalt  }
0x55: {  	_ =	shalt  }
0x56: {  	_ =	shalt  }
0x57: {  	_ =	shalt  }
0x58: {  	_ =	shalt  }
0x59: {  	_ =	shalt  }
0x5a: {  	_ =	shalt  }
0x5b: {  	_ =	shalt  }
0x5c: {  	_ =	shalt  }
0x5d: {  	_ =	shalt  }
0x5e: {  	_ =	shalt  }
0x5f: {  	_ =	shalt  }
0x60: {  	_ =	shalt  }
0x61: {  	_ =	shalt  }
0x62: {  	_ =	shalt  }
0x63: {  	_ =	shalt  }
0x64: {  	_ =	shalt  }
0x65: {  	_ =	shalt  }
0x66: {  	_ =	shalt  }
0x67: {  	_ =	shalt  }
0x68: {  	_ =	shalt  }
0x69: {  	_ =	shalt  }
0x6a: {  	_ =	shalt  }
0x6b: {  	_ =	shalt  }
0x6c: {  	_ =	shalt  }
0x6d: {  	_ =	shalt  }
0x6e: {  	_ =	shalt  }
0x6f: {  	_ =	shalt  }
0x70: {  	_ =	shalt  }
0x71: {  	_ =	shalt  }
0x72: {  	_ =	shalt  }
0x73: {  	_ =	shalt  }
0x74: {  	_ =	shalt  }
0x75: {  	_ =	shalt  }
0x76: {  	_ =	shalt  }
0x77: {  	_ =	shalt  }
0x78: {  	_ =	shalt  }
0x79: {  	_ =	shalt  }
0x7a: {  	_ =	shalt  }
0x7b: {  	_ =	shalt  }
0x7c: {  	_ =	shalt  }
0x7d: {  	_ =	shalt  }
0x7e: {  	_ =	shalt  }
0x7f: {  	_ =	shalt  }
0x80: {  	_ =	shalt  }
0x81: {  	_ =	shalt  }
0x82: {  	_ =	shalt  }
0x83: {  	_ =	shalt  }
0x84: {  	_ =	shalt  }
0x85: {  	_ =	shalt  }
0x86: {  	_ =	shalt  }
0x87: {  	_ =	shalt  }
.Lfunc_end0:
.L_simem_size_0:
called_computation_lowered:
.L_overlay_start_0:
0x88: {  	s2 =	sld [smem:$0x3FD9]  }
0x89: {  	s3 =	sld [smem:$0x3FFE];
	_ =	sdelay $0x1  }
0x8a: {  	s1 =	srdreg.scid  }
0x8b: {  	s0 =	sand.u32 $0x1, s1  }
0x8c: {  	s16 =	sshll.u32 s0, $0xA;
	s2 =	sadd.s32 s3, s2  }
0x8d: {  	s2 =	sadd.s32 s2, s16  }
0x8e: {  	[smem:$0x3FBA] =	sst s2  }
0x8f: {  	_ = 	snop  }
0x90: {  	(tm) =	ssettm $0x1  }
0x91: {  	s17 =	sld [smem:$0x3FFB];
	_ =	sdelay $0x3  }
0x92: {  	_ =	strace s17  }
0x93: {  	s2 =	sld [smem:$0x3FFC];
	_ =	sdelay $0x3  }
0x94: {  	_ =	strace s2  }
0x95: {  	s2 =	sld [smem:$0x3FFD];
	_ =	sdelay $0x3  }
0x96: {  	_ =	strace s2  }
0x97: {  	_ =	strace $0x8FFFFFFF  }
0x98: {  	s18 =	sld [smem:$0x3FDB];
	_ =	sdelay $0x1  }
0x99: {  	s19 =	simm.s32 $_scs_section_size  }
0x9a: {  	s4 =	simm.s32 $_size__tile_overlayer_lowered;
	s5 =	simm.s32 $_tile_overlayer_lowered  }
0x9b: {  	s22 =	simm.s32 $0x1BFF;
	s21 =	sshll.u32 s5, $0x1;
	s2 =	sadd.s32 s19, s18  }
0x9c: {  	s6 =	simm.s32 $0x0;
	s20 =	sshll.u32 s4, $0x1;
	s4 =	sadd.s32 s21, s2  }
0x9d: {  	[timem:s6], [sflag:s22] =	dma.local [hbm:s4], s20  }
0x9e: {  	_ =	swait.ge [sflag:s22], s20  }
0x9f: {  	s3 =	ssub.s32 $0x0, s20;
	[sflag:s22] =	ssyncset.done $0x0  }
0xa0: {  	[sflag:s22] =	ssyncadd.s32 s3;
	_ =	sdelay $0x1  }
0xa1: {  	s23 =	simm.s32 $0x1B8B  }
0xa2: {  	_ =	swait.ge [sflag:s23], $0x1  }
0xa3: {  	[sflag:s23] =	ssyncset.done $0x0  }
0xa4: {  	s25 =	simm.s32 $0x1B8E;
	s24 =	sld [smem:$0x3FFE];
	[sflag:s23] =	ssyncadd.s32 $0xFFFFFFFF  }
0xa5: {  	s26 =	simm.s32 $execute0_lowered;
	[smem:$0x3FD2] =	sst s25  }
0xa6: {  	s4 =	sshll.u32 s26, $0x1;
	_ =	strace $0x80000049;
	[dreg:$0x1] =	wrdreg $0xFFFFFFFF  }
0xa7: {  	s28 =	simm.s32 $_size_execute0_lowered;
	s2 =	sadd.s32 s2, s4;
	[dreg:$0x0] =	wrdreg $0x0  }
0xa8: {  	s4 =	sshll.u32 s28, $0x1;
	[dreg:$0x2] =	wrdreg s2  }
0xa9: {  	[dreg:$0x3] =	wrdreg s4  }
0xaa: {  	[dreg:$0x4] =	wrdreg $0xC0  }
0xab: {  	_ =	task [dreg:s6], $0x5FFFF  }
0xac: {  	[dreg:$0x1] =	wrdreg $0xFFFFFFFF  }
0xad: {  	[dreg:$0x0] =	wrdreg $0x60  }
0xae: {  	[dreg:$0x2] =	wrdreg s24  }
0xaf: {  	[dreg:$0x3] =	wrdreg $0x190000  }
0xb0: {  	[dreg:$0x4] =	wrdreg $0x9  }
0xb1: {  	_ =	task.clear_ibuf [dreg:s6], $0x5FFFF;
	_ =	strace $0x90000049  }
0xb2: {  	s29 =	simm.s32 $0x9;
	_ =	strace $0x8000004B  }
0xb3: {  	_ =	swait.ge [sflag:s29], $0x1  }
0xb4: {  	[sflag:s29] =	ssyncadd.s32 $0xFFFFFFFF  }
0xb5: {  	_ =	strace $0x9000004B  }
0xb6: {  	_ =	sfence  }
0xb7: {  	s30 =	sld [smem:$0x0];
	_ =	sdelay $0x2  }
0xb8: {  	s31 =	sshll.u32 s1, $0xD;
	s1 =	sshrl.u32 s1, $0x2  }
0xb9: {  	s3 =	sand.u32 $0x4000, s31;
	s1 =	sadd.s32 s1, s30  }
0xba: {  	s0 =	sor.u32 s3, s0;
	s1 =	sshll.u32 s1, $0x11  }
0xbb: {  	s0 =	sor.u32 s1, s0  }
0xbc: {  	s0 =	sadd.s32 $0x8F2B, s0  }
0xbd: {  	[sflag:s0] =	ssyncadd.remote.s32 $0x1  }
0xbe: {  	_ =	sfence.sel $0xFFFF  }
0xbf: {  	[dreg:$0x0] =	wrdreg $0xFFFFFFFF;
	(pc) =	sbr.abs _section_cstart, $3  }
0xc0: {  	[dreg:$0x1] =	wrdreg $0xFFFFFFFF  }
0xc1: {  	_ =	task.clear_ibuf [dreg:s6], $0x2FFFF;
	_ =	strace $0x9FFFFFFF  }
0xc2: {  	(tm) =	ssettm $0x7FFFFFFF  }
0xc3: {  	_ =	shalt  }
tec
execute0_lowered:
.L_overlay_start_1:
0x0: {  	(tag) =	ssettag $0x1  }
0x1: {  	s0 =	rddreg [dreg:$0x0];
	s7 =	stileid.u32  }
0x2: {  	s3 =	simm.s32 $0x0;
	s30 =	simm.s32 $0x18800;
	s31 =	simm.s32 $0x18C00  }
0x3: {  	s1 =	smul.u32 $0x1880, s7;
	[smem:$0x7FF] =	sst s3;
	s9 =	sadd.s32 $0x2A400, s0  }
0x4: {  	s17 =	sadd.s32 $0x36C00, s0;
	s20 =	sadd.s32 $0x43400, s0;
	s19 =	sadd.s32 $0x80C00, s0  }
0x5: {  	s26 =	sadd.s32 $0x8D400, s0;
	s11 =	sadd.s32 $0x99C00, s0;
	s28 =	sadd.s32 $0xA6400, s0  }
0x6: {  	s25 =	sadd.s32 $0xB2C00, s0;
	s12 =	sadd.s32 $0xF4800, s0;
	s4 =	sadd.s32 $0x1099200, s0  }
0x7: {  	s2 =	rddreg [dreg:$0x1];
	s5 =	sadd.s32 $0x10A5A00, s0;
	s8 =	sadd.s32 $0x10B2200, s0  }
0x8: {  	s6 =	srdreg.scid;
	s10 =	sadd.s32 $0x10BEA00, s0;
	s13 =	sadd.s32 $0x10CB200, s0  }
0x9: {  	s29 =	simm.s32 $0x80;
	s23 =	sadd.s32 $0x10D7A00, s0;
	s21 =	sadd.s32 $0x10E4200, s0  }
0xa: {  	s6 =	sand.u32 $0x1, s6;
	s24 =	sadd.s32 $0x10F0A00, s0;
	s18 =	smul.u32 $0x6400, s7  }
0xb: {  	_ =	strace $0x8000004A;
	s14 =	ssub.s32 $0x2, s6;
	[dreg:$0x3] =	wrdreg s17  }
0xc: {  	s16 =	sor.u32 s7, s6;
	p0 =	seq.s32 s6, $0x0;
	[dreg:$0x4] =	wrdreg s9  }
0xd: {  	s6 =	simm.s32 $0x0;
	s1 =	sadd.s32 s1, s0;
	s15 =	sshrl.u32 s14, $0x1  }
0xe: {  	s0 =	sadd.s32 $0xF5600, s0;
	p1 =	sne.s32 s16, $0x0;
	s5 =	smov.u32 @p0 s4  }
0xf: {  	s10 =	smov.u32 @p0 s8;
	s17 =	smov.u32 @p0 s9;
	s23 =	smov.u32 @p0 s13  }
0x10: {  	s16 =	smov.u32 s20;
	s24 =	smov.u32 @p0 s21;
	s21 =	smov.u32 s11  }
0x11: {  	s4 =	simm.s32 $0x18780;
	[dreg:$0x5] =	wrdreg s0;
	s0 =	ssub.s32 s14, s15  }
0x12: {  	s22 =	sadd.s32 $0xD7C00, s1;
	s1 =	sadd.s32 $0xBF400, s1;
	s14 =	sadd.s32 s18, s2  }
0x13: {  	s15 =	sshrl.u32 s18, $0x3;
	s18 =	smov.u32 s19;
	[dreg:$0x6] =	wrdreg s22  }
0x14: {  	s19 =	smov.u32 @p0 s20;
	s21 =	smov.u32 @p0 s26;
	[dreg:$0x7] =	wrdreg s1  }
0x15: {  	[dreg:$0x8] =	wrdreg s14;
	s0 =	smax.u32 s0, $0x1;
	s20 =	sadd.s32 s5, s15  }
0x16: {  	s22 =	sadd.s32 s10, s15;
	s23 =	sadd.s32 s23, s15;
	[dreg:$0x9] =	wrdreg s0  }
0x17: {  	s24 =	sadd.s32 s24, s15;
	s15 =	smov.u32 s28;
	[dreg:$0xa] =	wrdreg s20  }
0x18: {  	s1 =	simm.s32 $0x18700;
	s20 =	smov.u32 s11;
	[dreg:$0xb] =	wrdreg s22  }
0x19: {  	s22 =	smov.u32 s25;
	s11 =	smov.u32 s26;
	s25 =	smov.u32 @p0 s28  }
0x1a: {  	s26 =	simm.s32 $0x3;
	s0 =	simm.s32 $0x1;
	s28 =	simm.s32 $0x2  }
.LBB2_1:
0x1b: {  	s7 =	stileid.u32  }
0x1c: {  	s5 =	sshll.u32 @!p1 s7, $0x6  }
0x1d: {  	s8 =	rddreg [dreg:$0x5];
	s5 =	sor.u32 @!p1 $0x1C03, s5  }
0x1e: {  	[hbm:s8], [sflag:s5] =	dma.local @!p1 [hbm:s12], $0xC80  }
0x1f: {  	s5 =	simm.s32 @!p1 $0x3  }
0x20: {  	_ =	swait.ge @!p1 [sflag:s5], $0xC80  }
0x21: {  	[sflag:s5] =	ssyncset.done @!p1 $0x0  }
0x22: {  	s8 =	rddreg [dreg:$0x6];
	[sflag:s5] =	ssyncadd.s32 @!p1 $0xFFFFF380  }
0x23: {  	[tilespmem:s3], [sflag:$0x3] =	stream.linear.gather [hbm4b:s8+s3], $0xC400, $0x38;
	[tilespmem:$0x1F400] =	vst v63  }
0x24: {  	_ =	swait.ge [sflag:s26], $0xC400  }
0x25: {  	[sflag:s26] =	ssyncset.done $0x0  }
0x26: {  	s10 =	simm.s32 $0xC400;
	s9 =	rddreg [dreg:$0x7];
	[sflag:s26] =	ssyncadd.s32 $0xFFFF3C00  }
0x27: {  	[tilespmem:s10], [sflag:$0x3] =	stream.linear.gather [hbm4b:s9+s3], $0xC400, $0x38;
	[tilespmem:$0x1F400] =	vst v63  }
0x28: {  	_ =	swait.ge [sflag:s26], $0xC400  }
0x29: {  	s13 =	sshll.u32 s7, $0x6;
	[sflag:s26] =	ssyncset.done $0x0;
	s14 =	rddreg [dreg:$0x8]  }
0x2a: {  	s13 =	sor.u32 $0x1C03, s13;
	[sflag:s26] =	ssyncadd.s32 $0xFFFF3C00;
	s8 =	sshrl.u32 s14, $0x3  }
0x2b: {  	[spmem:s8], [sflag:s13] =	dma.local [hbm:s12], $0xC80  }
0x2c: {  	_ =	swait.ge [sflag:s26], $0xC80  }
0x2d: {  	[sflag:s26] =	ssyncset.done $0x0  }
0x2e: {  	[sflag:s26] =	ssyncadd.s32 $0xFFFFF380  }
0x2f: {  	[bflag:$0x0] =	sbarrier.arrive $0xFFFF  }
0x30: {  	[tilespmem:s30], [sflag:$0x1] =	stream.indirect.gather [hbm4b:s17+s29], $0x8, s3, s29, $0xb8;
	[tilespmem:$0x1F400] =	vst v63  }
0x31: {  	s7 =	simm.s32 $0x80  }
0x32: {  	[tilespmem:s31], [sflag:$0x2] =	stream.indirect.gather [hbm4b:s17+s29], $0x8, s7, s29, $0xb8;
	[tilespmem:$0x1F400] =	vst v63  }
0x33: {  	_ =	swait.ge [sflag:s0], $0x400  }
0x34: {  	[sflag:s0] =	ssyncset.done $0x0  }
0x35: {  	s9 =	simm.s32 $0xC400;
	[sflag:s0] =	ssyncadd.s32 $0xFFFFFC00  }
0x36: {  	[spmem:s2] =	stream.indirect.scatter.add.f32 [tilespmem:s30], [sflag:$0x3], $0x8, s9, s29, $0xb8;
	[tilespmem:$0x1F400] =	vst v63  }
0x37: {  	_ =	swait.ge [sflag:s26], $0x400  }
0x38: {  	[sflag:s26] =	ssyncset.done $0x0  }
0x39: {  	s10 =	simm.s32 $0x100;
	[sflag:s26] =	ssyncadd.s32 $0xFFFFFC00  }
0x3a: {  	[tilespmem:s30], [sflag:$0x1] =	stream.indirect.gather [hbm4b:s17+s29], $0x8, s10, s29, $0xb8;
	[tilespmem:$0x1F400] =	vst v63  }
0x3b: {  	_ =	swait.ge [sflag:s28], $0x400  }
0x3c: {  	[sflag:s28] =	ssyncset.done $0x0  }
0x3d: {  	s14 =	simm.s32 $0xC480;
	[sflag:s28] =	ssyncadd.s32 $0xFFFFFC00  }
0x3e: {  	[spmem:s2] =	stream.indirect.scatter.add.f32 [tilespmem:s31], [sflag:$0x3], $0x8, s14, s29, $0xb8;
	[tilespmem:$0x1F400] =	vst v63  }
0x3f: {  	_ =	swait.ge [sflag:s26], $0x400  }
0x40: {  	s5 =	simm.s32 $0x800;
	s10 =	simm.s32 $0x100;
	[sflag:s26] =	ssyncset.done $0x0  }
.LBB2_2:
0x41: {  	s7 =	sadd.s32 $0x80, s10  }
0x42: {  	[sflag:s26] =	ssyncadd.s32 $0xFFFFFC00;
	s14 =	smov.u32 s5;
	s9 =	sadd.s32 $0x400, s5  }
0x43: {  	[tilespmem:s31], [sflag:$0x2] =	stream.indirect.gather [hbm4b:s17+s29], $0x8, s7, s29, $0xb8;
	[tilespmem:$0x1F400] =	vst v63  }
0x44: {  	p2 =	sne.s32 s5, $0x30800;
	_ =	swait.ge [sflag:s0], $0x400  }
0x45: {  	[sflag:s0] =	ssyncset.done $0x0  }
0x46: {  	s5 =	sadd.s32 $0xC400, s10;
	[sflag:s0] =	ssyncadd.s32 $0xFFFFFC00  }
0x47: {  	[spmem:s2] =	stream.indirect.scatter.add.f32 [tilespmem:s30], [sflag:$0x3], $0x8, s5, s29, $0xb8;
	[tilespmem:$0x1F400] =	vst v63  }
0x48: {  	_ =	swait.ge [sflag:s26], $0x400  }
0x49: {  	[sflag:s26] =	ssyncset.done $0x0  }
0x4a: {  	s5 =	sadd.s32 $0x100, s10;
	[sflag:s26] =	ssyncadd.s32 $0xFFFFFC00  }
0x4b: {  	[tilespmem:s30], [sflag:$0x1] =	stream.indirect.gather [hbm4b:s17+s29], $0x8, s5, s29, $0xb8;
	[tilespmem:$0x1F400] =	vst v63  }
0x4c: {  	_ =	swait.ge [sflag:s28], $0x400  }
.Ltmp0:
0x4d: {  	[sflag:s28] =	ssyncset.done $0x0;
	(pc) =	sbr.rel @p2 .LBB2_2-.Ltmp0, $4  }
0x4e: {  	s5 =	sadd.s32 $0xC480, s10;
	[sflag:s28] =	ssyncadd.s32 $0xFFFFFC00  }
0x4f: {  	[spmem:s2] =	stream.indirect.scatter.add.f32 [tilespmem:s31], [sflag:$0x3], $0x8, s5, s29, $0xb8;
	[tilespmem:$0x1F400] =	vst v63  }
0x50: {  	_ =	swait.ge [sflag:s26], $0x400  }
0x51: {  	s10 =	sshra.s32 s14, $0x2;
	s5 =	smov.u32 s9;
	[sflag:s26] =	ssyncset.done $0x0  }
0x52: {  	s5 =	sadd.s32 $0x80, s10;
	[sflag:s26] =	ssyncadd.s32 $0xFFFFFC00  }
0x53: {  	[tilespmem:s31], [sflag:$0x2] =	stream.indirect.gather [hbm4b:s17+s29], $0x8, s5, s29, $0xb8;
	[tilespmem:$0x1F400] =	vst v63  }
0x54: {  	_ =	swait.ge [sflag:s0], $0x400  }
0x55: {  	[sflag:s0] =	ssyncset.done $0x0  }
0x56: {  	s14 =	sadd.s32 $0xC400, s10;
	[sflag:s0] =	ssyncadd.s32 $0xFFFFFC00  }
0x57: {  	[spmem:s2] =	stream.indirect.scatter.add.f32 [tilespmem:s30], [sflag:$0x3], $0x8, s14, s29, $0xb8;
	[tilespmem:$0x1F400] =	vst v63  }
0x58: {  	_ =	swait.ge [sflag:s26], $0x400  }
0x59: {  	[sflag:s26] =	ssyncset.done $0x0  }
0x5a: {  	s7 =	sadd.s32 $0x100, s10;
	[sflag:s26] =	ssyncadd.s32 $0xFFFFFC00  }
0x5b: {  	[tilespmem:s30], [sflag:$0x1] =	stream.indirect.gather [hbm4b:s17+s29], $0x8, s7, s29, $0xb8;
	[tilespmem:$0x1F400] =	vst v63  }
0x5c: {  	_ =	swait.ge [sflag:s28], $0x400  }
0x5d: {  	[sflag:s28] =	ssyncset.done $0x0  }
0x5e: {  	s9 =	sadd.s32 $0xC480, s10;
	[sflag:s28] =	ssyncadd.s32 $0xFFFFFC00  }
0x5f: {  	[spmem:s2] =	stream.indirect.scatter.add.f32 [tilespmem:s31], [sflag:$0x3], $0x8, s9, s29, $0xb8;
	[tilespmem:$0x1F400] =	vst v63  }
0x60: {  	_ =	swait.ge [sflag:s26], $0x400  }
0x61: {  	s5 =	simm.s32 @p0 $0x80;
	s7 =	simm.s32 @p0 $0xC380;
	[sflag:s26] =	ssyncset.done $0x0  }
0x62: {  	s9 =	simm.s32 @p0 $0x18C00;
	s10 =	rddreg [dreg:$0x4];
	[sflag:s26] =	ssyncadd.s32 $0xFFFFFC00  }
0x63: {  	[tilespmem:s9], [sflag:$0x2] =	stream.indirect.gather @p0 [hbm4b:s10+s5], $0x8, s7, s5, $0xb8;
	[tilespmem:$0x1F400] =	vst v63  }
0x64: {  	s5 =	simm.s32 @!p0 $0x80  }
0x65: {  	s7 =	simm.s32 @!p0 $0xC380;
	s9 =	simm.s32 @!p0 $0x18C00;
	s10 =	rddreg [dreg:$0x3]  }
0x66: {  	[tilespmem:s9], [sflag:$0x2] =	stream.indirect.gather @!p0 [hbm4b:s10+s5], $0x8, s7, s5, $0xb8;
	[tilespmem:$0x1F400] =	vst v63  }
0x67: {  	_ =	swait.ge [sflag:s0], $0x400  }
0x68: {  	[sflag:s0] =	ssyncset.done $0x0  }
0x69: {  	[sflag:s0] =	ssyncadd.s32 $0xFFFFFC00  }
0x6a: {  	[spmem:s2] =	stream.indirect.scatter.add.f32 [tilespmem:s30], [sflag:$0x3], $0x8, s1, s29, $0xb8;
	[tilespmem:$0x1F400] =	vst v63  }
0x6b: {  	_ =	swait.ge [sflag:s26], $0x400  }
0x6c: {  	[sflag:s26] =	ssyncset.done $0x0  }
0x6d: {  	[sflag:s26] =	ssyncadd.s32 $0xFFFFFC00  }
0x6e: {  	_ =	swait.ge [sflag:s28], $0x400  }
0x6f: {  	[sflag:s28] =	ssyncset.done $0x0  }
0x70: {  	[sflag:s28] =	ssyncadd.s32 $0xFFFFFC00  }
0x71: {  	[spmem:s2] =	stream.indirect.scatter.add.f32 [tilespmem:s31], [sflag:$0x3], $0x8, s4, s29, $0xb8;
	[tilespmem:$0x1F400] =	vst v63  }
0x72: {  	_ =	swait.ge [sflag:s26], $0x400  }
0x73: {  	[sflag:s26] =	ssyncset.done $0x0  }
0x74: {  	[sflag:s26] =	ssyncadd.s32 $0xFFFFFC00  }
0x75: {  	[bflag:$0x0] =	sbarrier.arrive $0xFFFF  }
0x76: {  	s10 =	rddreg [dreg:$0xa]  }
0x77: {  	[hbm:s10], [sflag:s13] =	dma.local [spmem:s8], $0xC80  }
0x78: {  	_ =	swait.ge [sflag:s26], $0xC80  }
0x79: {  	[sflag:s26] =	ssyncset.done $0x0  }
0x7a: {  	[sflag:s26] =	ssyncadd.s32 $0xFFFFF380  }
0x7b: {  	[bflag:$0x0] =	sbarrier.arrive $0xFFFF  }
0x7c: {  	[spmem:s8], [sflag:s13] =	dma.local [hbm:s12], $0xC80  }
0x7d: {  	_ =	swait.ge [sflag:s26], $0xC80  }
0x7e: {  	[sflag:s26] =	ssyncset.done $0x0  }
0x7f: {  	[sflag:s26] =	ssyncadd.s32 $0xFFFFF380  }
0x80: {  	s14 =	simm.s32 $0x0;
	[bflag:$0x0] =	sbarrier.arrive $0xFFFF  }
0x81: {  	[tilespmem:s30], [sflag:$0x1] =	stream.indirect.gather [hbm4b:s19+s29], $0x8, s14, s29, $0xb8;
	[tilespmem:$0x1F400] =	vst v63  }
0x82: {  	s7 =	simm.s32 $0x80  }
0x83: {  	[tilespmem:s31], [sflag:$0x2] =	stream.indirect.gather [hbm4b:s19+s29], $0x8, s7, s29, $0xb8;
	[tilespmem:$0x1F400] =	vst v63  }
0x84: {  	_ =	swait.ge [sflag:s0], $0x400  }
0x85: {  	[sflag:s0] =	ssyncset.done $0x0  }
0x86: {  	s9 =	simm.s32 $0xC400;
	[sflag:s0] =	ssyncadd.s32 $0xFFFFFC00  }
0x87: {  	[spmem:s2] =	stream.indirect.scatter.add.f32 [tilespmem:s30], [sflag:$0x3], $0x8, s9, s29, $0xb8;
	[tilespmem:$0x1F400] =	vst v63  }
0x88: {  	_ =	swait.ge [sflag:s26], $0x400  }
0x89: {  	[sflag:s26] =	ssyncset.done $0x0  }
0x8a: {  	s10 =	simm.s32 $0x100;
	[sflag:s26] =	ssyncadd.s32 $0xFFFFFC00  }
0x8b: {  	[tilespmem:s30], [sflag:$0x1] =	stream.indirect.gather [hbm4b:s19+s29], $0x8, s10, s29, $0xb8;
	[tilespmem:$0x1F400] =	vst v63  }
0x8c: {  	_ =	swait.ge [sflag:s28], $0x400  }
0x8d: {  	[sflag:s28] =	ssyncset.done $0x0  }
0x8e: {  	s14 =	simm.s32 $0xC480;
	[sflag:s28] =	ssyncadd.s32 $0xFFFFFC00  }
0x8f: {  	[spmem:s2] =	stream.indirect.scatter.add.f32 [tilespmem:s31], [sflag:$0x3], $0x8, s14, s29, $0xb8;
	[tilespmem:$0x1F400] =	vst v63  }
0x90: {  	_ =	swait.ge [sflag:s26], $0x400  }
0x91: {  	s5 =	simm.s32 $0x800;
	s10 =	simm.s32 $0x100;
	[sflag:s26] =	ssyncset.done $0x0  }
.LBB2_4:
0x92: {  	s7 =	sadd.s32 $0x80, s10  }
0x93: {  	[sflag:s26] =	ssyncadd.s32 $0xFFFFFC00;
	s9 =	smov.u32 s5;
	s14 =	sadd.s32 $0x400, s5  }
0x94: {  	[tilespmem:s31], [sflag:$0x2] =	stream.indirect.gather [hbm4b:s19+s29], $0x8, s7, s29, $0xb8;
	[tilespmem:$0x1F400] =	vst v63  }
0x95: {  	p2 =	sne.s32 s5, $0x30800;
	_ =	swait.ge [sflag:s0], $0x400  }
0x96: {  	[sflag:s0] =	ssyncset.done $0x0  }
0x97: {  	s5 =	sadd.s32 $0xC400, s10;
	[sflag:s0] =	ssyncadd.s32 $0xFFFFFC00  }
0x98: {  	[spmem:s2] =	stream.indirect.scatter.add.f32 [tilespmem:s30], [sflag:$0x3], $0x8, s5, s29, $0xb8;
	[tilespmem:$0x1F400] =	vst v63  }
0x99: {  	_ =	swait.ge [sflag:s26], $0x400  }
0x9a: {  	[sflag:s26] =	ssyncset.done $0x0  }
0x9b: {  	s5 =	sadd.s32 $0x100, s10;
	[sflag:s26] =	ssyncadd.s32 $0xFFFFFC00  }
0x9c: {  	[tilespmem:s30], [sflag:$0x1] =	stream.indirect.gather [hbm4b:s19+s29], $0x8, s5, s29, $0xb8;
	[tilespmem:$0x1F400] =	vst v63  }
0x9d: {  	_ =	swait.ge [sflag:s28], $0x400  }
.Ltmp1:
0x9e: {  	[sflag:s28] =	ssyncset.done $0x0;
	(pc) =	sbr.rel @p2 .LBB2_4-.Ltmp1, $4  }
0x9f: {  	s5 =	sadd.s32 $0xC480, s10;
	[sflag:s28] =	ssyncadd.s32 $0xFFFFFC00  }
0xa0: {  	[spmem:s2] =	stream.indirect.scatter.add.f32 [tilespmem:s31], [sflag:$0x3], $0x8, s5, s29, $0xb8;
	[tilespmem:$0x1F400] =	vst v63  }
0xa1: {  	_ =	swait.ge [sflag:s26], $0x400  }
0xa2: {  	s10 =	sshra.s32 s9, $0x2;
	s5 =	smov.u32 s14;
	[sflag:s26] =	ssyncset.done $0x0  }
0xa3: {  	s5 =	sadd.s32 $0x80, s10;
	[sflag:s26] =	ssyncadd.s32 $0xFFFFFC00  }
0xa4: {  	[tilespmem:s31], [sflag:$0x2] =	stream.indirect.gather [hbm4b:s19+s29], $0x8, s5, s29, $0xb8;
	[tilespmem:$0x1F400] =	vst v63  }
0xa5: {  	_ =	swait.ge [sflag:s0], $0x400  }
0xa6: {  	[sflag:s0] =	ssyncset.done $0x0  }
0xa7: {  	s14 =	sadd.s32 $0xC400, s10;
	[sflag:s0] =	ssyncadd.s32 $0xFFFFFC00  }
0xa8: {  	[spmem:s2] =	stream.indirect.scatter.add.f32 [tilespmem:s30], [sflag:$0x3], $0x8, s14, s29, $0xb8;
	[tilespmem:$0x1F400] =	vst v63  }
0xa9: {  	_ =	swait.ge [sflag:s26], $0x400  }
0xaa: {  	[sflag:s26] =	ssyncset.done $0x0  }
0xab: {  	s7 =	sadd.s32 $0x100, s10;
	[sflag:s26] =	ssyncadd.s32 $0xFFFFFC00  }
0xac: {  	[tilespmem:s30], [sflag:$0x1] =	stream.indirect.gather [hbm4b:s19+s29], $0x8, s7, s29, $0xb8;
	[tilespmem:$0x1F400] =	vst v63  }
0xad: {  	_ =	swait.ge [sflag:s28], $0x400  }
0xae: {  	[sflag:s28] =	ssyncset.done $0x0  }
0xaf: {  	s9 =	sadd.s32 $0xC480, s10;
	[sflag:s28] =	ssyncadd.s32 $0xFFFFFC00  }
0xb0: {  	[spmem:s2] =	stream.indirect.scatter.add.f32 [tilespmem:s31], [sflag:$0x3], $0x8, s9, s29, $0xb8;
	[tilespmem:$0x1F400] =	vst v63  }
0xb1: {  	_ =	swait.ge [sflag:s26], $0x400  }
0xb2: {  	s5 =	simm.s32 @p0 $0x80;
	[sflag:s26] =	ssyncset.done $0x0  }
0xb3: {  	s7 =	simm.s32 @p0 $0xC380;
	s9 =	simm.s32 @p0 $0x18C00;
	[sflag:s26] =	ssyncadd.s32 $0xFFFFFC00  }
0xb4: {  	[tilespmem:s9], [sflag:$0x2] =	stream.indirect.gather @p0 [hbm4b:s16+s5], $0x8, s7, s5, $0xb8;
	[tilespmem:$0x1F400] =	vst v63  }
0xb5: {  	s5 =	simm.s32 @!p0 $0x80;
	s7 =	simm.s32 @!p0 $0xC380;
	s9 =	simm.s32 @!p0 $0x18C00  }
0xb6: {  	[tilespmem:s9], [sflag:$0x2] =	stream.indirect.gather @!p0 [hbm4b:s18+s5], $0x8, s7, s5, $0xb8;
	[tilespmem:$0x1F400] =	vst v63  }
0xb7: {  	_ =	swait.ge [sflag:s0], $0x400  }
0xb8: {  	[sflag:s0] =	ssyncset.done $0x0  }
0xb9: {  	[sflag:s0] =	ssyncadd.s32 $0xFFFFFC00  }
0xba: {  	[spmem:s2] =	stream.indirect.scatter.add.f32 [tilespmem:s30], [sflag:$0x3], $0x8, s1, s29, $0xb8;
	[tilespmem:$0x1F400] =	vst v63  }
0xbb: {  	_ =	swait.ge [sflag:s26], $0x400  }
0xbc: {  	[sflag:s26] =	ssyncset.done $0x0  }
0xbd: {  	[sflag:s26] =	ssyncadd.s32 $0xFFFFFC00  }
0xbe: {  	_ =	swait.ge [sflag:s28], $0x400  }
0xbf: {  	[sflag:s28] =	ssyncset.done $0x0  }
0xc0: {  	[sflag:s28] =	ssyncadd.s32 $0xFFFFFC00  }
0xc1: {  	[spmem:s2] =	stream.indirect.scatter.add.f32 [tilespmem:s31], [sflag:$0x3], $0x8, s4, s29, $0xb8;
	[tilespmem:$0x1F400] =	vst v63  }
0xc2: {  	_ =	swait.ge [sflag:s26], $0x400  }
0xc3: {  	[sflag:s26] =	ssyncset.done $0x0  }
0xc4: {  	[sflag:s26] =	ssyncadd.s32 $0xFFFFFC00  }
0xc5: {  	[bflag:$0x0] =	sbarrier.arrive $0xFFFF  }
0xc6: {  	s10 =	rddreg [dreg:$0xb]  }
0xc7: {  	[hbm:s10], [sflag:s13] =	dma.local [spmem:s8], $0xC80  }
0xc8: {  	_ =	swait.ge [sflag:s26], $0xC80  }
0xc9: {  	[sflag:s26] =	ssyncset.done $0x0  }
0xca: {  	[sflag:s26] =	ssyncadd.s32 $0xFFFFF380  }
0xcb: {  	[bflag:$0x0] =	sbarrier.arrive $0xFFFF  }
0xcc: {  	[spmem:s8], [sflag:s13] =	dma.local [hbm:s12], $0xC80  }
0xcd: {  	_ =	swait.ge [sflag:s26], $0xC80  }
0xce: {  	[sflag:s26] =	ssyncset.done $0x0  }
0xcf: {  	[sflag:s26] =	ssyncadd.s32 $0xFFFFF380  }
0xd0: {  	s14 =	simm.s32 $0x0;
	[bflag:$0x0] =	sbarrier.arrive $0xFFFF  }
0xd1: {  	[tilespmem:s30], [sflag:$0x1] =	stream.indirect.gather [hbm4b:s21+s29], $0x8, s14, s29, $0xb8;
	[tilespmem:$0x1F400] =	vst v63  }
0xd2: {  	s7 =	simm.s32 $0x80  }
0xd3: {  	[tilespmem:s31], [sflag:$0x2] =	stream.indirect.gather [hbm4b:s21+s29], $0x8, s7, s29, $0xb8;
	[tilespmem:$0x1F400] =	vst v63  }
0xd4: {  	_ =	swait.ge [sflag:s0], $0x400  }
0xd5: {  	[sflag:s0] =	ssyncset.done $0x0  }
0xd6: {  	s9 =	simm.s32 $0xC400;
	[sflag:s0] =	ssyncadd.s32 $0xFFFFFC00  }
0xd7: {  	[spmem:s2] =	stream.indirect.scatter.add.f32 [tilespmem:s30], [sflag:$0x3], $0x8, s9, s29, $0xb8;
	[tilespmem:$0x1F400] =	vst v63  }
0xd8: {  	_ =	swait.ge [sflag:s26], $0x400  }
0xd9: {  	[sflag:s26] =	ssyncset.done $0x0  }
0xda: {  	s10 =	simm.s32 $0x100;
	[sflag:s26] =	ssyncadd.s32 $0xFFFFFC00  }
0xdb: {  	[tilespmem:s30], [sflag:$0x1] =	stream.indirect.gather [hbm4b:s21+s29], $0x8, s10, s29, $0xb8;
	[tilespmem:$0x1F400] =	vst v63  }
0xdc: {  	_ =	swait.ge [sflag:s28], $0x400  }
0xdd: {  	[sflag:s28] =	ssyncset.done $0x0  }
0xde: {  	s14 =	simm.s32 $0xC480;
	[sflag:s28] =	ssyncadd.s32 $0xFFFFFC00  }
0xdf: {  	[spmem:s2] =	stream.indirect.scatter.add.f32 [tilespmem:s31], [sflag:$0x3], $0x8, s14, s29, $0xb8;
	[tilespmem:$0x1F400] =	vst v63  }
0xe0: {  	_ =	swait.ge [sflag:s26], $0x400  }
0xe1: {  	s5 =	simm.s32 $0x800;
	s10 =	simm.s32 $0x100;
	[sflag:s26] =	ssyncset.done $0x0  }
.LBB2_6:
0xe2: {  	s7 =	sadd.s32 $0x80, s10  }
0xe3: {  	[sflag:s26] =	ssyncadd.s32 $0xFFFFFC00;
	s9 =	smov.u32 s5;
	s14 =	sadd.s32 $0x400, s5  }
0xe4: {  	[tilespmem:s31], [sflag:$0x2] =	stream.indirect.gather [hbm4b:s21+s29], $0x8, s7, s29, $0xb8;
	[tilespmem:$0x1F400] =	vst v63  }
0xe5: {  	p2 =	sne.s32 s5, $0x30800;
	_ =	swait.ge [sflag:s0], $0x400  }
0xe6: {  	[sflag:s0] =	ssyncset.done $0x0  }
0xe7: {  	s5 =	sadd.s32 $0xC400, s10;
	[sflag:s0] =	ssyncadd.s32 $0xFFFFFC00  }
0xe8: {  	[spmem:s2] =	stream.indirect.scatter.add.f32 [tilespmem:s30], [sflag:$0x3], $0x8, s5, s29, $0xb8;
	[tilespmem:$0x1F400] =	vst v63  }
0xe9: {  	_ =	swait.ge [sflag:s26], $0x400  }
0xea: {  	[sflag:s26] =	ssyncset.done $0x0  }
0xeb: {  	s5 =	sadd.s32 $0x100, s10;
	[sflag:s26] =	ssyncadd.s32 $0xFFFFFC00  }
0xec: {  	[tilespmem:s30], [sflag:$0x1] =	stream.indirect.gather [hbm4b:s21+s29], $0x8, s5, s29, $0xb8;
	[tilespmem:$0x1F400] =	vst v63  }
0xed: {  	_ =	swait.ge [sflag:s28], $0x400  }
.Ltmp2:
0xee: {  	[sflag:s28] =	ssyncset.done $0x0;
	(pc) =	sbr.rel @p2 .LBB2_6-.Ltmp2, $4  }
0xef: {  	s5 =	sadd.s32 $0xC480, s10;
	[sflag:s28] =	ssyncadd.s32 $0xFFFFFC00  }
0xf0: {  	[spmem:s2] =	stream.indirect.scatter.add.f32 [tilespmem:s31], [sflag:$0x3], $0x8, s5, s29, $0xb8;
	[tilespmem:$0x1F400] =	vst v63  }
0xf1: {  	_ =	swait.ge [sflag:s26], $0x400  }
0xf2: {  	s10 =	sshra.s32 s9, $0x2;
	s5 =	smov.u32 s14;
	[sflag:s26] =	ssyncset.done $0x0  }
0xf3: {  	s5 =	sadd.s32 $0x80, s10;
	[sflag:s26] =	ssyncadd.s32 $0xFFFFFC00  }
0xf4: {  	[tilespmem:s31], [sflag:$0x2] =	stream.indirect.gather [hbm4b:s21+s29], $0x8, s5, s29, $0xb8;
	[tilespmem:$0x1F400] =	vst v63  }
0xf5: {  	_ =	swait.ge [sflag:s0], $0x400  }
0xf6: {  	[sflag:s0] =	ssyncset.done $0x0  }
0xf7: {  	s7 =	sadd.s32 $0xC400, s10;
	[sflag:s0] =	ssyncadd.s32 $0xFFFFFC00  }
0xf8: {  	[spmem:s2] =	stream.indirect.scatter.add.f32 [tilespmem:s30], [sflag:$0x3], $0x8, s7, s29, $0xb8;
	[tilespmem:$0x1F400] =	vst v63  }
0xf9: {  	_ =	swait.ge [sflag:s26], $0x400  }
0xfa: {  	[sflag:s26] =	ssyncset.done $0x0  }
0xfb: {  	s9 =	sadd.s32 $0x100, s10;
	[sflag:s26] =	ssyncadd.s32 $0xFFFFFC00  }
0xfc: {  	[tilespmem:s30], [sflag:$0x1] =	stream.indirect.gather [hbm4b:s21+s29], $0x8, s9, s29, $0xb8;
	[tilespmem:$0x1F400] =	vst v63  }
0xfd: {  	_ =	swait.ge [sflag:s28], $0x400  }
0xfe: {  	[sflag:s28] =	ssyncset.done $0x0  }
0xff: {  	s10 =	sadd.s32 $0xC480, s10;
	[sflag:s28] =	ssyncadd.s32 $0xFFFFFC00  }
0x100: {  	[spmem:s2] =	stream.indirect.scatter.add.f32 [tilespmem:s31], [sflag:$0x3], $0x8, s10, s29, $0xb8;
	[tilespmem:$0x1F400] =	vst v63  }
0x101: {  	_ =	swait.ge [sflag:s26], $0x400  }
0x102: {  	s5 =	simm.s32 @p0 $0x80;
	[sflag:s26] =	ssyncset.done $0x0  }
0x103: {  	s7 =	simm.s32 @p0 $0xC380;
	s9 =	simm.s32 @p0 $0x18C00;
	[sflag:s26] =	ssyncadd.s32 $0xFFFFFC00  }
0x104: {  	[tilespmem:s9], [sflag:$0x2] =	stream.indirect.gather @p0 [hbm4b:s11+s5], $0x8, s7, s5, $0xb8;
	[tilespmem:$0x1F400] =	vst v63  }
0x105: {  	s5 =	simm.s32 @!p0 $0x80;
	s7 =	simm.s32 @!p0 $0xC380;
	s9 =	simm.s32 @!p0 $0x18C00  }
0x106: {  	[tilespmem:s9], [sflag:$0x2] =	stream.indirect.gather @!p0 [hbm4b:s20+s5], $0x8, s7, s5, $0xb8;
	[tilespmem:$0x1F400] =	vst v63  }
0x107: {  	_ =	swait.ge [sflag:s0], $0x400  }
0x108: {  	[sflag:s0] =	ssyncset.done $0x0  }
0x109: {  	[sflag:s0] =	ssyncadd.s32 $0xFFFFFC00  }
0x10a: {  	[spmem:s2] =	stream.indirect.scatter.add.f32 [tilespmem:s30], [sflag:$0x3], $0x8, s1, s29, $0xb8;
	[tilespmem:$0x1F400] =	vst v63  }
0x10b: {  	_ =	swait.ge [sflag:s26], $0x400  }
0x10c: {  	[sflag:s26] =	ssyncset.done $0x0  }
0x10d: {  	[sflag:s26] =	ssyncadd.s32 $0xFFFFFC00  }
0x10e: {  	_ =	swait.ge [sflag:s28], $0x400  }
0x10f: {  	[sflag:s28] =	ssyncset.done $0x0  }
0x110: {  	[sflag:s28] =	ssyncadd.s32 $0xFFFFFC00  }
0x111: {  	[spmem:s2] =	stream.indirect.scatter.add.f32 [tilespmem:s31], [sflag:$0x3], $0x8, s4, s29, $0xb8;
	[tilespmem:$0x1F400] =	vst v63  }
0x112: {  	_ =	swait.ge [sflag:s26], $0x400  }
0x113: {  	[sflag:s26] =	ssyncset.done $0x0  }
0x114: {  	[sflag:s26] =	ssyncadd.s32 $0xFFFFFC00  }
0x115: {  	[bflag:$0x0] =	sbarrier.arrive $0xFFFF  }
0x116: {  	[hbm:s23], [sflag:s13] =	dma.local [spmem:s8], $0xC80  }
0x117: {  	_ =	swait.ge [sflag:s26], $0xC80  }
0x118: {  	[sflag:s26] =	ssyncset.done $0x0  }
0x119: {  	[sflag:s26] =	ssyncadd.s32 $0xFFFFF380  }
0x11a: {  	[bflag:$0x0] =	sbarrier.arrive $0xFFFF  }
0x11b: {  	[spmem:s8], [sflag:s13] =	dma.local [hbm:s12], $0xC80  }
0x11c: {  	_ =	swait.ge [sflag:s26], $0xC80  }
0x11d: {  	[sflag:s26] =	ssyncset.done $0x0  }
0x11e: {  	[sflag:s26] =	ssyncadd.s32 $0xFFFFF380  }
0x11f: {  	s14 =	simm.s32 $0x0;
	[bflag:$0x0] =	sbarrier.arrive $0xFFFF  }
0x120: {  	[tilespmem:s30], [sflag:$0x1] =	stream.indirect.gather [hbm4b:s25+s29], $0x8, s14, s29, $0xb8;
	[tilespmem:$0x1F400] =	vst v63  }
0x121: {  	s7 =	simm.s32 $0x80  }
0x122: {  	[tilespmem:s31], [sflag:$0x2] =	stream.indirect.gather [hbm4b:s25+s29], $0x8, s7, s29, $0xb8;
	[tilespmem:$0x1F400] =	vst v63  }
0x123: {  	_ =	swait.ge [sflag:s0], $0x400  }
0x124: {  	[sflag:s0] =	ssyncset.done $0x0  }
0x125: {  	s9 =	simm.s32 $0xC400;
	[sflag:s0] =	ssyncadd.s32 $0xFFFFFC00  }
0x126: {  	[spmem:s2] =	stream.indirect.scatter.add.f32 [tilespmem:s30], [sflag:$0x3], $0x8, s9, s29, $0xb8;
	[tilespmem:$0x1F400] =	vst v63  }
0x127: {  	_ =	swait.ge [sflag:s26], $0x400  }
0x128: {  	[sflag:s26] =	ssyncset.done $0x0  }
0x129: {  	s10 =	simm.s32 $0x100;
	[sflag:s26] =	ssyncadd.s32 $0xFFFFFC00  }
0x12a: {  	[tilespmem:s30], [sflag:$0x1] =	stream.indirect.gather [hbm4b:s25+s29], $0x8, s10, s29, $0xb8;
	[tilespmem:$0x1F400] =	vst v63  }
0x12b: {  	_ =	swait.ge [sflag:s28], $0x400  }
0x12c: {  	[sflag:s28] =	ssyncset.done $0x0  }
0x12d: {  	s14 =	simm.s32 $0xC480;
	[sflag:s28] =	ssyncadd.s32 $0xFFFFFC00  }
0x12e: {  	[spmem:s2] =	stream.indirect.scatter.add.f32 [tilespmem:s31], [sflag:$0x3], $0x8, s14, s29, $0xb8;
	[tilespmem:$0x1F400] =	vst v63  }
0x12f: {  	_ =	swait.ge [sflag:s26], $0x400  }
0x130: {  	s5 =	simm.s32 $0x800;
	s10 =	simm.s32 $0x100;
	[sflag:s26] =	ssyncset.done $0x0  }
.LBB2_8:
0x131: {  	s7 =	sadd.s32 $0x80, s10  }
0x132: {  	[sflag:s26] =	ssyncadd.s32 $0xFFFFFC00;
	s9 =	smov.u32 s5;
	s14 =	sadd.s32 $0x400, s5  }
0x133: {  	[tilespmem:s31], [sflag:$0x2] =	stream.indirect.gather [hbm4b:s25+s29], $0x8, s7, s29, $0xb8;
	[tilespmem:$0x1F400] =	vst v63  }
0x134: {  	p2 =	sne.s32 s5, $0x30800;
	_ =	swait.ge [sflag:s0], $0x400  }
0x135: {  	[sflag:s0] =	ssyncset.done $0x0  }
0x136: {  	s5 =	sadd.s32 $0xC400, s10;
	[sflag:s0] =	ssyncadd.s32 $0xFFFFFC00  }
0x137: {  	[spmem:s2] =	stream.indirect.scatter.add.f32 [tilespmem:s30], [sflag:$0x3], $0x8, s5, s29, $0xb8;
	[tilespmem:$0x1F400] =	vst v63  }
0x138: {  	_ =	swait.ge [sflag:s26], $0x400  }
0x139: {  	[sflag:s26] =	ssyncset.done $0x0  }
0x13a: {  	s5 =	sadd.s32 $0x100, s10;
	[sflag:s26] =	ssyncadd.s32 $0xFFFFFC00  }
0x13b: {  	[tilespmem:s30], [sflag:$0x1] =	stream.indirect.gather [hbm4b:s25+s29], $0x8, s5, s29, $0xb8;
	[tilespmem:$0x1F400] =	vst v63  }
0x13c: {  	_ =	swait.ge [sflag:s28], $0x400  }
.Ltmp3:
0x13d: {  	[sflag:s28] =	ssyncset.done $0x0;
	(pc) =	sbr.rel @p2 .LBB2_8-.Ltmp3, $4  }
0x13e: {  	s5 =	sadd.s32 $0xC480, s10;
	[sflag:s28] =	ssyncadd.s32 $0xFFFFFC00  }
0x13f: {  	[spmem:s2] =	stream.indirect.scatter.add.f32 [tilespmem:s31], [sflag:$0x3], $0x8, s5, s29, $0xb8;
	[tilespmem:$0x1F400] =	vst v63  }
0x140: {  	_ =	swait.ge [sflag:s26], $0x400  }
0x141: {  	s10 =	sshra.s32 s9, $0x2;
	s5 =	smov.u32 s14;
	[sflag:s26] =	ssyncset.done $0x0  }
0x142: {  	s5 =	sadd.s32 $0x80, s10;
	[sflag:s26] =	ssyncadd.s32 $0xFFFFFC00  }
0x143: {  	[tilespmem:s31], [sflag:$0x2] =	stream.indirect.gather [hbm4b:s25+s29], $0x8, s5, s29, $0xb8;
	[tilespmem:$0x1F400] =	vst v63  }
0x144: {  	_ =	swait.ge [sflag:s0], $0x400  }
0x145: {  	[sflag:s0] =	ssyncset.done $0x0  }
0x146: {  	s7 =	sadd.s32 $0xC400, s10;
	[sflag:s0] =	ssyncadd.s32 $0xFFFFFC00  }
0x147: {  	[spmem:s2] =	stream.indirect.scatter.add.f32 [tilespmem:s30], [sflag:$0x3], $0x8, s7, s29, $0xb8;
	[tilespmem:$0x1F400] =	vst v63  }
0x148: {  	_ =	swait.ge [sflag:s26], $0x400  }
0x149: {  	[sflag:s26] =	ssyncset.done $0x0  }
0x14a: {  	s9 =	sadd.s32 $0x100, s10;
	[sflag:s26] =	ssyncadd.s32 $0xFFFFFC00  }
0x14b: {  	[tilespmem:s30], [sflag:$0x1] =	stream.indirect.gather [hbm4b:s25+s29], $0x8, s9, s29, $0xb8;
	[tilespmem:$0x1F400] =	vst v63  }
0x14c: {  	_ =	swait.ge [sflag:s28], $0x400  }
0x14d: {  	[sflag:s28] =	ssyncset.done $0x0  }
0x14e: {  	s10 =	sadd.s32 $0xC480, s10;
	[sflag:s28] =	ssyncadd.s32 $0xFFFFFC00  }
0x14f: {  	[spmem:s2] =	stream.indirect.scatter.add.f32 [tilespmem:s31], [sflag:$0x3], $0x8, s10, s29, $0xb8;
	[tilespmem:$0x1F400] =	vst v63  }
0x150: {  	_ =	swait.ge [sflag:s26], $0x400  }
0x151: {  	s5 =	simm.s32 @p0 $0x80;
	[sflag:s26] =	ssyncset.done $0x0  }
0x152: {  	s7 =	simm.s32 @p0 $0xC380;
	s9 =	simm.s32 @p0 $0x18C00;
	[sflag:s26] =	ssyncadd.s32 $0xFFFFFC00  }
0x153: {  	[tilespmem:s9], [sflag:$0x2] =	stream.indirect.gather @p0 [hbm4b:s15+s5], $0x8, s7, s5, $0xb8;
	[tilespmem:$0x1F400] =	vst v63  }
0x154: {  	s5 =	simm.s32 @!p0 $0x80;
	s7 =	simm.s32 @!p0 $0xC380;
	s9 =	simm.s32 @!p0 $0x18C00  }
0x155: {  	[tilespmem:s9], [sflag:$0x2] =	stream.indirect.gather @!p0 [hbm4b:s22+s5], $0x8, s7, s5, $0xb8;
	[tilespmem:$0x1F400] =	vst v63  }
0x156: {  	_ =	swait.ge [sflag:s0], $0x400  }
0x157: {  	[sflag:s0] =	ssyncset.done $0x0  }
0x158: {  	[sflag:s0] =	ssyncadd.s32 $0xFFFFFC00  }
0x159: {  	[spmem:s2] =	stream.indirect.scatter.add.f32 [tilespmem:s30], [sflag:$0x3], $0x8, s1, s29, $0xb8;
	[tilespmem:$0x1F400] =	vst v63  }
0x15a: {  	_ =	swait.ge [sflag:s26], $0x400  }
0x15b: {  	[sflag:s26] =	ssyncset.done $0x0  }
0x15c: {  	[sflag:s26] =	ssyncadd.s32 $0xFFFFFC00  }
0x15d: {  	_ =	swait.ge [sflag:s28], $0x400  }
0x15e: {  	[sflag:s28] =	ssyncset.done $0x0  }
0x15f: {  	[sflag:s28] =	ssyncadd.s32 $0xFFFFFC00  }
0x160: {  	[spmem:s2] =	stream.indirect.scatter.add.f32 [tilespmem:s31], [sflag:$0x3], $0x8, s4, s29, $0xb8;
	[tilespmem:$0x1F400] =	vst v63  }
0x161: {  	_ =	swait.ge [sflag:s26], $0x400  }
0x162: {  	[sflag:s26] =	ssyncset.done $0x0  }
0x163: {  	[sflag:s26] =	ssyncadd.s32 $0xFFFFFC00  }
0x164: {  	[bflag:$0x0] =	sbarrier.arrive $0xFFFF  }
0x165: {  	[hbm:s24], [sflag:s13] =	dma.local [spmem:s8], $0xC80  }
0x166: {  	_ =	swait.ge [sflag:s26], $0xC80  }
0x167: {  	s6 =	sadd.s32 $0x1, s6;
	s14 =	rddreg [dreg:$0x9]  }
0x168: {  	p2 =	sne.s32 s6, s14  }
.Ltmp4:
0x169: {  	_ = 	snop;
	(pc) =	sbr.rel @p2 .LBB2_1-.Ltmp4, $3  }
0x16a: {  	[sflag:s26] =	ssyncset.done $0x0  }
0x16b: {  	[sflag:s26] =	ssyncadd.s32 $0xFFFFF380  }
0x16c: {  	[bflag:$0x0] =	sbarrier.arrive $0xFFFF;
	_ =	sdelay $0x1  }
0x16d: {  	_ =	sfence.sel $0x180000  }
0x16e: {  	[bflag:$0x0] =	sbarrier.arrive $0xFFFF  }
0x16f: {  	_ =	strace $0x9000004A  }
0x170: {  	s0 =	stileid.u32;
	[bflag:$0x2] =	sbarrier.arrive $0xFFFF  }
0x171: {  	p0 =	sne.s32 s0, $0x0;
	s0 =	rddreg [dreg:$0x2]  }
0x172: {  	s0 =	sadd.s32 @!p0 $0x100000, s0  }
0x173: {  	[sflag:s0] =	ssyncadd.tile.s32 @!p0 $0x1;
	_ =	shalt  }
.Lfunc_end2:
_tile_overlayer_lowered:
.L_overlay_start_2:
0x174: {  	(tag) =	ssettag $0x2  }
0x175: {  	s0 =	rddreg [dreg:$0x0];
	s2 =	stileid.u32  }
0x176: {  	s1 =	rddreg [dreg:$0x1];
	p0 =	sne.s32 s2, $0x0  }
0x177: {  	s3 =	rddreg [dreg:$0x2];
	[bflag:$0x3] =	sbarrier.arrive $0xFFFF;
	s2 =	simm.s32 @!p0 $0x1C03  }
0x178: {  	[timem:s3], [sflag:s2] =	dma.local @!p0 [hbm:s0], s1  }
0x179: {  	s0 =	simm.s32 @!p0 $0x3  }
0x17a: {  	_ =	swait.ge @!p0 [sflag:s0], s1  }
0x17b: {  	s1 =	ssub.s32 @!p0 $0x0, s1;
	[sflag:s0] =	ssyncset.done @!p0 $0x0  }
0x17c: {  	[sflag:s0] =	ssyncadd.s32 @!p0 s1  }
0x17d: {  	[bflag:$0x3] =	sbarrier.arrive $0xFFFF  }
0x17e: {  	_ =	shalt  }

// kernel: kernel.5.cloned.1.call-start
scs
__scs_entry_jumppad:
0x0: {  	(pc) =	sbr.rel $0x88, $3  }
0x1: {  	(tag) =	ssettag $0x0;
	lr =	simm.s32 $0x1  }
0x2: {  	[smem:$0x3F93] =	sst lr;
	_ =	strace $0xD0000000  }
0x3: {  	_ = 	snop  }
0x4: {  	_ = 	snop  }
0x5: {  	_ = 	snop  }
0x6: {  	_ = 	snop  }
0x7: {  	_ = 	snop  }
__scs_overlays_trampoline_lowered:
0x8: {  	[smem:$0x3FA2] =	sst s0  }
0x9: {  	[smem:$0x3FA3] =	sst s1  }
0xa: {  	[smem:$0x3FA4] =	sst s2  }
0xb: {  	[smem:$0x3FA5] =	sst s3  }
0xc: {  	[smem:$0x3FA6] =	sst s4  }
0xd: {  	[smem:$0x3FA7] =	sst s5  }
0xe: {  	[smem:$0x3FA8] =	sst s6  }
0xf: {  	[smem:$0x3FA9] =	sst s7  }
0x10: {  	[smem:$0x3FAA] =	sst s8  }
0x11: {  	[smem:$0x3FAB] =	sst s9;
	s0 =	simm.s32 @!p0 $0x0  }
0x12: {  	s1 =	sld [smem:$0x3F91];
	s0 =	simm.s32 @p0 $0x1  }
0x13: {  	[smem:$0x3FAC] =	sst s0;
	s0 =	simm.s32 @!p1 $0x0  }
0x14: {  	s2 =	sld [smem:$0x3F90];
	s0 =	simm.s32 @p1 $0x1  }
0x15: {  	[smem:$0x3FAD] =	sst s0;
	s0 =	simm.s32 @!p2 $0x0  }
0x16: {  	s3 =	sld [smem:$0x3FDB];
	s0 =	simm.s32 @p2 $0x1  }
0x17: {  	s4 =	simm.s32 $0x1BF5;
	[smem:$0x3FAF] =	sst s0  }
0x18: {  	s0 =	sld [smem:$0x3F92];
	_ =	swait.ge [sflag:s4], $0x0  }
0x19: {  	s7 =	sld [smem:$0x3F93]  }
0x1a: {  	s8 =	sadd.s32 $0xFFFFE003, lr  }
0x1b: {  	s9 =	sadd.s32 $0xFFFFFEF7, lr;
	s5 =	simm.s32 $0xFFFFFFFF;
	p2 =	slt.u32 s8, $0xFFFFF086  }
0x1c: {  	p1 =	slt.u32 s9, $0xF7A;
	s5 =	simm.s32 @!p2 $0x0  }
0x1d: {  	s5 =	simm.s32 @p1 $0x1;
	p0 =	seq.s32 s7, s2  }
0x1e: {  	s7 =	smul.u32 @!p0 $0xF7A, s2;
	p2 =	seq.s32 @!p0 s5, $0x0  }
0x1f: {  	s9 =	smul.u32 $0xF7A, s1;
	s8 =	simm.s32 @!p0 $0x1BF5;
	p2 =	por !p2, p0  }
0x20: {  	[sflag:s8] =	ssyncset.s32 @!p0 $0xFFFFF086;
	s6 =	sadd.s32 @!p0 s3, s7;
	s7 =	simm.s32 @!p0 $0x108  }
0x21: {  	s3 =	sadd.s32 s3, s9;
	s6 =	sadd.s32 @!p0 $0x88, s6;
	s7 =	simm.s32 @p2 $0x1082  }
0x22: {  	[simem:s7], [sflag:s8] =	dma.local @!p0 [hbm:s6], $0xF7A  }
0x23: {  	s9 =	sor.u32 $0xD0000000, s2;
	s6 =	simm.s32 $0x108;
	_ =	swait.ge @!p0 [sflag:s8], $0x0  }
0x24: {  	s3 =	sadd.s32 $0x88, s3;
	s6 =	simm.s32 @!p1 $0x1082;
	[sflag:s4] =	ssyncset.s32 $0xFFFFF086  }
0x25: {  	[simem:s6], [sflag:s4] =	dma.local [hbm:s3], $0xF7A  }
0x26: {  	[smem:$0x3F93] =	sst s1;
	(tag) =	ssettag s2;
	_ =	strace s9  }
0x27: {  	s1 =	sld [smem:$0x3FA3]  }
0x28: {  	s2 =	sld [smem:$0x3FA4]  }
0x29: {  	s4 =	sld [smem:$0x3FA6]  }
0x2a: {  	p0 =	seq.s32 s5, $0x0;
	s5 =	sld [smem:$0x3FA7]  }
0x2b: {  	s6 =	sld [smem:$0x3FA8]  }
0x2c: {  	s7 =	sld [smem:$0x3FA9]  }
0x2d: {  	s3 =	simm.s32 $0x108;
	s8 =	sld [smem:$0x3FAA]  }
0x2e: {  	s3 =	simm.s32 @!p0 $0x1082;
	s9 =	sld [smem:$0x3FAB]  }
0x2f: {  	lr =	sadd.s32 s0, s3;
	s0 =	sld [smem:$0x3FA2]  }
0x30: {  	s3 =	sld [smem:$0x3FA5]  }
0x31: {  	[smem:$0x3FAE] =	sst s10  }
0x32: {  	s10 =	sld [smem:$0x3FAC];
	_ =	sdelay $0x3  }
0x33: {  	p0 =	seq.s32 s10, $0x1;
	s10 =	sld [smem:$0x3FAE];
	_ =	sdelay $0x3  }
0x34: {  	[smem:$0x3FAE] =	sst s10  }
0x35: {  	s10 =	sld [smem:$0x3FAD];
	_ =	sdelay $0x3  }
0x36: {  	p1 =	seq.s32 s10, $0x1;
	s10 =	sld [smem:$0x3FAE];
	_ =	sdelay $0x3  }
0x37: {  	[smem:$0x3FAE] =	sst s10  }
0x38: {  	s10 =	sld [smem:$0x3FAF]  }
0x39: {  	_ = 	snop;
	(pc) =	sbr.ind lr, $3  }
0x3a: {  	_ = 	snop  }
0x3b: {  	_ = 	snop  }
0x3c: {  	p2 =	seq.s32 s10, $0x1;
	s10 =	sld [smem:$0x3FAE]  }
0x3d: {  	_ =	shalt  }
0x3e: {  	_ =	shalt  }
0x3f: {  	_ =	shalt  }
0x40: {  	_ =	shalt  }
0x41: {  	_ =	shalt  }
0x42: {  	_ =	shalt  }
0x43: {  	_ =	shalt  }
0x44: {  	_ =	shalt  }
0x45: {  	_ =	shalt  }
0x46: {  	_ =	shalt  }
0x47: {  	_ =	shalt  }
0x48: {  	_ =	shalt  }
0x49: {  	_ =	shalt  }
0x4a: {  	_ =	shalt  }
0x4b: {  	_ =	shalt  }
0x4c: {  	_ =	shalt  }
0x4d: {  	_ =	shalt  }
0x4e: {  	_ =	shalt  }
0x4f: {  	_ =	shalt  }
0x50: {  	_ =	shalt  }
0x51: {  	_ =	shalt  }
0x52: {  	_ =	shalt  }
0x53: {  	_ =	shalt  }
0x54: {  	_ =	shalt  }
0x55: {  	_ =	shalt  }
0x56: {  	_ =	shalt  }
0x57: {  	_ =	shalt  }
0x58: {  	_ =	shalt  }
0x59: {  	_ =	shalt  }
0x5a: {  	_ =	shalt  }
0x5b: {  	_ =	shalt  }
0x5c: {  	_ =	shalt  }
0x5d: {  	_ =	shalt  }
0x5e: {  	_ =	shalt  }
0x5f: {  	_ =	shalt  }
0x60: {  	_ =	shalt  }
0x61: {  	_ =	shalt  }
0x62: {  	_ =	shalt  }
0x63: {  	_ =	shalt  }
0x64: {  	_ =	shalt  }
0x65: {  	_ =	shalt  }
0x66: {  	_ =	shalt  }
0x67: {  	_ =	shalt  }
0x68: {  	_ =	shalt  }
0x69: {  	_ =	shalt  }
0x6a: {  	_ =	shalt  }
0x6b: {  	_ =	shalt  }
0x6c: {  	_ =	shalt  }
0x6d: {  	_ =	shalt  }
0x6e: {  	_ =	shalt  }
0x6f: {  	_ =	shalt  }
0x70: {  	_ =	shalt  }
0x71: {  	_ =	shalt  }
0x72: {  	_ =	shalt  }
0x73: {  	_ =	shalt  }
0x74: {  	_ =	shalt  }
0x75: {  	_ =	shalt  }
0x76: {  	_ =	shalt  }
0x77: {  	_ =	shalt  }
0x78: {  	_ =	shalt  }
0x79: {  	_ =	shalt  }
0x7a: {  	_ =	shalt  }
0x7b: {  	_ =	shalt  }
0x7c: {  	_ =	shalt  }
0x7d: {  	_ =	shalt  }
0x7e: {  	_ =	shalt  }
0x7f: {  	_ =	shalt  }
0x80: {  	_ =	shalt  }
0x81: {  	_ =	shalt  }
0x82: {  	_ =	shalt  }
0x83: {  	_ =	shalt  }
0x84: {  	_ =	shalt  }
0x85: {  	_ =	shalt  }
0x86: {  	_ =	shalt  }
0x87: {  	_ =	shalt  }
.Lfunc_end0:
.L_simem_size_0:
called_computation.1_lowered:
.L_overlay_start_0:
0x88: {  	s2 =	sld [smem:$0x3FD9]  }
0x89: {  	s3 =	sld [smem:$0x3FFE];
	_ =	sdelay $0x1  }
0x8a: {  	s1 =	srdreg.scid  }
0x8b: {  	s0 =	sand.u32 $0x1, s1  }
0x8c: {  	s16 =	sshll.u32 s0, $0xA;
	s2 =	sadd.s32 s3, s2  }
0x8d: {  	s2 =	sadd.s32 s2, s16  }
0x8e: {  	[smem:$0x3FBA] =	sst s2  }
0x8f: {  	_ = 	snop  }
0x90: {  	(tm) =	ssettm $0x1  }
0x91: {  	s17 =	sld [smem:$0x3FFB];
	_ =	sdelay $0x3  }
0x92: {  	_ =	strace s17  }
0x93: {  	s2 =	sld [smem:$0x3FFC];
	_ =	sdelay $0x3  }
0x94: {  	_ =	strace s2  }
0x95: {  	s2 =	sld [smem:$0x3FFD];
	_ =	sdelay $0x3  }
0x96: {  	_ =	strace s2  }
0x97: {  	_ =	strace $0x8FFFFFFF  }
0x98: {  	s18 =	sld [smem:$0x3FDB];
	_ =	sdelay $0x1  }
0x99: {  	s19 =	simm.s32 $_scs_section_size  }
0x9a: {  	s4 =	simm.s32 $_size__tile_overlayer_lowered;
	s5 =	simm.s32 $_tile_overlayer_lowered  }
0x9b: {  	s22 =	simm.s32 $0x1BFF;
	s21 =	sshll.u32 s5, $0x1;
	s2 =	sadd.s32 s19, s18  }
0x9c: {  	s6 =	simm.s32 $0x0;
	s20 =	sshll.u32 s4, $0x1;
	s4 =	sadd.s32 s21, s2  }
0x9d: {  	[timem:s6], [sflag:s22] =	dma.local [hbm:s4], s20  }
0x9e: {  	_ =	swait.ge [sflag:s22], s20  }
0x9f: {  	s3 =	ssub.s32 $0x0, s20;
	[sflag:s22] =	ssyncset.done $0x0  }
0xa0: {  	[sflag:s22] =	ssyncadd.s32 s3;
	_ =	sdelay $0x1  }
0xa1: {  	s23 =	simm.s32 $0x1B8B  }
0xa2: {  	_ =	swait.ge [sflag:s23], $0x1  }
0xa3: {  	[sflag:s23] =	ssyncset.done $0x0  }
0xa4: {  	s25 =	simm.s32 $0x1B8E;
	s24 =	sld [smem:$0x3FFE];
	[sflag:s23] =	ssyncadd.s32 $0xFFFFFFFF  }
0xa5: {  	s26 =	simm.s32 $execute0_lowered;
	[smem:$0x3FD2] =	sst s25  }
0xa6: {  	s4 =	sshll.u32 s26, $0x1;
	_ =	strace $0x80000046;
	[dreg:$0x1] =	wrdreg $0xFFFFFFFF  }
0xa7: {  	s28 =	simm.s32 $_size_execute0_lowered;
	s2 =	sadd.s32 s2, s4;
	[dreg:$0x0] =	wrdreg $0x0  }
0xa8: {  	s4 =	sshll.u32 s28, $0x1;
	[dreg:$0x2] =	wrdreg s2  }
0xa9: {  	[dreg:$0x3] =	wrdreg s4  }
0xaa: {  	[dreg:$0x4] =	wrdreg $0xC0  }
0xab: {  	_ =	task [dreg:s6], $0x5FFFF  }
0xac: {  	[dreg:$0x1] =	wrdreg $0xFFFFFFFF  }
0xad: {  	[dreg:$0x0] =	wrdreg $0x60  }
0xae: {  	[dreg:$0x2] =	wrdreg s24  }
0xaf: {  	[dreg:$0x3] =	wrdreg $0x194000  }
0xb0: {  	[dreg:$0x4] =	wrdreg $0x9  }
0xb1: {  	_ =	task.clear_ibuf [dreg:s6], $0x5FFFF;
	_ =	strace $0x90000046  }
0xb2: {  	s29 =	simm.s32 $0x9;
	_ =	strace $0x80000048  }
0xb3: {  	_ =	swait.ge [sflag:s29], $0x1  }
0xb4: {  	[sflag:s29] =	ssyncadd.s32 $0xFFFFFFFF  }
0xb5: {  	_ =	strace $0x90000048  }
0xb6: {  	_ =	sfence  }
0xb7: {  	s30 =	sld [smem:$0x0];
	_ =	sdelay $0x2  }
0xb8: {  	s31 =	sshll.u32 s1, $0xD;
	s1 =	sshrl.u32 s1, $0x2  }
0xb9: {  	s3 =	sand.u32 $0x4000, s31;
	s1 =	sadd.s32 s1, s30  }
0xba: {  	s0 =	sor.u32 s3, s0;
	s1 =	sshll.u32 s1, $0x11  }
0xbb: {  	s0 =	sor.u32 s1, s0  }
0xbc: {  	s0 =	sadd.s32 $0x8F2B, s0  }
0xbd: {  	[sflag:s0] =	ssyncadd.remote.s32 $0x1  }
0xbe: {  	_ =	sfence.sel $0xFFFF  }
0xbf: {  	[dreg:$0x0] =	wrdreg $0xFFFFFFFF;
	(pc) =	sbr.abs _section_cstart, $3  }
0xc0: {  	[dreg:$0x1] =	wrdreg $0xFFFFFFFF  }
0xc1: {  	_ =	task.clear_ibuf [dreg:s6], $0x2FFFF;
	_ =	strace $0x9FFFFFFF  }
0xc2: {  	(tm) =	ssettm $0x7FFFFFFF  }
0xc3: {  	_ =	shalt  }
tec
execute0_lowered:
.L_overlay_start_1:
0x0: {  	(tag) =	ssettag $0x1  }
0x1: {  	s0 =	rddreg [dreg:$0x0]  }
0x2: {  	s2 =	rddreg [dreg:$0x1]  }
0x3: {  	s7 =	stileid.u32;
	s3 =	simm.s32 $0x0;
	s5 =	srdreg.scid  }
0x4: {  	s28 =	simm.s32 $0x19000;
	s29 =	simm.s32 $0x80;
	s30 =	simm.s32 $0x18800  }
0x5: {  	s31 =	simm.s32 $0x18C00;
	s1 =	smul.u32 $0x1880, s7;
	[smem:$0x7FF] =	sst s3  }
0x6: {  	s15 =	sadd.s32 $0x43400, s0;
	s16 =	sadd.s32 $0x36C00, s0;
	s22 =	sadd.s32 $0x2A400, s0  }
0x7: {  	s19 =	sadd.s32 $0x1DC00, s0;
	s23 =	sadd.s32 $0x11400, s0;
	s20 =	sadd.s32 $0x80C00, s0  }
0x8: {  	s4 =	sadd.s32 $0x8E200, s0;
	s11 =	sadd.s32 $0x8D400, s0;
	s6 =	sadd.s32 $0xCCC00, s0  }
0x9: {  	s8 =	sadd.s32 $0xA7400, s0;
	s5 =	sand.u32 $0x1, s5;
	s10 =	sadd.s32 $0xB3C00, s0  }
0xa: {  	s9 =	sadd.s32 $0xE5C00, s0;
	_ =	strace $0x80000047;
	[dreg:$0x6] =	wrdreg s4  }
0xb: {  	s12 =	sadd.s32 $0x8E400, s0;
	s25 =	sadd.s32 $0x9AC00, s0;
	[dreg:$0x7] =	wrdreg s9  }
0xc: {  	s21 =	smul.u32 $0x6400, s7;
	s4 =	sadd.s32 $0xC0400, s0;
	[dreg:$0x3] =	wrdreg s16  }
0xd: {  	s13 =	ssub.s32 $0x2, s5;
	p0 =	seq.s32 s5, $0x0;
	[dreg:$0x4] =	wrdreg s15  }
0xe: {  	[dreg:$0x5] =	wrdreg s19;
	s9 =	smov.u32 s20;
	p1 =	sne.s32 s5, $0x0  }
0xf: {  	s1 =	sadd.s32 s1, s0;
	s14 =	sshrl.u32 s13, $0x1;
	s0 =	sadd.s32 $0xD9400, s0  }
0x10: {  	s6 =	smov.u32 @p0 s4;
	s26 =	sadd.s32 s21, s2;
	s16 =	smov.u32 @p0 s15  }
0x11: {  	s18 =	sshrl.u32 s21, $0x3;
	s10 =	smov.u32 @p0 s8;
	s25 =	smov.u32 @p0 s12  }
0x12: {  	s19 =	smov.u32 @p0 s22;
	s21 =	smov.u32 s23;
	s20 =	smov.u32 @p0 s23  }
0x13: {  	s12 =	simm.s32 $0xC300;
	[dreg:$0x8] =	wrdreg s0;
	s17 =	ssub.s32 s13, s14  }
0x14: {  	s24 =	sadd.s32 $0x68400, s1;
	s1 =	sadd.s32 $0x4FC00, s1;
	[dreg:$0xb] =	wrdreg s26  }
.Ltmp0:
0x15: {  	s23 =	sadd.s32 s6, s18;
	s25 =	sadd.s32 s25, s18;
	(pc) =	sbr.rel .LBB2_1-.Ltmp0, $4  }
0x16: {  	s26 =	simm.s32 $0xC400;
	s13 =	simm.s32 $0xC380;
	[dreg:$0x9] =	wrdreg s24  }
0x17: {  	[dreg:$0xa] =	wrdreg s1;
	s0 =	smax.u32 s17, $0x1;
	s17 =	smov.u32 s22  }
0x18: {  	s22 =	simm.s32 $0x3;
	s24 =	sadd.s32 s10, s18;
	s1 =	simm.s32 $0x2  }
0x19: {  	s10 =	simm.s32 $0x0;
	[dreg:$0xc] =	wrdreg s0;
	s0 =	simm.s32 $0x1  }
.LBB2_13:
0x1a: {  	[sflag:s22] =	ssyncset.done $0x0  }
0x1b: {  	s5 =	rddreg [dreg:$0x8];
	[sflag:s22] =	ssyncadd.s32 $0xFFFFFC00  }
.LBB2_14:
0x1c: {  	s5 =	sadd.s32 s5, s18;
	[bflag:$0x0] =	sbarrier.arrive $0xFFFF  }
0x1d: {  	[hbm:s5], [sflag:s4] =	dma.local [spmem:s6], $0xC80  }
0x1e: {  	_ =	swait.ge [sflag:s22], $0xC80  }
0x1f: {  	s10 =	sadd.s32 $0x1, s10;
	s15 =	rddreg [dreg:$0xc]  }
0x20: {  	p2 =	sne.s32 s10, s15  }
.Ltmp1:
0x21: {  	_ = 	snop;
	(pc) =	sbr.rel @!p2 .LBB2_15-.Ltmp1, $3  }
0x22: {  	_ =	sdelay $0x1  }
0x23: {  	[sflag:s22] =	ssyncset.done $0x0  }
0x24: {  	[sflag:s22] =	ssyncadd.s32 $0xFFFFF380  }
.LBB2_1:
0x25: {  	s4 =	rddreg [dreg:$0x9]  }
0x26: {  	[tilespmem:s3], [sflag:$0x3] =	stream.linear.gather [hbm4b:s4+s3], $0xC400, $0x38;
	[tilespmem:$0x1F800] =	vst v63  }
0x27: {  	_ =	swait.ge [sflag:s22], $0xC400  }
0x28: {  	[sflag:s22] =	ssyncset.done $0x0  }
0x29: {  	s15 =	rddreg [dreg:$0xa];
	[sflag:s22] =	ssyncadd.s32 $0xFFFF3C00  }
0x2a: {  	[tilespmem:s26], [sflag:$0x3] =	stream.linear.gather [hbm4b:s15+s3], $0xC400, $0x38;
	[tilespmem:$0x1F800] =	vst v63  }
0x2b: {  	_ =	swait.ge [sflag:s22], $0xC400  }
0x2c: {  	[sflag:s22] =	ssyncset.done $0x0  }
0x2d: {  	s5 =	rddreg [dreg:$0x6];
	[sflag:s22] =	ssyncadd.s32 $0xFFFF3C00  }
0x2e: {  	[tilespmem:s28], [sflag:$0x3] =	stream.linear.gather [hbm4b:s5+s3], $0x400, $0x38;
	[tilespmem:$0x1F800] =	vst v63  }
0x2f: {  	s6 =	stileid.u32;
	_ =	swait.ge [sflag:s22], $0x400  }
0x30: {  	s4 =	sshll.u32 s6, $0x6;
	[sflag:s22] =	ssyncset.done $0x0;
	s5 =	rddreg [dreg:$0xb]  }
0x31: {  	s4 =	sor.u32 $0x1C03, s4;
	[sflag:s22] =	ssyncadd.s32 $0xFFFFFC00;
	s6 =	sshrl.u32 s5, $0x3  }
0x32: {  	[spmem:s6], [sflag:s4] =	dma.local [hbm:s11], $0xC80  }
0x33: {  	_ =	swait.ge [sflag:s22], $0xC80  }
0x34: {  	[sflag:s22] =	ssyncset.done $0x0  }
0x35: {  	[sflag:s22] =	ssyncadd.s32 $0xFFFFF380  }
0x36: {  	[bflag:$0x0] =	sbarrier.arrive $0xFFFF  }
0x37: {  	[tilespmem:s30], [sflag:$0x1] =	stream.indirect.gather [hbm4b:s16+s29], $0x8, s26, s29, $0xb8;
	[tilespmem:$0x1F800] =	vst v63  }
0x38: {  	s7 =	simm.s32 $0xC480  }
0x39: {  	[tilespmem:s31], [sflag:$0x2] =	stream.indirect.gather [hbm4b:s16+s29], $0x8, s7, s29, $0xb8;
	[tilespmem:$0x1F800] =	vst v63  }
0x3a: {  	_ =	swait.ge [sflag:s0], $0x400  }
0x3b: {  	[sflag:s0] =	ssyncset.done $0x0  }
0x3c: {  	s8 =	simm.s32 $0x0;
	[sflag:s0] =	ssyncadd.s32 $0xFFFFFC00  }
0x3d: {  	[spmem:s2] =	stream.indirect.scatter.add.f32 [tilespmem:s30], [sflag:$0x3], $0x8, s8, s29, $0xb8;
	[tilespmem:$0x1F800] =	vst v63  }
0x3e: {  	_ =	swait.ge [sflag:s22], $0x400  }
0x3f: {  	[sflag:s22] =	ssyncset.done $0x0  }
0x40: {  	s14 =	simm.s32 $0xC500;
	[sflag:s22] =	ssyncadd.s32 $0xFFFFFC00  }
0x41: {  	[tilespmem:s30], [sflag:$0x1] =	stream.indirect.gather [hbm4b:s16+s29], $0x8, s14, s29, $0xb8;
	[tilespmem:$0x1F800] =	vst v63  }
0x42: {  	_ =	swait.ge [sflag:s1], $0x400  }
0x43: {  	[sflag:s1] =	ssyncset.done $0x0  }
0x44: {  	s15 =	simm.s32 $0x80;
	[sflag:s1] =	ssyncadd.s32 $0xFFFFFC00  }
0x45: {  	[spmem:s2] =	stream.indirect.scatter.add.f32 [tilespmem:s31], [sflag:$0x3], $0x8, s15, s29, $0xb8;
	[tilespmem:$0x1F800] =	vst v63  }
0x46: {  	_ =	swait.ge [sflag:s22], $0x400  }
0x47: {  	s5 =	simm.s32 $0x800;
	s8 =	simm.s32 $0x100;
	[sflag:s22] =	ssyncset.done $0x0  }
.LBB2_2:
0x48: {  	s14 =	sadd.s32 $0xC480, s8  }
0x49: {  	[sflag:s22] =	ssyncadd.s32 $0xFFFFFC00;
	s15 =	smov.u32 s5;
	s7 =	sadd.s32 $0x400, s5  }
0x4a: {  	[tilespmem:s31], [sflag:$0x2] =	stream.indirect.gather [hbm4b:s16+s29], $0x8, s14, s29, $0xb8;
	[tilespmem:$0x1F800] =	vst v63  }
0x4b: {  	p2 =	sne.s32 s5, $0x30800;
	_ =	swait.ge [sflag:s0], $0x400  }
0x4c: {  	[sflag:s0] =	ssyncset.done $0x0  }
0x4d: {  	[sflag:s0] =	ssyncadd.s32 $0xFFFFFC00  }
0x4e: {  	[spmem:s2] =	stream.indirect.scatter.add.f32 [tilespmem:s30], [sflag:$0x3], $0x8, s8, s29, $0xb8;
	[tilespmem:$0x1F800] =	vst v63  }
0x4f: {  	_ =	swait.ge [sflag:s22], $0x400  }
0x50: {  	[sflag:s22] =	ssyncset.done $0x0  }
0x51: {  	s5 =	sadd.s32 $0xC500, s8;
	[sflag:s22] =	ssyncadd.s32 $0xFFFFFC00  }
0x52: {  	[tilespmem:s30], [sflag:$0x1] =	stream.indirect.gather [hbm4b:s16+s29], $0x8, s5, s29, $0xb8;
	[tilespmem:$0x1F800] =	vst v63  }
0x53: {  	_ =	swait.ge [sflag:s1], $0x400  }
.Ltmp2:
0x54: {  	[sflag:s1] =	ssyncset.done $0x0;
	(pc) =	sbr.rel @p2 .LBB2_2-.Ltmp2, $4  }
0x55: {  	s5 =	sadd.s32 $0x80, s8;
	[sflag:s1] =	ssyncadd.s32 $0xFFFFFC00  }
0x56: {  	[spmem:s2] =	stream.indirect.scatter.add.f32 [tilespmem:s31], [sflag:$0x3], $0x8, s5, s29, $0xb8;
	[tilespmem:$0x1F800] =	vst v63  }
0x57: {  	_ =	swait.ge [sflag:s22], $0x400  }
0x58: {  	s8 =	sshra.s32 s15, $0x2;
	s5 =	smov.u32 s7;
	[sflag:s22] =	ssyncset.done $0x0  }
0x59: {  	s5 =	sadd.s32 $0xC480, s8;
	[sflag:s22] =	ssyncadd.s32 $0xFFFFFC00  }
0x5a: {  	[tilespmem:s31], [sflag:$0x2] =	stream.indirect.gather [hbm4b:s16+s29], $0x8, s5, s29, $0xb8;
	[tilespmem:$0x1F800] =	vst v63  }
0x5b: {  	_ =	swait.ge [sflag:s0], $0x400  }
0x5c: {  	[sflag:s0] =	ssyncset.done $0x0  }
0x5d: {  	[sflag:s0] =	ssyncadd.s32 $0xFFFFFC00  }
0x5e: {  	[spmem:s2] =	stream.indirect.scatter.add.f32 [tilespmem:s30], [sflag:$0x3], $0x8, s8, s29, $0xb8;
	[tilespmem:$0x1F800] =	vst v63  }
0x5f: {  	_ =	swait.ge [sflag:s22], $0x400  }
0x60: {  	[sflag:s22] =	ssyncset.done $0x0  }
0x61: {  	s14 =	sadd.s32 $0xC500, s8;
	[sflag:s22] =	ssyncadd.s32 $0xFFFFFC00  }
0x62: {  	[tilespmem:s30], [sflag:$0x1] =	stream.indirect.gather [hbm4b:s16+s29], $0x8, s14, s29, $0xb8;
	[tilespmem:$0x1F800] =	vst v63  }
0x63: {  	_ =	swait.ge [sflag:s1], $0x400  }
0x64: {  	[sflag:s1] =	ssyncset.done $0x0  }
0x65: {  	s15 =	sadd.s32 $0x80, s8;
	[sflag:s1] =	ssyncadd.s32 $0xFFFFFC00  }
0x66: {  	[spmem:s2] =	stream.indirect.scatter.add.f32 [tilespmem:s31], [sflag:$0x3], $0x8, s15, s29, $0xb8;
	[tilespmem:$0x1F800] =	vst v63  }
0x67: {  	_ =	swait.ge [sflag:s22], $0x400  }
0x68: {  	s7 =	simm.s32 @p0 $0x18780;
	s5 =	simm.s32 @p0 $0x80;
	[sflag:s22] =	ssyncset.done $0x0  }
0x69: {  	s8 =	simm.s32 @p0 $0x18C00;
	s14 =	rddreg [dreg:$0x4];
	[sflag:s22] =	ssyncadd.s32 $0xFFFFFC00  }
0x6a: {  	[tilespmem:s8], [sflag:$0x2] =	stream.indirect.gather @p0 [hbm4b:s14+s5], $0x8, s7, s5, $0xb8;
	[tilespmem:$0x1F800] =	vst v63  }
0x6b: {  	s5 =	simm.s32 @!p0 $0x80  }
0x6c: {  	s7 =	simm.s32 @!p0 $0x18780;
	s8 =	simm.s32 @!p0 $0x18C00;
	s14 =	rddreg [dreg:$0x3]  }
0x6d: {  	[tilespmem:s8], [sflag:$0x2] =	stream.indirect.gather @!p0 [hbm4b:s14+s5], $0x8, s7, s5, $0xb8;
	[tilespmem:$0x1F800] =	vst v63  }
0x6e: {  	_ =	swait.ge [sflag:s0], $0x400  }
0x6f: {  	[sflag:s0] =	ssyncset.done $0x0  }
0x70: {  	[sflag:s0] =	ssyncadd.s32 $0xFFFFFC00  }
0x71: {  	[spmem:s2] =	stream.indirect.scatter.add.f32 [tilespmem:s30], [sflag:$0x3], $0x8, s12, s29, $0xb8;
	[tilespmem:$0x1F800] =	vst v63  }
0x72: {  	_ =	swait.ge [sflag:s22], $0x400  }
0x73: {  	[sflag:s22] =	ssyncset.done $0x0  }
0x74: {  	[sflag:s22] =	ssyncadd.s32 $0xFFFFFC00  }
0x75: {  	_ =	swait.ge [sflag:s1], $0x400  }
0x76: {  	[sflag:s1] =	ssyncset.done $0x0  }
0x77: {  	[sflag:s1] =	ssyncadd.s32 $0xFFFFFC00  }
0x78: {  	[spmem:s2] =	stream.indirect.scatter.add.f32 [tilespmem:s31], [sflag:$0x3], $0x8, s13, s29, $0xb8;
	[tilespmem:$0x1F800] =	vst v63  }
0x79: {  	_ =	swait.ge [sflag:s22], $0x400  }
0x7a: {  	[sflag:s22] =	ssyncset.done $0x0  }
0x7b: {  	[sflag:s22] =	ssyncadd.s32 $0xFFFFFC00  }
0x7c: {  	[bflag:$0x0] =	sbarrier.arrive $0xFFFF  }
0x7d: {  	[hbm:s23], [sflag:s4] =	dma.local [spmem:s6], $0xC80  }
0x7e: {  	_ =	swait.ge [sflag:s22], $0xC80  }
0x7f: {  	[sflag:s22] =	ssyncset.done $0x0  }
0x80: {  	[sflag:s22] =	ssyncadd.s32 $0xFFFFF380  }
0x81: {  	[spmem:s6], [sflag:s4] =	dma.local [hbm:s11], $0xC80  }
0x82: {  	_ =	swait.ge [sflag:s22], $0xC80  }
0x83: {  	[sflag:s22] =	ssyncset.done $0x0  }
0x84: {  	[sflag:s22] =	ssyncadd.s32 $0xFFFFF380  }
0x85: {  	[bflag:$0x0] =	sbarrier.arrive $0xFFFF  }
0x86: {  	[tilespmem:s30], [sflag:$0x1] =	stream.indirect.gather [hbm4b:s19+s29], $0x8, s26, s29, $0xb8;
	[tilespmem:$0x1F800] =	vst v63  }
0x87: {  	s7 =	simm.s32 $0xC480  }
0x88: {  	[tilespmem:s31], [sflag:$0x2] =	stream.indirect.gather [hbm4b:s19+s29], $0x8, s7, s29, $0xb8;
	[tilespmem:$0x1F800] =	vst v63  }
0x89: {  	_ =	swait.ge [sflag:s0], $0x400  }
0x8a: {  	[sflag:s0] =	ssyncset.done $0x0  }
0x8b: {  	s8 =	simm.s32 $0x0;
	[sflag:s0] =	ssyncadd.s32 $0xFFFFFC00  }
0x8c: {  	[spmem:s2] =	stream.indirect.scatter.add.f32 [tilespmem:s30], [sflag:$0x3], $0x8, s8, s29, $0xb8;
	[tilespmem:$0x1F800] =	vst v63  }
0x8d: {  	_ =	swait.ge [sflag:s22], $0x400  }
0x8e: {  	[sflag:s22] =	ssyncset.done $0x0  }
0x8f: {  	s14 =	simm.s32 $0xC500;
	[sflag:s22] =	ssyncadd.s32 $0xFFFFFC00  }
0x90: {  	[tilespmem:s30], [sflag:$0x1] =	stream.indirect.gather [hbm4b:s19+s29], $0x8, s14, s29, $0xb8;
	[tilespmem:$0x1F800] =	vst v63  }
0x91: {  	_ =	swait.ge [sflag:s1], $0x400  }
0x92: {  	[sflag:s1] =	ssyncset.done $0x0  }
0x93: {  	s15 =	simm.s32 $0x80;
	[sflag:s1] =	ssyncadd.s32 $0xFFFFFC00  }
0x94: {  	[spmem:s2] =	stream.indirect.scatter.add.f32 [tilespmem:s31], [sflag:$0x3], $0x8, s15, s29, $0xb8;
	[tilespmem:$0x1F800] =	vst v63  }
0x95: {  	_ =	swait.ge [sflag:s22], $0x400  }
0x96: {  	s5 =	simm.s32 $0x800;
	s8 =	simm.s32 $0x100;
	[sflag:s22] =	ssyncset.done $0x0  }
.LBB2_4:
0x97: {  	s7 =	sadd.s32 $0xC480, s8  }
0x98: {  	[sflag:s22] =	ssyncadd.s32 $0xFFFFFC00;
	s14 =	smov.u32 s5;
	s15 =	sadd.s32 $0x400, s5  }
0x99: {  	[tilespmem:s31], [sflag:$0x2] =	stream.indirect.gather [hbm4b:s19+s29], $0x8, s7, s29, $0xb8;
	[tilespmem:$0x1F800] =	vst v63  }
0x9a: {  	p2 =	sne.s32 s5, $0x30800;
	_ =	swait.ge [sflag:s0], $0x400  }
0x9b: {  	[sflag:s0] =	ssyncset.done $0x0  }
0x9c: {  	[sflag:s0] =	ssyncadd.s32 $0xFFFFFC00  }
0x9d: {  	[spmem:s2] =	stream.indirect.scatter.add.f32 [tilespmem:s30], [sflag:$0x3], $0x8, s8, s29, $0xb8;
	[tilespmem:$0x1F800] =	vst v63  }
0x9e: {  	_ =	swait.ge [sflag:s22], $0x400  }
0x9f: {  	[sflag:s22] =	ssyncset.done $0x0  }
0xa0: {  	s5 =	sadd.s32 $0xC500, s8;
	[sflag:s22] =	ssyncadd.s32 $0xFFFFFC00  }
0xa1: {  	[tilespmem:s30], [sflag:$0x1] =	stream.indirect.gather [hbm4b:s19+s29], $0x8, s5, s29, $0xb8;
	[tilespmem:$0x1F800] =	vst v63  }
0xa2: {  	_ =	swait.ge [sflag:s1], $0x400  }
.Ltmp3:
0xa3: {  	[sflag:s1] =	ssyncset.done $0x0;
	(pc) =	sbr.rel @p2 .LBB2_4-.Ltmp3, $4  }
0xa4: {  	s5 =	sadd.s32 $0x80, s8;
	[sflag:s1] =	ssyncadd.s32 $0xFFFFFC00  }
0xa5: {  	[spmem:s2] =	stream.indirect.scatter.add.f32 [tilespmem:s31], [sflag:$0x3], $0x8, s5, s29, $0xb8;
	[tilespmem:$0x1F800] =	vst v63  }
0xa6: {  	_ =	swait.ge [sflag:s22], $0x400  }
0xa7: {  	s8 =	sshra.s32 s14, $0x2;
	s5 =	smov.u32 s15;
	[sflag:s22] =	ssyncset.done $0x0  }
0xa8: {  	s5 =	sadd.s32 $0xC480, s8;
	[sflag:s22] =	ssyncadd.s32 $0xFFFFFC00  }
0xa9: {  	[tilespmem:s31], [sflag:$0x2] =	stream.indirect.gather [hbm4b:s19+s29], $0x8, s5, s29, $0xb8;
	[tilespmem:$0x1F800] =	vst v63  }
0xaa: {  	_ =	swait.ge [sflag:s0], $0x400  }
0xab: {  	[sflag:s0] =	ssyncset.done $0x0  }
0xac: {  	[sflag:s0] =	ssyncadd.s32 $0xFFFFFC00  }
0xad: {  	[spmem:s2] =	stream.indirect.scatter.add.f32 [tilespmem:s30], [sflag:$0x3], $0x8, s8, s29, $0xb8;
	[tilespmem:$0x1F800] =	vst v63  }
0xae: {  	_ =	swait.ge [sflag:s22], $0x400  }
0xaf: {  	[sflag:s22] =	ssyncset.done $0x0  }
0xb0: {  	s14 =	sadd.s32 $0xC500, s8;
	[sflag:s22] =	ssyncadd.s32 $0xFFFFFC00  }
0xb1: {  	[tilespmem:s30], [sflag:$0x1] =	stream.indirect.gather [hbm4b:s19+s29], $0x8, s14, s29, $0xb8;
	[tilespmem:$0x1F800] =	vst v63  }
0xb2: {  	_ =	swait.ge [sflag:s1], $0x400  }
0xb3: {  	[sflag:s1] =	ssyncset.done $0x0  }
0xb4: {  	s15 =	sadd.s32 $0x80, s8;
	[sflag:s1] =	ssyncadd.s32 $0xFFFFFC00  }
0xb5: {  	[spmem:s2] =	stream.indirect.scatter.add.f32 [tilespmem:s31], [sflag:$0x3], $0x8, s15, s29, $0xb8;
	[tilespmem:$0x1F800] =	vst v63  }
0xb6: {  	_ =	swait.ge [sflag:s22], $0x400  }
0xb7: {  	s7 =	simm.s32 @p0 $0x18780;
	s5 =	simm.s32 @p0 $0x80;
	[sflag:s22] =	ssyncset.done $0x0  }
0xb8: {  	s8 =	simm.s32 @p0 $0x18C00;
	s14 =	rddreg [dreg:$0x5];
	[sflag:s22] =	ssyncadd.s32 $0xFFFFFC00  }
0xb9: {  	[tilespmem:s8], [sflag:$0x2] =	stream.indirect.gather @p0 [hbm4b:s17+s5], $0x8, s7, s5, $0xb8;
	[tilespmem:$0x1F800] =	vst v63  }
0xba: {  	s5 =	simm.s32 @!p0 $0x80;
	s7 =	simm.s32 @!p0 $0x18780;
	s8 =	simm.s32 @!p0 $0x18C00  }
0xbb: {  	[tilespmem:s8], [sflag:$0x2] =	stream.indirect.gather @!p0 [hbm4b:s14+s5], $0x8, s7, s5, $0xb8;
	[tilespmem:$0x1F800] =	vst v63  }
0xbc: {  	_ =	swait.ge [sflag:s0], $0x400  }
0xbd: {  	[sflag:s0] =	ssyncset.done $0x0  }
0xbe: {  	[sflag:s0] =	ssyncadd.s32 $0xFFFFFC00  }
0xbf: {  	[spmem:s2] =	stream.indirect.scatter.add.f32 [tilespmem:s30], [sflag:$0x3], $0x8, s12, s29, $0xb8;
	[tilespmem:$0x1F800] =	vst v63  }
0xc0: {  	_ =	swait.ge [sflag:s22], $0x400  }
0xc1: {  	[sflag:s22] =	ssyncset.done $0x0  }
0xc2: {  	[sflag:s22] =	ssyncadd.s32 $0xFFFFFC00  }
0xc3: {  	_ =	swait.ge [sflag:s1], $0x400  }
0xc4: {  	[sflag:s1] =	ssyncset.done $0x0  }
0xc5: {  	[sflag:s1] =	ssyncadd.s32 $0xFFFFFC00  }
0xc6: {  	[spmem:s2] =	stream.indirect.scatter.add.f32 [tilespmem:s31], [sflag:$0x3], $0x8, s13, s29, $0xb8;
	[tilespmem:$0x1F800] =	vst v63  }
0xc7: {  	_ =	swait.ge [sflag:s22], $0x400  }
0xc8: {  	[sflag:s22] =	ssyncset.done $0x0  }
0xc9: {  	[sflag:s22] =	ssyncadd.s32 $0xFFFFFC00  }
0xca: {  	[bflag:$0x0] =	sbarrier.arrive $0xFFFF  }
0xcb: {  	[hbm:s24], [sflag:s4] =	dma.local [spmem:s6], $0xC80  }
0xcc: {  	_ =	swait.ge [sflag:s22], $0xC80  }
0xcd: {  	[sflag:s22] =	ssyncset.done $0x0  }
0xce: {  	[sflag:s22] =	ssyncadd.s32 $0xFFFFF380  }
0xcf: {  	[spmem:s6], [sflag:s4] =	dma.local [hbm:s11], $0xC80  }
0xd0: {  	_ =	swait.ge [sflag:s22], $0xC80  }
0xd1: {  	[sflag:s22] =	ssyncset.done $0x0  }
0xd2: {  	[sflag:s22] =	ssyncadd.s32 $0xFFFFF380  }
0xd3: {  	[bflag:$0x0] =	sbarrier.arrive $0xFFFF  }
0xd4: {  	[tilespmem:s30], [sflag:$0x1] =	stream.indirect.gather [hbm4b:s20+s29], $0x8, s26, s29, $0xb8;
	[tilespmem:$0x1F800] =	vst v63  }
0xd5: {  	s7 =	simm.s32 $0xC480  }
0xd6: {  	[tilespmem:s31], [sflag:$0x2] =	stream.indirect.gather [hbm4b:s20+s29], $0x8, s7, s29, $0xb8;
	[tilespmem:$0x1F800] =	vst v63  }
0xd7: {  	_ =	swait.ge [sflag:s0], $0x400  }
0xd8: {  	[sflag:s0] =	ssyncset.done $0x0  }
0xd9: {  	s8 =	simm.s32 $0x0;
	[sflag:s0] =	ssyncadd.s32 $0xFFFFFC00  }
0xda: {  	[spmem:s2] =	stream.indirect.scatter.add.f32 [tilespmem:s30], [sflag:$0x3], $0x8, s8, s29, $0xb8;
	[tilespmem:$0x1F800] =	vst v63  }
0xdb: {  	_ =	swait.ge [sflag:s22], $0x400  }
0xdc: {  	[sflag:s22] =	ssyncset.done $0x0  }
0xdd: {  	s14 =	simm.s32 $0xC500;
	[sflag:s22] =	ssyncadd.s32 $0xFFFFFC00  }
0xde: {  	[tilespmem:s30], [sflag:$0x1] =	stream.indirect.gather [hbm4b:s20+s29], $0x8, s14, s29, $0xb8;
	[tilespmem:$0x1F800] =	vst v63  }
0xdf: {  	_ =	swait.ge [sflag:s1], $0x400  }
0xe0: {  	[sflag:s1] =	ssyncset.done $0x0  }
0xe1: {  	s15 =	simm.s32 $0x80;
	[sflag:s1] =	ssyncadd.s32 $0xFFFFFC00  }
0xe2: {  	[spmem:s2] =	stream.indirect.scatter.add.f32 [tilespmem:s31], [sflag:$0x3], $0x8, s15, s29, $0xb8;
	[tilespmem:$0x1F800] =	vst v63  }
0xe3: {  	_ =	swait.ge [sflag:s22], $0x400  }
0xe4: {  	s5 =	simm.s32 $0x800;
	s8 =	simm.s32 $0x100;
	[sflag:s22] =	ssyncset.done $0x0  }
.LBB2_6:
0xe5: {  	s7 =	sadd.s32 $0xC480, s8  }
0xe6: {  	[sflag:s22] =	ssyncadd.s32 $0xFFFFFC00;
	s14 =	smov.u32 s5;
	s15 =	sadd.s32 $0x400, s5  }
0xe7: {  	[tilespmem:s31], [sflag:$0x2] =	stream.indirect.gather [hbm4b:s20+s29], $0x8, s7, s29, $0xb8;
	[tilespmem:$0x1F800] =	vst v63  }
0xe8: {  	p2 =	sne.s32 s5, $0x30800;
	_ =	swait.ge [sflag:s0], $0x400  }
0xe9: {  	[sflag:s0] =	ssyncset.done $0x0  }
0xea: {  	[sflag:s0] =	ssyncadd.s32 $0xFFFFFC00  }
0xeb: {  	[spmem:s2] =	stream.indirect.scatter.add.f32 [tilespmem:s30], [sflag:$0x3], $0x8, s8, s29, $0xb8;
	[tilespmem:$0x1F800] =	vst v63  }
0xec: {  	_ =	swait.ge [sflag:s22], $0x400  }
0xed: {  	[sflag:s22] =	ssyncset.done $0x0  }
0xee: {  	s5 =	sadd.s32 $0xC500, s8;
	[sflag:s22] =	ssyncadd.s32 $0xFFFFFC00  }
0xef: {  	[tilespmem:s30], [sflag:$0x1] =	stream.indirect.gather [hbm4b:s20+s29], $0x8, s5, s29, $0xb8;
	[tilespmem:$0x1F800] =	vst v63  }
0xf0: {  	_ =	swait.ge [sflag:s1], $0x400  }
.Ltmp4:
0xf1: {  	[sflag:s1] =	ssyncset.done $0x0;
	(pc) =	sbr.rel @p2 .LBB2_6-.Ltmp4, $4  }
0xf2: {  	s5 =	sadd.s32 $0x80, s8;
	[sflag:s1] =	ssyncadd.s32 $0xFFFFFC00  }
0xf3: {  	[spmem:s2] =	stream.indirect.scatter.add.f32 [tilespmem:s31], [sflag:$0x3], $0x8, s5, s29, $0xb8;
	[tilespmem:$0x1F800] =	vst v63  }
0xf4: {  	_ =	swait.ge [sflag:s22], $0x400  }
0xf5: {  	s8 =	sshra.s32 s14, $0x2;
	s5 =	smov.u32 s15;
	[sflag:s22] =	ssyncset.done $0x0  }
0xf6: {  	s5 =	sadd.s32 $0xC480, s8;
	[sflag:s22] =	ssyncadd.s32 $0xFFFFFC00  }
0xf7: {  	[tilespmem:s31], [sflag:$0x2] =	stream.indirect.gather [hbm4b:s20+s29], $0x8, s5, s29, $0xb8;
	[tilespmem:$0x1F800] =	vst v63  }
0xf8: {  	_ =	swait.ge [sflag:s0], $0x400  }
0xf9: {  	[sflag:s0] =	ssyncset.done $0x0  }
0xfa: {  	[sflag:s0] =	ssyncadd.s32 $0xFFFFFC00  }
0xfb: {  	[spmem:s2] =	stream.indirect.scatter.add.f32 [tilespmem:s30], [sflag:$0x3], $0x8, s8, s29, $0xb8;
	[tilespmem:$0x1F800] =	vst v63  }
0xfc: {  	_ =	swait.ge [sflag:s22], $0x400  }
0xfd: {  	[sflag:s22] =	ssyncset.done $0x0  }
0xfe: {  	s14 =	sadd.s32 $0xC500, s8;
	[sflag:s22] =	ssyncadd.s32 $0xFFFFFC00  }
0xff: {  	[tilespmem:s30], [sflag:$0x1] =	stream.indirect.gather [hbm4b:s20+s29], $0x8, s14, s29, $0xb8;
	[tilespmem:$0x1F800] =	vst v63  }
0x100: {  	_ =	swait.ge [sflag:s1], $0x400  }
0x101: {  	[sflag:s1] =	ssyncset.done $0x0  }
0x102: {  	s15 =	sadd.s32 $0x80, s8;
	[sflag:s1] =	ssyncadd.s32 $0xFFFFFC00  }
0x103: {  	[spmem:s2] =	stream.indirect.scatter.add.f32 [tilespmem:s31], [sflag:$0x3], $0x8, s15, s29, $0xb8;
	[tilespmem:$0x1F800] =	vst v63  }
0x104: {  	_ =	swait.ge [sflag:s22], $0x400  }
0x105: {  	s7 =	simm.s32 @p0 $0x18780;
	[sflag:s22] =	ssyncset.done $0x0  }
0x106: {  	s5 =	simm.s32 @p0 $0x80;
	s8 =	simm.s32 @p0 $0x18C00;
	[sflag:s22] =	ssyncadd.s32 $0xFFFFFC00  }
0x107: {  	[tilespmem:s8], [sflag:$0x2] =	stream.indirect.gather @p0 [hbm4b:s21+s5], $0x8, s7, s5, $0xb8;
	[tilespmem:$0x1F800] =	vst v63  }
0x108: {  	s5 =	simm.s32 @!p0 $0x80;
	s7 =	simm.s32 @!p0 $0x18780;
	s8 =	simm.s32 @!p0 $0x18C00  }
0x109: {  	[tilespmem:s8], [sflag:$0x2] =	stream.indirect.gather @!p0 [hbm4b:s9+s5], $0x8, s7, s5, $0xb8;
	[tilespmem:$0x1F800] =	vst v63  }
0x10a: {  	_ =	swait.ge [sflag:s0], $0x400  }
0x10b: {  	[sflag:s0] =	ssyncset.done $0x0  }
0x10c: {  	[sflag:s0] =	ssyncadd.s32 $0xFFFFFC00  }
0x10d: {  	[spmem:s2] =	stream.indirect.scatter.add.f32 [tilespmem:s30], [sflag:$0x3], $0x8, s12, s29, $0xb8;
	[tilespmem:$0x1F800] =	vst v63  }
0x10e: {  	_ =	swait.ge [sflag:s22], $0x400  }
0x10f: {  	[sflag:s22] =	ssyncset.done $0x0  }
0x110: {  	[sflag:s22] =	ssyncadd.s32 $0xFFFFFC00  }
0x111: {  	_ =	swait.ge [sflag:s1], $0x400  }
0x112: {  	[sflag:s1] =	ssyncset.done $0x0  }
0x113: {  	[sflag:s1] =	ssyncadd.s32 $0xFFFFFC00  }
0x114: {  	[spmem:s2] =	stream.indirect.scatter.add.f32 [tilespmem:s31], [sflag:$0x3], $0x8, s13, s29, $0xb8;
	[tilespmem:$0x1F800] =	vst v63  }
0x115: {  	_ =	swait.ge [sflag:s22], $0x400  }
0x116: {  	[sflag:s22] =	ssyncset.done $0x0  }
0x117: {  	[sflag:s22] =	ssyncadd.s32 $0xFFFFFC00  }
0x118: {  	[bflag:$0x0] =	sbarrier.arrive $0xFFFF  }
0x119: {  	[hbm:s25], [sflag:s4] =	dma.local [spmem:s6], $0xC80  }
0x11a: {  	_ =	swait.ge [sflag:s22], $0xC80  }
0x11b: {  	[sflag:s22] =	ssyncset.done $0x0  }
0x11c: {  	[sflag:s22] =	ssyncadd.s32 $0xFFFFF380  }
0x11d: {  	[spmem:s6], [sflag:s4] =	dma.local [hbm:s11], $0xC80  }
.Ltmp5:
0x11e: {  	_ =	swait.ge [sflag:s22], $0xC80;
	(pc) =	sbr.rel @p1 .LBB2_11-.Ltmp5, $4  }
0x11f: {  	[sflag:s22] =	ssyncset.done $0x0  }
0x120: {  	[sflag:s22] =	ssyncadd.s32 $0xFFFFF380  }
0x121: {  	s5 =	simm.s32 $0x0;
	[bflag:$0x0] =	sbarrier.arrive $0xFFFF  }
0x122: {  	s7 =	sshra.s32 s5, $0x2  }
0x123: {  	[spmem:s2] =	stream.indirect.scatter.add.f32 [tilespmem:s28], [sflag:$0x3], $0x8, s7, s29, $0xb8;
	[tilespmem:$0x1F800] =	vst v63  }
0x124: {  	_ =	swait.ge [sflag:s22], $0x400  }
0x125: {  	s8 =	sadd.s32 $0x200, s5;
	[sflag:s22] =	ssyncset.done $0x0  }
.LBB2_9:
0x126: {  	s5 =	sshra.s32 s8, $0x2;
	[sflag:s22] =	ssyncadd.s32 $0xFFFFFC00;
	p2 =	seq.s32 s8, $0x30E00  }
0x127: {  	[spmem:s2] =	stream.indirect.scatter.add.f32 [tilespmem:s28], [sflag:$0x3], $0x8, s5, s29, $0xb8;
	[tilespmem:$0x1F800] =	vst v63  }
.Ltmp6:
0x128: {  	_ = 	snop;
	(pc) =	sbr.rel @!p2 .LBB2_9-.Ltmp6, $4  }
0x129: {  	_ = 	snop  }
0x12a: {  	s8 =	sadd.s32 $0x200, s8  }
0x12b: {  	_ =	swait.ge [sflag:s22], $0x400  }
0x12c: {  	[sflag:s22] =	ssyncset.done $0x0  }
.Ltmp7:
0x12d: {  	(pc) =	sbr.rel .LBB2_14-.Ltmp7, $2  }
0x12e: {  	_ =	sdelay $0x2  }
0x12f: {  	[sflag:s22] =	ssyncadd.s32 $0xFFFFFC00;
	s5 =	rddreg [dreg:$0x7]  }
.LBB2_11:
0x130: {  	s7 =	sadd.s32 $0xC400, s7  }
0x131: {  	[spmem:s2] =	stream.indirect.scatter.add.f32 [tilespmem:s28], [sflag:$0x3], $0x8, s7, s29, $0xb8;
	[tilespmem:$0x1F800] =	vst v63  }
0x132: {  	s8 =	sadd.s32 $0x200, s5;
	_ =	swait.ge [sflag:s22], $0x400  }
.LBB2_12:
0x133: {  	s5 =	sshra.s32 s8, $0x2;
	[sflag:s22] =	ssyncset.done $0x0;
	p2 =	sne.s32 s8, $0x30E00  }
.Ltmp8:
0x134: {  	s5 =	sadd.s32 $0xC400, s5;
	[sflag:s22] =	ssyncadd.s32 $0xFFFFFC00;
	(pc) =	sbr.rel @p2 .LBB2_12-.Ltmp8, $3  }
0x135: {  	[spmem:s2] =	stream.indirect.scatter.add.f32 [tilespmem:s28], [sflag:$0x3], $0x8, s5, s29, $0xb8;
	[tilespmem:$0x1F800] =	vst v63  }
0x136: {  	s8 =	sadd.s32 $0x200, s8;
	_ =	sdelay $0x1  }
0x137: {  	_ =	swait.ge [sflag:s22], $0x400  }
.Ltmp9:
0x138: {  	_ = 	snop;
	(pc) =	sbr.rel .LBB2_13-.Ltmp9, $1  }
0x139: {  	_ =	sdelay $0x3  }
.LBB2_15:
0x13a: {  	_ =	sfence.sel $0x180000  }
0x13b: {  	[bflag:$0x0] =	sbarrier.arrive $0xFFFF  }
0x13c: {  	_ =	strace $0x90000047  }
0x13d: {  	s0 =	stileid.u32;
	[bflag:$0x2] =	sbarrier.arrive $0xFFFF  }
0x13e: {  	p0 =	sne.s32 s0, $0x0;
	s0 =	rddreg [dreg:$0x2]  }
0x13f: {  	s0 =	sadd.s32 @!p0 $0x100000, s0  }
0x140: {  	[sflag:s0] =	ssyncadd.tile.s32 @!p0 $0x1;
	_ =	shalt  }
.Lfunc_end2:
_tile_overlayer_lowered:
.L_overlay_start_2:
0x141: {  	(tag) =	ssettag $0x2  }
0x142: {  	s0 =	rddreg [dreg:$0x0];
	s2 =	stileid.u32  }
0x143: {  	s1 =	rddreg [dreg:$0x1];
	p0 =	sne.s32 s2, $0x0  }
0x144: {  	s3 =	rddreg [dreg:$0x2];
	[bflag:$0x3] =	sbarrier.arrive $0xFFFF;
	s2 =	simm.s32 @!p0 $0x1C03  }
0x145: {  	[timem:s3], [sflag:s2] =	dma.local @!p0 [hbm:s0], s1  }
0x146: {  	s0 =	simm.s32 @!p0 $0x3  }
0x147: {  	_ =	swait.ge @!p0 [sflag:s0], s1  }
0x148: {  	s1 =	ssub.s32 @!p0 $0x0, s1;
	[sflag:s0] =	ssyncset.done @!p0 $0x0  }
0x149: {  	[sflag:s0] =	ssyncadd.s32 @!p0 s1  }
0x14a: {  	[bflag:$0x3] =	sbarrier.arrive $0xFFFF  }
0x14b: {  	_ =	shalt  }

</sc_bundles>
